<compile_context>
chip_gen: v7x
topology: tpu7x:2x2x1
jax: 0.10.2.dev20260603
libtpu: 0.0.44.dev20260713+nightly
codegen_flags: <defaults>
</compile_context>

<pallas_src>
import jax
import jax.numpy as jnp
from jax import lax
from jax.experimental import pallas as pl
from jax.experimental.pallas import tpu as pltpu
from jax.experimental.pallas import tpu_sc as plsc

_N = 4096
_D = 64
_DA = 80
_E = 262144
_NC = 2
_NS = 16
_NW = _NC * _NS
_EW = _E // _NW
_CH = 128
_NCH = _EW // _CH
_RPS = _N // _NS


def _mm_body(w_ref, a_ref, af_ref, aug_ref):
    r = jnp.dot(w_ref[...], a_ref[...], preferred_element_type=jnp.float32)
    af_ref[...] = r
    aug_ref[...] = jnp.concatenate(
        [r,
         jnp.ones((r.shape[0], 1), jnp.float32),
         jnp.zeros((r.shape[0], _DA - _D - 1), jnp.float32)], axis=1)


def _edge_body(cur_hbm, tgt_hbm, acts_hbm, cases_hbm, aug_hbm, out_hbm,
               cur_v0, tgt_v0, hrows0, trows0, crows0, arows0, tacc0,
               cur_v1, tgt_v1, hrows1, trows1, crows1, arows1, tacc1,
               zrows, acc_sh,
               sem_h0, sem_t0, sem_c0, sem_a0,
               sem_h1, sem_t1, sem_c1, sem_a1):
    cid = lax.axis_index("c")
    sid = lax.axis_index("s")
    wid = cid * _NS + sid

    bufs = [
        (cur_v0, tgt_v0, hrows0, trows0, crows0, arows0, tacc0,
         sem_h0, sem_t0, sem_c0, sem_a0),
        (cur_v1, tgt_v1, hrows1, trows1, crows1, arows1, tacc1,
         sem_h1, sem_t1, sem_c1, sem_a1),
    ]

    for i in range(16):
        for j in range(_DA // 16):
            zrows[i, pl.ds(j * 16, 16)] = jnp.zeros((16,), jnp.float32)
    for k in range(_RPS // 16):
        pltpu.sync_copy(zrows, acc_sh.at[pl.ds(sid * _RPS + k * 16, 16)])
    plsc.subcore_barrier()

    ebase = wid * _EW
    lanes = lax.iota(jnp.int32, 16)
    last_base = _E - _CH

    def fetch(ci, b):
        base = jnp.minimum(ebase + ci * _CH, last_base)
        cur_v, tgt_v, hrows, trows, crows, arows, tacc, sh, st, sc, sa = bufs[b]
        pltpu.sync_copy(cur_hbm.at[pl.ds(base, _CH)], cur_v)
        pltpu.sync_copy(tgt_hbm.at[pl.ds(base, _CH)], tgt_v)
        pltpu.async_copy(acts_hbm.at[cur_v], hrows, sh)
        pltpu.async_copy(acts_hbm.at[tgt_v], trows, st)
        pltpu.async_copy(cases_hbm.at[pl.ds(base, _CH)], crows, sc)
        pltpu.async_copy(aug_hbm.at[cur_v], arows, sa)

    def process(b):
        cur_v, tgt_v, hrows, trows, crows, arows, tacc, sh, st, sc, sa = bufs[b]
        pltpu.make_async_copy(acts_hbm.at[cur_v], hrows, sh).wait()
        pltpu.make_async_copy(acts_hbm.at[tgt_v], trows, st).wait()
        pltpu.make_async_copy(cases_hbm.at[pl.ds(0, _CH)], crows, sc).wait()
        pltpu.make_async_copy(aug_hbm.at[cur_v], arows, sa).wait()

        def g_body(g, carry):
            def e_body(e, carry2):
                row = g * 16 + e
                acc = jnp.zeros((16,), jnp.float32)
                for j in range(_D // 16):
                    sl = pl.ds(j * 16, 16)
                    dj = hrows[row, sl] + crows[row, sl] - trows[row, sl]
                    acc = acc + dj * dj
                tacc[e, pl.ds(0, 16)] = acc
                return carry2

            lax.fori_loop(0, 16, e_body, 0)

            ssq = jnp.zeros((16,), jnp.float32)
            for l in range(16):
                ssq = ssq + plsc.load_gather(
                    tacc, [lanes, jnp.full((16,), l, jnp.int32)])
            y = plsc.bitcast(
                jnp.int32(0x1FBD1DF5) + lax.shift_right_logical(
                    plsc.bitcast(ssq, jnp.int32), 1), jnp.float32)
            for _ in range(3):
                y = 0.5 * (y + ssq / y)
            v = jnp.exp(-y)

            for e in range(16):
                s = v[e]
                row = g * 16 + e
                for j in range(_DA // 16):
                    sl = pl.ds(j * 16, 16)
                    arows[row, sl] = arows[row, sl] * s
            return carry

        lax.fori_loop(0, _CH // 16, g_body, 0)

        pltpu.sync_copy(arows, acc_sh.at[tgt_v], add=True)

    fetch(0, 0)

    def chunk_body(k, carry):
        i = k * 2
        fetch(i + 1, 1)
        process(0)
        fetch(i + 2, 0)
        process(1)
        return carry

    lax.fori_loop(0, _NCH // 2, chunk_body, 0)

    cur_v, tgt_v, hrows, trows, crows, arows, tacc, sh, st, sc, sa = bufs[0]
    pltpu.make_async_copy(acts_hbm.at[cur_v], hrows, sh).wait()
    pltpu.make_async_copy(acts_hbm.at[tgt_v], trows, st).wait()
    pltpu.make_async_copy(cases_hbm.at[pl.ds(0, _CH)], crows, sc).wait()
    pltpu.make_async_copy(aug_hbm.at[cur_v], arows, sa).wait()

    plsc.subcore_barrier()
    rbase = sid * _RPS
    pltpu.sync_copy(acc_sh.at[pl.ds(rbase, _RPS)],
                    out_hbm.at[cid, pl.ds(rbase, _RPS)])


def _fin_body(p_ref, af_ref, o_ref):
    s = p_ref[0] + p_ref[1]
    num = s[:, 0:_D]
    den = s[:, _D:_D + 1]
    o_ref[...] = num / (den + 1e-12) + af_ref[...]


def kernel(currents, targets, activities_features, cases_features, W):
    br = 512
    af, af_aug = pl.pallas_call(
        _mm_body,
        grid=(_N // br,),
        in_specs=[pl.BlockSpec((br, _N), lambda i: (i, 0)),
                  pl.BlockSpec((_N, _D), lambda i: (0, 0))],
        out_specs=[pl.BlockSpec((br, _D), lambda i: (i, 0)),
                   pl.BlockSpec((br, _DA), lambda i: (i, 0))],
        out_shape=[jax.ShapeDtypeStruct((_N, _D), jnp.float32),
                   jax.ShapeDtypeStruct((_N, _DA), jnp.float32)],
    )(W, activities_features)

    buf_scratch = [
        pltpu.VMEM((_CH,), jnp.int32),
        pltpu.VMEM((_CH,), jnp.int32),
        pltpu.VMEM((_CH, _D), jnp.float32),
        pltpu.VMEM((_CH, _D), jnp.float32),
        pltpu.VMEM((_CH, _D), jnp.float32),
        pltpu.VMEM((_CH, _DA), jnp.float32),
        pltpu.VMEM((16, 17), jnp.float32),
    ]
    edge_call = pl.kernel(
        _edge_body,
        out_type=jax.ShapeDtypeStruct((_NC, _N, _DA), jnp.float32),
        mesh=plsc.VectorSubcoreMesh(core_axis_name="c", subcore_axis_name="s"),
        compiler_params=pltpu.CompilerParams(needs_layout_passes=False,
                                             use_tc_tiling_on_sc=False),
        scratch_types=buf_scratch + buf_scratch + [
            pltpu.VMEM((16, _DA), jnp.float32),
            pltpu.VMEM_SHARED((_N, _DA), jnp.float32),
        ] + [pltpu.SemaphoreType.DMA] * 8,
    )
    partials = edge_call(currents, targets, activities_features,
                         cases_features, af_aug)

    h = pl.pallas_call(
        _fin_body,
        grid=(_N // br,),
        in_specs=[pl.BlockSpec((_NC, br, _DA), lambda i: (0, i, 0)),
                  pl.BlockSpec((br, _D), lambda i: (i, 0))],
        out_specs=pl.BlockSpec((br, _D), lambda i: (i, 0)),
        out_shape=jax.ShapeDtypeStruct((_N, _D), jnp.float32),
    )(partials, af)
    return h

# --- scband reference (transcript-rebuilt; emitter-appended) ---
"""Pipeline reference for scband-graph-attention-layer-38895223832723 (READ-ONLY COPY).

The authoritative reference and input builder live on the scoring server;
editing this copy changes nothing except your own understanding.
"""

import jax, jax.numpy as jnp
import numpy as np

N = 4096
D = 64
E = 262144


def setup_inputs(seed: int = 0) -> dict:
    key = jax.random.key(seed)
    k1, k2, k3, k4, k5 = jax.random.split(key, 5)
    currents = jax.random.randint(k1, (E,), 0, N, dtype=jnp.int32)
    targets = jax.random.randint(k2, (E,), 0, N, dtype=jnp.int32)
    activities_features = jax.random.normal(k3, (N, D), dtype=jnp.float32)
    cases_features = jax.random.normal(k4, (E, D), dtype=jnp.float32)
    # kaiming_uniform_(mode='fan_in', nonlinearity='relu'): bound = sqrt(3) * sqrt(2) / sqrt(fan_in)
    bound = float(np.sqrt(3.0) * np.sqrt(2.0) / np.sqrt(N))
    W = jax.random.uniform(k5, (N, N), minval=-bound, maxval=bound, dtype=jnp.float32)
    return {
        'currents': currents,
        'targets': targets,
        'activities_features': activities_features,
        'cases_features': cases_features,
        'W': W,
    }


def reference(currents, targets, activities_features, cases_features, W):
    n = W.shape[0]
    # vectorized form of the per-edge python loop:
    #   att_input[tail][head] += exp(-||h_emb + case_emb - t_emb||_2)
    h_emb = jnp.take(activities_features, currents, axis=0)  # [E, D] gather
    t_emb = jnp.take(activities_features, targets, axis=0)   # [E, D] gather
    diff = h_emb + cases_features - t_emb                     # [E, D]
    dist = jnp.sqrt(jnp.sum(diff * diff, axis=1))             # [E] (torch.norm = L2)
    vals = jnp.exp(-dist)                                     # [E]
    att_input = jnp.zeros((n, n), dtype=activities_features.dtype).at[targets, currents].add(vals)
    # _normalize: row-sum normalization
    norm = jnp.sum(att_input, axis=1).reshape(-1, 1)
    attention = att_input / (norm + 1e-12)
    af = jnp.matmul(W, activities_features)
    h = jnp.matmul(attention, af) + af
    return h

if __name__ == "__main__":
    import jax
    _d = setup_inputs()
    print(jax.jit(kernel)(*tuple(_d.values())))

</pallas_src>

<mosaic_0001>
#map = affine_map<(d0, d1) -> (0)>
#map1 = affine_map<(d0, d1) -> (0, 0)>
#map2 = affine_map<(d0, d1) -> (0, 0, 0)>
module attributes {stable_mosaic.version = 14 : i64} {
  func.func @_edge_body(%arg0: i32, %arg1: i32, %arg2: memref<262144xi32, #tpu.memory_space<hbm>>, %arg3: memref<262144xi32, #tpu.memory_space<hbm>>, %arg4: memref<4096x64xf32, #tpu.memory_space<hbm>>, %arg5: memref<262144x64xf32, #tpu.memory_space<hbm>>, %arg6: memref<4096x80xf32, #tpu.memory_space<hbm>>, %arg7: memref<2x4096x80xf32, #tpu.memory_space<hbm>>, %arg8: memref<128xi32, #tpu.memory_space<vmem>>, %arg9: memref<128xi32, #tpu.memory_space<vmem>>, %arg10: memref<128x64xf32, #tpu.memory_space<vmem>>, %arg11: memref<128x64xf32, #tpu.memory_space<vmem>>, %arg12: memref<128x64xf32, #tpu.memory_space<vmem>>, %arg13: memref<128x80xf32, #tpu.memory_space<vmem>>, %arg14: memref<16x17xf32, #tpu.memory_space<vmem>>, %arg15: memref<128xi32, #tpu.memory_space<vmem>>, %arg16: memref<128xi32, #tpu.memory_space<vmem>>, %arg17: memref<128x64xf32, #tpu.memory_space<vmem>>, %arg18: memref<128x64xf32, #tpu.memory_space<vmem>>, %arg19: memref<128x64xf32, #tpu.memory_space<vmem>>, %arg20: memref<128x80xf32, #tpu.memory_space<vmem>>, %arg21: memref<16x17xf32, #tpu.memory_space<vmem>>, %arg22: memref<16x80xf32, #tpu.memory_space<vmem>>, %arg23: memref<4096x80xf32, #tpu.memory_space<vmem_shared>>, %arg24: memref<!tpu.dma_semaphore, #tpu.memory_space<semaphore_mem>>, %arg25: memref<!tpu.dma_semaphore, #tpu.memory_space<semaphore_mem>>, %arg26: memref<!tpu.dma_semaphore, #tpu.memory_space<semaphore_mem>>, %arg27: memref<!tpu.dma_semaphore, #tpu.memory_space<semaphore_mem>>, %arg28: memref<!tpu.dma_semaphore, #tpu.memory_space<semaphore_mem>>, %arg29: memref<!tpu.dma_semaphore, #tpu.memory_space<semaphore_mem>>, %arg30: memref<!tpu.dma_semaphore, #tpu.memory_space<semaphore_mem>>, %arg31: memref<!tpu.dma_semaphore, #tpu.memory_space<semaphore_mem>>) attributes {dimension_semantics = [#tpu.dimension_semantics<core_parallel>, #tpu.dimension_semantics<subcore_parallel>], iteration_bounds = array<i64: 2, 16>, scalar_prefetch = 0 : i64, scratch_operands = 24 : i64, tpu.core_type = #tpu.core_type<sc_vector_subcore>, window_params = [{transform_indices = #map}, {transform_indices = #map}, {transform_indices = #map1}, {transform_indices = #map1}, {transform_indices = #map1}, {transform_indices = #map2}]} {
    %mul3A = arith.constant 16 : i32
    %mul3A_0 = arith.muli %arg0, %mul3A : i32
    %add3A = arith.addi %mul3A_0, %arg1 : i32
    %broadcast_in_dim3A = arith.constant 0.000000e+00 : f32
    %broadcast_in_dim3A_1 = vector.broadcast %broadcast_in_dim3A : f32 to vector<16xf32>
    %swap3A = arith.constant 0 : i32
    %swap3A_2 = arith.index_cast %swap3A : i32 to index
    %swap3A_3 = arith.constant 0 : index
    %swap3A_4 = tpu.vector_load %arg22[%swap3A_2, %swap3A_3] {strides = array<i32>} : memref<16x80xf32, #tpu.memory_space<vmem>>, vector<16xf32>,
    tpu.vector_store %arg22[%swap3A_2, %swap3A_3], %broadcast_in_dim3A_1 {strides = array<i32>} : memref<16x80xf32, #tpu.memory_space<vmem>>, vector<16xf32>,
    %broadcast_in_dim3A_5 = arith.constant 0.000000e+00 : f32
    %broadcast_in_dim3A_6 = vector.broadcast %broadcast_in_dim3A_5 : f32 to vector<16xf32>
    %swap3A_7 = arith.constant 0 : i32
    %swap3A_8 = arith.index_cast %swap3A_7 : i32 to index
    %swap3A_9 = arith.constant 16 : index
    %swap3A_10 = tpu.vector_load %arg22[%swap3A_8, %swap3A_9] {strides = array<i32>} : memref<16x80xf32, #tpu.memory_space<vmem>>, vector<16xf32>,
    tpu.vector_store %arg22[%swap3A_8, %swap3A_9], %broadcast_in_dim3A_6 {strides = array<i32>} : memref<16x80xf32, #tpu.memory_space<vmem>>, vector<16xf32>,
    %broadcast_in_dim3A_11 = arith.constant 0.000000e+00 : f32
    %broadcast_in_dim3A_12 = vector.broadcast %broadcast_in_dim3A_11 : f32 to vector<16xf32>
    %swap3A_13 = arith.constant 0 : i32
    %swap3A_14 = arith.index_cast %swap3A_13 : i32 to index
    %swap3A_15 = arith.constant 32 : index
    %swap3A_16 = tpu.vector_load %arg22[%swap3A_14, %swap3A_15] {strides = array<i32>} : memref<16x80xf32, #tpu.memory_space<vmem>>, vector<16xf32>,
    tpu.vector_store %arg22[%swap3A_14, %swap3A_15], %broadcast_in_dim3A_12 {strides = array<i32>} : memref<16x80xf32, #tpu.memory_space<vmem>>, vector<16xf32>,
    %broadcast_in_dim3A_17 = arith.constant 0.000000e+00 : f32
    %broadcast_in_dim3A_18 = vector.broadcast %broadcast_in_dim3A_17 : f32 to vector<16xf32>
    %swap3A_19 = arith.constant 0 : i32
    %swap3A_20 = arith.index_cast %swap3A_19 : i32 to index
    %swap3A_21 = arith.constant 48 : index
    %swap3A_22 = tpu.vector_load %arg22[%swap3A_20, %swap3A_21] {strides = array<i32>} : memref<16x80xf32, #tpu.memory_space<vmem>>, vector<16xf32>,
    tpu.vector_store %arg22[%swap3A_20, %swap3A_21], %broadcast_in_dim3A_18 {strides = array<i32>} : memref<16x80xf32, #tpu.memory_space<vmem>>, vector<16xf32>,
    %broadcast_in_dim3A_23 = arith.constant 0.000000e+00 : f32
    %broadcast_in_dim3A_24 = vector.broadcast %broadcast_in_dim3A_23 : f32 to vector<16xf32>
    %swap3A_25 = arith.constant 0 : i32
    %swap3A_26 = arith.index_cast %swap3A_25 : i32 to index
    %swap3A_27 = arith.constant 64 : index
    %swap3A_28 = tpu.vector_load %arg22[%swap3A_26, %swap3A_27] {strides = array<i32>} : memref<16x80xf32, #tpu.memory_space<vmem>>, vector<16xf32>,
    tpu.vector_store %arg22[%swap3A_26, %swap3A_27], %broadcast_in_dim3A_24 {strides = array<i32>} : memref<16x80xf32, #tpu.memory_space<vmem>>, vector<16xf32>,
    %broadcast_in_dim3A_29 = arith.constant 0.000000e+00 : f32
    %broadcast_in_dim3A_30 = vector.broadcast %broadcast_in_dim3A_29 : f32 to vector<16xf32>
    %swap3A_31 = arith.constant 1 : i32
    %swap3A_32 = arith.index_cast %swap3A_31 : i32 to index
    %swap3A_33 = arith.constant 0 : index
    %swap3A_34 = tpu.vector_load %arg22[%swap3A_32, %swap3A_33] {strides = array<i32>} : memref<16x80xf32, #tpu.memory_space<vmem>>, vector<16xf32>,
    tpu.vector_store %arg22[%swap3A_32, %swap3A_33], %broadcast_in_dim3A_30 {strides = array<i32>} : memref<16x80xf32, #tpu.memory_space<vmem>>, vector<16xf32>,
    %broadcast_in_dim3A_35 = arith.constant 0.000000e+00 : f32
    %broadcast_in_dim3A_36 = vector.broadcast %broadcast_in_dim3A_35 : f32 to vector<16xf32>
    %swap3A_37 = arith.constant 1 : i32
    %swap3A_38 = arith.index_cast %swap3A_37 : i32 to index
    %swap3A_39 = arith.constant 16 : index
    %swap3A_40 = tpu.vector_load %arg22[%swap3A_38, %swap3A_39] {strides = array<i32>} : memref<16x80xf32, #tpu.memory_space<vmem>>, vector<16xf32>,
    tpu.vector_store %arg22[%swap3A_38, %swap3A_39], %broadcast_in_dim3A_36 {strides = array<i32>} : memref<16x80xf32, #tpu.memory_space<vmem>>, vector<16xf32>,
    %broadcast_in_dim3A_41 = arith.constant 0.000000e+00 : f32
    %broadcast_in_dim3A_42 = vector.broadcast %broadcast_in_dim3A_41 : f32 to vector<16xf32>
    %swap3A_43 = arith.constant 1 : i32
    %swap3A_44 = arith.index_cast %swap3A_43 : i32 to index
    %swap3A_45 = arith.constant 32 : index
    %swap3A_46 = tpu.vector_load %arg22[%swap3A_44, %swap3A_45] {strides = array<i32>} : memref<16x80xf32, #tpu.memory_space<vmem>>, vector<16xf32>,
    tpu.vector_store %arg22[%swap3A_44, %swap3A_45], %broadcast_in_dim3A_42 {strides = array<i32>} : memref<16x80xf32, #tpu.memory_space<vmem>>, vector<16xf32>,
    %broadcast_in_dim3A_47 = arith.constant 0.000000e+00 : f32
    %broadcast_in_dim3A_48 = vector.broadcast %broadcast_in_dim3A_47 : f32 to vector<16xf32>
    %swap3A_49 = arith.constant 1 : i32
    %swap3A_50 = arith.index_cast %swap3A_49 : i32 to index
    %swap3A_51 = arith.constant 48 : index
    %swap3A_52 = tpu.vector_load %arg22[%swap3A_50, %swap3A_51] {strides = array<i32>} : memref<16x80xf32, #tpu.memory_space<vmem>>, vector<16xf32>,
    tpu.vector_store %arg22[%swap3A_50, %swap3A_51], %broadcast_in_dim3A_48 {strides = array<i32>} : memref<16x80xf32, #tpu.memory_space<vmem>>, vector<16xf32>,
    %broadcast_in_dim3A_53 = arith.constant 0.000000e+00 : f32
    %broadcast_in_dim3A_54 = vector.broadcast %broadcast_in_dim3A_53 : f32 to vector<16xf32>
    %swap3A_55 = arith.constant 1 : i32
    %swap3A_56 = arith.index_cast %swap3A_55 : i32 to index
    %swap3A_57 = arith.constant 64 : index
    %swap3A_58 = tpu.vector_load %arg22[%swap3A_56, %swap3A_57] {strides = array<i32>} : memref<16x80xf32, #tpu.memory_space<vmem>>, vector<16xf32>,
    tpu.vector_store %arg22[%swap3A_56, %swap3A_57], %broadcast_in_dim3A_54 {strides = array<i32>} : memref<16x80xf32, #tpu.memory_space<vmem>>, vector<16xf32>,
    %broadcast_in_dim3A_59 = arith.constant 0.000000e+00 : f32
    %broadcast_in_dim3A_60 = vector.broadcast %broadcast_in_dim3A_59 : f32 to vector<16xf32>
    %swap3A_61 = arith.constant 2 : i32
    %swap3A_62 = arith.index_cast %swap3A_61 : i32 to index
    %swap3A_63 = arith.constant 0 : index
    %swap3A_64 = tpu.vector_load %arg22[%swap3A_62, %swap3A_63] {strides = array<i32>} : memref<16x80xf32, #tpu.memory_space<vmem>>, vector<16xf32>,
    tpu.vector_store %arg22[%swap3A_62, %swap3A_63], %broadcast_in_dim3A_60 {strides = array<i32>} : memref<16x80xf32, #tpu.memory_space<vmem>>, vector<16xf32>,
    %broadcast_in_dim3A_65 = arith.constant 0.000000e+00 : f32
    %broadcast_in_dim3A_66 = vector.broadcast %broadcast_in_dim3A_65 : f32 to vector<16xf32>
    %swap3A_67 = arith.constant 2 : i32
    %swap3A_68 = arith.index_cast %swap3A_67 : i32 to index
    %swap3A_69 = arith.constant 16 : index
    %swap3A_70 = tpu.vector_load %arg22[%swap3A_68, %swap3A_69] {strides = array<i32>} : memref<16x80xf32, #tpu.memory_space<vmem>>, vector<16xf32>,
    tpu.vector_store %arg22[%swap3A_68, %swap3A_69], %broadcast_in_dim3A_66 {strides = array<i32>} : memref<16x80xf32, #tpu.memory_space<vmem>>, vector<16xf32>,
    %broadcast_in_dim3A_71 = arith.constant 0.000000e+00 : f32
    %broadcast_in_dim3A_72 = vector.broadcast %broadcast_in_dim3A_71 : f32 to vector<16xf32>
    %swap3A_73 = arith.constant 2 : i32
    %swap3A_74 = arith.index_cast %swap3A_73 : i32 to index
    %swap3A_75 = arith.constant 32 : index
    %swap3A_76 = tpu.vector_load %arg22[%swap3A_74, %swap3A_75] {strides = array<i32>} : memref<16x80xf32, #tpu.memory_space<vmem>>, vector<16xf32>,
    tpu.vector_store %arg22[%swap3A_74, %swap3A_75], %broadcast_in_dim3A_72 {strides = array<i32>} : memref<16x80xf32, #tpu.memory_space<vmem>>, vector<16xf32>,
    %broadcast_in_dim3A_77 = arith.constant 0.000000e+00 : f32
    %broadcast_in_dim3A_78 = vector.broadcast %broadcast_in_dim3A_77 : f32 to vector<16xf32>
    %swap3A_79 = arith.constant 2 : i32
    %swap3A_80 = arith.index_cast %swap3A_79 : i32 to index
    %swap3A_81 = arith.constant 48 : index
    %swap3A_82 = tpu.vector_load %arg22[%swap3A_80, %swap3A_81] {strides = array<i32>} : memref<16x80xf32, #tpu.memory_space<vmem>>, vector<16xf32>,
    tpu.vector_store %arg22[%swap3A_80, %swap3A_81], %broadcast_in_dim3A_78 {strides = array<i32>} : memref<16x80xf32, #tpu.memory_space<vmem>>, vector<16xf32>,
    %broadcast_in_dim3A_83 = arith.constant 0.000000e+00 : f32
    %broadcast_in_dim3A_84 = vector.broadcast %broadcast_in_dim3A_83 : f32 to vector<16xf32>
    %swap3A_85 = arith.constant 2 : i32
    %swap3A_86 = arith.index_cast %swap3A_85 : i32 to index
    %swap3A_87 = arith.constant 64 : index
    %swap3A_88 = tpu.vector_load %arg22[%swap3A_86, %swap3A_87] {strides = array<i32>} : memref<16x80xf32, #tpu.memory_space<vmem>>, vector<16xf32>,
    tpu.vector_store %arg22[%swap3A_86, %swap3A_87], %broadcast_in_dim3A_84 {strides = array<i32>} : memref<16x80xf32, #tpu.memory_space<vmem>>, vector<16xf32>,
    %broadcast_in_dim3A_89 = arith.constant 0.000000e+00 : f32
    %broadcast_in_dim3A_90 = vector.broadcast %broadcast_in_dim3A_89 : f32 to vector<16xf32>
    %swap3A_91 = arith.constant 3 : i32
    %swap3A_92 = arith.index_cast %swap3A_91 : i32 to index
    %swap3A_93 = arith.constant 0 : index
    %swap3A_94 = tpu.vector_load %arg22[%swap3A_92, %swap3A_93] {strides = array<i32>} : memref<16x80xf32, #tpu.memory_space<vmem>>, vector<16xf32>,
    tpu.vector_store %arg22[%swap3A_92, %swap3A_93], %broadcast_in_dim3A_90 {strides = array<i32>} : memref<16x80xf32, #tpu.memory_space<vmem>>, vector<16xf32>,
    %broadcast_in_dim3A_95 = arith.constant 0.000000e+00 : f32
    %broadcast_in_dim3A_96 = vector.broadcast %broadcast_in_dim3A_95 : f32 to vector<16xf32>
    %swap3A_97 = arith.constant 3 : i32
    %swap3A_98 = arith.index_cast %swap3A_97 : i32 to index
    %swap3A_99 = arith.constant 16 : index
    %swap3A_100 = tpu.vector_load %arg22[%swap3A_98, %swap3A_99] {strides = array<i32>} : memref<16x80xf32, #tpu.memory_space<vmem>>, vector<16xf32>,
    tpu.vector_store %arg22[%swap3A_98, %swap3A_99], %broadcast_in_dim3A_96 {strides = array<i32>} : memref<16x80xf32, #tpu.memory_space<vmem>>, vector<16xf32>,
    %broadcast_in_dim3A_101 = arith.constant 0.000000e+00 : f32
    %broadcast_in_dim3A_102 = vector.broadcast %broadcast_in_dim3A_101 : f32 to vector<16xf32>
    %swap3A_103 = arith.constant 3 : i32
    %swap3A_104 = arith.index_cast %swap3A_103 : i32 to index
    %swap3A_105 = arith.constant 32 : index
    %swap3A_106 = tpu.vector_load %arg22[%swap3A_104, %swap3A_105] {strides = array<i32>} : memref<16x80xf32, #tpu.memory_space<vmem>>, vector<16xf32>,
    tpu.vector_store %arg22[%swap3A_104, %swap3A_105], %broadcast_in_dim3A_102 {strides = array<i32>} : memref<16x80xf32, #tpu.memory_space<vmem>>, vector<16xf32>,
    %broadcast_in_dim3A_107 = arith.constant 0.000000e+00 : f32
    %broadcast_in_dim3A_108 = vector.broadcast %broadcast_in_dim3A_107 : f32 to vector<16xf32>
    %swap3A_109 = arith.constant 3 : i32
    %swap3A_110 = arith.index_cast %swap3A_109 : i32 to index
    %swap3A_111 = arith.constant 48 : index
    %swap3A_112 = tpu.vector_load %arg22[%swap3A_110, %swap3A_111] {strides = array<i32>} : memref<16x80xf32, #tpu.memory_space<vmem>>, vector<16xf32>,
    tpu.vector_store %arg22[%swap3A_110, %swap3A_111], %broadcast_in_dim3A_108 {strides = array<i32>} : memref<16x80xf32, #tpu.memory_space<vmem>>, vector<16xf32>,
    %broadcast_in_dim3A_113 = arith.constant 0.000000e+00 : f32
    %broadcast_in_dim3A_114 = vector.broadcast %broadcast_in_dim3A_113 : f32 to vector<16xf32>
    %swap3A_115 = arith.constant 3 : i32
    %swap3A_116 = arith.index_cast %swap3A_115 : i32 to index
    %swap3A_117 = arith.constant 64 : index
    %swap3A_118 = tpu.vector_load %arg22[%swap3A_116, %swap3A_117] {strides = array<i32>} : memref<16x80xf32, #tpu.memory_space<vmem>>, vector<16xf32>,
    tpu.vector_store %arg22[%swap3A_116, %swap3A_117], %broadcast_in_dim3A_114 {strides = array<i32>} : memref<16x80xf32, #tpu.memory_space<vmem>>, vector<16xf32>,
    %broadcast_in_dim3A_119 = arith.constant 0.000000e+00 : f32
    %broadcast_in_dim3A_120 = vector.broadcast %broadcast_in_dim3A_119 : f32 to vector<16xf32>
    %swap3A_121 = arith.constant 4 : i32
    %swap3A_122 = arith.index_cast %swap3A_121 : i32 to index
    %swap3A_123 = arith.constant 0 : index
    %swap3A_124 = tpu.vector_load %arg22[%swap3A_122, %swap3A_123] {strides = array<i32>} : memref<16x80xf32, #tpu.memory_space<vmem>>, vector<16xf32>,
    tpu.vector_store %arg22[%swap3A_122, %swap3A_123], %broadcast_in_dim3A_120 {strides = array<i32>} : memref<16x80xf32, #tpu.memory_space<vmem>>, vector<16xf32>,
    %broadcast_in_dim3A_125 = arith.constant 0.000000e+00 : f32
    %broadcast_in_dim3A_126 = vector.broadcast %broadcast_in_dim3A_125 : f32 to vector<16xf32>
    %swap3A_127 = arith.constant 4 : i32
    %swap3A_128 = arith.index_cast %swap3A_127 : i32 to index
    %swap3A_129 = arith.constant 16 : index
    %swap3A_130 = tpu.vector_load %arg22[%swap3A_128, %swap3A_129] {strides = array<i32>} : memref<16x80xf32, #tpu.memory_space<vmem>>, vector<16xf32>,
    tpu.vector_store %arg22[%swap3A_128, %swap3A_129], %broadcast_in_dim3A_126 {strides = array<i32>} : memref<16x80xf32, #tpu.memory_space<vmem>>, vector<16xf32>,
    %broadcast_in_dim3A_131 = arith.constant 0.000000e+00 : f32
    %broadcast_in_dim3A_132 = vector.broadcast %broadcast_in_dim3A_131 : f32 to vector<16xf32>
    %swap3A_133 = arith.constant 4 : i32
    %swap3A_134 = arith.index_cast %swap3A_133 : i32 to index
    %swap3A_135 = arith.constant 32 : index
    %swap3A_136 = tpu.vector_load %arg22[%swap3A_134, %swap3A_135] {strides = array<i32>} : memref<16x80xf32, #tpu.memory_space<vmem>>, vector<16xf32>,
    tpu.vector_store %arg22[%swap3A_134, %swap3A_135], %broadcast_in_dim3A_132 {strides = array<i32>} : memref<16x80xf32, #tpu.memory_space<vmem>>, vector<16xf32>,
    %broadcast_in_dim3A_137 = arith.constant 0.000000e+00 : f32
    %broadcast_in_dim3A_138 = vector.broadcast %broadcast_in_dim3A_137 : f32 to vector<16xf32>
    %swap3A_139 = arith.constant 4 : i32
    %swap3A_140 = arith.index_cast %swap3A_139 : i32 to index
    %swap3A_141 = arith.constant 48 : index
    %swap3A_142 = tpu.vector_load %arg22[%swap3A_140, %swap3A_141] {strides = array<i32>} : memref<16x80xf32, #tpu.memory_space<vmem>>, vector<16xf32>,
    tpu.vector_store %arg22[%swap3A_140, %swap3A_141], %broadcast_in_dim3A_138 {strides = array<i32>} : memref<16x80xf32, #tpu.memory_space<vmem>>, vector<16xf32>,
    %broadcast_in_dim3A_143 = arith.constant 0.000000e+00 : f32
    %broadcast_in_dim3A_144 = vector.broadcast %broadcast_in_dim3A_143 : f32 to vector<16xf32>
    %swap3A_145 = arith.constant 4 : i32
    %swap3A_146 = arith.index_cast %swap3A_145 : i32 to index
    %swap3A_147 = arith.constant 64 : index
    %swap3A_148 = tpu.vector_load %arg22[%swap3A_146, %swap3A_147] {strides = array<i32>} : memref<16x80xf32, #tpu.memory_space<vmem>>, vector<16xf32>,
    tpu.vector_store %arg22[%swap3A_146, %swap3A_147], %broadcast_in_dim3A_144 {strides = array<i32>} : memref<16x80xf32, #tpu.memory_space<vmem>>, vector<16xf32>,
    %broadcast_in_dim3A_149 = arith.constant 0.000000e+00 : f32
    %broadcast_in_dim3A_150 = vector.broadcast %broadcast_in_dim3A_149 : f32 to vector<16xf32>
    %swap3A_151 = arith.constant 5 : i32
    %swap3A_152 = arith.index_cast %swap3A_151 : i32 to index
    %swap3A_153 = arith.constant 0 : index
    %swap3A_154 = tpu.vector_load %arg22[%swap3A_152, %swap3A_153] {strides = array<i32>} : memref<16x80xf32, #tpu.memory_space<vmem>>, vector<16xf32>,
    tpu.vector_store %arg22[%swap3A_152, %swap3A_153], %broadcast_in_dim3A_150 {strides = array<i32>} : memref<16x80xf32, #tpu.memory_space<vmem>>, vector<16xf32>,
    %broadcast_in_dim3A_155 = arith.constant 0.000000e+00 : f32
    %broadcast_in_dim3A_156 = vector.broadcast %broadcast_in_dim3A_155 : f32 to vector<16xf32>
    %swap3A_157 = arith.constant 5 : i32
    %swap3A_158 = arith.index_cast %swap3A_157 : i32 to index
    %swap3A_159 = arith.constant 16 : index
    %swap3A_160 = tpu.vector_load %arg22[%swap3A_158, %swap3A_159] {strides = array<i32>} : memref<16x80xf32, #tpu.memory_space<vmem>>, vector<16xf32>,
    tpu.vector_store %arg22[%swap3A_158, %swap3A_159], %broadcast_in_dim3A_156 {strides = array<i32>} : memref<16x80xf32, #tpu.memory_space<vmem>>, vector<16xf32>,
    %broadcast_in_dim3A_161 = arith.constant 0.000000e+00 : f32
    %broadcast_in_dim3A_162 = vector.broadcast %broadcast_in_dim3A_161 : f32 to vector<16xf32>
    %swap3A_163 = arith.constant 5 : i32
    %swap3A_164 = arith.index_cast %swap3A_163 : i32 to index
    %swap3A_165 = arith.constant 32 : index
    %swap3A_166 = tpu.vector_load %arg22[%swap3A_164, %swap3A_165] {strides = array<i32>} : memref<16x80xf32, #tpu.memory_space<vmem>>, vector<16xf32>,
    tpu.vector_store %arg22[%swap3A_164, %swap3A_165], %broadcast_in_dim3A_162 {strides = array<i32>} : memref<16x80xf32, #tpu.memory_space<vmem>>, vector<16xf32>,
    %broadcast_in_dim3A_167 = arith.constant 0.000000e+00 : f32
    %broadcast_in_dim3A_168 = vector.broadcast %broadcast_in_dim3A_167 : f32 to vector<16xf32>
    %swap3A_169 = arith.constant 5 : i32
    %swap3A_170 = arith.index_cast %swap3A_169 : i32 to index
    %swap3A_171 = arith.constant 48 : index
    %swap3A_172 = tpu.vector_load %arg22[%swap3A_170, %swap3A_171] {strides = array<i32>} : memref<16x80xf32, #tpu.memory_space<vmem>>, vector<16xf32>,
    tpu.vector_store %arg22[%swap3A_170, %swap3A_171], %broadcast_in_dim3A_168 {strides = array<i32>} : memref<16x80xf32, #tpu.memory_space<vmem>>, vector<16xf32>,
    %broadcast_in_dim3A_173 = arith.constant 0.000000e+00 : f32
    %broadcast_in_dim3A_174 = vector.broadcast %broadcast_in_dim3A_173 : f32 to vector<16xf32>
    %swap3A_175 = arith.constant 5 : i32
    %swap3A_176 = arith.index_cast %swap3A_175 : i32 to index
    %swap3A_177 = arith.constant 64 : index
    %swap3A_178 = tpu.vector_load %arg22[%swap3A_176, %swap3A_177] {strides = array<i32>} : memref<16x80xf32, #tpu.memory_space<vmem>>, vector<16xf32>,
    tpu.vector_store %arg22[%swap3A_176, %swap3A_177], %broadcast_in_dim3A_174 {strides = array<i32>} : memref<16x80xf32, #tpu.memory_space<vmem>>, vector<16xf32>,
    %broadcast_in_dim3A_179 = arith.constant 0.000000e+00 : f32
    %broadcast_in_dim3A_180 = vector.broadcast %broadcast_in_dim3A_179 : f32 to vector<16xf32>
    %swap3A_181 = arith.constant 6 : i32
    %swap3A_182 = arith.index_cast %swap3A_181 : i32 to index
    %swap3A_183 = arith.constant 0 : index
    %swap3A_184 = tpu.vector_load %arg22[%swap3A_182, %swap3A_183] {strides = array<i32>} : memref<16x80xf32, #tpu.memory_space<vmem>>, vector<16xf32>,
    tpu.vector_store %arg22[%swap3A_182, %swap3A_183], %broadcast_in_dim3A_180 {strides = array<i32>} : memref<16x80xf32, #tpu.memory_space<vmem>>, vector<16xf32>,
    %broadcast_in_dim3A_185 = arith.constant 0.000000e+00 : f32
    %broadcast_in_dim3A_186 = vector.broadcast %broadcast_in_dim3A_185 : f32 to vector<16xf32>
    %swap3A_187 = arith.constant 6 : i32
    %swap3A_188 = arith.index_cast %swap3A_187 : i32 to index
    %swap3A_189 = arith.constant 16 : index
    %swap3A_190 = tpu.vector_load %arg22[%swap3A_188, %swap3A_189] {strides = array<i32>} : memref<16x80xf32, #tpu.memory_space<vmem>>, vector<16xf32>,
    tpu.vector_store %arg22[%swap3A_188, %swap3A_189], %broadcast_in_dim3A_186 {strides = array<i32>} : memref<16x80xf32, #tpu.memory_space<vmem>>, vector<16xf32>,
    %broadcast_in_dim3A_191 = arith.constant 0.000000e+00 : f32
    %broadcast_in_dim3A_192 = vector.broadcast %broadcast_in_dim3A_191 : f32 to vector<16xf32>
    %swap3A_193 = arith.constant 6 : i32
    %swap3A_194 = arith.index_cast %swap3A_193 : i32 to index
    %swap3A_195 = arith.constant 32 : index
    %swap3A_196 = tpu.vector_load %arg22[%swap3A_194, %swap3A_195] {strides = array<i32>} : memref<16x80xf32, #tpu.memory_space<vmem>>, vector<16xf32>,
    tpu.vector_store %arg22[%swap3A_194, %swap3A_195], %broadcast_in_dim3A_192 {strides = array<i32>} : memref<16x80xf32, #tpu.memory_space<vmem>>, vector<16xf32>,
    %broadcast_in_dim3A_197 = arith.constant 0.000000e+00 : f32
    %broadcast_in_dim3A_198 = vector.broadcast %broadcast_in_dim3A_197 : f32 to vector<16xf32>
    %swap3A_199 = arith.constant 6 : i32
    %swap3A_200 = arith.index_cast %swap3A_199 : i32 to index
    %swap3A_201 = arith.constant 48 : index
    %swap3A_202 = tpu.vector_load %arg22[%swap3A_200, %swap3A_201] {strides = array<i32>} : memref<16x80xf32, #tpu.memory_space<vmem>>, vector<16xf32>,
    tpu.vector_store %arg22[%swap3A_200, %swap3A_201], %broadcast_in_dim3A_198 {strides = array<i32>} : memref<16x80xf32, #tpu.memory_space<vmem>>, vector<16xf32>,
    %broadcast_in_dim3A_203 = arith.constant 0.000000e+00 : f32
    %broadcast_in_dim3A_204 = vector.broadcast %broadcast_in_dim3A_203 : f32 to vector<16xf32>
    %swap3A_205 = arith.constant 6 : i32
    %swap3A_206 = arith.index_cast %swap3A_205 : i32 to index
    %swap3A_207 = arith.constant 64 : index
    %swap3A_208 = tpu.vector_load %arg22[%swap3A_206, %swap3A_207] {strides = array<i32>} : memref<16x80xf32, #tpu.memory_space<vmem>>, vector<16xf32>,
    tpu.vector_store %arg22[%swap3A_206, %swap3A_207], %broadcast_in_dim3A_204 {strides = array<i32>} : memref<16x80xf32, #tpu.memory_space<vmem>>, vector<16xf32>,
    %broadcast_in_dim3A_209 = arith.constant 0.000000e+00 : f32
    %broadcast_in_dim3A_210 = vector.broadcast %broadcast_in_dim3A_209 : f32 to vector<16xf32>
    %swap3A_211 = arith.constant 7 : i32
    %swap3A_212 = arith.index_cast %swap3A_211 : i32 to index
    %swap3A_213 = arith.constant 0 : index
    %swap3A_214 = tpu.vector_load %arg22[%swap3A_212, %swap3A_213] {strides = array<i32>} : memref<16x80xf32, #tpu.memory_space<vmem>>, vector<16xf32>,
    tpu.vector_store %arg22[%swap3A_212, %swap3A_213], %broadcast_in_dim3A_210 {strides = array<i32>} : memref<16x80xf32, #tpu.memory_space<vmem>>, vector<16xf32>,
    %broadcast_in_dim3A_215 = arith.constant 0.000000e+00 : f32
    %broadcast_in_dim3A_216 = vector.broadcast %broadcast_in_dim3A_215 : f32 to vector<16xf32>
    %swap3A_217 = arith.constant 7 : i32
    %swap3A_218 = arith.index_cast %swap3A_217 : i32 to index
    %swap3A_219 = arith.constant 16 : index
    %swap3A_220 = tpu.vector_load %arg22[%swap3A_218, %swap3A_219] {strides = array<i32>} : memref<16x80xf32, #tpu.memory_space<vmem>>, vector<16xf32>,
    tpu.vector_store %arg22[%swap3A_218, %swap3A_219], %broadcast_in_dim3A_216 {strides = array<i32>} : memref<16x80xf32, #tpu.memory_space<vmem>>, vector<16xf32>,
    %broadcast_in_dim3A_221 = arith.constant 0.000000e+00 : f32
    %broadcast_in_dim3A_222 = vector.broadcast %broadcast_in_dim3A_221 : f32 to vector<16xf32>
    %swap3A_223 = arith.constant 7 : i32
    %swap3A_224 = arith.index_cast %swap3A_223 : i32 to index
    %swap3A_225 = arith.constant 32 : index
    %swap3A_226 = tpu.vector_load %arg22[%swap3A_224, %swap3A_225] {strides = array<i32>} : memref<16x80xf32, #tpu.memory_space<vmem>>, vector<16xf32>,
    tpu.vector_store %arg22[%swap3A_224, %swap3A_225], %broadcast_in_dim3A_222 {strides = array<i32>} : memref<16x80xf32, #tpu.memory_space<vmem>>, vector<16xf32>,
    %broadcast_in_dim3A_227 = arith.constant 0.000000e+00 : f32
    %broadcast_in_dim3A_228 = vector.broadcast %broadcast_in_dim3A_227 : f32 to vector<16xf32>
    %swap3A_229 = arith.constant 7 : i32
    %swap3A_230 = arith.index_cast %swap3A_229 : i32 to index
    %swap3A_231 = arith.constant 48 : index
    %swap3A_232 = tpu.vector_load %arg22[%swap3A_230, %swap3A_231] {strides = array<i32>} : memref<16x80xf32, #tpu.memory_space<vmem>>, vector<16xf32>,
    tpu.vector_store %arg22[%swap3A_230, %swap3A_231], %broadcast_in_dim3A_228 {strides = array<i32>} : memref<16x80xf32, #tpu.memory_space<vmem>>, vector<16xf32>,
    %broadcast_in_dim3A_233 = arith.constant 0.000000e+00 : f32
    %broadcast_in_dim3A_234 = vector.broadcast %broadcast_in_dim3A_233 : f32 to vector<16xf32>
    %swap3A_235 = arith.constant 7 : i32
    %swap3A_236 = arith.index_cast %swap3A_235 : i32 to index
    %swap3A_237 = arith.constant 64 : index
    %swap3A_238 = tpu.vector_load %arg22[%swap3A_236, %swap3A_237] {strides = array<i32>} : memref<16x80xf32, #tpu.memory_space<vmem>>, vector<16xf32>,
    tpu.vector_store %arg22[%swap3A_236, %swap3A_237], %broadcast_in_dim3A_234 {strides = array<i32>} : memref<16x80xf32, #tpu.memory_space<vmem>>, vector<16xf32>,
    %broadcast_in_dim3A_239 = arith.constant 0.000000e+00 : f32
    %broadcast_in_dim3A_240 = vector.broadcast %broadcast_in_dim3A_239 : f32 to vector<16xf32>
    %swap3A_241 = arith.constant 8 : i32
    %swap3A_242 = arith.index_cast %swap3A_241 : i32 to index
    %swap3A_243 = arith.constant 0 : index
    %swap3A_244 = tpu.vector_load %arg22[%swap3A_242, %swap3A_243] {strides = array<i32>} : memref<16x80xf32, #tpu.memory_space<vmem>>, vector<16xf32>,
    tpu.vector_store %arg22[%swap3A_242, %swap3A_243], %broadcast_in_dim3A_240 {strides = array<i32>} : memref<16x80xf32, #tpu.memory_space<vmem>>, vector<16xf32>,
    %broadcast_in_dim3A_245 = arith.constant 0.000000e+00 : f32
    %broadcast_in_dim3A_246 = vector.broadcast %broadcast_in_dim3A_245 : f32 to vector<16xf32>
    %swap3A_247 = arith.constant 8 : i32
    %swap3A_248 = arith.index_cast %swap3A_247 : i32 to index
    %swap3A_249 = arith.constant 16 : index
    %swap3A_250 = tpu.vector_load %arg22[%swap3A_248, %swap3A_249] {strides = array<i32>} : memref<16x80xf32, #tpu.memory_space<vmem>>, vector<16xf32>,
    tpu.vector_store %arg22[%swap3A_248, %swap3A_249], %broadcast_in_dim3A_246 {strides = array<i32>} : memref<16x80xf32, #tpu.memory_space<vmem>>, vector<16xf32>,
    %broadcast_in_dim3A_251 = arith.constant 0.000000e+00 : f32
    %broadcast_in_dim3A_252 = vector.broadcast %broadcast_in_dim3A_251 : f32 to vector<16xf32>
    %swap3A_253 = arith.constant 8 : i32
    %swap3A_254 = arith.index_cast %swap3A_253 : i32 to index
    %swap3A_255 = arith.constant 32 : index
    %swap3A_256 = tpu.vector_load %arg22[%swap3A_254, %swap3A_255] {strides = array<i32>} : memref<16x80xf32, #tpu.memory_space<vmem>>, vector<16xf32>,
    tpu.vector_store %arg22[%swap3A_254, %swap3A_255], %broadcast_in_dim3A_252 {strides = array<i32>} : memref<16x80xf32, #tpu.memory_space<vmem>>, vector<16xf32>,
    %broadcast_in_dim3A_257 = arith.constant 0.000000e+00 : f32
    %broadcast_in_dim3A_258 = vector.broadcast %broadcast_in_dim3A_257 : f32 to vector<16xf32>
    %swap3A_259 = arith.constant 8 : i32
    %swap3A_260 = arith.index_cast %swap3A_259 : i32 to index
    %swap3A_261 = arith.constant 48 : index
    %swap3A_262 = tpu.vector_load %arg22[%swap3A_260, %swap3A_261] {strides = array<i32>} : memref<16x80xf32, #tpu.memory_space<vmem>>, vector<16xf32>,
    tpu.vector_store %arg22[%swap3A_260, %swap3A_261], %broadcast_in_dim3A_258 {strides = array<i32>} : memref<16x80xf32, #tpu.memory_space<vmem>>, vector<16xf32>,
    %broadcast_in_dim3A_263 = arith.constant 0.000000e+00 : f32
    %broadcast_in_dim3A_264 = vector.broadcast %broadcast_in_dim3A_263 : f32 to vector<16xf32>
    %swap3A_265 = arith.constant 8 : i32
    %swap3A_266 = arith.index_cast %swap3A_265 : i32 to index
    %swap3A_267 = arith.constant 64 : index
    %swap3A_268 = tpu.vector_load %arg22[%swap3A_266, %swap3A_267] {strides = array<i32>} : memref<16x80xf32, #tpu.memory_space<vmem>>, vector<16xf32>,
    tpu.vector_store %arg22[%swap3A_266, %swap3A_267], %broadcast_in_dim3A_264 {strides = array<i32>} : memref<16x80xf32, #tpu.memory_space<vmem>>, vector<16xf32>,
    %broadcast_in_dim3A_269 = arith.constant 0.000000e+00 : f32
    %broadcast_in_dim3A_270 = vector.broadcast %broadcast_in_dim3A_269 : f32 to vector<16xf32>
    %swap3A_271 = arith.constant 9 : i32
    %swap3A_272 = arith.index_cast %swap3A_271 : i32 to index
    %swap3A_273 = arith.constant 0 : index
    %swap3A_274 = tpu.vector_load %arg22[%swap3A_272, %swap3A_273] {strides = array<i32>} : memref<16x80xf32, #tpu.memory_space<vmem>>, vector<16xf32>,
    tpu.vector_store %arg22[%swap3A_272, %swap3A_273], %broadcast_in_dim3A_270 {strides = array<i32>} : memref<16x80xf32, #tpu.memory_space<vmem>>, vector<16xf32>,
    %broadcast_in_dim3A_275 = arith.constant 0.000000e+00 : f32
    %broadcast_in_dim3A_276 = vector.broadcast %broadcast_in_dim3A_275 : f32 to vector<16xf32>
    %swap3A_277 = arith.constant 9 : i32
    %swap3A_278 = arith.index_cast %swap3A_277 : i32 to index
    %swap3A_279 = arith.constant 16 : index
    %swap3A_280 = tpu.vector_load %arg22[%swap3A_278, %swap3A_279] {strides = array<i32>} : memref<16x80xf32, #tpu.memory_space<vmem>>, vector<16xf32>,
    tpu.vector_store %arg22[%swap3A_278, %swap3A_279], %broadcast_in_dim3A_276 {strides = array<i32>} : memref<16x80xf32, #tpu.memory_space<vmem>>, vector<16xf32>,
    %broadcast_in_dim3A_281 = arith.constant 0.000000e+00 : f32
    %broadcast_in_dim3A_282 = vector.broadcast %broadcast_in_dim3A_281 : f32 to vector<16xf32>
    %swap3A_283 = arith.constant 9 : i32
    %swap3A_284 = arith.index_cast %swap3A_283 : i32 to index
    %swap3A_285 = arith.constant 32 : index
    %swap3A_286 = tpu.vector_load %arg22[%swap3A_284, %swap3A_285] {strides = array<i32>} : memref<16x80xf32, #tpu.memory_space<vmem>>, vector<16xf32>,
    tpu.vector_store %arg22[%swap3A_284, %swap3A_285], %broadcast_in_dim3A_282 {strides = array<i32>} : memref<16x80xf32, #tpu.memory_space<vmem>>, vector<16xf32>,
    %broadcast_in_dim3A_287 = arith.constant 0.000000e+00 : f32
    %broadcast_in_dim3A_288 = vector.broadcast %broadcast_in_dim3A_287 : f32 to vector<16xf32>
    %swap3A_289 = arith.constant 9 : i32
    %swap3A_290 = arith.index_cast %swap3A_289 : i32 to index
    %swap3A_291 = arith.constant 48 : index
    %swap3A_292 = tpu.vector_load %arg22[%swap3A_290, %swap3A_291] {strides = array<i32>} : memref<16x80xf32, #tpu.memory_space<vmem>>, vector<16xf32>,
    tpu.vector_store %arg22[%swap3A_290, %swap3A_291], %broadcast_in_dim3A_288 {strides = array<i32>} : memref<16x80xf32, #tpu.memory_space<vmem>>, vector<16xf32>,
    %broadcast_in_dim3A_293 = arith.constant 0.000000e+00 : f32
    %broadcast_in_dim3A_294 = vector.broadcast %broadcast_in_dim3A_293 : f32 to vector<16xf32>
    %swap3A_295 = arith.constant 9 : i32
    %swap3A_296 = arith.index_cast %swap3A_295 : i32 to index
    %swap3A_297 = arith.constant 64 : index
    %swap3A_298 = tpu.vector_load %arg22[%swap3A_296, %swap3A_297] {strides = array<i32>} : memref<16x80xf32, #tpu.memory_space<vmem>>, vector<16xf32>,
    tpu.vector_store %arg22[%swap3A_296, %swap3A_297], %broadcast_in_dim3A_294 {strides = array<i32>} : memref<16x80xf32, #tpu.memory_space<vmem>>, vector<16xf32>,
    %broadcast_in_dim3A_299 = arith.constant 0.000000e+00 : f32
    %broadcast_in_dim3A_300 = vector.broadcast %broadcast_in_dim3A_299 : f32 to vector<16xf32>
    %swap3A_301 = arith.constant 10 : i32
    %swap3A_302 = arith.index_cast %swap3A_301 : i32 to index
    %swap3A_303 = arith.constant 0 : index
    %swap3A_304 = tpu.vector_load %arg22[%swap3A_302, %swap3A_303] {strides = array<i32>} : memref<16x80xf32, #tpu.memory_space<vmem>>, vector<16xf32>,
    tpu.vector_store %arg22[%swap3A_302, %swap3A_303], %broadcast_in_dim3A_300 {strides = array<i32>} : memref<16x80xf32, #tpu.memory_space<vmem>>, vector<16xf32>,
    %broadcast_in_dim3A_305 = arith.constant 0.000000e+00 : f32
    %broadcast_in_dim3A_306 = vector.broadcast %broadcast_in_dim3A_305 : f32 to vector<16xf32>
    %swap3A_307 = arith.constant 10 : i32
    %swap3A_308 = arith.index_cast %swap3A_307 : i32 to index
    %swap3A_309 = arith.constant 16 : index
    %swap3A_310 = tpu.vector_load %arg22[%swap3A_308, %swap3A_309] {strides = array<i32>} : memref<16x80xf32, #tpu.memory_space<vmem>>, vector<16xf32>,
    tpu.vector_store %arg22[%swap3A_308, %swap3A_309], %broadcast_in_dim3A_306 {strides = array<i32>} : memref<16x80xf32, #tpu.memory_space<vmem>>, vector<16xf32>,
    %broadcast_in_dim3A_311 = arith.constant 0.000000e+00 : f32
    %broadcast_in_dim3A_312 = vector.broadcast %broadcast_in_dim3A_311 : f32 to vector<16xf32>
    %swap3A_313 = arith.constant 10 : i32
    %swap3A_314 = arith.index_cast %swap3A_313 : i32 to index
    %swap3A_315 = arith.constant 32 : index
    %swap3A_316 = tpu.vector_load %arg22[%swap3A_314, %swap3A_315] {strides = array<i32>} : memref<16x80xf32, #tpu.memory_space<vmem>>, vector<16xf32>,
    tpu.vector_store %arg22[%swap3A_314, %swap3A_315], %broadcast_in_dim3A_312 {strides = array<i32>} : memref<16x80xf32, #tpu.memory_space<vmem>>, vector<16xf32>,
    %broadcast_in_dim3A_317 = arith.constant 0.000000e+00 : f32
    %broadcast_in_dim3A_318 = vector.broadcast %broadcast_in_dim3A_317 : f32 to vector<16xf32>
    %swap3A_319 = arith.constant 10 : i32
    %swap3A_320 = arith.index_cast %swap3A_319 : i32 to index
    %swap3A_321 = arith.constant 48 : index
    %swap3A_322 = tpu.vector_load %arg22[%swap3A_320, %swap3A_321] {strides = array<i32>} : memref<16x80xf32, #tpu.memory_space<vmem>>, vector<16xf32>,
    tpu.vector_store %arg22[%swap3A_320, %swap3A_321], %broadcast_in_dim3A_318 {strides = array<i32>} : memref<16x80xf32, #tpu.memory_space<vmem>>, vector<16xf32>,
    %broadcast_in_dim3A_323 = arith.constant 0.000000e+00 : f32
    %broadcast_in_dim3A_324 = vector.broadcast %broadcast_in_dim3A_323 : f32 to vector<16xf32>
    %swap3A_325 = arith.constant 10 : i32
    %swap3A_326 = arith.index_cast %swap3A_325 : i32 to index
    %swap3A_327 = arith.constant 64 : index
    %swap3A_328 = tpu.vector_load %arg22[%swap3A_326, %swap3A_327] {strides = array<i32>} : memref<16x80xf32, #tpu.memory_space<vmem>>, vector<16xf32>,
    tpu.vector_store %arg22[%swap3A_326, %swap3A_327], %broadcast_in_dim3A_324 {strides = array<i32>} : memref<16x80xf32, #tpu.memory_space<vmem>>, vector<16xf32>,
    %broadcast_in_dim3A_329 = arith.constant 0.000000e+00 : f32
    %broadcast_in_dim3A_330 = vector.broadcast %broadcast_in_dim3A_329 : f32 to vector<16xf32>
    %swap3A_331 = arith.constant 11 : i32
    %swap3A_332 = arith.index_cast %swap3A_331 : i32 to index
    %swap3A_333 = arith.constant 0 : index
    %swap3A_334 = tpu.vector_load %arg22[%swap3A_332, %swap3A_333] {strides = array<i32>} : memref<16x80xf32, #tpu.memory_space<vmem>>, vector<16xf32>,
    tpu.vector_store %arg22[%swap3A_332, %swap3A_333], %broadcast_in_dim3A_330 {strides = array<i32>} : memref<16x80xf32, #tpu.memory_space<vmem>>, vector<16xf32>,
    %broadcast_in_dim3A_335 = arith.constant 0.000000e+00 : f32
    %broadcast_in_dim3A_336 = vector.broadcast %broadcast_in_dim3A_335 : f32 to vector<16xf32>
    %swap3A_337 = arith.constant 11 : i32
    %swap3A_338 = arith.index_cast %swap3A_337 : i32 to index
    %swap3A_339 = arith.constant 16 : index
    %swap3A_340 = tpu.vector_load %arg22[%swap3A_338, %swap3A_339] {strides = array<i32>} : memref<16x80xf32, #tpu.memory_space<vmem>>, vector<16xf32>,
    tpu.vector_store %arg22[%swap3A_338, %swap3A_339], %broadcast_in_dim3A_336 {strides = array<i32>} : memref<16x80xf32, #tpu.memory_space<vmem>>, vector<16xf32>,
    %broadcast_in_dim3A_341 = arith.constant 0.000000e+00 : f32
    %broadcast_in_dim3A_342 = vector.broadcast %broadcast_in_dim3A_341 : f32 to vector<16xf32>
    %swap3A_343 = arith.constant 11 : i32
    %swap3A_344 = arith.index_cast %swap3A_343 : i32 to index
    %swap3A_345 = arith.constant 32 : index
    %swap3A_346 = tpu.vector_load %arg22[%swap3A_344, %swap3A_345] {strides = array<i32>} : memref<16x80xf32, #tpu.memory_space<vmem>>, vector<16xf32>,
    tpu.vector_store %arg22[%swap3A_344, %swap3A_345], %broadcast_in_dim3A_342 {strides = array<i32>} : memref<16x80xf32, #tpu.memory_space<vmem>>, vector<16xf32>,
    %broadcast_in_dim3A_347 = arith.constant 0.000000e+00 : f32
    %broadcast_in_dim3A_348 = vector.broadcast %broadcast_in_dim3A_347 : f32 to vector<16xf32>
    %swap3A_349 = arith.constant 11 : i32
    %swap3A_350 = arith.index_cast %swap3A_349 : i32 to index
    %swap3A_351 = arith.constant 48 : index
    %swap3A_352 = tpu.vector_load %arg22[%swap3A_350, %swap3A_351] {strides = array<i32>} : memref<16x80xf32, #tpu.memory_space<vmem>>, vector<16xf32>,
    tpu.vector_store %arg22[%swap3A_350, %swap3A_351], %broadcast_in_dim3A_348 {strides = array<i32>} : memref<16x80xf32, #tpu.memory_space<vmem>>, vector<16xf32>,
    %broadcast_in_dim3A_353 = arith.constant 0.000000e+00 : f32
    %broadcast_in_dim3A_354 = vector.broadcast %broadcast_in_dim3A_353 : f32 to vector<16xf32>
    %swap3A_355 = arith.constant 11 : i32
    %swap3A_356 = arith.index_cast %swap3A_355 : i32 to index
    %swap3A_357 = arith.constant 64 : index
    %swap3A_358 = tpu.vector_load %arg22[%swap3A_356, %swap3A_357] {strides = array<i32>} : memref<16x80xf32, #tpu.memory_space<vmem>>, vector<16xf32>,
    tpu.vector_store %arg22[%swap3A_356, %swap3A_357], %broadcast_in_dim3A_354 {strides = array<i32>} : memref<16x80xf32, #tpu.memory_space<vmem>>, vector<16xf32>,
    %broadcast_in_dim3A_359 = arith.constant 0.000000e+00 : f32
    %broadcast_in_dim3A_360 = vector.broadcast %broadcast_in_dim3A_359 : f32 to vector<16xf32>
    %swap3A_361 = arith.constant 12 : i32
    %swap3A_362 = arith.index_cast %swap3A_361 : i32 to index
    %swap3A_363 = arith.constant 0 : index
    %swap3A_364 = tpu.vector_load %arg22[%swap3A_362, %swap3A_363] {strides = array<i32>} : memref<16x80xf32, #tpu.memory_space<vmem>>, vector<16xf32>,
    tpu.vector_store %arg22[%swap3A_362, %swap3A_363], %broadcast_in_dim3A_360 {strides = array<i32>} : memref<16x80xf32, #tpu.memory_space<vmem>>, vector<16xf32>,
    %broadcast_in_dim3A_365 = arith.constant 0.000000e+00 : f32
    %broadcast_in_dim3A_366 = vector.broadcast %broadcast_in_dim3A_365 : f32 to vector<16xf32>
    %swap3A_367 = arith.constant 12 : i32
    %swap3A_368 = arith.index_cast %swap3A_367 : i32 to index
    %swap3A_369 = arith.constant 16 : index
    %swap3A_370 = tpu.vector_load %arg22[%swap3A_368, %swap3A_369] {strides = array<i32>} : memref<16x80xf32, #tpu.memory_space<vmem>>, vector<16xf32>,
    tpu.vector_store %arg22[%swap3A_368, %swap3A_369], %broadcast_in_dim3A_366 {strides = array<i32>} : memref<16x80xf32, #tpu.memory_space<vmem>>, vector<16xf32>,
    %broadcast_in_dim3A_371 = arith.constant 0.000000e+00 : f32
    %broadcast_in_dim3A_372 = vector.broadcast %broadcast_in_dim3A_371 : f32 to vector<16xf32>
    %swap3A_373 = arith.constant 12 : i32
    %swap3A_374 = arith.index_cast %swap3A_373 : i32 to index
    %swap3A_375 = arith.constant 32 : index
    %swap3A_376 = tpu.vector_load %arg22[%swap3A_374, %swap3A_375] {strides = array<i32>} : memref<16x80xf32, #tpu.memory_space<vmem>>, vector<16xf32>,
    tpu.vector_store %arg22[%swap3A_374, %swap3A_375], %broadcast_in_dim3A_372 {strides = array<i32>} : memref<16x80xf32, #tpu.memory_space<vmem>>, vector<16xf32>,
    %broadcast_in_dim3A_377 = arith.constant 0.000000e+00 : f32
    %broadcast_in_dim3A_378 = vector.broadcast %broadcast_in_dim3A_377 : f32 to vector<16xf32>
    %swap3A_379 = arith.constant 12 : i32
    %swap3A_380 = arith.index_cast %swap3A_379 : i32 to index
    %swap3A_381 = arith.constant 48 : index
    %swap3A_382 = tpu.vector_load %arg22[%swap3A_380, %swap3A_381] {strides = array<i32>} : memref<16x80xf32, #tpu.memory_space<vmem>>, vector<16xf32>,
    tpu.vector_store %arg22[%swap3A_380, %swap3A_381], %broadcast_in_dim3A_378 {strides = array<i32>} : memref<16x80xf32, #tpu.memory_space<vmem>>, vector<16xf32>,
    %broadcast_in_dim3A_383 = arith.constant 0.000000e+00 : f32
    %broadcast_in_dim3A_384 = vector.broadcast %broadcast_in_dim3A_383 : f32 to vector<16xf32>
    %swap3A_385 = arith.constant 12 : i32
    %swap3A_386 = arith.index_cast %swap3A_385 : i32 to index
    %swap3A_387 = arith.constant 64 : index
    %swap3A_388 = tpu.vector_load %arg22[%swap3A_386, %swap3A_387] {strides = array<i32>} : memref<16x80xf32, #tpu.memory_space<vmem>>, vector<16xf32>,
    tpu.vector_store %arg22[%swap3A_386, %swap3A_387], %broadcast_in_dim3A_384 {strides = array<i32>} : memref<16x80xf32, #tpu.memory_space<vmem>>, vector<16xf32>,
    %broadcast_in_dim3A_389 = arith.constant 0.000000e+00 : f32
    %broadcast_in_dim3A_390 = vector.broadcast %broadcast_in_dim3A_389 : f32 to vector<16xf32>
    %swap3A_391 = arith.constant 13 : i32
    %swap3A_392 = arith.index_cast %swap3A_391 : i32 to index
    %swap3A_393 = arith.constant 0 : index
    %swap3A_394 = tpu.vector_load %arg22[%swap3A_392, %swap3A_393] {strides = array<i32>} : memref<16x80xf32, #tpu.memory_space<vmem>>, vector<16xf32>,
    tpu.vector_store %arg22[%swap3A_392, %swap3A_393], %broadcast_in_dim3A_390 {strides = array<i32>} : memref<16x80xf32, #tpu.memory_space<vmem>>, vector<16xf32>,
    %broadcast_in_dim3A_395 = arith.constant 0.000000e+00 : f32
    %broadcast_in_dim3A_396 = vector.broadcast %broadcast_in_dim3A_395 : f32 to vector<16xf32>
    %swap3A_397 = arith.constant 13 : i32
    %swap3A_398 = arith.index_cast %swap3A_397 : i32 to index
    %swap3A_399 = arith.constant 16 : index
    %swap3A_400 = tpu.vector_load %arg22[%swap3A_398, %swap3A_399] {strides = array<i32>} : memref<16x80xf32, #tpu.memory_space<vmem>>, vector<16xf32>,
    tpu.vector_store %arg22[%swap3A_398, %swap3A_399], %broadcast_in_dim3A_396 {strides = array<i32>} : memref<16x80xf32, #tpu.memory_space<vmem>>, vector<16xf32>,
    %broadcast_in_dim3A_401 = arith.constant 0.000000e+00 : f32
    %broadcast_in_dim3A_402 = vector.broadcast %broadcast_in_dim3A_401 : f32 to vector<16xf32>
    %swap3A_403 = arith.constant 13 : i32
    %swap3A_404 = arith.index_cast %swap3A_403 : i32 to index
    %swap3A_405 = arith.constant 32 : index
    %swap3A_406 = tpu.vector_load %arg22[%swap3A_404, %swap3A_405] {strides = array<i32>} : memref<16x80xf32, #tpu.memory_space<vmem>>, vector<16xf32>,
    tpu.vector_store %arg22[%swap3A_404, %swap3A_405], %broadcast_in_dim3A_402 {strides = array<i32>} : memref<16x80xf32, #tpu.memory_space<vmem>>, vector<16xf32>,
    %broadcast_in_dim3A_407 = arith.constant 0.000000e+00 : f32
    %broadcast_in_dim3A_408 = vector.broadcast %broadcast_in_dim3A_407 : f32 to vector<16xf32>
    %swap3A_409 = arith.constant 13 : i32
    %swap3A_410 = arith.index_cast %swap3A_409 : i32 to index
    %swap3A_411 = arith.constant 48 : index
    %swap3A_412 = tpu.vector_load %arg22[%swap3A_410, %swap3A_411] {strides = array<i32>} : memref<16x80xf32, #tpu.memory_space<vmem>>, vector<16xf32>,
    tpu.vector_store %arg22[%swap3A_410, %swap3A_411], %broadcast_in_dim3A_408 {strides = array<i32>} : memref<16x80xf32, #tpu.memory_space<vmem>>, vector<16xf32>,
    %broadcast_in_dim3A_413 = arith.constant 0.000000e+00 : f32
    %broadcast_in_dim3A_414 = vector.broadcast %broadcast_in_dim3A_413 : f32 to vector<16xf32>
    %swap3A_415 = arith.constant 13 : i32
    %swap3A_416 = arith.index_cast %swap3A_415 : i32 to index
    %swap3A_417 = arith.constant 64 : index
    %swap3A_418 = tpu.vector_load %arg22[%swap3A_416, %swap3A_417] {strides = array<i32>} : memref<16x80xf32, #tpu.memory_space<vmem>>, vector<16xf32>,
    tpu.vector_store %arg22[%swap3A_416, %swap3A_417], %broadcast_in_dim3A_414 {strides = array<i32>} : memref<16x80xf32, #tpu.memory_space<vmem>>, vector<16xf32>,
    %broadcast_in_dim3A_419 = arith.constant 0.000000e+00 : f32
    %broadcast_in_dim3A_420 = vector.broadcast %broadcast_in_dim3A_419 : f32 to vector<16xf32>
    %swap3A_421 = arith.constant 14 : i32
    %swap3A_422 = arith.index_cast %swap3A_421 : i32 to index
    %swap3A_423 = arith.constant 0 : index
    %swap3A_424 = tpu.vector_load %arg22[%swap3A_422, %swap3A_423] {strides = array<i32>} : memref<16x80xf32, #tpu.memory_space<vmem>>, vector<16xf32>,
    tpu.vector_store %arg22[%swap3A_422, %swap3A_423], %broadcast_in_dim3A_420 {strides = array<i32>} : memref<16x80xf32, #tpu.memory_space<vmem>>, vector<16xf32>,
    %broadcast_in_dim3A_425 = arith.constant 0.000000e+00 : f32
    %broadcast_in_dim3A_426 = vector.broadcast %broadcast_in_dim3A_425 : f32 to vector<16xf32>
    %swap3A_427 = arith.constant 14 : i32
    %swap3A_428 = arith.index_cast %swap3A_427 : i32 to index
    %swap3A_429 = arith.constant 16 : index
    %swap3A_430 = tpu.vector_load %arg22[%swap3A_428, %swap3A_429] {strides = array<i32>} : memref<16x80xf32, #tpu.memory_space<vmem>>, vector<16xf32>,
    tpu.vector_store %arg22[%swap3A_428, %swap3A_429], %broadcast_in_dim3A_426 {strides = array<i32>} : memref<16x80xf32, #tpu.memory_space<vmem>>, vector<16xf32>,
    %broadcast_in_dim3A_431 = arith.constant 0.000000e+00 : f32
    %broadcast_in_dim3A_432 = vector.broadcast %broadcast_in_dim3A_431 : f32 to vector<16xf32>
    %swap3A_433 = arith.constant 14 : i32
    %swap3A_434 = arith.index_cast %swap3A_433 : i32 to index
    %swap3A_435 = arith.constant 32 : index
    %swap3A_436 = tpu.vector_load %arg22[%swap3A_434, %swap3A_435] {strides = array<i32>} : memref<16x80xf32, #tpu.memory_space<vmem>>, vector<16xf32>,
    tpu.vector_store %arg22[%swap3A_434, %swap3A_435], %broadcast_in_dim3A_432 {strides = array<i32>} : memref<16x80xf32, #tpu.memory_space<vmem>>, vector<16xf32>,
    %broadcast_in_dim3A_437 = arith.constant 0.000000e+00 : f32
    %broadcast_in_dim3A_438 = vector.broadcast %broadcast_in_dim3A_437 : f32 to vector<16xf32>
    %swap3A_439 = arith.constant 14 : i32
    %swap3A_440 = arith.index_cast %swap3A_439 : i32 to index
    %swap3A_441 = arith.constant 48 : index
    %swap3A_442 = tpu.vector_load %arg22[%swap3A_440, %swap3A_441] {strides = array<i32>} : memref<16x80xf32, #tpu.memory_space<vmem>>, vector<16xf32>,
    tpu.vector_store %arg22[%swap3A_440, %swap3A_441], %broadcast_in_dim3A_438 {strides = array<i32>} : memref<16x80xf32, #tpu.memory_space<vmem>>, vector<16xf32>,
    %broadcast_in_dim3A_443 = arith.constant 0.000000e+00 : f32
    %broadcast_in_dim3A_444 = vector.broadcast %broadcast_in_dim3A_443 : f32 to vector<16xf32>
    %swap3A_445 = arith.constant 14 : i32
    %swap3A_446 = arith.index_cast %swap3A_445 : i32 to index
    %swap3A_447 = arith.constant 64 : index
    %swap3A_448 = tpu.vector_load %arg22[%swap3A_446, %swap3A_447] {strides = array<i32>} : memref<16x80xf32, #tpu.memory_space<vmem>>, vector<16xf32>,
    tpu.vector_store %arg22[%swap3A_446, %swap3A_447], %broadcast_in_dim3A_444 {strides = array<i32>} : memref<16x80xf32, #tpu.memory_space<vmem>>, vector<16xf32>,
    %broadcast_in_dim3A_449 = arith.constant 0.000000e+00 : f32
    %broadcast_in_dim3A_450 = vector.broadcast %broadcast_in_dim3A_449 : f32 to vector<16xf32>
    %swap3A_451 = arith.constant 15 : i32
    %swap3A_452 = arith.index_cast %swap3A_451 : i32 to index
    %swap3A_453 = arith.constant 0 : index
    %swap3A_454 = tpu.vector_load %arg22[%swap3A_452, %swap3A_453] {strides = array<i32>} : memref<16x80xf32, #tpu.memory_space<vmem>>, vector<16xf32>,
    tpu.vector_store %arg22[%swap3A_452, %swap3A_453], %broadcast_in_dim3A_450 {strides = array<i32>} : memref<16x80xf32, #tpu.memory_space<vmem>>, vector<16xf32>,
    %broadcast_in_dim3A_455 = arith.constant 0.000000e+00 : f32
    %broadcast_in_dim3A_456 = vector.broadcast %broadcast_in_dim3A_455 : f32 to vector<16xf32>
    %swap3A_457 = arith.constant 15 : i32
    %swap3A_458 = arith.index_cast %swap3A_457 : i32 to index
    %swap3A_459 = arith.constant 16 : index
    %swap3A_460 = tpu.vector_load %arg22[%swap3A_458, %swap3A_459] {strides = array<i32>} : memref<16x80xf32, #tpu.memory_space<vmem>>, vector<16xf32>,
    tpu.vector_store %arg22[%swap3A_458, %swap3A_459], %broadcast_in_dim3A_456 {strides = array<i32>} : memref<16x80xf32, #tpu.memory_space<vmem>>, vector<16xf32>,
    %broadcast_in_dim3A_461 = arith.constant 0.000000e+00 : f32
    %broadcast_in_dim3A_462 = vector.broadcast %broadcast_in_dim3A_461 : f32 to vector<16xf32>
    %swap3A_463 = arith.constant 15 : i32
    %swap3A_464 = arith.index_cast %swap3A_463 : i32 to index
    %swap3A_465 = arith.constant 32 : index
    %swap3A_466 = tpu.vector_load %arg22[%swap3A_464, %swap3A_465] {strides = array<i32>} : memref<16x80xf32, #tpu.memory_space<vmem>>, vector<16xf32>,
    tpu.vector_store %arg22[%swap3A_464, %swap3A_465], %broadcast_in_dim3A_462 {strides = array<i32>} : memref<16x80xf32, #tpu.memory_space<vmem>>, vector<16xf32>,
    %broadcast_in_dim3A_467 = arith.constant 0.000000e+00 : f32
    %broadcast_in_dim3A_468 = vector.broadcast %broadcast_in_dim3A_467 : f32 to vector<16xf32>
    %swap3A_469 = arith.constant 15 : i32
    %swap3A_470 = arith.index_cast %swap3A_469 : i32 to index
    %swap3A_471 = arith.constant 48 : index
    %swap3A_472 = tpu.vector_load %arg22[%swap3A_470, %swap3A_471] {strides = array<i32>} : memref<16x80xf32, #tpu.memory_space<vmem>>, vector<16xf32>,
    tpu.vector_store %arg22[%swap3A_470, %swap3A_471], %broadcast_in_dim3A_468 {strides = array<i32>} : memref<16x80xf32, #tpu.memory_space<vmem>>, vector<16xf32>,
    %broadcast_in_dim3A_473 = arith.constant 0.000000e+00 : f32
    %broadcast_in_dim3A_474 = vector.broadcast %broadcast_in_dim3A_473 : f32 to vector<16xf32>
    %swap3A_475 = arith.constant 15 : i32
    %swap3A_476 = arith.index_cast %swap3A_475 : i32 to index
    %swap3A_477 = arith.constant 64 : index
    %swap3A_478 = tpu.vector_load %arg22[%swap3A_476, %swap3A_477] {strides = array<i32>} : memref<16x80xf32, #tpu.memory_space<vmem>>, vector<16xf32>,
    tpu.vector_store %arg22[%swap3A_476, %swap3A_477], %broadcast_in_dim3A_474 {strides = array<i32>} : memref<16x80xf32, #tpu.memory_space<vmem>>, vector<16xf32>,
    %mul3A_479 = arith.constant 256 : i32
    %mul3A_480 = arith.muli %arg1, %mul3A_479 : i32
    %add3A_481 = arith.constant 0 : i32
    %add3A_482 = arith.addi %mul3A_480, %add3A_481 : i32
    "tpu.region"() ({
      %run_scoped3A = tpu.sem_alloc : memref<!tpu.dma_semaphore, #tpu.memory_space<semaphore_mem>>
      %dma_start3A_582 = arith.constant 0 : i32
      %dma_start3A_583 = tpu.memref_slice %arg23[%add3A_482, %dma_start3A_582] : memref<4096x80xf32, #tpu.memory_space<vmem_shared>> -> memref<16x80xf32, #tpu.memory_space<vmem_shared>>
      %dma_start3A_584 = arith.constant 0 : i32
      %dma_start3A_585 = tpu.memref_slice %arg23[%add3A_482, %dma_start3A_584] : memref<4096x80xf32, #tpu.memory_space<vmem_shared>> -> memref<16x80xf32, #tpu.memory_space<vmem_shared>>
      tpu.enqueue_dma source(%arg22 : memref<16x80xf32, #tpu.memory_space<vmem>>) target(%dma_start3A_585 : memref<16x80xf32, #tpu.memory_space<vmem_shared>>) target_semaphore(%run_scoped3A : memref<!tpu.dma_semaphore, #tpu.memory_space<semaphore_mem>>)
      %dma_wait3A_586 = arith.constant 0 : i32
      %dma_wait3A_587 = tpu.memref_slice %arg23[%add3A_482, %dma_wait3A_586] : memref<4096x80xf32, #tpu.memory_space<vmem_shared>> -> memref<16x80xf32, #tpu.memory_space<vmem_shared>>
      %dma_wait3A_588 = arith.constant 0 : i32
      %dma_wait3A_589 = tpu.memref_slice %arg23[%add3A_482, %dma_wait3A_588] : memref<4096x80xf32, #tpu.memory_space<vmem_shared>> -> memref<16x80xf32, #tpu.memory_space<vmem_shared>>
      tpu.wait_dma2 semaphore(%run_scoped3A : memref<!tpu.dma_semaphore, #tpu.memory_space<semaphore_mem>>) src(%arg22 : memref<16x80xf32, #tpu.memory_space<vmem>>) dst(%dma_wait3A_589 : memref<16x80xf32, #tpu.memory_space<vmem_shared>>)
      tpu.yield
    }) : () -> ()
    %mul3A_483 = arith.constant 256 : i32
    %mul3A_484 = arith.muli %arg1, %mul3A_483 : i32
    %add3A_485 = arith.constant 16 : i32
    %add3A_486 = arith.addi %mul3A_484, %add3A_485 : i32
    "tpu.region"() ({
      %run_scoped3A = tpu.sem_alloc : memref<!tpu.dma_semaphore, #tpu.memory_space<semaphore_mem>>
      %dma_start3A_582 = arith.constant 0 : i32
      %dma_start3A_583 = tpu.memref_slice %arg23[%add3A_486, %dma_start3A_582] : memref<4096x80xf32, #tpu.memory_space<vmem_shared>> -> memref<16x80xf32, #tpu.memory_space<vmem_shared>>
      %dma_start3A_584 = arith.constant 0 : i32
      %dma_start3A_585 = tpu.memref_slice %arg23[%add3A_486, %dma_start3A_584] : memref<4096x80xf32, #tpu.memory_space<vmem_shared>> -> memref<16x80xf32, #tpu.memory_space<vmem_shared>>
      tpu.enqueue_dma source(%arg22 : memref<16x80xf32, #tpu.memory_space<vmem>>) target(%dma_start3A_585 : memref<16x80xf32, #tpu.memory_space<vmem_shared>>) target_semaphore(%run_scoped3A : memref<!tpu.dma_semaphore, #tpu.memory_space<semaphore_mem>>)
      %dma_wait3A_586 = arith.constant 0 : i32
      %dma_wait3A_587 = tpu.memref_slice %arg23[%add3A_486, %dma_wait3A_586] : memref<4096x80xf32, #tpu.memory_space<vmem_shared>> -> memref<16x80xf32, #tpu.memory_space<vmem_shared>>
      %dma_wait3A_588 = arith.constant 0 : i32
      %dma_wait3A_589 = tpu.memref_slice %arg23[%add3A_486, %dma_wait3A_588] : memref<4096x80xf32, #tpu.memory_space<vmem_shared>> -> memref<16x80xf32, #tpu.memory_space<vmem_shared>>
      tpu.wait_dma2 semaphore(%run_scoped3A : memref<!tpu.dma_semaphore, #tpu.memory_space<semaphore_mem>>) src(%arg22 : memref<16x80xf32, #tpu.memory_space<vmem>>) dst(%dma_wait3A_589 : memref<16x80xf32, #tpu.memory_space<vmem_shared>>)
      tpu.yield
    }) : () -> ()
    %mul3A_487 = arith.constant 256 : i32
    %mul3A_488 = arith.muli %arg1, %mul3A_487 : i32
    %add3A_489 = arith.constant 32 : i32
    %add3A_490 = arith.addi %mul3A_488, %add3A_489 : i32
    "tpu.region"() ({
      %run_scoped3A = tpu.sem_alloc : memref<!tpu.dma_semaphore, #tpu.memory_space<semaphore_mem>>
      %dma_start3A_582 = arith.constant 0 : i32
      %dma_start3A_583 = tpu.memref_slice %arg23[%add3A_490, %dma_start3A_582] : memref<4096x80xf32, #tpu.memory_space<vmem_shared>> -> memref<16x80xf32, #tpu.memory_space<vmem_shared>>
      %dma_start3A_584 = arith.constant 0 : i32
      %dma_start3A_585 = tpu.memref_slice %arg23[%add3A_490, %dma_start3A_584] : memref<4096x80xf32, #tpu.memory_space<vmem_shared>> -> memref<16x80xf32, #tpu.memory_space<vmem_shared>>
      tpu.enqueue_dma source(%arg22 : memref<16x80xf32, #tpu.memory_space<vmem>>) target(%dma_start3A_585 : memref<16x80xf32, #tpu.memory_space<vmem_shared>>) target_semaphore(%run_scoped3A : memref<!tpu.dma_semaphore, #tpu.memory_space<semaphore_mem>>)
      %dma_wait3A_586 = arith.constant 0 : i32
      %dma_wait3A_587 = tpu.memref_slice %arg23[%add3A_490, %dma_wait3A_586] : memref<4096x80xf32, #tpu.memory_space<vmem_shared>> -> memref<16x80xf32, #tpu.memory_space<vmem_shared>>
      %dma_wait3A_588 = arith.constant 0 : i32
      %dma_wait3A_589 = tpu.memref_slice %arg23[%add3A_490, %dma_wait3A_588] : memref<4096x80xf32, #tpu.memory_space<vmem_shared>> -> memref<16x80xf32, #tpu.memory_space<vmem_shared>>
      tpu.wait_dma2 semaphore(%run_scoped3A : memref<!tpu.dma_semaphore, #tpu.memory_space<semaphore_mem>>) src(%arg22 : memref<16x80xf32, #tpu.memory_space<vmem>>) dst(%dma_wait3A_589 : memref<16x80xf32, #tpu.memory_space<vmem_shared>>)
      tpu.yield
    }) : () -> ()
    %mul3A_491 = arith.constant 256 : i32
    %mul3A_492 = arith.muli %arg1, %mul3A_491 : i32
    %add3A_493 = arith.constant 48 : i32
    %add3A_494 = arith.addi %mul3A_492, %add3A_493 : i32
    "tpu.region"() ({
      %run_scoped3A = tpu.sem_alloc : memref<!tpu.dma_semaphore, #tpu.memory_space<semaphore_mem>>
      %dma_start3A_582 = arith.constant 0 : i32
      %dma_start3A_583 = tpu.memref_slice %arg23[%add3A_494, %dma_start3A_582] : memref<4096x80xf32, #tpu.memory_space<vmem_shared>> -> memref<16x80xf32, #tpu.memory_space<vmem_shared>>
      %dma_start3A_584 = arith.constant 0 : i32
      %dma_start3A_585 = tpu.memref_slice %arg23[%add3A_494, %dma_start3A_584] : memref<4096x80xf32, #tpu.memory_space<vmem_shared>> -> memref<16x80xf32, #tpu.memory_space<vmem_shared>>
      tpu.enqueue_dma source(%arg22 : memref<16x80xf32, #tpu.memory_space<vmem>>) target(%dma_start3A_585 : memref<16x80xf32, #tpu.memory_space<vmem_shared>>) target_semaphore(%run_scoped3A : memref<!tpu.dma_semaphore, #tpu.memory_space<semaphore_mem>>)
      %dma_wait3A_586 = arith.constant 0 : i32
      %dma_wait3A_587 = tpu.memref_slice %arg23[%add3A_494, %dma_wait3A_586] : memref<4096x80xf32, #tpu.memory_space<vmem_shared>> -> memref<16x80xf32, #tpu.memory_space<vmem_shared>>
      %dma_wait3A_588 = arith.constant 0 : i32
      %dma_wait3A_589 = tpu.memref_slice %arg23[%add3A_494, %dma_wait3A_588] : memref<4096x80xf32, #tpu.memory_space<vmem_shared>> -> memref<16x80xf32, #tpu.memory_space<vmem_shared>>
      tpu.wait_dma2 semaphore(%run_scoped3A : memref<!tpu.dma_semaphore, #tpu.memory_space<semaphore_mem>>) src(%arg22 : memref<16x80xf32, #tpu.memory_space<vmem>>) dst(%dma_wait3A_589 : memref<16x80xf32, #tpu.memory_space<vmem_shared>>)
      tpu.yield
    }) : () -> ()
    %mul3A_495 = arith.constant 256 : i32
    %mul3A_496 = arith.muli %arg1, %mul3A_495 : i32
    %add3A_497 = arith.constant 64 : i32
    %add3A_498 = arith.addi %mul3A_496, %add3A_497 : i32
    "tpu.region"() ({
      %run_scoped3A = tpu.sem_alloc : memref<!tpu.dma_semaphore, #tpu.memory_space<semaphore_mem>>
      %dma_start3A_582 = arith.constant 0 : i32
      %dma_start3A_583 = tpu.memref_slice %arg23[%add3A_498, %dma_start3A_582] : memref<4096x80xf32, #tpu.memory_space<vmem_shared>> -> memref<16x80xf32, #tpu.memory_space<vmem_shared>>
      %dma_start3A_584 = arith.constant 0 : i32
      %dma_start3A_585 = tpu.memref_slice %arg23[%add3A_498, %dma_start3A_584] : memref<4096x80xf32, #tpu.memory_space<vmem_shared>> -> memref<16x80xf32, #tpu.memory_space<vmem_shared>>
      tpu.enqueue_dma source(%arg22 : memref<16x80xf32, #tpu.memory_space<vmem>>) target(%dma_start3A_585 : memref<16x80xf32, #tpu.memory_space<vmem_shared>>) target_semaphore(%run_scoped3A : memref<!tpu.dma_semaphore, #tpu.memory_space<semaphore_mem>>)
      %dma_wait3A_586 = arith.constant 0 : i32
      %dma_wait3A_587 = tpu.memref_slice %arg23[%add3A_498, %dma_wait3A_586] : memref<4096x80xf32, #tpu.memory_space<vmem_shared>> -> memref<16x80xf32, #tpu.memory_space<vmem_shared>>
      %dma_wait3A_588 = arith.constant 0 : i32
      %dma_wait3A_589 = tpu.memref_slice %arg23[%add3A_498, %dma_wait3A_588] : memref<4096x80xf32, #tpu.memory_space<vmem_shared>> -> memref<16x80xf32, #tpu.memory_space<vmem_shared>>
      tpu.wait_dma2 semaphore(%run_scoped3A : memref<!tpu.dma_semaphore, #tpu.memory_space<semaphore_mem>>) src(%arg22 : memref<16x80xf32, #tpu.memory_space<vmem>>) dst(%dma_wait3A_589 : memref<16x80xf32, #tpu.memory_space<vmem_shared>>)
      tpu.yield
    }) : () -> ()
    %mul3A_499 = arith.constant 256 : i32
    %mul3A_500 = arith.muli %arg1, %mul3A_499 : i32
    %add3A_501 = arith.constant 80 : i32
    %add3A_502 = arith.addi %mul3A_500, %add3A_501 : i32
    "tpu.region"() ({
      %run_scoped3A = tpu.sem_alloc : memref<!tpu.dma_semaphore, #tpu.memory_space<semaphore_mem>>
      %dma_start3A_582 = arith.constant 0 : i32
      %dma_start3A_583 = tpu.memref_slice %arg23[%add3A_502, %dma_start3A_582] : memref<4096x80xf32, #tpu.memory_space<vmem_shared>> -> memref<16x80xf32, #tpu.memory_space<vmem_shared>>
      %dma_start3A_584 = arith.constant 0 : i32
      %dma_start3A_585 = tpu.memref_slice %arg23[%add3A_502, %dma_start3A_584] : memref<4096x80xf32, #tpu.memory_space<vmem_shared>> -> memref<16x80xf32, #tpu.memory_space<vmem_shared>>
      tpu.enqueue_dma source(%arg22 : memref<16x80xf32, #tpu.memory_space<vmem>>) target(%dma_start3A_585 : memref<16x80xf32, #tpu.memory_space<vmem_shared>>) target_semaphore(%run_scoped3A : memref<!tpu.dma_semaphore, #tpu.memory_space<semaphore_mem>>)
      %dma_wait3A_586 = arith.constant 0 : i32
      %dma_wait3A_587 = tpu.memref_slice %arg23[%add3A_502, %dma_wait3A_586] : memref<4096x80xf32, #tpu.memory_space<vmem_shared>> -> memref<16x80xf32, #tpu.memory_space<vmem_shared>>
      %dma_wait3A_588 = arith.constant 0 : i32
      %dma_wait3A_589 = tpu.memref_slice %arg23[%add3A_502, %dma_wait3A_588] : memref<4096x80xf32, #tpu.memory_space<vmem_shared>> -> memref<16x80xf32, #tpu.memory_space<vmem_shared>>
      tpu.wait_dma2 semaphore(%run_scoped3A : memref<!tpu.dma_semaphore, #tpu.memory_space<semaphore_mem>>) src(%arg22 : memref<16x80xf32, #tpu.memory_space<vmem>>) dst(%dma_wait3A_589 : memref<16x80xf32, #tpu.memory_space<vmem_shared>>)
      tpu.yield
    }) : () -> ()
    %mul3A_503 = arith.constant 256 : i32
    %mul3A_504 = arith.muli %arg1, %mul3A_503 : i32
    %add3A_505 = arith.constant 96 : i32
    %add3A_506 = arith.addi %mul3A_504, %add3A_505 : i32
    "tpu.region"() ({
      %run_scoped3A = tpu.sem_alloc : memref<!tpu.dma_semaphore, #tpu.memory_space<semaphore_mem>>
      %dma_start3A_582 = arith.constant 0 : i32
      %dma_start3A_583 = tpu.memref_slice %arg23[%add3A_506, %dma_start3A_582] : memref<4096x80xf32, #tpu.memory_space<vmem_shared>> -> memref<16x80xf32, #tpu.memory_space<vmem_shared>>
      %dma_start3A_584 = arith.constant 0 : i32
      %dma_start3A_585 = tpu.memref_slice %arg23[%add3A_506, %dma_start3A_584] : memref<4096x80xf32, #tpu.memory_space<vmem_shared>> -> memref<16x80xf32, #tpu.memory_space<vmem_shared>>
      tpu.enqueue_dma source(%arg22 : memref<16x80xf32, #tpu.memory_space<vmem>>) target(%dma_start3A_585 : memref<16x80xf32, #tpu.memory_space<vmem_shared>>) target_semaphore(%run_scoped3A : memref<!tpu.dma_semaphore, #tpu.memory_space<semaphore_mem>>)
      %dma_wait3A_586 = arith.constant 0 : i32
      %dma_wait3A_587 = tpu.memref_slice %arg23[%add3A_506, %dma_wait3A_586] : memref<4096x80xf32, #tpu.memory_space<vmem_shared>> -> memref<16x80xf32, #tpu.memory_space<vmem_shared>>
      %dma_wait3A_588 = arith.constant 0 : i32
      %dma_wait3A_589 = tpu.memref_slice %arg23[%add3A_506, %dma_wait3A_588] : memref<4096x80xf32, #tpu.memory_space<vmem_shared>> -> memref<16x80xf32, #tpu.memory_space<vmem_shared>>
      tpu.wait_dma2 semaphore(%run_scoped3A : memref<!tpu.dma_semaphore, #tpu.memory_space<semaphore_mem>>) src(%arg22 : memref<16x80xf32, #tpu.memory_space<vmem>>) dst(%dma_wait3A_589 : memref<16x80xf32, #tpu.memory_space<vmem_shared>>)
      tpu.yield
    }) : () -> ()
    %mul3A_507 = arith.constant 256 : i32
    %mul3A_508 = arith.muli %arg1, %mul3A_507 : i32
    %add3A_509 = arith.constant 112 : i32
    %add3A_510 = arith.addi %mul3A_508, %add3A_509 : i32
    "tpu.region"() ({
      %run_scoped3A = tpu.sem_alloc : memref<!tpu.dma_semaphore, #tpu.memory_space<semaphore_mem>>
      %dma_start3A_582 = arith.constant 0 : i32
      %dma_start3A_583 = tpu.memref_slice %arg23[%add3A_510, %dma_start3A_582] : memref<4096x80xf32, #tpu.memory_space<vmem_shared>> -> memref<16x80xf32, #tpu.memory_space<vmem_shared>>
      %dma_start3A_584 = arith.constant 0 : i32
      %dma_start3A_585 = tpu.memref_slice %arg23[%add3A_510, %dma_start3A_584] : memref<4096x80xf32, #tpu.memory_space<vmem_shared>> -> memref<16x80xf32, #tpu.memory_space<vmem_shared>>
      tpu.enqueue_dma source(%arg22 : memref<16x80xf32, #tpu.memory_space<vmem>>) target(%dma_start3A_585 : memref<16x80xf32, #tpu.memory_space<vmem_shared>>) target_semaphore(%run_scoped3A : memref<!tpu.dma_semaphore, #tpu.memory_space<semaphore_mem>>)
      %dma_wait3A_586 = arith.constant 0 : i32
      %dma_wait3A_587 = tpu.memref_slice %arg23[%add3A_510, %dma_wait3A_586] : memref<4096x80xf32, #tpu.memory_space<vmem_shared>> -> memref<16x80xf32, #tpu.memory_space<vmem_shared>>
      %dma_wait3A_588 = arith.constant 0 : i32
      %dma_wait3A_589 = tpu.memref_slice %arg23[%add3A_510, %dma_wait3A_588] : memref<4096x80xf32, #tpu.memory_space<vmem_shared>> -> memref<16x80xf32, #tpu.memory_space<vmem_shared>>
      tpu.wait_dma2 semaphore(%run_scoped3A : memref<!tpu.dma_semaphore, #tpu.memory_space<semaphore_mem>>) src(%arg22 : memref<16x80xf32, #tpu.memory_space<vmem>>) dst(%dma_wait3A_589 : memref<16x80xf32, #tpu.memory_space<vmem_shared>>)
      tpu.yield
    }) : () -> ()
    %mul3A_511 = arith.constant 256 : i32
    %mul3A_512 = arith.muli %arg1, %mul3A_511 : i32
    %add3A_513 = arith.constant 128 : i32
    %add3A_514 = arith.addi %mul3A_512, %add3A_513 : i32
    "tpu.region"() ({
      %run_scoped3A = tpu.sem_alloc : memref<!tpu.dma_semaphore, #tpu.memory_space<semaphore_mem>>
      %dma_start3A_582 = arith.constant 0 : i32
      %dma_start3A_583 = tpu.memref_slice %arg23[%add3A_514, %dma_start3A_582] : memref<4096x80xf32, #tpu.memory_space<vmem_shared>> -> memref<16x80xf32, #tpu.memory_space<vmem_shared>>
      %dma_start3A_584 = arith.constant 0 : i32
      %dma_start3A_585 = tpu.memref_slice %arg23[%add3A_514, %dma_start3A_584] : memref<4096x80xf32, #tpu.memory_space<vmem_shared>> -> memref<16x80xf32, #tpu.memory_space<vmem_shared>>
      tpu.enqueue_dma source(%arg22 : memref<16x80xf32, #tpu.memory_space<vmem>>) target(%dma_start3A_585 : memref<16x80xf32, #tpu.memory_space<vmem_shared>>) target_semaphore(%run_scoped3A : memref<!tpu.dma_semaphore, #tpu.memory_space<semaphore_mem>>)
      %dma_wait3A_586 = arith.constant 0 : i32
      %dma_wait3A_587 = tpu.memref_slice %arg23[%add3A_514, %dma_wait3A_586] : memref<4096x80xf32, #tpu.memory_space<vmem_shared>> -> memref<16x80xf32, #tpu.memory_space<vmem_shared>>
      %dma_wait3A_588 = arith.constant 0 : i32
      %dma_wait3A_589 = tpu.memref_slice %arg23[%add3A_514, %dma_wait3A_588] : memref<4096x80xf32, #tpu.memory_space<vmem_shared>> -> memref<16x80xf32, #tpu.memory_space<vmem_shared>>
      tpu.wait_dma2 semaphore(%run_scoped3A : memref<!tpu.dma_semaphore, #tpu.memory_space<semaphore_mem>>) src(%arg22 : memref<16x80xf32, #tpu.memory_space<vmem>>) dst(%dma_wait3A_589 : memref<16x80xf32, #tpu.memory_space<vmem_shared>>)
      tpu.yield
    }) : () -> ()
    %mul3A_515 = arith.constant 256 : i32
    %mul3A_516 = arith.muli %arg1, %mul3A_515 : i32
    %add3A_517 = arith.constant 144 : i32
    %add3A_518 = arith.addi %mul3A_516, %add3A_517 : i32
    "tpu.region"() ({
      %run_scoped3A = tpu.sem_alloc : memref<!tpu.dma_semaphore, #tpu.memory_space<semaphore_mem>>
      %dma_start3A_582 = arith.constant 0 : i32
      %dma_start3A_583 = tpu.memref_slice %arg23[%add3A_518, %dma_start3A_582] : memref<4096x80xf32, #tpu.memory_space<vmem_shared>> -> memref<16x80xf32, #tpu.memory_space<vmem_shared>>
      %dma_start3A_584 = arith.constant 0 : i32
      %dma_start3A_585 = tpu.memref_slice %arg23[%add3A_518, %dma_start3A_584] : memref<4096x80xf32, #tpu.memory_space<vmem_shared>> -> memref<16x80xf32, #tpu.memory_space<vmem_shared>>
      tpu.enqueue_dma source(%arg22 : memref<16x80xf32, #tpu.memory_space<vmem>>) target(%dma_start3A_585 : memref<16x80xf32, #tpu.memory_space<vmem_shared>>) target_semaphore(%run_scoped3A : memref<!tpu.dma_semaphore, #tpu.memory_space<semaphore_mem>>)
      %dma_wait3A_586 = arith.constant 0 : i32
      %dma_wait3A_587 = tpu.memref_slice %arg23[%add3A_518, %dma_wait3A_586] : memref<4096x80xf32, #tpu.memory_space<vmem_shared>> -> memref<16x80xf32, #tpu.memory_space<vmem_shared>>
      %dma_wait3A_588 = arith.constant 0 : i32
      %dma_wait3A_589 = tpu.memref_slice %arg23[%add3A_518, %dma_wait3A_588] : memref<4096x80xf32, #tpu.memory_space<vmem_shared>> -> memref<16x80xf32, #tpu.memory_space<vmem_shared>>
      tpu.wait_dma2 semaphore(%run_scoped3A : memref<!tpu.dma_semaphore, #tpu.memory_space<semaphore_mem>>) src(%arg22 : memref<16x80xf32, #tpu.memory_space<vmem>>) dst(%dma_wait3A_589 : memref<16x80xf32, #tpu.memory_space<vmem_shared>>)
      tpu.yield
    }) : () -> ()
    %mul3A_519 = arith.constant 256 : i32
    %mul3A_520 = arith.muli %arg1, %mul3A_519 : i32
    %add3A_521 = arith.constant 160 : i32
    %add3A_522 = arith.addi %mul3A_520, %add3A_521 : i32
    "tpu.region"() ({
      %run_scoped3A = tpu.sem_alloc : memref<!tpu.dma_semaphore, #tpu.memory_space<semaphore_mem>>
      %dma_start3A_582 = arith.constant 0 : i32
      %dma_start3A_583 = tpu.memref_slice %arg23[%add3A_522, %dma_start3A_582] : memref<4096x80xf32, #tpu.memory_space<vmem_shared>> -> memref<16x80xf32, #tpu.memory_space<vmem_shared>>
      %dma_start3A_584 = arith.constant 0 : i32
      %dma_start3A_585 = tpu.memref_slice %arg23[%add3A_522, %dma_start3A_584] : memref<4096x80xf32, #tpu.memory_space<vmem_shared>> -> memref<16x80xf32, #tpu.memory_space<vmem_shared>>
      tpu.enqueue_dma source(%arg22 : memref<16x80xf32, #tpu.memory_space<vmem>>) target(%dma_start3A_585 : memref<16x80xf32, #tpu.memory_space<vmem_shared>>) target_semaphore(%run_scoped3A : memref<!tpu.dma_semaphore, #tpu.memory_space<semaphore_mem>>)
      %dma_wait3A_586 = arith.constant 0 : i32
      %dma_wait3A_587 = tpu.memref_slice %arg23[%add3A_522, %dma_wait3A_586] : memref<4096x80xf32, #tpu.memory_space<vmem_shared>> -> memref<16x80xf32, #tpu.memory_space<vmem_shared>>
      %dma_wait3A_588 = arith.constant 0 : i32
      %dma_wait3A_589 = tpu.memref_slice %arg23[%add3A_522, %dma_wait3A_588] : memref<4096x80xf32, #tpu.memory_space<vmem_shared>> -> memref<16x80xf32, #tpu.memory_space<vmem_shared>>
      tpu.wait_dma2 semaphore(%run_scoped3A : memref<!tpu.dma_semaphore, #tpu.memory_space<semaphore_mem>>) src(%arg22 : memref<16x80xf32, #tpu.memory_space<vmem>>) dst(%dma_wait3A_589 : memref<16x80xf32, #tpu.memory_space<vmem_shared>>)
      tpu.yield
    }) : () -> ()
    %mul3A_523 = arith.constant 256 : i32
    %mul3A_524 = arith.muli %arg1, %mul3A_523 : i32
    %add3A_525 = arith.constant 176 : i32
    %add3A_526 = arith.addi %mul3A_524, %add3A_525 : i32
    "tpu.region"() ({
      %run_scoped3A = tpu.sem_alloc : memref<!tpu.dma_semaphore, #tpu.memory_space<semaphore_mem>>
      %dma_start3A_582 = arith.constant 0 : i32
      %dma_start3A_583 = tpu.memref_slice %arg23[%add3A_526, %dma_start3A_582] : memref<4096x80xf32, #tpu.memory_space<vmem_shared>> -> memref<16x80xf32, #tpu.memory_space<vmem_shared>>
      %dma_start3A_584 = arith.constant 0 : i32
      %dma_start3A_585 = tpu.memref_slice %arg23[%add3A_526, %dma_start3A_584] : memref<4096x80xf32, #tpu.memory_space<vmem_shared>> -> memref<16x80xf32, #tpu.memory_space<vmem_shared>>
      tpu.enqueue_dma source(%arg22 : memref<16x80xf32, #tpu.memory_space<vmem>>) target(%dma_start3A_585 : memref<16x80xf32, #tpu.memory_space<vmem_shared>>) target_semaphore(%run_scoped3A : memref<!tpu.dma_semaphore, #tpu.memory_space<semaphore_mem>>)
      %dma_wait3A_586 = arith.constant 0 : i32
      %dma_wait3A_587 = tpu.memref_slice %arg23[%add3A_526, %dma_wait3A_586] : memref<4096x80xf32, #tpu.memory_space<vmem_shared>> -> memref<16x80xf32, #tpu.memory_space<vmem_shared>>
      %dma_wait3A_588 = arith.constant 0 : i32
      %dma_wait3A_589 = tpu.memref_slice %arg23[%add3A_526, %dma_wait3A_588] : memref<4096x80xf32, #tpu.memory_space<vmem_shared>> -> memref<16x80xf32, #tpu.memory_space<vmem_shared>>
      tpu.wait_dma2 semaphore(%run_scoped3A : memref<!tpu.dma_semaphore, #tpu.memory_space<semaphore_mem>>) src(%arg22 : memref<16x80xf32, #tpu.memory_space<vmem>>) dst(%dma_wait3A_589 : memref<16x80xf32, #tpu.memory_space<vmem_shared>>)
      tpu.yield
    }) : () -> ()
    %mul3A_527 = arith.constant 256 : i32
    %mul3A_528 = arith.muli %arg1, %mul3A_527 : i32
    %add3A_529 = arith.constant 192 : i32
    %add3A_530 = arith.addi %mul3A_528, %add3A_529 : i32
    "tpu.region"() ({
      %run_scoped3A = tpu.sem_alloc : memref<!tpu.dma_semaphore, #tpu.memory_space<semaphore_mem>>
      %dma_start3A_582 = arith.constant 0 : i32
      %dma_start3A_583 = tpu.memref_slice %arg23[%add3A_530, %dma_start3A_582] : memref<4096x80xf32, #tpu.memory_space<vmem_shared>> -> memref<16x80xf32, #tpu.memory_space<vmem_shared>>
      %dma_start3A_584 = arith.constant 0 : i32
      %dma_start3A_585 = tpu.memref_slice %arg23[%add3A_530, %dma_start3A_584] : memref<4096x80xf32, #tpu.memory_space<vmem_shared>> -> memref<16x80xf32, #tpu.memory_space<vmem_shared>>
      tpu.enqueue_dma source(%arg22 : memref<16x80xf32, #tpu.memory_space<vmem>>) target(%dma_start3A_585 : memref<16x80xf32, #tpu.memory_space<vmem_shared>>) target_semaphore(%run_scoped3A : memref<!tpu.dma_semaphore, #tpu.memory_space<semaphore_mem>>)
      %dma_wait3A_586 = arith.constant 0 : i32
      %dma_wait3A_587 = tpu.memref_slice %arg23[%add3A_530, %dma_wait3A_586] : memref<4096x80xf32, #tpu.memory_space<vmem_shared>> -> memref<16x80xf32, #tpu.memory_space<vmem_shared>>
      %dma_wait3A_588 = arith.constant 0 : i32
      %dma_wait3A_589 = tpu.memref_slice %arg23[%add3A_530, %dma_wait3A_588] : memref<4096x80xf32, #tpu.memory_space<vmem_shared>> -> memref<16x80xf32, #tpu.memory_space<vmem_shared>>
      tpu.wait_dma2 semaphore(%run_scoped3A : memref<!tpu.dma_semaphore, #tpu.memory_space<semaphore_mem>>) src(%arg22 : memref<16x80xf32, #tpu.memory_space<vmem>>) dst(%dma_wait3A_589 : memref<16x80xf32, #tpu.memory_space<vmem_shared>>)
      tpu.yield
    }) : () -> ()
    %mul3A_531 = arith.constant 256 : i32
    %mul3A_532 = arith.muli %arg1, %mul3A_531 : i32
    %add3A_533 = arith.constant 208 : i32
    %add3A_534 = arith.addi %mul3A_532, %add3A_533 : i32
    "tpu.region"() ({
      %run_scoped3A = tpu.sem_alloc : memref<!tpu.dma_semaphore, #tpu.memory_space<semaphore_mem>>
      %dma_start3A_582 = arith.constant 0 : i32
      %dma_start3A_583 = tpu.memref_slice %arg23[%add3A_534, %dma_start3A_582] : memref<4096x80xf32, #tpu.memory_space<vmem_shared>> -> memref<16x80xf32, #tpu.memory_space<vmem_shared>>
      %dma_start3A_584 = arith.constant 0 : i32
      %dma_start3A_585 = tpu.memref_slice %arg23[%add3A_534, %dma_start3A_584] : memref<4096x80xf32, #tpu.memory_space<vmem_shared>> -> memref<16x80xf32, #tpu.memory_space<vmem_shared>>
      tpu.enqueue_dma source(%arg22 : memref<16x80xf32, #tpu.memory_space<vmem>>) target(%dma_start3A_585 : memref<16x80xf32, #tpu.memory_space<vmem_shared>>) target_semaphore(%run_scoped3A : memref<!tpu.dma_semaphore, #tpu.memory_space<semaphore_mem>>)
      %dma_wait3A_586 = arith.constant 0 : i32
      %dma_wait3A_587 = tpu.memref_slice %arg23[%add3A_534, %dma_wait3A_586] : memref<4096x80xf32, #tpu.memory_space<vmem_shared>> -> memref<16x80xf32, #tpu.memory_space<vmem_shared>>
      %dma_wait3A_588 = arith.constant 0 : i32
      %dma_wait3A_589 = tpu.memref_slice %arg23[%add3A_534, %dma_wait3A_588] : memref<4096x80xf32, #tpu.memory_space<vmem_shared>> -> memref<16x80xf32, #tpu.memory_space<vmem_shared>>
      tpu.wait_dma2 semaphore(%run_scoped3A : memref<!tpu.dma_semaphore, #tpu.memory_space<semaphore_mem>>) src(%arg22 : memref<16x80xf32, #tpu.memory_space<vmem>>) dst(%dma_wait3A_589 : memref<16x80xf32, #tpu.memory_space<vmem_shared>>)
      tpu.yield
    }) : () -> ()
    %mul3A_535 = arith.constant 256 : i32
    %mul3A_536 = arith.muli %arg1, %mul3A_535 : i32
    %add3A_537 = arith.constant 224 : i32
    %add3A_538 = arith.addi %mul3A_536, %add3A_537 : i32
    "tpu.region"() ({
      %run_scoped3A = tpu.sem_alloc : memref<!tpu.dma_semaphore, #tpu.memory_space<semaphore_mem>>
      %dma_start3A_582 = arith.constant 0 : i32
      %dma_start3A_583 = tpu.memref_slice %arg23[%add3A_538, %dma_start3A_582] : memref<4096x80xf32, #tpu.memory_space<vmem_shared>> -> memref<16x80xf32, #tpu.memory_space<vmem_shared>>
      %dma_start3A_584 = arith.constant 0 : i32
      %dma_start3A_585 = tpu.memref_slice %arg23[%add3A_538, %dma_start3A_584] : memref<4096x80xf32, #tpu.memory_space<vmem_shared>> -> memref<16x80xf32, #tpu.memory_space<vmem_shared>>
      tpu.enqueue_dma source(%arg22 : memref<16x80xf32, #tpu.memory_space<vmem>>) target(%dma_start3A_585 : memref<16x80xf32, #tpu.memory_space<vmem_shared>>) target_semaphore(%run_scoped3A : memref<!tpu.dma_semaphore, #tpu.memory_space<semaphore_mem>>)
      %dma_wait3A_586 = arith.constant 0 : i32
      %dma_wait3A_587 = tpu.memref_slice %arg23[%add3A_538, %dma_wait3A_586] : memref<4096x80xf32, #tpu.memory_space<vmem_shared>> -> memref<16x80xf32, #tpu.memory_space<vmem_shared>>
      %dma_wait3A_588 = arith.constant 0 : i32
      %dma_wait3A_589 = tpu.memref_slice %arg23[%add3A_538, %dma_wait3A_588] : memref<4096x80xf32, #tpu.memory_space<vmem_shared>> -> memref<16x80xf32, #tpu.memory_space<vmem_shared>>
      tpu.wait_dma2 semaphore(%run_scoped3A : memref<!tpu.dma_semaphore, #tpu.memory_space<semaphore_mem>>) src(%arg22 : memref<16x80xf32, #tpu.memory_space<vmem>>) dst(%dma_wait3A_589 : memref<16x80xf32, #tpu.memory_space<vmem_shared>>)
      tpu.yield
    }) : () -> ()
    %mul3A_539 = arith.constant 256 : i32
    %mul3A_540 = arith.muli %arg1, %mul3A_539 : i32
    %add3A_541 = arith.constant 240 : i32
    %add3A_542 = arith.addi %mul3A_540, %add3A_541 : i32
    "tpu.region"() ({
      %run_scoped3A = tpu.sem_alloc : memref<!tpu.dma_semaphore, #tpu.memory_space<semaphore_mem>>
      %dma_start3A_582 = arith.constant 0 : i32
      %dma_start3A_583 = tpu.memref_slice %arg23[%add3A_542, %dma_start3A_582] : memref<4096x80xf32, #tpu.memory_space<vmem_shared>> -> memref<16x80xf32, #tpu.memory_space<vmem_shared>>
      %dma_start3A_584 = arith.constant 0 : i32
      %dma_start3A_585 = tpu.memref_slice %arg23[%add3A_542, %dma_start3A_584] : memref<4096x80xf32, #tpu.memory_space<vmem_shared>> -> memref<16x80xf32, #tpu.memory_space<vmem_shared>>
      tpu.enqueue_dma source(%arg22 : memref<16x80xf32, #tpu.memory_space<vmem>>) target(%dma_start3A_585 : memref<16x80xf32, #tpu.memory_space<vmem_shared>>) target_semaphore(%run_scoped3A : memref<!tpu.dma_semaphore, #tpu.memory_space<semaphore_mem>>)
      %dma_wait3A_586 = arith.constant 0 : i32
      %dma_wait3A_587 = tpu.memref_slice %arg23[%add3A_542, %dma_wait3A_586] : memref<4096x80xf32, #tpu.memory_space<vmem_shared>> -> memref<16x80xf32, #tpu.memory_space<vmem_shared>>
      %dma_wait3A_588 = arith.constant 0 : i32
      %dma_wait3A_589 = tpu.memref_slice %arg23[%add3A_542, %dma_wait3A_588] : memref<4096x80xf32, #tpu.memory_space<vmem_shared>> -> memref<16x80xf32, #tpu.memory_space<vmem_shared>>
      tpu.wait_dma2 semaphore(%run_scoped3A : memref<!tpu.dma_semaphore, #tpu.memory_space<semaphore_mem>>) src(%arg22 : memref<16x80xf32, #tpu.memory_space<vmem>>) dst(%dma_wait3A_589 : memref<16x80xf32, #tpu.memory_space<vmem_shared>>)
      tpu.yield
    }) : () -> ()
    %barrier3A = arith.constant 0 : index
    tpu.barrier barrier_id(%barrier3A)
    %mul3A_543 = arith.constant 8192 : i32
    %mul3A_544 = arith.muli %add3A, %mul3A_543 : i32
    %iota3A = tpu.iota {dimensions = array<i32: 0>} : vector<16xi32>
    %add3A_545 = arith.constant 0 : i32
    %add3A_546 = arith.addi %mul3A_544, %add3A_545 : i32
    %min3A = arith.constant 262016 : i32
    %min3A_547 = arith.minsi %add3A_546, %min3A : i32
    "tpu.region"() ({
      %run_scoped3A = tpu.sem_alloc : memref<!tpu.dma_semaphore, #tpu.memory_space<semaphore_mem>>
      %dma_start3A_582 = tpu.memref_slice %arg2[%min3A_547] : memref<262144xi32, #tpu.memory_space<hbm>> -> memref<128xi32, #tpu.memory_space<hbm>>
      %dma_start3A_583 = tpu.memref_slice %arg2[%min3A_547] : memref<262144xi32, #tpu.memory_space<hbm>> -> memref<128xi32, #tpu.memory_space<hbm>>
      tpu.enqueue_dma source(%dma_start3A_583 : memref<128xi32, #tpu.memory_space<hbm>>) target(%arg8 : memref<128xi32, #tpu.memory_space<vmem>>) target_semaphore(%run_scoped3A : memref<!tpu.dma_semaphore, #tpu.memory_space<semaphore_mem>>)
      %dma_wait3A_584 = tpu.memref_slice %arg2[%min3A_547] : memref<262144xi32, #tpu.memory_space<hbm>> -> memref<128xi32, #tpu.memory_space<hbm>>
      %dma_wait3A_585 = tpu.memref_slice %arg2[%min3A_547] : memref<262144xi32, #tpu.memory_space<hbm>> -> memref<128xi32, #tpu.memory_space<hbm>>
      tpu.wait_dma2 semaphore(%run_scoped3A : memref<!tpu.dma_semaphore, #tpu.memory_space<semaphore_mem>>) src(%dma_wait3A_585 : memref<128xi32, #tpu.memory_space<hbm>>) dst(%arg8 : memref<128xi32, #tpu.memory_space<vmem>>)
      tpu.yield
    }) : () -> ()
    "tpu.region"() ({
      %run_scoped3A = tpu.sem_alloc : memref<!tpu.dma_semaphore, #tpu.memory_space<semaphore_mem>>
      %dma_start3A_582 = tpu.memref_slice %arg3[%min3A_547] : memref<262144xi32, #tpu.memory_space<hbm>> -> memref<128xi32, #tpu.memory_space<hbm>>
      %dma_start3A_583 = tpu.memref_slice %arg3[%min3A_547] : memref<262144xi32, #tpu.memory_space<hbm>> -> memref<128xi32, #tpu.memory_space<hbm>>
      tpu.enqueue_dma source(%dma_start3A_583 : memref<128xi32, #tpu.memory_space<hbm>>) target(%arg9 : memref<128xi32, #tpu.memory_space<vmem>>) target_semaphore(%run_scoped3A : memref<!tpu.dma_semaphore, #tpu.memory_space<semaphore_mem>>)
      %dma_wait3A_584 = tpu.memref_slice %arg3[%min3A_547] : memref<262144xi32, #tpu.memory_space<hbm>> -> memref<128xi32, #tpu.memory_space<hbm>>
      %dma_wait3A_585 = tpu.memref_slice %arg3[%min3A_547] : memref<262144xi32, #tpu.memory_space<hbm>> -> memref<128xi32, #tpu.memory_space<hbm>>
      tpu.wait_dma2 semaphore(%run_scoped3A : memref<!tpu.dma_semaphore, #tpu.memory_space<semaphore_mem>>) src(%dma_wait3A_585 : memref<128xi32, #tpu.memory_space<hbm>>) dst(%arg9 : memref<128xi32, #tpu.memory_space<vmem>>)
      tpu.yield
    }) : () -> ()
    %dma_start3A = arith.constant 0 : i32
    %dma_start3A_548 = arith.constant 0 : i32
    %dma_start3A_549 = tpu.memref_slice %arg4[%dma_start3A, %dma_start3A_548] : memref<4096x64xf32, #tpu.memory_space<hbm>> -> memref<4096x64xf32, #tpu.memory_space<hbm>>
    tpu.enqueue_indirect_dma source(%dma_start3A_549 : memref<4096x64xf32, #tpu.memory_space<hbm>>) target(%arg10 : memref<128x64xf32, #tpu.memory_space<vmem>>) offsets(%arg8 : memref<128xi32, #tpu.memory_space<vmem>>) semaphore(%arg24 : memref<!tpu.dma_semaphore, #tpu.memory_space<semaphore_mem>>)
    %dma_start3A_550 = arith.constant 0 : i32
    %dma_start3A_551 = arith.constant 0 : i32
    %dma_start3A_552 = tpu.memref_slice %arg4[%dma_start3A_550, %dma_start3A_551] : memref<4096x64xf32, #tpu.memory_space<hbm>> -> memref<4096x64xf32, #tpu.memory_space<hbm>>
    tpu.enqueue_indirect_dma source(%dma_start3A_552 : memref<4096x64xf32, #tpu.memory_space<hbm>>) target(%arg11 : memref<128x64xf32, #tpu.memory_space<vmem>>) offsets(%arg9 : memref<128xi32, #tpu.memory_space<vmem>>) semaphore(%arg25 : memref<!tpu.dma_semaphore, #tpu.memory_space<semaphore_mem>>)
    %dma_start3A_553 = arith.constant 0 : i32
    %dma_start3A_554 = tpu.memref_slice %arg5[%min3A_547, %dma_start3A_553] : memref<262144x64xf32, #tpu.memory_space<hbm>> -> memref<128x64xf32, #tpu.memory_space<hbm>>
    %dma_start3A_555 = arith.constant 0 : i32
    %dma_start3A_556 = tpu.memref_slice %arg5[%min3A_547, %dma_start3A_555] : memref<262144x64xf32, #tpu.memory_space<hbm>> -> memref<128x64xf32, #tpu.memory_space<hbm>>
    tpu.enqueue_dma source(%dma_start3A_556 : memref<128x64xf32, #tpu.memory_space<hbm>>) target(%arg12 : memref<128x64xf32, #tpu.memory_space<vmem>>) target_semaphore(%arg26 : memref<!tpu.dma_semaphore, #tpu.memory_space<semaphore_mem>>)
    %dma_start3A_557 = arith.constant 0 : i32
    %dma_start3A_558 = arith.constant 0 : i32
    %dma_start3A_559 = tpu.memref_slice %arg6[%dma_start3A_557, %dma_start3A_558] : memref<4096x80xf32, #tpu.memory_space<hbm>> -> memref<4096x80xf32, #tpu.memory_space<hbm>>
    tpu.enqueue_indirect_dma source(%dma_start3A_559 : memref<4096x80xf32, #tpu.memory_space<hbm>>) target(%arg13 : memref<128x80xf32, #tpu.memory_space<vmem>>) offsets(%arg8 : memref<128xi32, #tpu.memory_space<vmem>>) semaphore(%arg27 : memref<!tpu.dma_semaphore, #tpu.memory_space<semaphore_mem>>)
    %scan3A = arith.constant 0 : i32
    %scan3A_560 = arith.constant 0 : i32
    %scan3A_561 = arith.constant 32 : i32
    %scan3A_562 = arith.addi %scan3A_560, %scan3A_561 : i32
    %scan3A_563 = arith.constant 1 : i32
    scf.for %scan3A_582 = %scan3A_560 to %scan3A_562 step %scan3A_563  : i32 {
      %mul3A_583 = arith.constant 2 : i32
      %mul3A_584 = arith.muli %scan3A_582, %mul3A_583 : i32
      %add3A_585 = arith.constant 1 : i32
      %add3A_586 = arith.addi %mul3A_584, %add3A_585 : i32
      %mul3A_587 = arith.constant 128 : i32
      %mul3A_588 = arith.muli %add3A_586, %mul3A_587 : i32
      %add3A_589 = arith.addi %mul3A_544, %mul3A_588 : i32
      %min3A_590 = arith.constant 262016 : i32
      %min3A_591 = arith.minsi %add3A_589, %min3A_590 : i32
      "tpu.region"() ({
        %run_scoped3A = tpu.sem_alloc : memref<!tpu.dma_semaphore, #tpu.memory_space<semaphore_mem>>
        %dma_start3A_667 = tpu.memref_slice %arg2[%min3A_591] : memref<262144xi32, #tpu.memory_space<hbm>> -> memref<128xi32, #tpu.memory_space<hbm>>
        %dma_start3A_668 = tpu.memref_slice %arg2[%min3A_591] : memref<262144xi32, #tpu.memory_space<hbm>> -> memref<128xi32, #tpu.memory_space<hbm>>
        tpu.enqueue_dma source(%dma_start3A_668 : memref<128xi32, #tpu.memory_space<hbm>>) target(%arg15 : memref<128xi32, #tpu.memory_space<vmem>>) target_semaphore(%run_scoped3A : memref<!tpu.dma_semaphore, #tpu.memory_space<semaphore_mem>>)
        %dma_wait3A_669 = tpu.memref_slice %arg2[%min3A_591] : memref<262144xi32, #tpu.memory_space<hbm>> -> memref<128xi32, #tpu.memory_space<hbm>>
        %dma_wait3A_670 = tpu.memref_slice %arg2[%min3A_591] : memref<262144xi32, #tpu.memory_space<hbm>> -> memref<128xi32, #tpu.memory_space<hbm>>
        tpu.wait_dma2 semaphore(%run_scoped3A : memref<!tpu.dma_semaphore, #tpu.memory_space<semaphore_mem>>) src(%dma_wait3A_670 : memref<128xi32, #tpu.memory_space<hbm>>) dst(%arg15 : memref<128xi32, #tpu.memory_space<vmem>>)
        tpu.yield
      }) : () -> ()
      "tpu.region"() ({
        %run_scoped3A = tpu.sem_alloc : memref<!tpu.dma_semaphore, #tpu.memory_space<semaphore_mem>>
        %dma_start3A_667 = tpu.memref_slice %arg3[%min3A_591] : memref<262144xi32, #tpu.memory_space<hbm>> -> memref<128xi32, #tpu.memory_space<hbm>>
        %dma_start3A_668 = tpu.memref_slice %arg3[%min3A_591] : memref<262144xi32, #tpu.memory_space<hbm>> -> memref<128xi32, #tpu.memory_space<hbm>>
        tpu.enqueue_dma source(%dma_start3A_668 : memref<128xi32, #tpu.memory_space<hbm>>) target(%arg16 : memref<128xi32, #tpu.memory_space<vmem>>) target_semaphore(%run_scoped3A : memref<!tpu.dma_semaphore, #tpu.memory_space<semaphore_mem>>)
        %dma_wait3A_669 = tpu.memref_slice %arg3[%min3A_591] : memref<262144xi32, #tpu.memory_space<hbm>> -> memref<128xi32, #tpu.memory_space<hbm>>
        %dma_wait3A_670 = tpu.memref_slice %arg3[%min3A_591] : memref<262144xi32, #tpu.memory_space<hbm>> -> memref<128xi32, #tpu.memory_space<hbm>>
        tpu.wait_dma2 semaphore(%run_scoped3A : memref<!tpu.dma_semaphore, #tpu.memory_space<semaphore_mem>>) src(%dma_wait3A_670 : memref<128xi32, #tpu.memory_space<hbm>>) dst(%arg16 : memref<128xi32, #tpu.memory_space<vmem>>)
        tpu.yield
      }) : () -> ()
      %dma_start3A_592 = arith.constant 0 : i32
      %dma_start3A_593 = arith.constant 0 : i32
      %dma_start3A_594 = tpu.memref_slice %arg4[%dma_start3A_592, %dma_start3A_593] : memref<4096x64xf32, #tpu.memory_space<hbm>> -> memref<4096x64xf32, #tpu.memory_space<hbm>>
      tpu.enqueue_indirect_dma source(%dma_start3A_594 : memref<4096x64xf32, #tpu.memory_space<hbm>>) target(%arg17 : memref<128x64xf32, #tpu.memory_space<vmem>>) offsets(%arg15 : memref<128xi32, #tpu.memory_space<vmem>>) semaphore(%arg28 : memref<!tpu.dma_semaphore, #tpu.memory_space<semaphore_mem>>)
      %dma_start3A_595 = arith.constant 0 : i32
      %dma_start3A_596 = arith.constant 0 : i32
      %dma_start3A_597 = tpu.memref_slice %arg4[%dma_start3A_595, %dma_start3A_596] : memref<4096x64xf32, #tpu.memory_space<hbm>> -> memref<4096x64xf32, #tpu.memory_space<hbm>>
      tpu.enqueue_indirect_dma source(%dma_start3A_597 : memref<4096x64xf32, #tpu.memory_space<hbm>>) target(%arg18 : memref<128x64xf32, #tpu.memory_space<vmem>>) offsets(%arg16 : memref<128xi32, #tpu.memory_space<vmem>>) semaphore(%arg29 : memref<!tpu.dma_semaphore, #tpu.memory_space<semaphore_mem>>)
      %dma_start3A_598 = arith.constant 0 : i32
      %dma_start3A_599 = tpu.memref_slice %arg5[%min3A_591, %dma_start3A_598] : memref<262144x64xf32, #tpu.memory_space<hbm>> -> memref<128x64xf32, #tpu.memory_space<hbm>>
      %dma_start3A_600 = arith.constant 0 : i32
      %dma_start3A_601 = tpu.memref_slice %arg5[%min3A_591, %dma_start3A_600] : memref<262144x64xf32, #tpu.memory_space<hbm>> -> memref<128x64xf32, #tpu.memory_space<hbm>>
      tpu.enqueue_dma source(%dma_start3A_601 : memref<128x64xf32, #tpu.memory_space<hbm>>) target(%arg19 : memref<128x64xf32, #tpu.memory_space<vmem>>) target_semaphore(%arg30 : memref<!tpu.dma_semaphore, #tpu.memory_space<semaphore_mem>>)
      %dma_start3A_602 = arith.constant 0 : i32
      %dma_start3A_603 = arith.constant 0 : i32
      %dma_start3A_604 = tpu.memref_slice %arg6[%dma_start3A_602, %dma_start3A_603] : memref<4096x80xf32, #tpu.memory_space<hbm>> -> memref<4096x80xf32, #tpu.memory_space<hbm>>
      tpu.enqueue_indirect_dma source(%dma_start3A_604 : memref<4096x80xf32, #tpu.memory_space<hbm>>) target(%arg20 : memref<128x80xf32, #tpu.memory_space<vmem>>) offsets(%arg15 : memref<128xi32, #tpu.memory_space<vmem>>) semaphore(%arg31 : memref<!tpu.dma_semaphore, #tpu.memory_space<semaphore_mem>>)
      %dma_wait3A_605 = arith.constant 0 : i32
      %dma_wait3A_606 = arith.constant 0 : i32
      %dma_wait3A_607 = tpu.memref_slice %arg4[%dma_wait3A_605, %dma_wait3A_606] : memref<4096x64xf32, #tpu.memory_space<hbm>> -> memref<4096x64xf32, #tpu.memory_space<hbm>>
      tpu.wait_indirect_dma semaphore(%arg24 : memref<!tpu.dma_semaphore, #tpu.memory_space<semaphore_mem>>) src(%dma_wait3A_607 : memref<4096x64xf32, #tpu.memory_space<hbm>>) dst(%arg10 : memref<128x64xf32, #tpu.memory_space<vmem>>)
      %dma_wait3A_608 = arith.constant 0 : i32
      %dma_wait3A_609 = arith.constant 0 : i32
      %dma_wait3A_610 = tpu.memref_slice %arg4[%dma_wait3A_608, %dma_wait3A_609] : memref<4096x64xf32, #tpu.memory_space<hbm>> -> memref<4096x64xf32, #tpu.memory_space<hbm>>
      tpu.wait_indirect_dma semaphore(%arg25 : memref<!tpu.dma_semaphore, #tpu.memory_space<semaphore_mem>>) src(%dma_wait3A_610 : memref<4096x64xf32, #tpu.memory_space<hbm>>) dst(%arg11 : memref<128x64xf32, #tpu.memory_space<vmem>>)
      %dma_wait3A_611 = arith.constant 0 : i32
      %dma_wait3A_612 = arith.constant 0 : i32
      %dma_wait3A_613 = tpu.memref_slice %arg5[%dma_wait3A_611, %dma_wait3A_612] : memref<262144x64xf32, #tpu.memory_space<hbm>> -> memref<128x64xf32, #tpu.memory_space<hbm>>
      %dma_wait3A_614 = arith.constant 0 : i32
      %dma_wait3A_615 = arith.constant 0 : i32
      %dma_wait3A_616 = tpu.memref_slice %arg5[%dma_wait3A_614, %dma_wait3A_615] : memref<262144x64xf32, #tpu.memory_space<hbm>> -> memref<128x64xf32, #tpu.memory_space<hbm>>
      tpu.wait_dma2 semaphore(%arg26 : memref<!tpu.dma_semaphore, #tpu.memory_space<semaphore_mem>>) src(%dma_wait3A_616 : memref<128x64xf32, #tpu.memory_space<hbm>>) dst(%arg12 : memref<128x64xf32, #tpu.memory_space<vmem>>)
      %dma_wait3A_617 = arith.constant 0 : i32
      %dma_wait3A_618 = arith.constant 0 : i32
      %dma_wait3A_619 = tpu.memref_slice %arg6[%dma_wait3A_617, %dma_wait3A_618] : memref<4096x80xf32, #tpu.memory_space<hbm>> -> memref<4096x80xf32, #tpu.memory_space<hbm>>
      tpu.wait_indirect_dma semaphore(%arg27 : memref<!tpu.dma_semaphore, #tpu.memory_space<semaphore_mem>>) src(%dma_wait3A_619 : memref<4096x80xf32, #tpu.memory_space<hbm>>) dst(%arg13 : memref<128x80xf32, #tpu.memory_space<vmem>>)
      %scan3A_620 = arith.constant 0 : i32
      %scan3A_621 = arith.constant 0 : i32
      %scan3A_622 = arith.constant 8 : i32
      %scan3A_623 = arith.addi %scan3A_621, %scan3A_622 : i32
      %scan3A_624 = arith.constant 1 : i32
      scf.for %scan3A_667 = %scan3A_621 to %scan3A_623 step %scan3A_624  : i32 {
        %scan3A_668 = arith.constant 0 : i32
        %scan3A_669 = arith.constant 0 : i32
        %scan3A_670 = arith.constant 16 : i32
        %scan3A_671 = arith.addi %scan3A_669, %scan3A_670 : i32
        %scan3A_672 = arith.constant 1 : i32
        scf.for %scan3A_1494 = %scan3A_669 to %scan3A_671 step %scan3A_672  : i32 {
          %mul3A_1495 = arith.constant 16 : i32
          %mul3A_1496 = arith.muli %scan3A_667, %mul3A_1495 : i32
          %add3A_1497 = arith.addi %mul3A_1496, %scan3A_1494 : i32
          %broadcast_in_dim3A_1498 = arith.constant 0.000000e+00 : f32
          %broadcast_in_dim3A_1499 = vector.broadcast %broadcast_in_dim3A_1498 : f32 to vector<16xf32>
          %get3A_1500 = arith.index_cast %add3A_1497 : i32 to index
          %get3A_1501 = arith.constant 0 : index
          %get3A_1502 = tpu.vector_load %arg10[%get3A_1500, %get3A_1501] {strides = array<i32>} : memref<128x64xf32, #tpu.memory_space<vmem>>, vector<16xf32>,
          %get3A_1503 = arith.index_cast %add3A_1497 : i32 to index
          %get3A_1504 = arith.constant 0 : index
          %get3A_1505 = tpu.vector_load %arg12[%get3A_1503, %get3A_1504] {strides = array<i32>} : memref<128x64xf32, #tpu.memory_space<vmem>>, vector<16xf32>,
          %add3A_1506 = arith.addf %get3A_1502, %get3A_1505 : vector<16xf32>
          %get3A_1507 = arith.index_cast %add3A_1497 : i32 to index
          %get3A_1508 = arith.constant 0 : index
          %get3A_1509 = tpu.vector_load %arg11[%get3A_1507, %get3A_1508] {strides = array<i32>} : memref<128x64xf32, #tpu.memory_space<vmem>>, vector<16xf32>,
          %sub3A = arith.subf %add3A_1506, %get3A_1509 : vector<16xf32>
          %mul3A_1510 = arith.mulf %sub3A, %sub3A : vector<16xf32>
          %add3A_1511 = arith.addf %broadcast_in_dim3A_1499, %mul3A_1510 : vector<16xf32>
          %get3A_1512 = arith.index_cast %add3A_1497 : i32 to index
          %get3A_1513 = arith.constant 16 : index
          %get3A_1514 = tpu.vector_load %arg10[%get3A_1512, %get3A_1513] {strides = array<i32>} : memref<128x64xf32, #tpu.memory_space<vmem>>, vector<16xf32>,
          %get3A_1515 = arith.index_cast %add3A_1497 : i32 to index
          %get3A_1516 = arith.constant 16 : index
          %get3A_1517 = tpu.vector_load %arg12[%get3A_1515, %get3A_1516] {strides = array<i32>} : memref<128x64xf32, #tpu.memory_space<vmem>>, vector<16xf32>,
          %add3A_1518 = arith.addf %get3A_1514, %get3A_1517 : vector<16xf32>
          %get3A_1519 = arith.index_cast %add3A_1497 : i32 to index
          %get3A_1520 = arith.constant 16 : index
          %get3A_1521 = tpu.vector_load %arg11[%get3A_1519, %get3A_1520] {strides = array<i32>} : memref<128x64xf32, #tpu.memory_space<vmem>>, vector<16xf32>,
          %sub3A_1522 = arith.subf %add3A_1518, %get3A_1521 : vector<16xf32>
          %mul3A_1523 = arith.mulf %sub3A_1522, %sub3A_1522 : vector<16xf32>
          %add3A_1524 = arith.addf %add3A_1511, %mul3A_1523 : vector<16xf32>
          %get3A_1525 = arith.index_cast %add3A_1497 : i32 to index
          %get3A_1526 = arith.constant 32 : index
          %get3A_1527 = tpu.vector_load %arg10[%get3A_1525, %get3A_1526] {strides = array<i32>} : memref<128x64xf32, #tpu.memory_space<vmem>>, vector<16xf32>,
          %get3A_1528 = arith.index_cast %add3A_1497 : i32 to index
          %get3A_1529 = arith.constant 32 : index
          %get3A_1530 = tpu.vector_load %arg12[%get3A_1528, %get3A_1529] {strides = array<i32>} : memref<128x64xf32, #tpu.memory_space<vmem>>, vector<16xf32>,
          %add3A_1531 = arith.addf %get3A_1527, %get3A_1530 : vector<16xf32>
          %get3A_1532 = arith.index_cast %add3A_1497 : i32 to index
          %get3A_1533 = arith.constant 32 : index
          %get3A_1534 = tpu.vector_load %arg11[%get3A_1532, %get3A_1533] {strides = array<i32>} : memref<128x64xf32, #tpu.memory_space<vmem>>, vector<16xf32>,
          %sub3A_1535 = arith.subf %add3A_1531, %get3A_1534 : vector<16xf32>
          %mul3A_1536 = arith.mulf %sub3A_1535, %sub3A_1535 : vector<16xf32>
          %add3A_1537 = arith.addf %add3A_1524, %mul3A_1536 : vector<16xf32>
          %get3A_1538 = arith.index_cast %add3A_1497 : i32 to index
          %get3A_1539 = arith.constant 48 : index
          %get3A_1540 = tpu.vector_load %arg10[%get3A_1538, %get3A_1539] {strides = array<i32>} : memref<128x64xf32, #tpu.memory_space<vmem>>, vector<16xf32>,
          %get3A_1541 = arith.index_cast %add3A_1497 : i32 to index
          %get3A_1542 = arith.constant 48 : index
          %get3A_1543 = tpu.vector_load %arg12[%get3A_1541, %get3A_1542] {strides = array<i32>} : memref<128x64xf32, #tpu.memory_space<vmem>>, vector<16xf32>,
          %add3A_1544 = arith.addf %get3A_1540, %get3A_1543 : vector<16xf32>
          %get3A_1545 = arith.index_cast %add3A_1497 : i32 to index
          %get3A_1546 = arith.constant 48 : index
          %get3A_1547 = tpu.vector_load %arg11[%get3A_1545, %get3A_1546] {strides = array<i32>} : memref<128x64xf32, #tpu.memory_space<vmem>>, vector<16xf32>,
          %sub3A_1548 = arith.subf %add3A_1544, %get3A_1547 : vector<16xf32>
          %mul3A_1549 = arith.mulf %sub3A_1548, %sub3A_1548 : vector<16xf32>
          %add3A_1550 = arith.addf %add3A_1537, %mul3A_1549 : vector<16xf32>
          %swap3A_1551 = arith.index_cast %scan3A_1494 : i32 to index
          %swap3A_1552 = arith.constant 0 : index
          %swap3A_1553 = tpu.vector_load %arg14[%swap3A_1551, %swap3A_1552] {strides = array<i32>} : memref<16x17xf32, #tpu.memory_space<vmem>>, vector<16xf32>,
          tpu.vector_store %arg14[%swap3A_1551, %swap3A_1552], %add3A_1550 {strides = array<i32>} : memref<16x17xf32, #tpu.memory_space<vmem>>, vector<16xf32>,
        }
        %scan3A_673 = arith.constant 16 : i32
        %broadcast_in_dim3A_674 = arith.constant 0.000000e+00 : f32
        %broadcast_in_dim3A_675 = vector.broadcast %broadcast_in_dim3A_674 : f32 to vector<16xf32>
        %broadcast_in_dim3A_676 = arith.constant 0 : i32
        %broadcast_in_dim3A_677 = vector.broadcast %broadcast_in_dim3A_676 : i32 to vector<16xi32>
        %gather3A = tpu.vector_load_idx %arg14[%iota3A, %broadcast_in_dim3A_677] : memref<16x17xf32, #tpu.memory_space<vmem>>[vector<16xi32>, vector<16xi32>], vector<16xf32>,
        %add3A_678 = arith.addf %broadcast_in_dim3A_675, %gather3A : vector<16xf32>
        %broadcast_in_dim3A_679 = arith.constant 1 : i32
        %broadcast_in_dim3A_680 = vector.broadcast %broadcast_in_dim3A_679 : i32 to vector<16xi32>
        %gather3A_681 = tpu.vector_load_idx %arg14[%iota3A, %broadcast_in_dim3A_680] : memref<16x17xf32, #tpu.memory_space<vmem>>[vector<16xi32>, vector<16xi32>], vector<16xf32>,
        %add3A_682 = arith.addf %add3A_678, %gather3A_681 : vector<16xf32>
        %broadcast_in_dim3A_683 = arith.constant 2 : i32
        %broadcast_in_dim3A_684 = vector.broadcast %broadcast_in_dim3A_683 : i32 to vector<16xi32>
        %gather3A_685 = tpu.vector_load_idx %arg14[%iota3A, %broadcast_in_dim3A_684] : memref<16x17xf32, #tpu.memory_space<vmem>>[vector<16xi32>, vector<16xi32>], vector<16xf32>,
        %add3A_686 = arith.addf %add3A_682, %gather3A_685 : vector<16xf32>
        %broadcast_in_dim3A_687 = arith.constant 3 : i32
        %broadcast_in_dim3A_688 = vector.broadcast %broadcast_in_dim3A_687 : i32 to vector<16xi32>
        %gather3A_689 = tpu.vector_load_idx %arg14[%iota3A, %broadcast_in_dim3A_688] : memref<16x17xf32, #tpu.memory_space<vmem>>[vector<16xi32>, vector<16xi32>], vector<16xf32>,
        %add3A_690 = arith.addf %add3A_686, %gather3A_689 : vector<16xf32>
        %broadcast_in_dim3A_691 = arith.constant 4 : i32
        %broadcast_in_dim3A_692 = vector.broadcast %broadcast_in_dim3A_691 : i32 to vector<16xi32>
        %gather3A_693 = tpu.vector_load_idx %arg14[%iota3A, %broadcast_in_dim3A_692] : memref<16x17xf32, #tpu.memory_space<vmem>>[vector<16xi32>, vector<16xi32>], vector<16xf32>,
        %add3A_694 = arith.addf %add3A_690, %gather3A_693 : vector<16xf32>
        %broadcast_in_dim3A_695 = arith.constant 5 : i32
        %broadcast_in_dim3A_696 = vector.broadcast %broadcast_in_dim3A_695 : i32 to vector<16xi32>
        %gather3A_697 = tpu.vector_load_idx %arg14[%iota3A, %broadcast_in_dim3A_696] : memref<16x17xf32, #tpu.memory_space<vmem>>[vector<16xi32>, vector<16xi32>], vector<16xf32>,
        %add3A_698 = arith.addf %add3A_694, %gather3A_697 : vector<16xf32>
        %broadcast_in_dim3A_699 = arith.constant 6 : i32
        %broadcast_in_dim3A_700 = vector.broadcast %broadcast_in_dim3A_699 : i32 to vector<16xi32>
        %gather3A_701 = tpu.vector_load_idx %arg14[%iota3A, %broadcast_in_dim3A_700] : memref<16x17xf32, #tpu.memory_space<vmem>>[vector<16xi32>, vector<16xi32>], vector<16xf32>,
        %add3A_702 = arith.addf %add3A_698, %gather3A_701 : vector<16xf32>
        %broadcast_in_dim3A_703 = arith.constant 7 : i32
        %broadcast_in_dim3A_704 = vector.broadcast %broadcast_in_dim3A_703 : i32 to vector<16xi32>
        %gather3A_705 = tpu.vector_load_idx %arg14[%iota3A, %broadcast_in_dim3A_704] : memref<16x17xf32, #tpu.memory_space<vmem>>[vector<16xi32>, vector<16xi32>], vector<16xf32>,
        %add3A_706 = arith.addf %add3A_702, %gather3A_705 : vector<16xf32>
        %broadcast_in_dim3A_707 = arith.constant 8 : i32
        %broadcast_in_dim3A_708 = vector.broadcast %broadcast_in_dim3A_707 : i32 to vector<16xi32>
        %gather3A_709 = tpu.vector_load_idx %arg14[%iota3A, %broadcast_in_dim3A_708] : memref<16x17xf32, #tpu.memory_space<vmem>>[vector<16xi32>, vector<16xi32>], vector<16xf32>,
        %add3A_710 = arith.addf %add3A_706, %gather3A_709 : vector<16xf32>
        %broadcast_in_dim3A_711 = arith.constant 9 : i32
        %broadcast_in_dim3A_712 = vector.broadcast %broadcast_in_dim3A_711 : i32 to vector<16xi32>
        %gather3A_713 = tpu.vector_load_idx %arg14[%iota3A, %broadcast_in_dim3A_712] : memref<16x17xf32, #tpu.memory_space<vmem>>[vector<16xi32>, vector<16xi32>], vector<16xf32>,
        %add3A_714 = arith.addf %add3A_710, %gather3A_713 : vector<16xf32>
        %broadcast_in_dim3A_715 = arith.constant 10 : i32
        %broadcast_in_dim3A_716 = vector.broadcast %broadcast_in_dim3A_715 : i32 to vector<16xi32>
        %gather3A_717 = tpu.vector_load_idx %arg14[%iota3A, %broadcast_in_dim3A_716] : memref<16x17xf32, #tpu.memory_space<vmem>>[vector<16xi32>, vector<16xi32>], vector<16xf32>,
        %add3A_718 = arith.addf %add3A_714, %gather3A_717 : vector<16xf32>
        %broadcast_in_dim3A_719 = arith.constant 11 : i32
        %broadcast_in_dim3A_720 = vector.broadcast %broadcast_in_dim3A_719 : i32 to vector<16xi32>
        %gather3A_721 = tpu.vector_load_idx %arg14[%iota3A, %broadcast_in_dim3A_720] : memref<16x17xf32, #tpu.memory_space<vmem>>[vector<16xi32>, vector<16xi32>], vector<16xf32>,
        %add3A_722 = arith.addf %add3A_718, %gather3A_721 : vector<16xf32>
        %broadcast_in_dim3A_723 = arith.constant 12 : i32
        %broadcast_in_dim3A_724 = vector.broadcast %broadcast_in_dim3A_723 : i32 to vector<16xi32>
        %gather3A_725 = tpu.vector_load_idx %arg14[%iota3A, %broadcast_in_dim3A_724] : memref<16x17xf32, #tpu.memory_space<vmem>>[vector<16xi32>, vector<16xi32>], vector<16xf32>,
        %add3A_726 = arith.addf %add3A_722, %gather3A_725 : vector<16xf32>
        %broadcast_in_dim3A_727 = arith.constant 13 : i32
        %broadcast_in_dim3A_728 = vector.broadcast %broadcast_in_dim3A_727 : i32 to vector<16xi32>
        %gather3A_729 = tpu.vector_load_idx %arg14[%iota3A, %broadcast_in_dim3A_728] : memref<16x17xf32, #tpu.memory_space<vmem>>[vector<16xi32>, vector<16xi32>], vector<16xf32>,
        %add3A_730 = arith.addf %add3A_726, %gather3A_729 : vector<16xf32>
        %broadcast_in_dim3A_731 = arith.constant 14 : i32
        %broadcast_in_dim3A_732 = vector.broadcast %broadcast_in_dim3A_731 : i32 to vector<16xi32>
        %gather3A_733 = tpu.vector_load_idx %arg14[%iota3A, %broadcast_in_dim3A_732] : memref<16x17xf32, #tpu.memory_space<vmem>>[vector<16xi32>, vector<16xi32>], vector<16xf32>,
        %add3A_734 = arith.addf %add3A_730, %gather3A_733 : vector<16xf32>
        %broadcast_in_dim3A_735 = arith.constant 15 : i32
        %broadcast_in_dim3A_736 = vector.broadcast %broadcast_in_dim3A_735 : i32 to vector<16xi32>
        %gather3A_737 = tpu.vector_load_idx %arg14[%iota3A, %broadcast_in_dim3A_736] : memref<16x17xf32, #tpu.memory_space<vmem>>[vector<16xi32>, vector<16xi32>], vector<16xf32>,
        %add3A_738 = arith.addf %add3A_734, %gather3A_737 : vector<16xf32>
        %bitcast3A = vector.bitcast %add3A_738 : vector<16xf32> to vector<16xi32>
        %shift_right_logical3A = arith.constant 1 : i32
        %shift_right_logical3A_739 = vector.broadcast %shift_right_logical3A : i32 to vector<16xi32>
        %shift_right_logical3A_740 = arith.shrui %bitcast3A, %shift_right_logical3A_739 : vector<16xi32>
        %add3A_741 = arith.constant 532487669 : i32
        %add3A_742 = vector.broadcast %add3A_741 : i32 to vector<16xi32>
        %add3A_743 = arith.addi %add3A_742, %shift_right_logical3A_740 : vector<16xi32>
        %bitcast3A_744 = vector.bitcast %add3A_743 : vector<16xi32> to vector<16xf32>
        %div3A = arith.divf %add3A_738, %bitcast3A_744 : vector<16xf32>
        %add3A_745 = arith.addf %bitcast3A_744, %div3A : vector<16xf32>
        %mul3A_746 = arith.constant 5.000000e-01 : f32
        %mul3A_747 = vector.broadcast %mul3A_746 : f32 to vector<16xf32>
        %mul3A_748 = arith.mulf %mul3A_747, %add3A_745 : vector<16xf32>
        %div3A_749 = arith.divf %add3A_738, %mul3A_748 : vector<16xf32>
        %add3A_750 = arith.addf %mul3A_748, %div3A_749 : vector<16xf32>
        %mul3A_751 = arith.constant 5.000000e-01 : f32
        %mul3A_752 = vector.broadcast %mul3A_751 : f32 to vector<16xf32>
        %mul3A_753 = arith.mulf %mul3A_752, %add3A_750 : vector<16xf32>
        %div3A_754 = arith.divf %add3A_738, %mul3A_753 : vector<16xf32>
        %add3A_755 = arith.addf %mul3A_753, %div3A_754 : vector<16xf32>
        %mul3A_756 = arith.constant 5.000000e-01 : f32
        %mul3A_757 = vector.broadcast %mul3A_756 : f32 to vector<16xf32>
        %mul3A_758 = arith.mulf %mul3A_757, %add3A_755 : vector<16xf32>
        %neg3A = arith.constant 0.000000e+00 : f32
        %neg3A_759 = vector.broadcast %neg3A : f32 to vector<16xf32>
        %neg3A_760 = arith.subf %neg3A_759, %mul3A_758 : vector<16xf32>
        %exp3A = math.exp %neg3A_760 : vector<16xf32>
        %slice3A = vector.extract_strided_slice %exp3A {offsets = [0], sizes = [1], strides = [1]} : vector<16xf32> to vector<1xf32>
        %squeeze3A = vector.extract %slice3A[0] : f32 from vector<1xf32>
        %mul3A_761 = arith.constant 16 : i32
        %mul3A_762 = arith.muli %scan3A_667, %mul3A_761 : i32
        %add3A_763 = arith.constant 0 : i32
        %add3A_764 = arith.addi %mul3A_762, %add3A_763 : i32
        %get3A = arith.index_cast %add3A_764 : i32 to index
        %get3A_765 = arith.constant 0 : index
        %get3A_766 = tpu.vector_load %arg13[%get3A, %get3A_765] {strides = array<i32>} : memref<128x80xf32, #tpu.memory_space<vmem>>, vector<16xf32>,
        %mul3A_767 = vector.broadcast %squeeze3A : f32 to vector<16xf32>
        %mul3A_768 = arith.mulf %get3A_766, %mul3A_767 : vector<16xf32>
        %swap3A_769 = arith.index_cast %add3A_764 : i32 to index
        %swap3A_770 = arith.constant 0 : index
        %swap3A_771 = tpu.vector_load %arg13[%swap3A_769, %swap3A_770] {strides = array<i32>} : memref<128x80xf32, #tpu.memory_space<vmem>>, vector<16xf32>,
        tpu.vector_store %arg13[%swap3A_769, %swap3A_770], %mul3A_768 {strides = array<i32>} : memref<128x80xf32, #tpu.memory_space<vmem>>, vector<16xf32>,
        %get3A_772 = arith.index_cast %add3A_764 : i32 to index
        %get3A_773 = arith.constant 16 : index
        %get3A_774 = tpu.vector_load %arg13[%get3A_772, %get3A_773] {strides = array<i32>} : memref<128x80xf32, #tpu.memory_space<vmem>>, vector<16xf32>,
        %mul3A_775 = vector.broadcast %squeeze3A : f32 to vector<16xf32>
        %mul3A_776 = arith.mulf %get3A_774, %mul3A_775 : vector<16xf32>
        %swap3A_777 = arith.index_cast %add3A_764 : i32 to index
        %swap3A_778 = arith.constant 16 : index
        %swap3A_779 = tpu.vector_load %arg13[%swap3A_777, %swap3A_778] {strides = array<i32>} : memref<128x80xf32, #tpu.memory_space<vmem>>, vector<16xf32>,
        tpu.vector_store %arg13[%swap3A_777, %swap3A_778], %mul3A_776 {strides = array<i32>} : memref<128x80xf32, #tpu.memory_space<vmem>>, vector<16xf32>,
        %get3A_780 = arith.index_cast %add3A_764 : i32 to index
        %get3A_781 = arith.constant 32 : index
        %get3A_782 = tpu.vector_load %arg13[%get3A_780, %get3A_781] {strides = array<i32>} : memref<128x80xf32, #tpu.memory_space<vmem>>, vector<16xf32>,
        %mul3A_783 = vector.broadcast %squeeze3A : f32 to vector<16xf32>
        %mul3A_784 = arith.mulf %get3A_782, %mul3A_783 : vector<16xf32>
        %swap3A_785 = arith.index_cast %add3A_764 : i32 to index
        %swap3A_786 = arith.constant 32 : index
        %swap3A_787 = tpu.vector_load %arg13[%swap3A_785, %swap3A_786] {strides = array<i32>} : memref<128x80xf32, #tpu.memory_space<vmem>>, vector<16xf32>,
        tpu.vector_store %arg13[%swap3A_785, %swap3A_786], %mul3A_784 {strides = array<i32>} : memref<128x80xf32, #tpu.memory_space<vmem>>, vector<16xf32>,
        %get3A_788 = arith.index_cast %add3A_764 : i32 to index
        %get3A_789 = arith.constant 48 : index
        %get3A_790 = tpu.vector_load %arg13[%get3A_788, %get3A_789] {strides = array<i32>} : memref<128x80xf32, #tpu.memory_space<vmem>>, vector<16xf32>,
        %mul3A_791 = vector.broadcast %squeeze3A : f32 to vector<16xf32>
        %mul3A_792 = arith.mulf %get3A_790, %mul3A_791 : vector<16xf32>
        %swap3A_793 = arith.index_cast %add3A_764 : i32 to index
        %swap3A_794 = arith.constant 48 : index
        %swap3A_795 = tpu.vector_load %arg13[%swap3A_793, %swap3A_794] {strides = array<i32>} : memref<128x80xf32, #tpu.memory_space<vmem>>, vector<16xf32>,
        tpu.vector_store %arg13[%swap3A_793, %swap3A_794], %mul3A_792 {strides = array<i32>} : memref<128x80xf32, #tpu.memory_space<vmem>>, vector<16xf32>,
        %get3A_796 = arith.index_cast %add3A_764 : i32 to index
        %get3A_797 = arith.constant 64 : index
        %get3A_798 = tpu.vector_load %arg13[%get3A_796, %get3A_797] {strides = array<i32>} : memref<128x80xf32, #tpu.memory_space<vmem>>, vector<16xf32>,
        %mul3A_799 = vector.broadcast %squeeze3A : f32 to vector<16xf32>
        %mul3A_800 = arith.mulf %get3A_798, %mul3A_799 : vector<16xf32>
        %swap3A_801 = arith.index_cast %add3A_764 : i32 to index
        %swap3A_802 = arith.constant 64 : index
        %swap3A_803 = tpu.vector_load %arg13[%swap3A_801, %swap3A_802] {strides = array<i32>} : memref<128x80xf32, #tpu.memory_space<vmem>>, vector<16xf32>,
        tpu.vector_store %arg13[%swap3A_801, %swap3A_802], %mul3A_800 {strides = array<i32>} : memref<128x80xf32, #tpu.memory_space<vmem>>, vector<16xf32>,
        %slice3A_804 = vector.extract_strided_slice %exp3A {offsets = [1], sizes = [1], strides = [1]} : vector<16xf32> to vector<1xf32>
        %squeeze3A_805 = vector.extract %slice3A_804[0] : f32 from vector<1xf32>
        %mul3A_806 = arith.constant 16 : i32
        %mul3A_807 = arith.muli %scan3A_667, %mul3A_806 : i32
        %add3A_808 = arith.constant 1 : i32
        %add3A_809 = arith.addi %mul3A_807, %add3A_808 : i32
        %get3A_810 = arith.index_cast %add3A_809 : i32 to index
        %get3A_811 = arith.constant 0 : index
        %get3A_812 = tpu.vector_load %arg13[%get3A_810, %get3A_811] {strides = array<i32>} : memref<128x80xf32, #tpu.memory_space<vmem>>, vector<16xf32>,
        %mul3A_813 = vector.broadcast %squeeze3A_805 : f32 to vector<16xf32>
        %mul3A_814 = arith.mulf %get3A_812, %mul3A_813 : vector<16xf32>
        %swap3A_815 = arith.index_cast %add3A_809 : i32 to index
        %swap3A_816 = arith.constant 0 : index
        %swap3A_817 = tpu.vector_load %arg13[%swap3A_815, %swap3A_816] {strides = array<i32>} : memref<128x80xf32, #tpu.memory_space<vmem>>, vector<16xf32>,
        tpu.vector_store %arg13[%swap3A_815, %swap3A_816], %mul3A_814 {strides = array<i32>} : memref<128x80xf32, #tpu.memory_space<vmem>>, vector<16xf32>,
        %get3A_818 = arith.index_cast %add3A_809 : i32 to index
        %get3A_819 = arith.constant 16 : index
        %get3A_820 = tpu.vector_load %arg13[%get3A_818, %get3A_819] {strides = array<i32>} : memref<128x80xf32, #tpu.memory_space<vmem>>, vector<16xf32>,
        %mul3A_821 = vector.broadcast %squeeze3A_805 : f32 to vector<16xf32>
        %mul3A_822 = arith.mulf %get3A_820, %mul3A_821 : vector<16xf32>
        %swap3A_823 = arith.index_cast %add3A_809 : i32 to index
        %swap3A_824 = arith.constant 16 : index
        %swap3A_825 = tpu.vector_load %arg13[%swap3A_823, %swap3A_824] {strides = array<i32>} : memref<128x80xf32, #tpu.memory_space<vmem>>, vector<16xf32>,
        tpu.vector_store %arg13[%swap3A_823, %swap3A_824], %mul3A_822 {strides = array<i32>} : memref<128x80xf32, #tpu.memory_space<vmem>>, vector<16xf32>,
        %get3A_826 = arith.index_cast %add3A_809 : i32 to index
        %get3A_827 = arith.constant 32 : index
        %get3A_828 = tpu.vector_load %arg13[%get3A_826, %get3A_827] {strides = array<i32>} : memref<128x80xf32, #tpu.memory_space<vmem>>, vector<16xf32>,
        %mul3A_829 = vector.broadcast %squeeze3A_805 : f32 to vector<16xf32>
        %mul3A_830 = arith.mulf %get3A_828, %mul3A_829 : vector<16xf32>
        %swap3A_831 = arith.index_cast %add3A_809 : i32 to index
        %swap3A_832 = arith.constant 32 : index
        %swap3A_833 = tpu.vector_load %arg13[%swap3A_831, %swap3A_832] {strides = array<i32>} : memref<128x80xf32, #tpu.memory_space<vmem>>, vector<16xf32>,
        tpu.vector_store %arg13[%swap3A_831, %swap3A_832], %mul3A_830 {strides = array<i32>} : memref<128x80xf32, #tpu.memory_space<vmem>>, vector<16xf32>,
        %get3A_834 = arith.index_cast %add3A_809 : i32 to index
        %get3A_835 = arith.constant 48 : index
        %get3A_836 = tpu.vector_load %arg13[%get3A_834, %get3A_835] {strides = array<i32>} : memref<128x80xf32, #tpu.memory_space<vmem>>, vector<16xf32>,
        %mul3A_837 = vector.broadcast %squeeze3A_805 : f32 to vector<16xf32>
        %mul3A_838 = arith.mulf %get3A_836, %mul3A_837 : vector<16xf32>
        %swap3A_839 = arith.index_cast %add3A_809 : i32 to index
        %swap3A_840 = arith.constant 48 : index
        %swap3A_841 = tpu.vector_load %arg13[%swap3A_839, %swap3A_840] {strides = array<i32>} : memref<128x80xf32, #tpu.memory_space<vmem>>, vector<16xf32>,
        tpu.vector_store %arg13[%swap3A_839, %swap3A_840], %mul3A_838 {strides = array<i32>} : memref<128x80xf32, #tpu.memory_space<vmem>>, vector<16xf32>,
        %get3A_842 = arith.index_cast %add3A_809 : i32 to index
        %get3A_843 = arith.constant 64 : index
        %get3A_844 = tpu.vector_load %arg13[%get3A_842, %get3A_843] {strides = array<i32>} : memref<128x80xf32, #tpu.memory_space<vmem>>, vector<16xf32>,
        %mul3A_845 = vector.broadcast %squeeze3A_805 : f32 to vector<16xf32>
        %mul3A_846 = arith.mulf %get3A_844, %mul3A_845 : vector<16xf32>
        %swap3A_847 = arith.index_cast %add3A_809 : i32 to index
        %swap3A_848 = arith.constant 64 : index
        %swap3A_849 = tpu.vector_load %arg13[%swap3A_847, %swap3A_848] {strides = array<i32>} : memref<128x80xf32, #tpu.memory_space<vmem>>, vector<16xf32>,
        tpu.vector_store %arg13[%swap3A_847, %swap3A_848], %mul3A_846 {strides = array<i32>} : memref<128x80xf32, #tpu.memory_space<vmem>>, vector<16xf32>,
        %slice3A_850 = vector.extract_strided_slice %exp3A {offsets = [2], sizes = [1], strides = [1]} : vector<16xf32> to vector<1xf32>
        %squeeze3A_851 = vector.extract %slice3A_850[0] : f32 from vector<1xf32>
        %mul3A_852 = arith.constant 16 : i32
        %mul3A_853 = arith.muli %scan3A_667, %mul3A_852 : i32
        %add3A_854 = arith.constant 2 : i32
        %add3A_855 = arith.addi %mul3A_853, %add3A_854 : i32
        %get3A_856 = arith.index_cast %add3A_855 : i32 to index
        %get3A_857 = arith.constant 0 : index
        %get3A_858 = tpu.vector_load %arg13[%get3A_856, %get3A_857] {strides = array<i32>} : memref<128x80xf32, #tpu.memory_space<vmem>>, vector<16xf32>,
        %mul3A_859 = vector.broadcast %squeeze3A_851 : f32 to vector<16xf32>
        %mul3A_860 = arith.mulf %get3A_858, %mul3A_859 : vector<16xf32>
        %swap3A_861 = arith.index_cast %add3A_855 : i32 to index
        %swap3A_862 = arith.constant 0 : index
        %swap3A_863 = tpu.vector_load %arg13[%swap3A_861, %swap3A_862] {strides = array<i32>} : memref<128x80xf32, #tpu.memory_space<vmem>>, vector<16xf32>,
        tpu.vector_store %arg13[%swap3A_861, %swap3A_862], %mul3A_860 {strides = array<i32>} : memref<128x80xf32, #tpu.memory_space<vmem>>, vector<16xf32>,
        %get3A_864 = arith.index_cast %add3A_855 : i32 to index
        %get3A_865 = arith.constant 16 : index
        %get3A_866 = tpu.vector_load %arg13[%get3A_864, %get3A_865] {strides = array<i32>} : memref<128x80xf32, #tpu.memory_space<vmem>>, vector<16xf32>,
        %mul3A_867 = vector.broadcast %squeeze3A_851 : f32 to vector<16xf32>
        %mul3A_868 = arith.mulf %get3A_866, %mul3A_867 : vector<16xf32>
        %swap3A_869 = arith.index_cast %add3A_855 : i32 to index
        %swap3A_870 = arith.constant 16 : index
        %swap3A_871 = tpu.vector_load %arg13[%swap3A_869, %swap3A_870] {strides = array<i32>} : memref<128x80xf32, #tpu.memory_space<vmem>>, vector<16xf32>,
        tpu.vector_store %arg13[%swap3A_869, %swap3A_870], %mul3A_868 {strides = array<i32>} : memref<128x80xf32, #tpu.memory_space<vmem>>, vector<16xf32>,
        %get3A_872 = arith.index_cast %add3A_855 : i32 to index
        %get3A_873 = arith.constant 32 : index
        %get3A_874 = tpu.vector_load %arg13[%get3A_872, %get3A_873] {strides = array<i32>} : memref<128x80xf32, #tpu.memory_space<vmem>>, vector<16xf32>,
        %mul3A_875 = vector.broadcast %squeeze3A_851 : f32 to vector<16xf32>
        %mul3A_876 = arith.mulf %get3A_874, %mul3A_875 : vector<16xf32>
        %swap3A_877 = arith.index_cast %add3A_855 : i32 to index
        %swap3A_878 = arith.constant 32 : index
        %swap3A_879 = tpu.vector_load %arg13[%swap3A_877, %swap3A_878] {strides = array<i32>} : memref<128x80xf32, #tpu.memory_space<vmem>>, vector<16xf32>,
        tpu.vector_store %arg13[%swap3A_877, %swap3A_878], %mul3A_876 {strides = array<i32>} : memref<128x80xf32, #tpu.memory_space<vmem>>, vector<16xf32>,
        %get3A_880 = arith.index_cast %add3A_855 : i32 to index
        %get3A_881 = arith.constant 48 : index
        %get3A_882 = tpu.vector_load %arg13[%get3A_880, %get3A_881] {strides = array<i32>} : memref<128x80xf32, #tpu.memory_space<vmem>>, vector<16xf32>,
        %mul3A_883 = vector.broadcast %squeeze3A_851 : f32 to vector<16xf32>
        %mul3A_884 = arith.mulf %get3A_882, %mul3A_883 : vector<16xf32>
        %swap3A_885 = arith.index_cast %add3A_855 : i32 to index
        %swap3A_886 = arith.constant 48 : index
        %swap3A_887 = tpu.vector_load %arg13[%swap3A_885, %swap3A_886] {strides = array<i32>} : memref<128x80xf32, #tpu.memory_space<vmem>>, vector<16xf32>,
        tpu.vector_store %arg13[%swap3A_885, %swap3A_886], %mul3A_884 {strides = array<i32>} : memref<128x80xf32, #tpu.memory_space<vmem>>, vector<16xf32>,
        %get3A_888 = arith.index_cast %add3A_855 : i32 to index
        %get3A_889 = arith.constant 64 : index
        %get3A_890 = tpu.vector_load %arg13[%get3A_888, %get3A_889] {strides = array<i32>} : memref<128x80xf32, #tpu.memory_space<vmem>>, vector<16xf32>,
        %mul3A_891 = vector.broadcast %squeeze3A_851 : f32 to vector<16xf32>
        %mul3A_892 = arith.mulf %get3A_890, %mul3A_891 : vector<16xf32>
        %swap3A_893 = arith.index_cast %add3A_855 : i32 to index
        %swap3A_894 = arith.constant 64 : index
        %swap3A_895 = tpu.vector_load %arg13[%swap3A_893, %swap3A_894] {strides = array<i32>} : memref<128x80xf32, #tpu.memory_space<vmem>>, vector<16xf32>,
        tpu.vector_store %arg13[%swap3A_893, %swap3A_894], %mul3A_892 {strides = array<i32>} : memref<128x80xf32, #tpu.memory_space<vmem>>, vector<16xf32>,
        %slice3A_896 = vector.extract_strided_slice %exp3A {offsets = [3], sizes = [1], strides = [1]} : vector<16xf32> to vector<1xf32>
        %squeeze3A_897 = vector.extract %slice3A_896[0] : f32 from vector<1xf32>
        %mul3A_898 = arith.constant 16 : i32
        %mul3A_899 = arith.muli %scan3A_667, %mul3A_898 : i32
        %add3A_900 = arith.constant 3 : i32
        %add3A_901 = arith.addi %mul3A_899, %add3A_900 : i32
        %get3A_902 = arith.index_cast %add3A_901 : i32 to index
        %get3A_903 = arith.constant 0 : index
        %get3A_904 = tpu.vector_load %arg13[%get3A_902, %get3A_903] {strides = array<i32>} : memref<128x80xf32, #tpu.memory_space<vmem>>, vector<16xf32>,
        %mul3A_905 = vector.broadcast %squeeze3A_897 : f32 to vector<16xf32>
        %mul3A_906 = arith.mulf %get3A_904, %mul3A_905 : vector<16xf32>
        %swap3A_907 = arith.index_cast %add3A_901 : i32 to index
        %swap3A_908 = arith.constant 0 : index
        %swap3A_909 = tpu.vector_load %arg13[%swap3A_907, %swap3A_908] {strides = array<i32>} : memref<128x80xf32, #tpu.memory_space<vmem>>, vector<16xf32>,
        tpu.vector_store %arg13[%swap3A_907, %swap3A_908], %mul3A_906 {strides = array<i32>} : memref<128x80xf32, #tpu.memory_space<vmem>>, vector<16xf32>,
        %get3A_910 = arith.index_cast %add3A_901 : i32 to index
        %get3A_911 = arith.constant 16 : index
        %get3A_912 = tpu.vector_load %arg13[%get3A_910, %get3A_911] {strides = array<i32>} : memref<128x80xf32, #tpu.memory_space<vmem>>, vector<16xf32>,
        %mul3A_913 = vector.broadcast %squeeze3A_897 : f32 to vector<16xf32>
        %mul3A_914 = arith.mulf %get3A_912, %mul3A_913 : vector<16xf32>
        %swap3A_915 = arith.index_cast %add3A_901 : i32 to index
        %swap3A_916 = arith.constant 16 : index
        %swap3A_917 = tpu.vector_load %arg13[%swap3A_915, %swap3A_916] {strides = array<i32>} : memref<128x80xf32, #tpu.memory_space<vmem>>, vector<16xf32>,
        tpu.vector_store %arg13[%swap3A_915, %swap3A_916], %mul3A_914 {strides = array<i32>} : memref<128x80xf32, #tpu.memory_space<vmem>>, vector<16xf32>,
        %get3A_918 = arith.index_cast %add3A_901 : i32 to index
        %get3A_919 = arith.constant 32 : index
        %get3A_920 = tpu.vector_load %arg13[%get3A_918, %get3A_919] {strides = array<i32>} : memref<128x80xf32, #tpu.memory_space<vmem>>, vector<16xf32>,
        %mul3A_921 = vector.broadcast %squeeze3A_897 : f32 to vector<16xf32>
        %mul3A_922 = arith.mulf %get3A_920, %mul3A_921 : vector<16xf32>
        %swap3A_923 = arith.index_cast %add3A_901 : i32 to index
        %swap3A_924 = arith.constant 32 : index
        %swap3A_925 = tpu.vector_load %arg13[%swap3A_923, %swap3A_924] {strides = array<i32>} : memref<128x80xf32, #tpu.memory_space<vmem>>, vector<16xf32>,
        tpu.vector_store %arg13[%swap3A_923, %swap3A_924], %mul3A_922 {strides = array<i32>} : memref<128x80xf32, #tpu.memory_space<vmem>>, vector<16xf32>,
        %get3A_926 = arith.index_cast %add3A_901 : i32 to index
        %get3A_927 = arith.constant 48 : index
        %get3A_928 = tpu.vector_load %arg13[%get3A_926, %get3A_927] {strides = array<i32>} : memref<128x80xf32, #tpu.memory_space<vmem>>, vector<16xf32>,
        %mul3A_929 = vector.broadcast %squeeze3A_897 : f32 to vector<16xf32>
        %mul3A_930 = arith.mulf %get3A_928, %mul3A_929 : vector<16xf32>
        %swap3A_931 = arith.index_cast %add3A_901 : i32 to index
        %swap3A_932 = arith.constant 48 : index
        %swap3A_933 = tpu.vector_load %arg13[%swap3A_931, %swap3A_932] {strides = array<i32>} : memref<128x80xf32, #tpu.memory_space<vmem>>, vector<16xf32>,
        tpu.vector_store %arg13[%swap3A_931, %swap3A_932], %mul3A_930 {strides = array<i32>} : memref<128x80xf32, #tpu.memory_space<vmem>>, vector<16xf32>,
        %get3A_934 = arith.index_cast %add3A_901 : i32 to index
        %get3A_935 = arith.constant 64 : index
        %get3A_936 = tpu.vector_load %arg13[%get3A_934, %get3A_935] {strides = array<i32>} : memref<128x80xf32, #tpu.memory_space<vmem>>, vector<16xf32>,
        %mul3A_937 = vector.broadcast %squeeze3A_897 : f32 to vector<16xf32>
        %mul3A_938 = arith.mulf %get3A_936, %mul3A_937 : vector<16xf32>
        %swap3A_939 = arith.index_cast %add3A_901 : i32 to index
        %swap3A_940 = arith.constant 64 : index
        %swap3A_941 = tpu.vector_load %arg13[%swap3A_939, %swap3A_940] {strides = array<i32>} : memref<128x80xf32, #tpu.memory_space<vmem>>, vector<16xf32>,
        tpu.vector_store %arg13[%swap3A_939, %swap3A_940], %mul3A_938 {strides = array<i32>} : memref<128x80xf32, #tpu.memory_space<vmem>>, vector<16xf32>,
        %slice3A_942 = vector.extract_strided_slice %exp3A {offsets = [4], sizes = [1], strides = [1]} : vector<16xf32> to vector<1xf32>
        %squeeze3A_943 = vector.extract %slice3A_942[0] : f32 from vector<1xf32>
        %mul3A_944 = arith.constant 16 : i32
        %mul3A_945 = arith.muli %scan3A_667, %mul3A_944 : i32
        %add3A_946 = arith.constant 4 : i32
        %add3A_947 = arith.addi %mul3A_945, %add3A_946 : i32
        %get3A_948 = arith.index_cast %add3A_947 : i32 to index
        %get3A_949 = arith.constant 0 : index
        %get3A_950 = tpu.vector_load %arg13[%get3A_948, %get3A_949] {strides = array<i32>} : memref<128x80xf32, #tpu.memory_space<vmem>>, vector<16xf32>,
        %mul3A_951 = vector.broadcast %squeeze3A_943 : f32 to vector<16xf32>
        %mul3A_952 = arith.mulf %get3A_950, %mul3A_951 : vector<16xf32>
        %swap3A_953 = arith.index_cast %add3A_947 : i32 to index
        %swap3A_954 = arith.constant 0 : index
        %swap3A_955 = tpu.vector_load %arg13[%swap3A_953, %swap3A_954] {strides = array<i32>} : memref<128x80xf32, #tpu.memory_space<vmem>>, vector<16xf32>,
        tpu.vector_store %arg13[%swap3A_953, %swap3A_954], %mul3A_952 {strides = array<i32>} : memref<128x80xf32, #tpu.memory_space<vmem>>, vector<16xf32>,
        %get3A_956 = arith.index_cast %add3A_947 : i32 to index
        %get3A_957 = arith.constant 16 : index
        %get3A_958 = tpu.vector_load %arg13[%get3A_956, %get3A_957] {strides = array<i32>} : memref<128x80xf32, #tpu.memory_space<vmem>>, vector<16xf32>,
        %mul3A_959 = vector.broadcast %squeeze3A_943 : f32 to vector<16xf32>
        %mul3A_960 = arith.mulf %get3A_958, %mul3A_959 : vector<16xf32>
        %swap3A_961 = arith.index_cast %add3A_947 : i32 to index
        %swap3A_962 = arith.constant 16 : index
        %swap3A_963 = tpu.vector_load %arg13[%swap3A_961, %swap3A_962] {strides = array<i32>} : memref<128x80xf32, #tpu.memory_space<vmem>>, vector<16xf32>,
        tpu.vector_store %arg13[%swap3A_961, %swap3A_962], %mul3A_960 {strides = array<i32>} : memref<128x80xf32, #tpu.memory_space<vmem>>, vector<16xf32>,
        %get3A_964 = arith.index_cast %add3A_947 : i32 to index
        %get3A_965 = arith.constant 32 : index
        %get3A_966 = tpu.vector_load %arg13[%get3A_964, %get3A_965] {strides = array<i32>} : memref<128x80xf32, #tpu.memory_space<vmem>>, vector<16xf32>,
        %mul3A_967 = vector.broadcast %squeeze3A_943 : f32 to vector<16xf32>
        %mul3A_968 = arith.mulf %get3A_966, %mul3A_967 : vector<16xf32>
        %swap3A_969 = arith.index_cast %add3A_947 : i32 to index
        %swap3A_970 = arith.constant 32 : index
        %swap3A_971 = tpu.vector_load %arg13[%swap3A_969, %swap3A_970] {strides = array<i32>} : memref<128x80xf32, #tpu.memory_space<vmem>>, vector<16xf32>,
        tpu.vector_store %arg13[%swap3A_969, %swap3A_970], %mul3A_968 {strides = array<i32>} : memref<128x80xf32, #tpu.memory_space<vmem>>, vector<16xf32>,
        %get3A_972 = arith.index_cast %add3A_947 : i32 to index
        %get3A_973 = arith.constant 48 : index
        %get3A_974 = tpu.vector_load %arg13[%get3A_972, %get3A_973] {strides = array<i32>} : memref<128x80xf32, #tpu.memory_space<vmem>>, vector<16xf32>,
        %mul3A_975 = vector.broadcast %squeeze3A_943 : f32 to vector<16xf32>
        %mul3A_976 = arith.mulf %get3A_974, %mul3A_975 : vector<16xf32>
        %swap3A_977 = arith.index_cast %add3A_947 : i32 to index
        %swap3A_978 = arith.constant 48 : index
        %swap3A_979 = tpu.vector_load %arg13[%swap3A_977, %swap3A_978] {strides = array<i32>} : memref<128x80xf32, #tpu.memory_space<vmem>>, vector<16xf32>,
        tpu.vector_store %arg13[%swap3A_977, %swap3A_978], %mul3A_976 {strides = array<i32>} : memref<128x80xf32, #tpu.memory_space<vmem>>, vector<16xf32>,
        %get3A_980 = arith.index_cast %add3A_947 : i32 to index
        %get3A_981 = arith.constant 64 : index
        %get3A_982 = tpu.vector_load %arg13[%get3A_980, %get3A_981] {strides = array<i32>} : memref<128x80xf32, #tpu.memory_space<vmem>>, vector<16xf32>,
        %mul3A_983 = vector.broadcast %squeeze3A_943 : f32 to vector<16xf32>
        %mul3A_984 = arith.mulf %get3A_982, %mul3A_983 : vector<16xf32>
        %swap3A_985 = arith.index_cast %add3A_947 : i32 to index
        %swap3A_986 = arith.constant 64 : index
        %swap3A_987 = tpu.vector_load %arg13[%swap3A_985, %swap3A_986] {strides = array<i32>} : memref<128x80xf32, #tpu.memory_space<vmem>>, vector<16xf32>,
        tpu.vector_store %arg13[%swap3A_985, %swap3A_986], %mul3A_984 {strides = array<i32>} : memref<128x80xf32, #tpu.memory_space<vmem>>, vector<16xf32>,
        %slice3A_988 = vector.extract_strided_slice %exp3A {offsets = [5], sizes = [1], strides = [1]} : vector<16xf32> to vector<1xf32>
        %squeeze3A_989 = vector.extract %slice3A_988[0] : f32 from vector<1xf32>
        %mul3A_990 = arith.constant 16 : i32
        %mul3A_991 = arith.muli %scan3A_667, %mul3A_990 : i32
        %add3A_992 = arith.constant 5 : i32
        %add3A_993 = arith.addi %mul3A_991, %add3A_992 : i32
        %get3A_994 = arith.index_cast %add3A_993 : i32 to index
        %get3A_995 = arith.constant 0 : index
        %get3A_996 = tpu.vector_load %arg13[%get3A_994, %get3A_995] {strides = array<i32>} : memref<128x80xf32, #tpu.memory_space<vmem>>, vector<16xf32>,
        %mul3A_997 = vector.broadcast %squeeze3A_989 : f32 to vector<16xf32>
        %mul3A_998 = arith.mulf %get3A_996, %mul3A_997 : vector<16xf32>
        %swap3A_999 = arith.index_cast %add3A_993 : i32 to index
        %swap3A_1000 = arith.constant 0 : index
        %swap3A_1001 = tpu.vector_load %arg13[%swap3A_999, %swap3A_1000] {strides = array<i32>} : memref<128x80xf32, #tpu.memory_space<vmem>>, vector<16xf32>,
        tpu.vector_store %arg13[%swap3A_999, %swap3A_1000], %mul3A_998 {strides = array<i32>} : memref<128x80xf32, #tpu.memory_space<vmem>>, vector<16xf32>,
        %get3A_1002 = arith.index_cast %add3A_993 : i32 to index
        %get3A_1003 = arith.constant 16 : index
        %get3A_1004 = tpu.vector_load %arg13[%get3A_1002, %get3A_1003] {strides = array<i32>} : memref<128x80xf32, #tpu.memory_space<vmem>>, vector<16xf32>,
        %mul3A_1005 = vector.broadcast %squeeze3A_989 : f32 to vector<16xf32>
        %mul3A_1006 = arith.mulf %get3A_1004, %mul3A_1005 : vector<16xf32>
        %swap3A_1007 = arith.index_cast %add3A_993 : i32 to index
        %swap3A_1008 = arith.constant 16 : index
        %swap3A_1009 = tpu.vector_load %arg13[%swap3A_1007, %swap3A_1008] {strides = array<i32>} : memref<128x80xf32, #tpu.memory_space<vmem>>, vector<16xf32>,
        tpu.vector_store %arg13[%swap3A_1007, %swap3A_1008], %mul3A_1006 {strides = array<i32>} : memref<128x80xf32, #tpu.memory_space<vmem>>, vector<16xf32>,
        %get3A_1010 = arith.index_cast %add3A_993 : i32 to index
        %get3A_1011 = arith.constant 32 : index
        %get3A_1012 = tpu.vector_load %arg13[%get3A_1010, %get3A_1011] {strides = array<i32>} : memref<128x80xf32, #tpu.memory_space<vmem>>, vector<16xf32>,
        %mul3A_1013 = vector.broadcast %squeeze3A_989 : f32 to vector<16xf32>
        %mul3A_1014 = arith.mulf %get3A_1012, %mul3A_1013 : vector<16xf32>
        %swap3A_1015 = arith.index_cast %add3A_993 : i32 to index
        %swap3A_1016 = arith.constant 32 : index
        %swap3A_1017 = tpu.vector_load %arg13[%swap3A_1015, %swap3A_1016] {strides = array<i32>} : memref<128x80xf32, #tpu.memory_space<vmem>>, vector<16xf32>,
        tpu.vector_store %arg13[%swap3A_1015, %swap3A_1016], %mul3A_1014 {strides = array<i32>} : memref<128x80xf32, #tpu.memory_space<vmem>>, vector<16xf32>,
        %get3A_1018 = arith.index_cast %add3A_993 : i32 to index
        %get3A_1019 = arith.constant 48 : index
        %get3A_1020 = tpu.vector_load %arg13[%get3A_1018, %get3A_1019] {strides = array<i32>} : memref<128x80xf32, #tpu.memory_space<vmem>>, vector<16xf32>,
        %mul3A_1021 = vector.broadcast %squeeze3A_989 : f32 to vector<16xf32>
        %mul3A_1022 = arith.mulf %get3A_1020, %mul3A_1021 : vector<16xf32>
        %swap3A_1023 = arith.index_cast %add3A_993 : i32 to index
        %swap3A_1024 = arith.constant 48 : index
        %swap3A_1025 = tpu.vector_load %arg13[%swap3A_1023, %swap3A_1024] {strides = array<i32>} : memref<128x80xf32, #tpu.memory_space<vmem>>, vector<16xf32>,
        tpu.vector_store %arg13[%swap3A_1023, %swap3A_1024], %mul3A_1022 {strides = array<i32>} : memref<128x80xf32, #tpu.memory_space<vmem>>, vector<16xf32>,
        %get3A_1026 = arith.index_cast %add3A_993 : i32 to index
        %get3A_1027 = arith.constant 64 : index
        %get3A_1028 = tpu.vector_load %arg13[%get3A_1026, %get3A_1027] {strides = array<i32>} : memref<128x80xf32, #tpu.memory_space<vmem>>, vector<16xf32>,
        %mul3A_1029 = vector.broadcast %squeeze3A_989 : f32 to vector<16xf32>
        %mul3A_1030 = arith.mulf %get3A_1028, %mul3A_1029 : vector<16xf32>
        %swap3A_1031 = arith.index_cast %add3A_993 : i32 to index
        %swap3A_1032 = arith.constant 64 : index
        %swap3A_1033 = tpu.vector_load %arg13[%swap3A_1031, %swap3A_1032] {strides = array<i32>} : memref<128x80xf32, #tpu.memory_space<vmem>>, vector<16xf32>,
        tpu.vector_store %arg13[%swap3A_1031, %swap3A_1032], %mul3A_1030 {strides = array<i32>} : memref<128x80xf32, #tpu.memory_space<vmem>>, vector<16xf32>,
        %slice3A_1034 = vector.extract_strided_slice %exp3A {offsets = [6], sizes = [1], strides = [1]} : vector<16xf32> to vector<1xf32>
        %squeeze3A_1035 = vector.extract %slice3A_1034[0] : f32 from vector<1xf32>
        %mul3A_1036 = arith.constant 16 : i32
        %mul3A_1037 = arith.muli %scan3A_667, %mul3A_1036 : i32
        %add3A_1038 = arith.constant 6 : i32
        %add3A_1039 = arith.addi %mul3A_1037, %add3A_1038 : i32
        %get3A_1040 = arith.index_cast %add3A_1039 : i32 to index
        %get3A_1041 = arith.constant 0 : index
        %get3A_1042 = tpu.vector_load %arg13[%get3A_1040, %get3A_1041] {strides = array<i32>} : memref<128x80xf32, #tpu.memory_space<vmem>>, vector<16xf32>,
        %mul3A_1043 = vector.broadcast %squeeze3A_1035 : f32 to vector<16xf32>
        %mul3A_1044 = arith.mulf %get3A_1042, %mul3A_1043 : vector<16xf32>
        %swap3A_1045 = arith.index_cast %add3A_1039 : i32 to index
        %swap3A_1046 = arith.constant 0 : index
        %swap3A_1047 = tpu.vector_load %arg13[%swap3A_1045, %swap3A_1046] {strides = array<i32>} : memref<128x80xf32, #tpu.memory_space<vmem>>, vector<16xf32>,
        tpu.vector_store %arg13[%swap3A_1045, %swap3A_1046], %mul3A_1044 {strides = array<i32>} : memref<128x80xf32, #tpu.memory_space<vmem>>, vector<16xf32>,
        %get3A_1048 = arith.index_cast %add3A_1039 : i32 to index
        %get3A_1049 = arith.constant 16 : index
        %get3A_1050 = tpu.vector_load %arg13[%get3A_1048, %get3A_1049] {strides = array<i32>} : memref<128x80xf32, #tpu.memory_space<vmem>>, vector<16xf32>,
        %mul3A_1051 = vector.broadcast %squeeze3A_1035 : f32 to vector<16xf32>
        %mul3A_1052 = arith.mulf %get3A_1050, %mul3A_1051 : vector<16xf32>
        %swap3A_1053 = arith.index_cast %add3A_1039 : i32 to index
        %swap3A_1054 = arith.constant 16 : index
        %swap3A_1055 = tpu.vector_load %arg13[%swap3A_1053, %swap3A_1054] {strides = array<i32>} : memref<128x80xf32, #tpu.memory_space<vmem>>, vector<16xf32>,
        tpu.vector_store %arg13[%swap3A_1053, %swap3A_1054], %mul3A_1052 {strides = array<i32>} : memref<128x80xf32, #tpu.memory_space<vmem>>, vector<16xf32>,
        %get3A_1056 = arith.index_cast %add3A_1039 : i32 to index
        %get3A_1057 = arith.constant 32 : index
        %get3A_1058 = tpu.vector_load %arg13[%get3A_1056, %get3A_1057] {strides = array<i32>} : memref<128x80xf32, #tpu.memory_space<vmem>>, vector<16xf32>,
        %mul3A_1059 = vector.broadcast %squeeze3A_1035 : f32 to vector<16xf32>
        %mul3A_1060 = arith.mulf %get3A_1058, %mul3A_1059 : vector<16xf32>
        %swap3A_1061 = arith.index_cast %add3A_1039 : i32 to index
        %swap3A_1062 = arith.constant 32 : index
        %swap3A_1063 = tpu.vector_load %arg13[%swap3A_1061, %swap3A_1062] {strides = array<i32>} : memref<128x80xf32, #tpu.memory_space<vmem>>, vector<16xf32>,
        tpu.vector_store %arg13[%swap3A_1061, %swap3A_1062], %mul3A_1060 {strides = array<i32>} : memref<128x80xf32, #tpu.memory_space<vmem>>, vector<16xf32>,
        %get3A_1064 = arith.index_cast %add3A_1039 : i32 to index
        %get3A_1065 = arith.constant 48 : index
        %get3A_1066 = tpu.vector_load %arg13[%get3A_1064, %get3A_1065] {strides = array<i32>} : memref<128x80xf32, #tpu.memory_space<vmem>>, vector<16xf32>,
        %mul3A_1067 = vector.broadcast %squeeze3A_1035 : f32 to vector<16xf32>
        %mul3A_1068 = arith.mulf %get3A_1066, %mul3A_1067 : vector<16xf32>
        %swap3A_1069 = arith.index_cast %add3A_1039 : i32 to index
        %swap3A_1070 = arith.constant 48 : index
        %swap3A_1071 = tpu.vector_load %arg13[%swap3A_1069, %swap3A_1070] {strides = array<i32>} : memref<128x80xf32, #tpu.memory_space<vmem>>, vector<16xf32>,
        tpu.vector_store %arg13[%swap3A_1069, %swap3A_1070], %mul3A_1068 {strides = array<i32>} : memref<128x80xf32, #tpu.memory_space<vmem>>, vector<16xf32>,
        %get3A_1072 = arith.index_cast %add3A_1039 : i32 to index
        %get3A_1073 = arith.constant 64 : index
        %get3A_1074 = tpu.vector_load %arg13[%get3A_1072, %get3A_1073] {strides = array<i32>} : memref<128x80xf32, #tpu.memory_space<vmem>>, vector<16xf32>,
        %mul3A_1075 = vector.broadcast %squeeze3A_1035 : f32 to vector<16xf32>
        %mul3A_1076 = arith.mulf %get3A_1074, %mul3A_1075 : vector<16xf32>
        %swap3A_1077 = arith.index_cast %add3A_1039 : i32 to index
        %swap3A_1078 = arith.constant 64 : index
        %swap3A_1079 = tpu.vector_load %arg13[%swap3A_1077, %swap3A_1078] {strides = array<i32>} : memref<128x80xf32, #tpu.memory_space<vmem>>, vector<16xf32>,
        tpu.vector_store %arg13[%swap3A_1077, %swap3A_1078], %mul3A_1076 {strides = array<i32>} : memref<128x80xf32, #tpu.memory_space<vmem>>, vector<16xf32>,
        %slice3A_1080 = vector.extract_strided_slice %exp3A {offsets = [7], sizes = [1], strides = [1]} : vector<16xf32> to vector<1xf32>
        %squeeze3A_1081 = vector.extract %slice3A_1080[0] : f32 from vector<1xf32>
        %mul3A_1082 = arith.constant 16 : i32
        %mul3A_1083 = arith.muli %scan3A_667, %mul3A_1082 : i32
        %add3A_1084 = arith.constant 7 : i32
        %add3A_1085 = arith.addi %mul3A_1083, %add3A_1084 : i32
        %get3A_1086 = arith.index_cast %add3A_1085 : i32 to index
        %get3A_1087 = arith.constant 0 : index
        %get3A_1088 = tpu.vector_load %arg13[%get3A_1086, %get3A_1087] {strides = array<i32>} : memref<128x80xf32, #tpu.memory_space<vmem>>, vector<16xf32>,
        %mul3A_1089 = vector.broadcast %squeeze3A_1081 : f32 to vector<16xf32>
        %mul3A_1090 = arith.mulf %get3A_1088, %mul3A_1089 : vector<16xf32>
        %swap3A_1091 = arith.index_cast %add3A_1085 : i32 to index
        %swap3A_1092 = arith.constant 0 : index
        %swap3A_1093 = tpu.vector_load %arg13[%swap3A_1091, %swap3A_1092] {strides = array<i32>} : memref<128x80xf32, #tpu.memory_space<vmem>>, vector<16xf32>,
        tpu.vector_store %arg13[%swap3A_1091, %swap3A_1092], %mul3A_1090 {strides = array<i32>} : memref<128x80xf32, #tpu.memory_space<vmem>>, vector<16xf32>,
        %get3A_1094 = arith.index_cast %add3A_1085 : i32 to index
        %get3A_1095 = arith.constant 16 : index
        %get3A_1096 = tpu.vector_load %arg13[%get3A_1094, %get3A_1095] {strides = array<i32>} : memref<128x80xf32, #tpu.memory_space<vmem>>, vector<16xf32>,
        %mul3A_1097 = vector.broadcast %squeeze3A_1081 : f32 to vector<16xf32>
        %mul3A_1098 = arith.mulf %get3A_1096, %mul3A_1097 : vector<16xf32>
        %swap3A_1099 = arith.index_cast %add3A_1085 : i32 to index
        %swap3A_1100 = arith.constant 16 : index
        %swap3A_1101 = tpu.vector_load %arg13[%swap3A_1099, %swap3A_1100] {strides = array<i32>} : memref<128x80xf32, #tpu.memory_space<vmem>>, vector<16xf32>,
        tpu.vector_store %arg13[%swap3A_1099, %swap3A_1100], %mul3A_1098 {strides = array<i32>} : memref<128x80xf32, #tpu.memory_space<vmem>>, vector<16xf32>,
        %get3A_1102 = arith.index_cast %add3A_1085 : i32 to index
        %get3A_1103 = arith.constant 32 : index
        %get3A_1104 = tpu.vector_load %arg13[%get3A_1102, %get3A_1103] {strides = array<i32>} : memref<128x80xf32, #tpu.memory_space<vmem>>, vector<16xf32>,
        %mul3A_1105 = vector.broadcast %squeeze3A_1081 : f32 to vector<16xf32>
        %mul3A_1106 = arith.mulf %get3A_1104, %mul3A_1105 : vector<16xf32>
        %swap3A_1107 = arith.index_cast %add3A_1085 : i32 to index
        %swap3A_1108 = arith.constant 32 : index
        %swap3A_1109 = tpu.vector_load %arg13[%swap3A_1107, %swap3A_1108] {strides = array<i32>} : memref<128x80xf32, #tpu.memory_space<vmem>>, vector<16xf32>,
        tpu.vector_store %arg13[%swap3A_1107, %swap3A_1108], %mul3A_1106 {strides = array<i32>} : memref<128x80xf32, #tpu.memory_space<vmem>>, vector<16xf32>,
        %get3A_1110 = arith.index_cast %add3A_1085 : i32 to index
        %get3A_1111 = arith.constant 48 : index
        %get3A_1112 = tpu.vector_load %arg13[%get3A_1110, %get3A_1111] {strides = array<i32>} : memref<128x80xf32, #tpu.memory_space<vmem>>, vector<16xf32>,
        %mul3A_1113 = vector.broadcast %squeeze3A_1081 : f32 to vector<16xf32>
        %mul3A_1114 = arith.mulf %get3A_1112, %mul3A_1113 : vector<16xf32>
        %swap3A_1115 = arith.index_cast %add3A_1085 : i32 to index
        %swap3A_1116 = arith.constant 48 : index
        %swap3A_1117 = tpu.vector_load %arg13[%swap3A_1115, %swap3A_1116] {strides = array<i32>} : memref<128x80xf32, #tpu.memory_space<vmem>>, vector<16xf32>,
        tpu.vector_store %arg13[%swap3A_1115, %swap3A_1116], %mul3A_1114 {strides = array<i32>} : memref<128x80xf32, #tpu.memory_space<vmem>>, vector<16xf32>,
        %get3A_1118 = arith.index_cast %add3A_1085 : i32 to index
        %get3A_1119 = arith.constant 64 : index
        %get3A_1120 = tpu.vector_load %arg13[%get3A_1118, %get3A_1119] {strides = array<i32>} : memref<128x80xf32, #tpu.memory_space<vmem>>, vector<16xf32>,
        %mul3A_1121 = vector.broadcast %squeeze3A_1081 : f32 to vector<16xf32>
        %mul3A_1122 = arith.mulf %get3A_1120, %mul3A_1121 : vector<16xf32>
        %swap3A_1123 = arith.index_cast %add3A_1085 : i32 to index
        %swap3A_1124 = arith.constant 64 : index
        %swap3A_1125 = tpu.vector_load %arg13[%swap3A_1123, %swap3A_1124] {strides = array<i32>} : memref<128x80xf32, #tpu.memory_space<vmem>>, vector<16xf32>,
        tpu.vector_store %arg13[%swap3A_1123, %swap3A_1124], %mul3A_1122 {strides = array<i32>} : memref<128x80xf32, #tpu.memory_space<vmem>>, vector<16xf32>,
        %slice3A_1126 = vector.extract_strided_slice %exp3A {offsets = [8], sizes = [1], strides = [1]} : vector<16xf32> to vector<1xf32>
        %squeeze3A_1127 = vector.extract %slice3A_1126[0] : f32 from vector<1xf32>
        %mul3A_1128 = arith.constant 16 : i32
        %mul3A_1129 = arith.muli %scan3A_667, %mul3A_1128 : i32
        %add3A_1130 = arith.constant 8 : i32
        %add3A_1131 = arith.addi %mul3A_1129, %add3A_1130 : i32
        %get3A_1132 = arith.index_cast %add3A_1131 : i32 to index
        %get3A_1133 = arith.constant 0 : index
        %get3A_1134 = tpu.vector_load %arg13[%get3A_1132, %get3A_1133] {strides = array<i32>} : memref<128x80xf32, #tpu.memory_space<vmem>>, vector<16xf32>,
        %mul3A_1135 = vector.broadcast %squeeze3A_1127 : f32 to vector<16xf32>
        %mul3A_1136 = arith.mulf %get3A_1134, %mul3A_1135 : vector<16xf32>
        %swap3A_1137 = arith.index_cast %add3A_1131 : i32 to index
        %swap3A_1138 = arith.constant 0 : index
        %swap3A_1139 = tpu.vector_load %arg13[%swap3A_1137, %swap3A_1138] {strides = array<i32>} : memref<128x80xf32, #tpu.memory_space<vmem>>, vector<16xf32>,
        tpu.vector_store %arg13[%swap3A_1137, %swap3A_1138], %mul3A_1136 {strides = array<i32>} : memref<128x80xf32, #tpu.memory_space<vmem>>, vector<16xf32>,
        %get3A_1140 = arith.index_cast %add3A_1131 : i32 to index
        %get3A_1141 = arith.constant 16 : index
        %get3A_1142 = tpu.vector_load %arg13[%get3A_1140, %get3A_1141] {strides = array<i32>} : memref<128x80xf32, #tpu.memory_space<vmem>>, vector<16xf32>,
        %mul3A_1143 = vector.broadcast %squeeze3A_1127 : f32 to vector<16xf32>
        %mul3A_1144 = arith.mulf %get3A_1142, %mul3A_1143 : vector<16xf32>
        %swap3A_1145 = arith.index_cast %add3A_1131 : i32 to index
        %swap3A_1146 = arith.constant 16 : index
        %swap3A_1147 = tpu.vector_load %arg13[%swap3A_1145, %swap3A_1146] {strides = array<i32>} : memref<128x80xf32, #tpu.memory_space<vmem>>, vector<16xf32>,
        tpu.vector_store %arg13[%swap3A_1145, %swap3A_1146], %mul3A_1144 {strides = array<i32>} : memref<128x80xf32, #tpu.memory_space<vmem>>, vector<16xf32>,
        %get3A_1148 = arith.index_cast %add3A_1131 : i32 to index
        %get3A_1149 = arith.constant 32 : index
        %get3A_1150 = tpu.vector_load %arg13[%get3A_1148, %get3A_1149] {strides = array<i32>} : memref<128x80xf32, #tpu.memory_space<vmem>>, vector<16xf32>,
        %mul3A_1151 = vector.broadcast %squeeze3A_1127 : f32 to vector<16xf32>
        %mul3A_1152 = arith.mulf %get3A_1150, %mul3A_1151 : vector<16xf32>
        %swap3A_1153 = arith.index_cast %add3A_1131 : i32 to index
        %swap3A_1154 = arith.constant 32 : index
        %swap3A_1155 = tpu.vector_load %arg13[%swap3A_1153, %swap3A_1154] {strides = array<i32>} : memref<128x80xf32, #tpu.memory_space<vmem>>, vector<16xf32>,
        tpu.vector_store %arg13[%swap3A_1153, %swap3A_1154], %mul3A_1152 {strides = array<i32>} : memref<128x80xf32, #tpu.memory_space<vmem>>, vector<16xf32>,
        %get3A_1156 = arith.index_cast %add3A_1131 : i32 to index
        %get3A_1157 = arith.constant 48 : index
        %get3A_1158 = tpu.vector_load %arg13[%get3A_1156, %get3A_1157] {strides = array<i32>} : memref<128x80xf32, #tpu.memory_space<vmem>>, vector<16xf32>,
        %mul3A_1159 = vector.broadcast %squeeze3A_1127 : f32 to vector<16xf32>
        %mul3A_1160 = arith.mulf %get3A_1158, %mul3A_1159 : vector<16xf32>
        %swap3A_1161 = arith.index_cast %add3A_1131 : i32 to index
        %swap3A_1162 = arith.constant 48 : index
        %swap3A_1163 = tpu.vector_load %arg13[%swap3A_1161, %swap3A_1162] {strides = array<i32>} : memref<128x80xf32, #tpu.memory_space<vmem>>, vector<16xf32>,
        tpu.vector_store %arg13[%swap3A_1161, %swap3A_1162], %mul3A_1160 {strides = array<i32>} : memref<128x80xf32, #tpu.memory_space<vmem>>, vector<16xf32>,
        %get3A_1164 = arith.index_cast %add3A_1131 : i32 to index
        %get3A_1165 = arith.constant 64 : index
        %get3A_1166 = tpu.vector_load %arg13[%get3A_1164, %get3A_1165] {strides = array<i32>} : memref<128x80xf32, #tpu.memory_space<vmem>>, vector<16xf32>,
        %mul3A_1167 = vector.broadcast %squeeze3A_1127 : f32 to vector<16xf32>
        %mul3A_1168 = arith.mulf %get3A_1166, %mul3A_1167 : vector<16xf32>
        %swap3A_1169 = arith.index_cast %add3A_1131 : i32 to index
        %swap3A_1170 = arith.constant 64 : index
        %swap3A_1171 = tpu.vector_load %arg13[%swap3A_1169, %swap3A_1170] {strides = array<i32>} : memref<128x80xf32, #tpu.memory_space<vmem>>, vector<16xf32>,
        tpu.vector_store %arg13[%swap3A_1169, %swap3A_1170], %mul3A_1168 {strides = array<i32>} : memref<128x80xf32, #tpu.memory_space<vmem>>, vector<16xf32>,
        %slice3A_1172 = vector.extract_strided_slice %exp3A {offsets = [9], sizes = [1], strides = [1]} : vector<16xf32> to vector<1xf32>
        %squeeze3A_1173 = vector.extract %slice3A_1172[0] : f32 from vector<1xf32>
        %mul3A_1174 = arith.constant 16 : i32
        %mul3A_1175 = arith.muli %scan3A_667, %mul3A_1174 : i32
        %add3A_1176 = arith.constant 9 : i32
        %add3A_1177 = arith.addi %mul3A_1175, %add3A_1176 : i32
        %get3A_1178 = arith.index_cast %add3A_1177 : i32 to index
        %get3A_1179 = arith.constant 0 : index
        %get3A_1180 = tpu.vector_load %arg13[%get3A_1178, %get3A_1179] {strides = array<i32>} : memref<128x80xf32, #tpu.memory_space<vmem>>, vector<16xf32>,
        %mul3A_1181 = vector.broadcast %squeeze3A_1173 : f32 to vector<16xf32>
        %mul3A_1182 = arith.mulf %get3A_1180, %mul3A_1181 : vector<16xf32>
        %swap3A_1183 = arith.index_cast %add3A_1177 : i32 to index
        %swap3A_1184 = arith.constant 0 : index
        %swap3A_1185 = tpu.vector_load %arg13[%swap3A_1183, %swap3A_1184] {strides = array<i32>} : memref<128x80xf32, #tpu.memory_space<vmem>>, vector<16xf32>,
        tpu.vector_store %arg13[%swap3A_1183, %swap3A_1184], %mul3A_1182 {strides = array<i32>} : memref<128x80xf32, #tpu.memory_space<vmem>>, vector<16xf32>,
        %get3A_1186 = arith.index_cast %add3A_1177 : i32 to index
        %get3A_1187 = arith.constant 16 : index
        %get3A_1188 = tpu.vector_load %arg13[%get3A_1186, %get3A_1187] {strides = array<i32>} : memref<128x80xf32, #tpu.memory_space<vmem>>, vector<16xf32>,
        %mul3A_1189 = vector.broadcast %squeeze3A_1173 : f32 to vector<16xf32>
        %mul3A_1190 = arith.mulf %get3A_1188, %mul3A_1189 : vector<16xf32>
        %swap3A_1191 = arith.index_cast %add3A_1177 : i32 to index
        %swap3A_1192 = arith.constant 16 : index
        %swap3A_1193 = tpu.vector_load %arg13[%swap3A_1191, %swap3A_1192] {strides = array<i32>} : memref<128x80xf32, #tpu.memory_space<vmem>>, vector<16xf32>,
        tpu.vector_store %arg13[%swap3A_1191, %swap3A_1192], %mul3A_1190 {strides = array<i32>} : memref<128x80xf32, #tpu.memory_space<vmem>>, vector<16xf32>,
        %get3A_1194 = arith.index_cast %add3A_1177 : i32 to index
        %get3A_1195 = arith.constant 32 : index
        %get3A_1196 = tpu.vector_load %arg13[%get3A_1194, %get3A_1195] {strides = array<i32>} : memref<128x80xf32, #tpu.memory_space<vmem>>, vector<16xf32>,
        %mul3A_1197 = vector.broadcast %squeeze3A_1173 : f32 to vector<16xf32>
        %mul3A_1198 = arith.mulf %get3A_1196, %mul3A_1197 : vector<16xf32>
        %swap3A_1199 = arith.index_cast %add3A_1177 : i32 to index
        %swap3A_1200 = arith.constant 32 : index
        %swap3A_1201 = tpu.vector_load %arg13[%swap3A_1199, %swap3A_1200] {strides = array<i32>} : memref<128x80xf32, #tpu.memory_space<vmem>>, vector<16xf32>,
        tpu.vector_store %arg13[%swap3A_1199, %swap3A_1200], %mul3A_1198 {strides = array<i32>} : memref<128x80xf32, #tpu.memory_space<vmem>>, vector<16xf32>,
        %get3A_1202 = arith.index_cast %add3A_1177 : i32 to index
        %get3A_1203 = arith.constant 48 : index
        %get3A_1204 = tpu.vector_load %arg13[%get3A_1202, %get3A_1203] {strides = array<i32>} : memref<128x80xf32, #tpu.memory_space<vmem>>, vector<16xf32>,
        %mul3A_1205 = vector.broadcast %squeeze3A_1173 : f32 to vector<16xf32>
        %mul3A_1206 = arith.mulf %get3A_1204, %mul3A_1205 : vector<16xf32>
        %swap3A_1207 = arith.index_cast %add3A_1177 : i32 to index
        %swap3A_1208 = arith.constant 48 : index
        %swap3A_1209 = tpu.vector_load %arg13[%swap3A_1207, %swap3A_1208] {strides = array<i32>} : memref<128x80xf32, #tpu.memory_space<vmem>>, vector<16xf32>,
        tpu.vector_store %arg13[%swap3A_1207, %swap3A_1208], %mul3A_1206 {strides = array<i32>} : memref<128x80xf32, #tpu.memory_space<vmem>>, vector<16xf32>,
        %get3A_1210 = arith.index_cast %add3A_1177 : i32 to index
        %get3A_1211 = arith.constant 64 : index
        %get3A_1212 = tpu.vector_load %arg13[%get3A_1210, %get3A_1211] {strides = array<i32>} : memref<128x80xf32, #tpu.memory_space<vmem>>, vector<16xf32>,
        %mul3A_1213 = vector.broadcast %squeeze3A_1173 : f32 to vector<16xf32>
        %mul3A_1214 = arith.mulf %get3A_1212, %mul3A_1213 : vector<16xf32>
        %swap3A_1215 = arith.index_cast %add3A_1177 : i32 to index
        %swap3A_1216 = arith.constant 64 : index
        %swap3A_1217 = tpu.vector_load %arg13[%swap3A_1215, %swap3A_1216] {strides = array<i32>} : memref<128x80xf32, #tpu.memory_space<vmem>>, vector<16xf32>,
        tpu.vector_store %arg13[%swap3A_1215, %swap3A_1216], %mul3A_1214 {strides = array<i32>} : memref<128x80xf32, #tpu.memory_space<vmem>>, vector<16xf32>,
        %slice3A_1218 = vector.extract_strided_slice %exp3A {offsets = [10], sizes = [1], strides = [1]} : vector<16xf32> to vector<1xf32>
        %squeeze3A_1219 = vector.extract %slice3A_1218[0] : f32 from vector<1xf32>
        %mul3A_1220 = arith.constant 16 : i32
        %mul3A_1221 = arith.muli %scan3A_667, %mul3A_1220 : i32
        %add3A_1222 = arith.constant 10 : i32
        %add3A_1223 = arith.addi %mul3A_1221, %add3A_1222 : i32
        %get3A_1224 = arith.index_cast %add3A_1223 : i32 to index
        %get3A_1225 = arith.constant 0 : index
        %get3A_1226 = tpu.vector_load %arg13[%get3A_1224, %get3A_1225] {strides = array<i32>} : memref<128x80xf32, #tpu.memory_space<vmem>>, vector<16xf32>,
        %mul3A_1227 = vector.broadcast %squeeze3A_1219 : f32 to vector<16xf32>
        %mul3A_1228 = arith.mulf %get3A_1226, %mul3A_1227 : vector<16xf32>
        %swap3A_1229 = arith.index_cast %add3A_1223 : i32 to index
        %swap3A_1230 = arith.constant 0 : index
        %swap3A_1231 = tpu.vector_load %arg13[%swap3A_1229, %swap3A_1230] {strides = array<i32>} : memref<128x80xf32, #tpu.memory_space<vmem>>, vector<16xf32>,
        tpu.vector_store %arg13[%swap3A_1229, %swap3A_1230], %mul3A_1228 {strides = array<i32>} : memref<128x80xf32, #tpu.memory_space<vmem>>, vector<16xf32>,
        %get3A_1232 = arith.index_cast %add3A_1223 : i32 to index
        %get3A_1233 = arith.constant 16 : index
        %get3A_1234 = tpu.vector_load %arg13[%get3A_1232, %get3A_1233] {strides = array<i32>} : memref<128x80xf32, #tpu.memory_space<vmem>>, vector<16xf32>,
        %mul3A_1235 = vector.broadcast %squeeze3A_1219 : f32 to vector<16xf32>
        %mul3A_1236 = arith.mulf %get3A_1234, %mul3A_1235 : vector<16xf32>
        %swap3A_1237 = arith.index_cast %add3A_1223 : i32 to index
        %swap3A_1238 = arith.constant 16 : index
        %swap3A_1239 = tpu.vector_load %arg13[%swap3A_1237, %swap3A_1238] {strides = array<i32>} : memref<128x80xf32, #tpu.memory_space<vmem>>, vector<16xf32>,
        tpu.vector_store %arg13[%swap3A_1237, %swap3A_1238], %mul3A_1236 {strides = array<i32>} : memref<128x80xf32, #tpu.memory_space<vmem>>, vector<16xf32>,
        %get3A_1240 = arith.index_cast %add3A_1223 : i32 to index
        %get3A_1241 = arith.constant 32 : index
        %get3A_1242 = tpu.vector_load %arg13[%get3A_1240, %get3A_1241] {strides = array<i32>} : memref<128x80xf32, #tpu.memory_space<vmem>>, vector<16xf32>,
        %mul3A_1243 = vector.broadcast %squeeze3A_1219 : f32 to vector<16xf32>
        %mul3A_1244 = arith.mulf %get3A_1242, %mul3A_1243 : vector<16xf32>
        %swap3A_1245 = arith.index_cast %add3A_1223 : i32 to index
        %swap3A_1246 = arith.constant 32 : index
        %swap3A_1247 = tpu.vector_load %arg13[%swap3A_1245, %swap3A_1246] {strides = array<i32>} : memref<128x80xf32, #tpu.memory_space<vmem>>, vector<16xf32>,
        tpu.vector_store %arg13[%swap3A_1245, %swap3A_1246], %mul3A_1244 {strides = array<i32>} : memref<128x80xf32, #tpu.memory_space<vmem>>, vector<16xf32>,
        %get3A_1248 = arith.index_cast %add3A_1223 : i32 to index
        %get3A_1249 = arith.constant 48 : index
        %get3A_1250 = tpu.vector_load %arg13[%get3A_1248, %get3A_1249] {strides = array<i32>} : memref<128x80xf32, #tpu.memory_space<vmem>>, vector<16xf32>,
        %mul3A_1251 = vector.broadcast %squeeze3A_1219 : f32 to vector<16xf32>
        %mul3A_1252 = arith.mulf %get3A_1250, %mul3A_1251 : vector<16xf32>
        %swap3A_1253 = arith.index_cast %add3A_1223 : i32 to index
        %swap3A_1254 = arith.constant 48 : index
        %swap3A_1255 = tpu.vector_load %arg13[%swap3A_1253, %swap3A_1254] {strides = array<i32>} : memref<128x80xf32, #tpu.memory_space<vmem>>, vector<16xf32>,
        tpu.vector_store %arg13[%swap3A_1253, %swap3A_1254], %mul3A_1252 {strides = array<i32>} : memref<128x80xf32, #tpu.memory_space<vmem>>, vector<16xf32>,
        %get3A_1256 = arith.index_cast %add3A_1223 : i32 to index
        %get3A_1257 = arith.constant 64 : index
        %get3A_1258 = tpu.vector_load %arg13[%get3A_1256, %get3A_1257] {strides = array<i32>} : memref<128x80xf32, #tpu.memory_space<vmem>>, vector<16xf32>,
        %mul3A_1259 = vector.broadcast %squeeze3A_1219 : f32 to vector<16xf32>
        %mul3A_1260 = arith.mulf %get3A_1258, %mul3A_1259 : vector<16xf32>
        %swap3A_1261 = arith.index_cast %add3A_1223 : i32 to index
        %swap3A_1262 = arith.constant 64 : index
        %swap3A_1263 = tpu.vector_load %arg13[%swap3A_1261, %swap3A_1262] {strides = array<i32>} : memref<128x80xf32, #tpu.memory_space<vmem>>, vector<16xf32>,
        tpu.vector_store %arg13[%swap3A_1261, %swap3A_1262], %mul3A_1260 {strides = array<i32>} : memref<128x80xf32, #tpu.memory_space<vmem>>, vector<16xf32>,
        %slice3A_1264 = vector.extract_strided_slice %exp3A {offsets = [11], sizes = [1], strides = [1]} : vector<16xf32> to vector<1xf32>
        %squeeze3A_1265 = vector.extract %slice3A_1264[0] : f32 from vector<1xf32>
        %mul3A_1266 = arith.constant 16 : i32
        %mul3A_1267 = arith.muli %scan3A_667, %mul3A_1266 : i32
        %add3A_1268 = arith.constant 11 : i32
        %add3A_1269 = arith.addi %mul3A_1267, %add3A_1268 : i32
        %get3A_1270 = arith.index_cast %add3A_1269 : i32 to index
        %get3A_1271 = arith.constant 0 : index
        %get3A_1272 = tpu.vector_load %arg13[%get3A_1270, %get3A_1271] {strides = array<i32>} : memref<128x80xf32, #tpu.memory_space<vmem>>, vector<16xf32>,
        %mul3A_1273 = vector.broadcast %squeeze3A_1265 : f32 to vector<16xf32>
        %mul3A_1274 = arith.mulf %get3A_1272, %mul3A_1273 : vector<16xf32>
        %swap3A_1275 = arith.index_cast %add3A_1269 : i32 to index
        %swap3A_1276 = arith.constant 0 : index
        %swap3A_1277 = tpu.vector_load %arg13[%swap3A_1275, %swap3A_1276] {strides = array<i32>} : memref<128x80xf32, #tpu.memory_space<vmem>>, vector<16xf32>,
        tpu.vector_store %arg13[%swap3A_1275, %swap3A_1276], %mul3A_1274 {strides = array<i32>} : memref<128x80xf32, #tpu.memory_space<vmem>>, vector<16xf32>,
        %get3A_1278 = arith.index_cast %add3A_1269 : i32 to index
        %get3A_1279 = arith.constant 16 : index
        %get3A_1280 = tpu.vector_load %arg13[%get3A_1278, %get3A_1279] {strides = array<i32>} : memref<128x80xf32, #tpu.memory_space<vmem>>, vector<16xf32>,
        %mul3A_1281 = vector.broadcast %squeeze3A_1265 : f32 to vector<16xf32>
        %mul3A_1282 = arith.mulf %get3A_1280, %mul3A_1281 : vector<16xf32>
        %swap3A_1283 = arith.index_cast %add3A_1269 : i32 to index
        %swap3A_1284 = arith.constant 16 : index
        %swap3A_1285 = tpu.vector_load %arg13[%swap3A_1283, %swap3A_1284] {strides = array<i32>} : memref<128x80xf32, #tpu.memory_space<vmem>>, vector<16xf32>,
        tpu.vector_store %arg13[%swap3A_1283, %swap3A_1284], %mul3A_1282 {strides = array<i32>} : memref<128x80xf32, #tpu.memory_space<vmem>>, vector<16xf32>,
        %get3A_1286 = arith.index_cast %add3A_1269 : i32 to index
        %get3A_1287 = arith.constant 32 : index
        %get3A_1288 = tpu.vector_load %arg13[%get3A_1286, %get3A_1287] {strides = array<i32>} : memref<128x80xf32, #tpu.memory_space<vmem>>, vector<16xf32>,
        %mul3A_1289 = vector.broadcast %squeeze3A_1265 : f32 to vector<16xf32>
        %mul3A_1290 = arith.mulf %get3A_1288, %mul3A_1289 : vector<16xf32>
        %swap3A_1291 = arith.index_cast %add3A_1269 : i32 to index
        %swap3A_1292 = arith.constant 32 : index
        %swap3A_1293 = tpu.vector_load %arg13[%swap3A_1291, %swap3A_1292] {strides = array<i32>} : memref<128x80xf32, #tpu.memory_space<vmem>>, vector<16xf32>,
        tpu.vector_store %arg13[%swap3A_1291, %swap3A_1292], %mul3A_1290 {strides = array<i32>} : memref<128x80xf32, #tpu.memory_space<vmem>>, vector<16xf32>,
        %get3A_1294 = arith.index_cast %add3A_1269 : i32 to index
        %get3A_1295 = arith.constant 48 : index
        %get3A_1296 = tpu.vector_load %arg13[%get3A_1294, %get3A_1295] {strides = array<i32>} : memref<128x80xf32, #tpu.memory_space<vmem>>, vector<16xf32>,
        %mul3A_1297 = vector.broadcast %squeeze3A_1265 : f32 to vector<16xf32>
        %mul3A_1298 = arith.mulf %get3A_1296, %mul3A_1297 : vector<16xf32>
        %swap3A_1299 = arith.index_cast %add3A_1269 : i32 to index
        %swap3A_1300 = arith.constant 48 : index
        %swap3A_1301 = tpu.vector_load %arg13[%swap3A_1299, %swap3A_1300] {strides = array<i32>} : memref<128x80xf32, #tpu.memory_space<vmem>>, vector<16xf32>,
        tpu.vector_store %arg13[%swap3A_1299, %swap3A_1300], %mul3A_1298 {strides = array<i32>} : memref<128x80xf32, #tpu.memory_space<vmem>>, vector<16xf32>,
        %get3A_1302 = arith.index_cast %add3A_1269 : i32 to index
        %get3A_1303 = arith.constant 64 : index
        %get3A_1304 = tpu.vector_load %arg13[%get3A_1302, %get3A_1303] {strides = array<i32>} : memref<128x80xf32, #tpu.memory_space<vmem>>, vector<16xf32>,
        %mul3A_1305 = vector.broadcast %squeeze3A_1265 : f32 to vector<16xf32>
        %mul3A_1306 = arith.mulf %get3A_1304, %mul3A_1305 : vector<16xf32>
        %swap3A_1307 = arith.index_cast %add3A_1269 : i32 to index
        %swap3A_1308 = arith.constant 64 : index
        %swap3A_1309 = tpu.vector_load %arg13[%swap3A_1307, %swap3A_1308] {strides = array<i32>} : memref<128x80xf32, #tpu.memory_space<vmem>>, vector<16xf32>,
        tpu.vector_store %arg13[%swap3A_1307, %swap3A_1308], %mul3A_1306 {strides = array<i32>} : memref<128x80xf32, #tpu.memory_space<vmem>>, vector<16xf32>,
        %slice3A_1310 = vector.extract_strided_slice %exp3A {offsets = [12], sizes = [1], strides = [1]} : vector<16xf32> to vector<1xf32>
        %squeeze3A_1311 = vector.extract %slice3A_1310[0] : f32 from vector<1xf32>
        %mul3A_1312 = arith.constant 16 : i32
        %mul3A_1313 = arith.muli %scan3A_667, %mul3A_1312 : i32
        %add3A_1314 = arith.constant 12 : i32
        %add3A_1315 = arith.addi %mul3A_1313, %add3A_1314 : i32
        %get3A_1316 = arith.index_cast %add3A_1315 : i32 to index
        %get3A_1317 = arith.constant 0 : index
        %get3A_1318 = tpu.vector_load %arg13[%get3A_1316, %get3A_1317] {strides = array<i32>} : memref<128x80xf32, #tpu.memory_space<vmem>>, vector<16xf32>,
        %mul3A_1319 = vector.broadcast %squeeze3A_1311 : f32 to vector<16xf32>
        %mul3A_1320 = arith.mulf %get3A_1318, %mul3A_1319 : vector<16xf32>
        %swap3A_1321 = arith.index_cast %add3A_1315 : i32 to index
        %swap3A_1322 = arith.constant 0 : index
        %swap3A_1323 = tpu.vector_load %arg13[%swap3A_1321, %swap3A_1322] {strides = array<i32>} : memref<128x80xf32, #tpu.memory_space<vmem>>, vector<16xf32>,
        tpu.vector_store %arg13[%swap3A_1321, %swap3A_1322], %mul3A_1320 {strides = array<i32>} : memref<128x80xf32, #tpu.memory_space<vmem>>, vector<16xf32>,
        %get3A_1324 = arith.index_cast %add3A_1315 : i32 to index
        %get3A_1325 = arith.constant 16 : index
        %get3A_1326 = tpu.vector_load %arg13[%get3A_1324, %get3A_1325] {strides = array<i32>} : memref<128x80xf32, #tpu.memory_space<vmem>>, vector<16xf32>,
        %mul3A_1327 = vector.broadcast %squeeze3A_1311 : f32 to vector<16xf32>
        %mul3A_1328 = arith.mulf %get3A_1326, %mul3A_1327 : vector<16xf32>
        %swap3A_1329 = arith.index_cast %add3A_1315 : i32 to index
        %swap3A_1330 = arith.constant 16 : index
        %swap3A_1331 = tpu.vector_load %arg13[%swap3A_1329, %swap3A_1330] {strides = array<i32>} : memref<128x80xf32, #tpu.memory_space<vmem>>, vector<16xf32>,
        tpu.vector_store %arg13[%swap3A_1329, %swap3A_1330], %mul3A_1328 {strides = array<i32>} : memref<128x80xf32, #tpu.memory_space<vmem>>, vector<16xf32>,
        %get3A_1332 = arith.index_cast %add3A_1315 : i32 to index
        %get3A_1333 = arith.constant 32 : index
        %get3A_1334 = tpu.vector_load %arg13[%get3A_1332, %get3A_1333] {strides = array<i32>} : memref<128x80xf32, #tpu.memory_space<vmem>>, vector<16xf32>,
        %mul3A_1335 = vector.broadcast %squeeze3A_1311 : f32 to vector<16xf32>
        %mul3A_1336 = arith.mulf %get3A_1334, %mul3A_1335 : vector<16xf32>
        %swap3A_1337 = arith.index_cast %add3A_1315 : i32 to index
        %swap3A_1338 = arith.constant 32 : index
        %swap3A_1339 = tpu.vector_load %arg13[%swap3A_1337, %swap3A_1338] {strides = array<i32>} : memref<128x80xf32, #tpu.memory_space<vmem>>, vector<16xf32>,
        tpu.vector_store %arg13[%swap3A_1337, %swap3A_1338], %mul3A_1336 {strides = array<i32>} : memref<128x80xf32, #tpu.memory_space<vmem>>, vector<16xf32>,
        %get3A_1340 = arith.index_cast %add3A_1315 : i32 to index
        %get3A_1341 = arith.constant 48 : index
        %get3A_1342 = tpu.vector_load %arg13[%get3A_1340, %get3A_1341] {strides = array<i32>} : memref<128x80xf32, #tpu.memory_space<vmem>>, vector<16xf32>,
        %mul3A_1343 = vector.broadcast %squeeze3A_1311 : f32 to vector<16xf32>
        %mul3A_1344 = arith.mulf %get3A_1342, %mul3A_1343 : vector<16xf32>
        %swap3A_1345 = arith.index_cast %add3A_1315 : i32 to index
        %swap3A_1346 = arith.constant 48 : index
        %swap3A_1347 = tpu.vector_load %arg13[%swap3A_1345, %swap3A_1346] {strides = array<i32>} : memref<128x80xf32, #tpu.memory_space<vmem>>, vector<16xf32>,
        tpu.vector_store %arg13[%swap3A_1345, %swap3A_1346], %mul3A_1344 {strides = array<i32>} : memref<128x80xf32, #tpu.memory_space<vmem>>, vector<16xf32>,
        %get3A_1348 = arith.index_cast %add3A_1315 : i32 to index
        %get3A_1349 = arith.constant 64 : index
        %get3A_1350 = tpu.vector_load %arg13[%get3A_1348, %get3A_1349] {strides = array<i32>} : memref<128x80xf32, #tpu.memory_space<vmem>>, vector<16xf32>,
        %mul3A_1351 = vector.broadcast %squeeze3A_1311 : f32 to vector<16xf32>
        %mul3A_1352 = arith.mulf %get3A_1350, %mul3A_1351 : vector<16xf32>
        %swap3A_1353 = arith.index_cast %add3A_1315 : i32 to index
        %swap3A_1354 = arith.constant 64 : index
        %swap3A_1355 = tpu.vector_load %arg13[%swap3A_1353, %swap3A_1354] {strides = array<i32>} : memref<128x80xf32, #tpu.memory_space<vmem>>, vector<16xf32>,
        tpu.vector_store %arg13[%swap3A_1353, %swap3A_1354], %mul3A_1352 {strides = array<i32>} : memref<128x80xf32, #tpu.memory_space<vmem>>, vector<16xf32>,
        %slice3A_1356 = vector.extract_strided_slice %exp3A {offsets = [13], sizes = [1], strides = [1]} : vector<16xf32> to vector<1xf32>
        %squeeze3A_1357 = vector.extract %slice3A_1356[0] : f32 from vector<1xf32>
        %mul3A_1358 = arith.constant 16 : i32
        %mul3A_1359 = arith.muli %scan3A_667, %mul3A_1358 : i32
        %add3A_1360 = arith.constant 13 : i32
        %add3A_1361 = arith.addi %mul3A_1359, %add3A_1360 : i32
        %get3A_1362 = arith.index_cast %add3A_1361 : i32 to index
        %get3A_1363 = arith.constant 0 : index
        %get3A_1364 = tpu.vector_load %arg13[%get3A_1362, %get3A_1363] {strides = array<i32>} : memref<128x80xf32, #tpu.memory_space<vmem>>, vector<16xf32>,
        %mul3A_1365 = vector.broadcast %squeeze3A_1357 : f32 to vector<16xf32>
        %mul3A_1366 = arith.mulf %get3A_1364, %mul3A_1365 : vector<16xf32>
        %swap3A_1367 = arith.index_cast %add3A_1361 : i32 to index
        %swap3A_1368 = arith.constant 0 : index
        %swap3A_1369 = tpu.vector_load %arg13[%swap3A_1367, %swap3A_1368] {strides = array<i32>} : memref<128x80xf32, #tpu.memory_space<vmem>>, vector<16xf32>,
        tpu.vector_store %arg13[%swap3A_1367, %swap3A_1368], %mul3A_1366 {strides = array<i32>} : memref<128x80xf32, #tpu.memory_space<vmem>>, vector<16xf32>,
        %get3A_1370 = arith.index_cast %add3A_1361 : i32 to index
        %get3A_1371 = arith.constant 16 : index
        %get3A_1372 = tpu.vector_load %arg13[%get3A_1370, %get3A_1371] {strides = array<i32>} : memref<128x80xf32, #tpu.memory_space<vmem>>, vector<16xf32>,
        %mul3A_1373 = vector.broadcast %squeeze3A_1357 : f32 to vector<16xf32>
        %mul3A_1374 = arith.mulf %get3A_1372, %mul3A_1373 : vector<16xf32>
        %swap3A_1375 = arith.index_cast %add3A_1361 : i32 to index
        %swap3A_1376 = arith.constant 16 : index
        %swap3A_1377 = tpu.vector_load %arg13[%swap3A_1375, %swap3A_1376] {strides = array<i32>} : memref<128x80xf32, #tpu.memory_space<vmem>>, vector<16xf32>,
        tpu.vector_store %arg13[%swap3A_1375, %swap3A_1376], %mul3A_1374 {strides = array<i32>} : memref<128x80xf32, #tpu.memory_space<vmem>>, vector<16xf32>,
        %get3A_1378 = arith.index_cast %add3A_1361 : i32 to index
        %get3A_1379 = arith.constant 32 : index
        %get3A_1380 = tpu.vector_load %arg13[%get3A_1378, %get3A_1379] {strides = array<i32>} : memref<128x80xf32, #tpu.memory_space<vmem>>, vector<16xf32>,
        %mul3A_1381 = vector.broadcast %squeeze3A_1357 : f32 to vector<16xf32>
        %mul3A_1382 = arith.mulf %get3A_1380, %mul3A_1381 : vector<16xf32>
        %swap3A_1383 = arith.index_cast %add3A_1361 : i32 to index
        %swap3A_1384 = arith.constant 32 : index
        %swap3A_1385 = tpu.vector_load %arg13[%swap3A_1383, %swap3A_1384] {strides = array<i32>} : memref<128x80xf32, #tpu.memory_space<vmem>>, vector<16xf32>,
        tpu.vector_store %arg13[%swap3A_1383, %swap3A_1384], %mul3A_1382 {strides = array<i32>} : memref<128x80xf32, #tpu.memory_space<vmem>>, vector<16xf32>,
        %get3A_1386 = arith.index_cast %add3A_1361 : i32 to index
        %get3A_1387 = arith.constant 48 : index
        %get3A_1388 = tpu.vector_load %arg13[%get3A_1386, %get3A_1387] {strides = array<i32>} : memref<128x80xf32, #tpu.memory_space<vmem>>, vector<16xf32>,
        %mul3A_1389 = vector.broadcast %squeeze3A_1357 : f32 to vector<16xf32>
        %mul3A_1390 = arith.mulf %get3A_1388, %mul3A_1389 : vector<16xf32>
        %swap3A_1391 = arith.index_cast %add3A_1361 : i32 to index
        %swap3A_1392 = arith.constant 48 : index
        %swap3A_1393 = tpu.vector_load %arg13[%swap3A_1391, %swap3A_1392] {strides = array<i32>} : memref<128x80xf32, #tpu.memory_space<vmem>>, vector<16xf32>,
        tpu.vector_store %arg13[%swap3A_1391, %swap3A_1392], %mul3A_1390 {strides = array<i32>} : memref<128x80xf32, #tpu.memory_space<vmem>>, vector<16xf32>,
        %get3A_1394 = arith.index_cast %add3A_1361 : i32 to index
        %get3A_1395 = arith.constant 64 : index
        %get3A_1396 = tpu.vector_load %arg13[%get3A_1394, %get3A_1395] {strides = array<i32>} : memref<128x80xf32, #tpu.memory_space<vmem>>, vector<16xf32>,
        %mul3A_1397 = vector.broadcast %squeeze3A_1357 : f32 to vector<16xf32>
        %mul3A_1398 = arith.mulf %get3A_1396, %mul3A_1397 : vector<16xf32>
        %swap3A_1399 = arith.index_cast %add3A_1361 : i32 to index
        %swap3A_1400 = arith.constant 64 : index
        %swap3A_1401 = tpu.vector_load %arg13[%swap3A_1399, %swap3A_1400] {strides = array<i32>} : memref<128x80xf32, #tpu.memory_space<vmem>>, vector<16xf32>,
        tpu.vector_store %arg13[%swap3A_1399, %swap3A_1400], %mul3A_1398 {strides = array<i32>} : memref<128x80xf32, #tpu.memory_space<vmem>>, vector<16xf32>,
        %slice3A_1402 = vector.extract_strided_slice %exp3A {offsets = [14], sizes = [1], strides = [1]} : vector<16xf32> to vector<1xf32>
        %squeeze3A_1403 = vector.extract %slice3A_1402[0] : f32 from vector<1xf32>
        %mul3A_1404 = arith.constant 16 : i32
        %mul3A_1405 = arith.muli %scan3A_667, %mul3A_1404 : i32
        %add3A_1406 = arith.constant 14 : i32
        %add3A_1407 = arith.addi %mul3A_1405, %add3A_1406 : i32
        %get3A_1408 = arith.index_cast %add3A_1407 : i32 to index
        %get3A_1409 = arith.constant 0 : index
        %get3A_1410 = tpu.vector_load %arg13[%get3A_1408, %get3A_1409] {strides = array<i32>} : memref<128x80xf32, #tpu.memory_space<vmem>>, vector<16xf32>,
        %mul3A_1411 = vector.broadcast %squeeze3A_1403 : f32 to vector<16xf32>
        %mul3A_1412 = arith.mulf %get3A_1410, %mul3A_1411 : vector<16xf32>
        %swap3A_1413 = arith.index_cast %add3A_1407 : i32 to index
        %swap3A_1414 = arith.constant 0 : index
        %swap3A_1415 = tpu.vector_load %arg13[%swap3A_1413, %swap3A_1414] {strides = array<i32>} : memref<128x80xf32, #tpu.memory_space<vmem>>, vector<16xf32>,
        tpu.vector_store %arg13[%swap3A_1413, %swap3A_1414], %mul3A_1412 {strides = array<i32>} : memref<128x80xf32, #tpu.memory_space<vmem>>, vector<16xf32>,
        %get3A_1416 = arith.index_cast %add3A_1407 : i32 to index
        %get3A_1417 = arith.constant 16 : index
        %get3A_1418 = tpu.vector_load %arg13[%get3A_1416, %get3A_1417] {strides = array<i32>} : memref<128x80xf32, #tpu.memory_space<vmem>>, vector<16xf32>,
        %mul3A_1419 = vector.broadcast %squeeze3A_1403 : f32 to vector<16xf32>
        %mul3A_1420 = arith.mulf %get3A_1418, %mul3A_1419 : vector<16xf32>
        %swap3A_1421 = arith.index_cast %add3A_1407 : i32 to index
        %swap3A_1422 = arith.constant 16 : index
        %swap3A_1423 = tpu.vector_load %arg13[%swap3A_1421, %swap3A_1422] {strides = array<i32>} : memref<128x80xf32, #tpu.memory_space<vmem>>, vector<16xf32>,
        tpu.vector_store %arg13[%swap3A_1421, %swap3A_1422], %mul3A_1420 {strides = array<i32>} : memref<128x80xf32, #tpu.memory_space<vmem>>, vector<16xf32>,
        %get3A_1424 = arith.index_cast %add3A_1407 : i32 to index
        %get3A_1425 = arith.constant 32 : index
        %get3A_1426 = tpu.vector_load %arg13[%get3A_1424, %get3A_1425] {strides = array<i32>} : memref<128x80xf32, #tpu.memory_space<vmem>>, vector<16xf32>,
        %mul3A_1427 = vector.broadcast %squeeze3A_1403 : f32 to vector<16xf32>
        %mul3A_1428 = arith.mulf %get3A_1426, %mul3A_1427 : vector<16xf32>
        %swap3A_1429 = arith.index_cast %add3A_1407 : i32 to index
        %swap3A_1430 = arith.constant 32 : index
        %swap3A_1431 = tpu.vector_load %arg13[%swap3A_1429, %swap3A_1430] {strides = array<i32>} : memref<128x80xf32, #tpu.memory_space<vmem>>, vector<16xf32>,
        tpu.vector_store %arg13[%swap3A_1429, %swap3A_1430], %mul3A_1428 {strides = array<i32>} : memref<128x80xf32, #tpu.memory_space<vmem>>, vector<16xf32>,
        %get3A_1432 = arith.index_cast %add3A_1407 : i32 to index
        %get3A_1433 = arith.constant 48 : index
        %get3A_1434 = tpu.vector_load %arg13[%get3A_1432, %get3A_1433] {strides = array<i32>} : memref<128x80xf32, #tpu.memory_space<vmem>>, vector<16xf32>,
        %mul3A_1435 = vector.broadcast %squeeze3A_1403 : f32 to vector<16xf32>
        %mul3A_1436 = arith.mulf %get3A_1434, %mul3A_1435 : vector<16xf32>
        %swap3A_1437 = arith.index_cast %add3A_1407 : i32 to index
        %swap3A_1438 = arith.constant 48 : index
        %swap3A_1439 = tpu.vector_load %arg13[%swap3A_1437, %swap3A_1438] {strides = array<i32>} : memref<128x80xf32, #tpu.memory_space<vmem>>, vector<16xf32>,
        tpu.vector_store %arg13[%swap3A_1437, %swap3A_1438], %mul3A_1436 {strides = array<i32>} : memref<128x80xf32, #tpu.memory_space<vmem>>, vector<16xf32>,
        %get3A_1440 = arith.index_cast %add3A_1407 : i32 to index
        %get3A_1441 = arith.constant 64 : index
        %get3A_1442 = tpu.vector_load %arg13[%get3A_1440, %get3A_1441] {strides = array<i32>} : memref<128x80xf32, #tpu.memory_space<vmem>>, vector<16xf32>,
        %mul3A_1443 = vector.broadcast %squeeze3A_1403 : f32 to vector<16xf32>
        %mul3A_1444 = arith.mulf %get3A_1442, %mul3A_1443 : vector<16xf32>
        %swap3A_1445 = arith.index_cast %add3A_1407 : i32 to index
        %swap3A_1446 = arith.constant 64 : index
        %swap3A_1447 = tpu.vector_load %arg13[%swap3A_1445, %swap3A_1446] {strides = array<i32>} : memref<128x80xf32, #tpu.memory_space<vmem>>, vector<16xf32>,
        tpu.vector_store %arg13[%swap3A_1445, %swap3A_1446], %mul3A_1444 {strides = array<i32>} : memref<128x80xf32, #tpu.memory_space<vmem>>, vector<16xf32>,
        %slice3A_1448 = vector.extract_strided_slice %exp3A {offsets = [15], sizes = [1], strides = [1]} : vector<16xf32> to vector<1xf32>
        %squeeze3A_1449 = vector.extract %slice3A_1448[0] : f32 from vector<1xf32>
        %mul3A_1450 = arith.constant 16 : i32
        %mul3A_1451 = arith.muli %scan3A_667, %mul3A_1450 : i32
        %add3A_1452 = arith.constant 15 : i32
        %add3A_1453 = arith.addi %mul3A_1451, %add3A_1452 : i32
        %get3A_1454 = arith.index_cast %add3A_1453 : i32 to index
        %get3A_1455 = arith.constant 0 : index
        %get3A_1456 = tpu.vector_load %arg13[%get3A_1454, %get3A_1455] {strides = array<i32>} : memref<128x80xf32, #tpu.memory_space<vmem>>, vector<16xf32>,
        %mul3A_1457 = vector.broadcast %squeeze3A_1449 : f32 to vector<16xf32>
        %mul3A_1458 = arith.mulf %get3A_1456, %mul3A_1457 : vector<16xf32>
        %swap3A_1459 = arith.index_cast %add3A_1453 : i32 to index
        %swap3A_1460 = arith.constant 0 : index
        %swap3A_1461 = tpu.vector_load %arg13[%swap3A_1459, %swap3A_1460] {strides = array<i32>} : memref<128x80xf32, #tpu.memory_space<vmem>>, vector<16xf32>,
        tpu.vector_store %arg13[%swap3A_1459, %swap3A_1460], %mul3A_1458 {strides = array<i32>} : memref<128x80xf32, #tpu.memory_space<vmem>>, vector<16xf32>,
        %get3A_1462 = arith.index_cast %add3A_1453 : i32 to index
        %get3A_1463 = arith.constant 16 : index
        %get3A_1464 = tpu.vector_load %arg13[%get3A_1462, %get3A_1463] {strides = array<i32>} : memref<128x80xf32, #tpu.memory_space<vmem>>, vector<16xf32>,
        %mul3A_1465 = vector.broadcast %squeeze3A_1449 : f32 to vector<16xf32>
        %mul3A_1466 = arith.mulf %get3A_1464, %mul3A_1465 : vector<16xf32>
        %swap3A_1467 = arith.index_cast %add3A_1453 : i32 to index
        %swap3A_1468 = arith.constant 16 : index
        %swap3A_1469 = tpu.vector_load %arg13[%swap3A_1467, %swap3A_1468] {strides = array<i32>} : memref<128x80xf32, #tpu.memory_space<vmem>>, vector<16xf32>,
        tpu.vector_store %arg13[%swap3A_1467, %swap3A_1468], %mul3A_1466 {strides = array<i32>} : memref<128x80xf32, #tpu.memory_space<vmem>>, vector<16xf32>,
        %get3A_1470 = arith.index_cast %add3A_1453 : i32 to index
        %get3A_1471 = arith.constant 32 : index
        %get3A_1472 = tpu.vector_load %arg13[%get3A_1470, %get3A_1471] {strides = array<i32>} : memref<128x80xf32, #tpu.memory_space<vmem>>, vector<16xf32>,
        %mul3A_1473 = vector.broadcast %squeeze3A_1449 : f32 to vector<16xf32>
        %mul3A_1474 = arith.mulf %get3A_1472, %mul3A_1473 : vector<16xf32>
        %swap3A_1475 = arith.index_cast %add3A_1453 : i32 to index
        %swap3A_1476 = arith.constant 32 : index
        %swap3A_1477 = tpu.vector_load %arg13[%swap3A_1475, %swap3A_1476] {strides = array<i32>} : memref<128x80xf32, #tpu.memory_space<vmem>>, vector<16xf32>,
        tpu.vector_store %arg13[%swap3A_1475, %swap3A_1476], %mul3A_1474 {strides = array<i32>} : memref<128x80xf32, #tpu.memory_space<vmem>>, vector<16xf32>,
        %get3A_1478 = arith.index_cast %add3A_1453 : i32 to index
        %get3A_1479 = arith.constant 48 : index
        %get3A_1480 = tpu.vector_load %arg13[%get3A_1478, %get3A_1479] {strides = array<i32>} : memref<128x80xf32, #tpu.memory_space<vmem>>, vector<16xf32>,
        %mul3A_1481 = vector.broadcast %squeeze3A_1449 : f32 to vector<16xf32>
        %mul3A_1482 = arith.mulf %get3A_1480, %mul3A_1481 : vector<16xf32>
        %swap3A_1483 = arith.index_cast %add3A_1453 : i32 to index
        %swap3A_1484 = arith.constant 48 : index
        %swap3A_1485 = tpu.vector_load %arg13[%swap3A_1483, %swap3A_1484] {strides = array<i32>} : memref<128x80xf32, #tpu.memory_space<vmem>>, vector<16xf32>,
        tpu.vector_store %arg13[%swap3A_1483, %swap3A_1484], %mul3A_1482 {strides = array<i32>} : memref<128x80xf32, #tpu.memory_space<vmem>>, vector<16xf32>,
        %get3A_1486 = arith.index_cast %add3A_1453 : i32 to index
        %get3A_1487 = arith.constant 64 : index
        %get3A_1488 = tpu.vector_load %arg13[%get3A_1486, %get3A_1487] {strides = array<i32>} : memref<128x80xf32, #tpu.memory_space<vmem>>, vector<16xf32>,
        %mul3A_1489 = vector.broadcast %squeeze3A_1449 : f32 to vector<16xf32>
        %mul3A_1490 = arith.mulf %get3A_1488, %mul3A_1489 : vector<16xf32>
        %swap3A_1491 = arith.index_cast %add3A_1453 : i32 to index
        %swap3A_1492 = arith.constant 64 : index
        %swap3A_1493 = tpu.vector_load %arg13[%swap3A_1491, %swap3A_1492] {strides = array<i32>} : memref<128x80xf32, #tpu.memory_space<vmem>>, vector<16xf32>,
        tpu.vector_store %arg13[%swap3A_1491, %swap3A_1492], %mul3A_1490 {strides = array<i32>} : memref<128x80xf32, #tpu.memory_space<vmem>>, vector<16xf32>,
      }
      %scan3A_625 = arith.constant 8 : i32
      "tpu.region"() ({
        %run_scoped3A = tpu.sem_alloc : memref<!tpu.dma_semaphore, #tpu.memory_space<semaphore_mem>>
        %dma_start3A_667 = arith.constant 0 : i32
        %dma_start3A_668 = arith.constant 0 : i32
        %dma_start3A_669 = tpu.memref_slice %arg23[%dma_start3A_667, %dma_start3A_668] : memref<4096x80xf32, #tpu.memory_space<vmem_shared>> -> memref<4096x80xf32, #tpu.memory_space<vmem_shared>>
        tpu.enqueue_indirect_dma source(%arg13 : memref<128x80xf32, #tpu.memory_space<vmem>>) target(%dma_start3A_669 : memref<4096x80xf32, #tpu.memory_space<vmem_shared>>) offsets(%arg9 : memref<128xi32, #tpu.memory_space<vmem>>) semaphore(%run_scoped3A : memref<!tpu.dma_semaphore, #tpu.memory_space<semaphore_mem>>) {add = true}
        %dma_wait3A_670 = arith.constant 0 : i32
        %dma_wait3A_671 = arith.constant 0 : i32
        %dma_wait3A_672 = tpu.memref_slice %arg23[%dma_wait3A_670, %dma_wait3A_671] : memref<4096x80xf32, #tpu.memory_space<vmem_shared>> -> memref<4096x80xf32, #tpu.memory_space<vmem_shared>>
        tpu.wait_indirect_dma semaphore(%run_scoped3A : memref<!tpu.dma_semaphore, #tpu.memory_space<semaphore_mem>>) src(%arg13 : memref<128x80xf32, #tpu.memory_space<vmem>>) dst(%dma_wait3A_672 : memref<4096x80xf32, #tpu.memory_space<vmem_shared>>)
        tpu.yield
      }) : () -> ()
      %add3A_626 = arith.constant 2 : i32
      %add3A_627 = arith.addi %mul3A_584, %add3A_626 : i32
      %mul3A_628 = arith.constant 128 : i32
      %mul3A_629 = arith.muli %add3A_627, %mul3A_628 : i32
      %add3A_630 = arith.addi %mul3A_544, %mul3A_629 : i32
      %min3A_631 = arith.constant 262016 : i32
      %min3A_632 = arith.minsi %add3A_630, %min3A_631 : i32
      "tpu.region"() ({
        %run_scoped3A = tpu.sem_alloc : memref<!tpu.dma_semaphore, #tpu.memory_space<semaphore_mem>>
        %dma_start3A_667 = tpu.memref_slice %arg2[%min3A_632] : memref<262144xi32, #tpu.memory_space<hbm>> -> memref<128xi32, #tpu.memory_space<hbm>>
        %dma_start3A_668 = tpu.memref_slice %arg2[%min3A_632] : memref<262144xi32, #tpu.memory_space<hbm>> -> memref<128xi32, #tpu.memory_space<hbm>>
        tpu.enqueue_dma source(%dma_start3A_668 : memref<128xi32, #tpu.memory_space<hbm>>) target(%arg8 : memref<128xi32, #tpu.memory_space<vmem>>) target_semaphore(%run_scoped3A : memref<!tpu.dma_semaphore, #tpu.memory_space<semaphore_mem>>)
        %dma_wait3A_669 = tpu.memref_slice %arg2[%min3A_632] : memref<262144xi32, #tpu.memory_space<hbm>> -> memref<128xi32, #tpu.memory_space<hbm>>
        %dma_wait3A_670 = tpu.memref_slice %arg2[%min3A_632] : memref<262144xi32, #tpu.memory_space<hbm>> -> memref<128xi32, #tpu.memory_space<hbm>>
        tpu.wait_dma2 semaphore(%run_scoped3A : memref<!tpu.dma_semaphore, #tpu.memory_space<semaphore_mem>>) src(%dma_wait3A_670 : memref<128xi32, #tpu.memory_space<hbm>>) dst(%arg8 : memref<128xi32, #tpu.memory_space<vmem>>)
        tpu.yield
      }) : () -> ()
      "tpu.region"() ({
        %run_scoped3A = tpu.sem_alloc : memref<!tpu.dma_semaphore, #tpu.memory_space<semaphore_mem>>
        %dma_start3A_667 = tpu.memref_slice %arg3[%min3A_632] : memref<262144xi32, #tpu.memory_space<hbm>> -> memref<128xi32, #tpu.memory_space<hbm>>
        %dma_start3A_668 = tpu.memref_slice %arg3[%min3A_632] : memref<262144xi32, #tpu.memory_space<hbm>> -> memref<128xi32, #tpu.memory_space<hbm>>
        tpu.enqueue_dma source(%dma_start3A_668 : memref<128xi32, #tpu.memory_space<hbm>>) target(%arg9 : memref<128xi32, #tpu.memory_space<vmem>>) target_semaphore(%run_scoped3A : memref<!tpu.dma_semaphore, #tpu.memory_space<semaphore_mem>>)
        %dma_wait3A_669 = tpu.memref_slice %arg3[%min3A_632] : memref<262144xi32, #tpu.memory_space<hbm>> -> memref<128xi32, #tpu.memory_space<hbm>>
        %dma_wait3A_670 = tpu.memref_slice %arg3[%min3A_632] : memref<262144xi32, #tpu.memory_space<hbm>> -> memref<128xi32, #tpu.memory_space<hbm>>
        tpu.wait_dma2 semaphore(%run_scoped3A : memref<!tpu.dma_semaphore, #tpu.memory_space<semaphore_mem>>) src(%dma_wait3A_670 : memref<128xi32, #tpu.memory_space<hbm>>) dst(%arg9 : memref<128xi32, #tpu.memory_space<vmem>>)
        tpu.yield
      }) : () -> ()
      %dma_start3A_633 = arith.constant 0 : i32
      %dma_start3A_634 = arith.constant 0 : i32
      %dma_start3A_635 = tpu.memref_slice %arg4[%dma_start3A_633, %dma_start3A_634] : memref<4096x64xf32, #tpu.memory_space<hbm>> -> memref<4096x64xf32, #tpu.memory_space<hbm>>
      tpu.enqueue_indirect_dma source(%dma_start3A_635 : memref<4096x64xf32, #tpu.memory_space<hbm>>) target(%arg10 : memref<128x64xf32, #tpu.memory_space<vmem>>) offsets(%arg8 : memref<128xi32, #tpu.memory_space<vmem>>) semaphore(%arg24 : memref<!tpu.dma_semaphore, #tpu.memory_space<semaphore_mem>>)
      %dma_start3A_636 = arith.constant 0 : i32
      %dma_start3A_637 = arith.constant 0 : i32
      %dma_start3A_638 = tpu.memref_slice %arg4[%dma_start3A_636, %dma_start3A_637] : memref<4096x64xf32, #tpu.memory_space<hbm>> -> memref<4096x64xf32, #tpu.memory_space<hbm>>
      tpu.enqueue_indirect_dma source(%dma_start3A_638 : memref<4096x64xf32, #tpu.memory_space<hbm>>) target(%arg11 : memref<128x64xf32, #tpu.memory_space<vmem>>) offsets(%arg9 : memref<128xi32, #tpu.memory_space<vmem>>) semaphore(%arg25 : memref<!tpu.dma_semaphore, #tpu.memory_space<semaphore_mem>>)
      %dma_start3A_639 = arith.constant 0 : i32
      %dma_start3A_640 = tpu.memref_slice %arg5[%min3A_632, %dma_start3A_639] : memref<262144x64xf32, #tpu.memory_space<hbm>> -> memref<128x64xf32, #tpu.memory_space<hbm>>
      %dma_start3A_641 = arith.constant 0 : i32
      %dma_start3A_642 = tpu.memref_slice %arg5[%min3A_632, %dma_start3A_641] : memref<262144x64xf32, #tpu.memory_space<hbm>> -> memref<128x64xf32, #tpu.memory_space<hbm>>
      tpu.enqueue_dma source(%dma_start3A_642 : memref<128x64xf32, #tpu.memory_space<hbm>>) target(%arg12 : memref<128x64xf32, #tpu.memory_space<vmem>>) target_semaphore(%arg26 : memref<!tpu.dma_semaphore, #tpu.memory_space<semaphore_mem>>)
      %dma_start3A_643 = arith.constant 0 : i32
      %dma_start3A_644 = arith.constant 0 : i32
      %dma_start3A_645 = tpu.memref_slice %arg6[%dma_start3A_643, %dma_start3A_644] : memref<4096x80xf32, #tpu.memory_space<hbm>> -> memref<4096x80xf32, #tpu.memory_space<hbm>>
      tpu.enqueue_indirect_dma source(%dma_start3A_645 : memref<4096x80xf32, #tpu.memory_space<hbm>>) target(%arg13 : memref<128x80xf32, #tpu.memory_space<vmem>>) offsets(%arg8 : memref<128xi32, #tpu.memory_space<vmem>>) semaphore(%arg27 : memref<!tpu.dma_semaphore, #tpu.memory_space<semaphore_mem>>)
      %dma_wait3A_646 = arith.constant 0 : i32
      %dma_wait3A_647 = arith.constant 0 : i32
      %dma_wait3A_648 = tpu.memref_slice %arg4[%dma_wait3A_646, %dma_wait3A_647] : memref<4096x64xf32, #tpu.memory_space<hbm>> -> memref<4096x64xf32, #tpu.memory_space<hbm>>
      tpu.wait_indirect_dma semaphore(%arg28 : memref<!tpu.dma_semaphore, #tpu.memory_space<semaphore_mem>>) src(%dma_wait3A_648 : memref<4096x64xf32, #tpu.memory_space<hbm>>) dst(%arg17 : memref<128x64xf32, #tpu.memory_space<vmem>>)
      %dma_wait3A_649 = arith.constant 0 : i32
      %dma_wait3A_650 = arith.constant 0 : i32
      %dma_wait3A_651 = tpu.memref_slice %arg4[%dma_wait3A_649, %dma_wait3A_650] : memref<4096x64xf32, #tpu.memory_space<hbm>> -> memref<4096x64xf32, #tpu.memory_space<hbm>>
      tpu.wait_indirect_dma semaphore(%arg29 : memref<!tpu.dma_semaphore, #tpu.memory_space<semaphore_mem>>) src(%dma_wait3A_651 : memref<4096x64xf32, #tpu.memory_space<hbm>>) dst(%arg18 : memref<128x64xf32, #tpu.memory_space<vmem>>)
      %dma_wait3A_652 = arith.constant 0 : i32
      %dma_wait3A_653 = arith.constant 0 : i32
      %dma_wait3A_654 = tpu.memref_slice %arg5[%dma_wait3A_652, %dma_wait3A_653] : memref<262144x64xf32, #tpu.memory_space<hbm>> -> memref<128x64xf32, #tpu.memory_space<hbm>>
      %dma_wait3A_655 = arith.constant 0 : i32
      %dma_wait3A_656 = arith.constant 0 : i32
      %dma_wait3A_657 = tpu.memref_slice %arg5[%dma_wait3A_655, %dma_wait3A_656] : memref<262144x64xf32, #tpu.memory_space<hbm>> -> memref<128x64xf32, #tpu.memory_space<hbm>>
      tpu.wait_dma2 semaphore(%arg30 : memref<!tpu.dma_semaphore, #tpu.memory_space<semaphore_mem>>) src(%dma_wait3A_657 : memref<128x64xf32, #tpu.memory_space<hbm>>) dst(%arg19 : memref<128x64xf32, #tpu.memory_space<vmem>>)
      %dma_wait3A_658 = arith.constant 0 : i32
      %dma_wait3A_659 = arith.constant 0 : i32
      %dma_wait3A_660 = tpu.memref_slice %arg6[%dma_wait3A_658, %dma_wait3A_659] : memref<4096x80xf32, #tpu.memory_space<hbm>> -> memref<4096x80xf32, #tpu.memory_space<hbm>>
      tpu.wait_indirect_dma semaphore(%arg31 : memref<!tpu.dma_semaphore, #tpu.memory_space<semaphore_mem>>) src(%dma_wait3A_660 : memref<4096x80xf32, #tpu.memory_space<hbm>>) dst(%arg20 : memref<128x80xf32, #tpu.memory_space<vmem>>)
      %scan3A_661 = arith.constant 0 : i32
      %scan3A_662 = arith.constant 0 : i32
      %scan3A_663 = arith.constant 8 : i32
      %scan3A_664 = arith.addi %scan3A_662, %scan3A_663 : i32
      %scan3A_665 = arith.constant 1 : i32
      scf.for %scan3A_667 = %scan3A_662 to %scan3A_664 step %scan3A_665  : i32 {
        %scan3A_668 = arith.constant 0 : i32
        %scan3A_669 = arith.constant 0 : i32
        %scan3A_670 = arith.constant 16 : i32
        %scan3A_671 = arith.addi %scan3A_669, %scan3A_670 : i32
        %scan3A_672 = arith.constant 1 : i32
        scf.for %scan3A_1494 = %scan3A_669 to %scan3A_671 step %scan3A_672  : i32 {
          %mul3A_1495 = arith.constant 16 : i32
          %mul3A_1496 = arith.muli %scan3A_667, %mul3A_1495 : i32
          %add3A_1497 = arith.addi %mul3A_1496, %scan3A_1494 : i32
          %broadcast_in_dim3A_1498 = arith.constant 0.000000e+00 : f32
          %broadcast_in_dim3A_1499 = vector.broadcast %broadcast_in_dim3A_1498 : f32 to vector<16xf32>
          %get3A_1500 = arith.index_cast %add3A_1497 : i32 to index
          %get3A_1501 = arith.constant 0 : index
          %get3A_1502 = tpu.vector_load %arg17[%get3A_1500, %get3A_1501] {strides = array<i32>} : memref<128x64xf32, #tpu.memory_space<vmem>>, vector<16xf32>,
          %get3A_1503 = arith.index_cast %add3A_1497 : i32 to index
          %get3A_1504 = arith.constant 0 : index
          %get3A_1505 = tpu.vector_load %arg19[%get3A_1503, %get3A_1504] {strides = array<i32>} : memref<128x64xf32, #tpu.memory_space<vmem>>, vector<16xf32>,
          %add3A_1506 = arith.addf %get3A_1502, %get3A_1505 : vector<16xf32>
          %get3A_1507 = arith.index_cast %add3A_1497 : i32 to index
          %get3A_1508 = arith.constant 0 : index
          %get3A_1509 = tpu.vector_load %arg18[%get3A_1507, %get3A_1508] {strides = array<i32>} : memref<128x64xf32, #tpu.memory_space<vmem>>, vector<16xf32>,
          %sub3A = arith.subf %add3A_1506, %get3A_1509 : vector<16xf32>
          %mul3A_1510 = arith.mulf %sub3A, %sub3A : vector<16xf32>
          %add3A_1511 = arith.addf %broadcast_in_dim3A_1499, %mul3A_1510 : vector<16xf32>
          %get3A_1512 = arith.index_cast %add3A_1497 : i32 to index
          %get3A_1513 = arith.constant 16 : index
          %get3A_1514 = tpu.vector_load %arg17[%get3A_1512, %get3A_1513] {strides = array<i32>} : memref<128x64xf32, #tpu.memory_space<vmem>>, vector<16xf32>,
          %get3A_1515 = arith.index_cast %add3A_1497 : i32 to index
          %get3A_1516 = arith.constant 16 : index
          %get3A_1517 = tpu.vector_load %arg19[%get3A_1515, %get3A_1516] {strides = array<i32>} : memref<128x64xf32, #tpu.memory_space<vmem>>, vector<16xf32>,
          %add3A_1518 = arith.addf %get3A_1514, %get3A_1517 : vector<16xf32>
          %get3A_1519 = arith.index_cast %add3A_1497 : i32 to index
          %get3A_1520 = arith.constant 16 : index
          %get3A_1521 = tpu.vector_load %arg18[%get3A_1519, %get3A_1520] {strides = array<i32>} : memref<128x64xf32, #tpu.memory_space<vmem>>, vector<16xf32>,
          %sub3A_1522 = arith.subf %add3A_1518, %get3A_1521 : vector<16xf32>
          %mul3A_1523 = arith.mulf %sub3A_1522, %sub3A_1522 : vector<16xf32>
          %add3A_1524 = arith.addf %add3A_1511, %mul3A_1523 : vector<16xf32>
          %get3A_1525 = arith.index_cast %add3A_1497 : i32 to index
          %get3A_1526 = arith.constant 32 : index
          %get3A_1527 = tpu.vector_load %arg17[%get3A_1525, %get3A_1526] {strides = array<i32>} : memref<128x64xf32, #tpu.memory_space<vmem>>, vector<16xf32>,
          %get3A_1528 = arith.index_cast %add3A_1497 : i32 to index
          %get3A_1529 = arith.constant 32 : index
          %get3A_1530 = tpu.vector_load %arg19[%get3A_1528, %get3A_1529] {strides = array<i32>} : memref<128x64xf32, #tpu.memory_space<vmem>>, vector<16xf32>,
          %add3A_1531 = arith.addf %get3A_1527, %get3A_1530 : vector<16xf32>
          %get3A_1532 = arith.index_cast %add3A_1497 : i32 to index
          %get3A_1533 = arith.constant 32 : index
          %get3A_1534 = tpu.vector_load %arg18[%get3A_1532, %get3A_1533] {strides = array<i32>} : memref<128x64xf32, #tpu.memory_space<vmem>>, vector<16xf32>,
          %sub3A_1535 = arith.subf %add3A_1531, %get3A_1534 : vector<16xf32>
          %mul3A_1536 = arith.mulf %sub3A_1535, %sub3A_1535 : vector<16xf32>
          %add3A_1537 = arith.addf %add3A_1524, %mul3A_1536 : vector<16xf32>
          %get3A_1538 = arith.index_cast %add3A_1497 : i32 to index
          %get3A_1539 = arith.constant 48 : index
          %get3A_1540 = tpu.vector_load %arg17[%get3A_1538, %get3A_1539] {strides = array<i32>} : memref<128x64xf32, #tpu.memory_space<vmem>>, vector<16xf32>,
          %get3A_1541 = arith.index_cast %add3A_1497 : i32 to index
          %get3A_1542 = arith.constant 48 : index
          %get3A_1543 = tpu.vector_load %arg19[%get3A_1541, %get3A_1542] {strides = array<i32>} : memref<128x64xf32, #tpu.memory_space<vmem>>, vector<16xf32>,
          %add3A_1544 = arith.addf %get3A_1540, %get3A_1543 : vector<16xf32>
          %get3A_1545 = arith.index_cast %add3A_1497 : i32 to index
          %get3A_1546 = arith.constant 48 : index
          %get3A_1547 = tpu.vector_load %arg18[%get3A_1545, %get3A_1546] {strides = array<i32>} : memref<128x64xf32, #tpu.memory_space<vmem>>, vector<16xf32>,
          %sub3A_1548 = arith.subf %add3A_1544, %get3A_1547 : vector<16xf32>
          %mul3A_1549 = arith.mulf %sub3A_1548, %sub3A_1548 : vector<16xf32>
          %add3A_1550 = arith.addf %add3A_1537, %mul3A_1549 : vector<16xf32>
          %swap3A_1551 = arith.index_cast %scan3A_1494 : i32 to index
          %swap3A_1552 = arith.constant 0 : index
          %swap3A_1553 = tpu.vector_load %arg21[%swap3A_1551, %swap3A_1552] {strides = array<i32>} : memref<16x17xf32, #tpu.memory_space<vmem>>, vector<16xf32>,
          tpu.vector_store %arg21[%swap3A_1551, %swap3A_1552], %add3A_1550 {strides = array<i32>} : memref<16x17xf32, #tpu.memory_space<vmem>>, vector<16xf32>,
        }
        %scan3A_673 = arith.constant 16 : i32
        %broadcast_in_dim3A_674 = arith.constant 0.000000e+00 : f32
        %broadcast_in_dim3A_675 = vector.broadcast %broadcast_in_dim3A_674 : f32 to vector<16xf32>
        %broadcast_in_dim3A_676 = arith.constant 0 : i32
        %broadcast_in_dim3A_677 = vector.broadcast %broadcast_in_dim3A_676 : i32 to vector<16xi32>
        %gather3A = tpu.vector_load_idx %arg21[%iota3A, %broadcast_in_dim3A_677] : memref<16x17xf32, #tpu.memory_space<vmem>>[vector<16xi32>, vector<16xi32>], vector<16xf32>,
        %add3A_678 = arith.addf %broadcast_in_dim3A_675, %gather3A : vector<16xf32>
        %broadcast_in_dim3A_679 = arith.constant 1 : i32
        %broadcast_in_dim3A_680 = vector.broadcast %broadcast_in_dim3A_679 : i32 to vector<16xi32>
        %gather3A_681 = tpu.vector_load_idx %arg21[%iota3A, %broadcast_in_dim3A_680] : memref<16x17xf32, #tpu.memory_space<vmem>>[vector<16xi32>, vector<16xi32>], vector<16xf32>,
        %add3A_682 = arith.addf %add3A_678, %gather3A_681 : vector<16xf32>
        %broadcast_in_dim3A_683 = arith.constant 2 : i32
        %broadcast_in_dim3A_684 = vector.broadcast %broadcast_in_dim3A_683 : i32 to vector<16xi32>
        %gather3A_685 = tpu.vector_load_idx %arg21[%iota3A, %broadcast_in_dim3A_684] : memref<16x17xf32, #tpu.memory_space<vmem>>[vector<16xi32>, vector<16xi32>], vector<16xf32>,
        %add3A_686 = arith.addf %add3A_682, %gather3A_685 : vector<16xf32>
        %broadcast_in_dim3A_687 = arith.constant 3 : i32
        %broadcast_in_dim3A_688 = vector.broadcast %broadcast_in_dim3A_687 : i32 to vector<16xi32>
        %gather3A_689 = tpu.vector_load_idx %arg21[%iota3A, %broadcast_in_dim3A_688] : memref<16x17xf32, #tpu.memory_space<vmem>>[vector<16xi32>, vector<16xi32>], vector<16xf32>,
        %add3A_690 = arith.addf %add3A_686, %gather3A_689 : vector<16xf32>
        %broadcast_in_dim3A_691 = arith.constant 4 : i32
        %broadcast_in_dim3A_692 = vector.broadcast %broadcast_in_dim3A_691 : i32 to vector<16xi32>
        %gather3A_693 = tpu.vector_load_idx %arg21[%iota3A, %broadcast_in_dim3A_692] : memref<16x17xf32, #tpu.memory_space<vmem>>[vector<16xi32>, vector<16xi32>], vector<16xf32>,
        %add3A_694 = arith.addf %add3A_690, %gather3A_693 : vector<16xf32>
        %broadcast_in_dim3A_695 = arith.constant 5 : i32
        %broadcast_in_dim3A_696 = vector.broadcast %broadcast_in_dim3A_695 : i32 to vector<16xi32>
        %gather3A_697 = tpu.vector_load_idx %arg21[%iota3A, %broadcast_in_dim3A_696] : memref<16x17xf32, #tpu.memory_space<vmem>>[vector<16xi32>, vector<16xi32>], vector<16xf32>,
        %add3A_698 = arith.addf %add3A_694, %gather3A_697 : vector<16xf32>
        %broadcast_in_dim3A_699 = arith.constant 6 : i32
        %broadcast_in_dim3A_700 = vector.broadcast %broadcast_in_dim3A_699 : i32 to vector<16xi32>
        %gather3A_701 = tpu.vector_load_idx %arg21[%iota3A, %broadcast_in_dim3A_700] : memref<16x17xf32, #tpu.memory_space<vmem>>[vector<16xi32>, vector<16xi32>], vector<16xf32>,
        %add3A_702 = arith.addf %add3A_698, %gather3A_701 : vector<16xf32>
        %broadcast_in_dim3A_703 = arith.constant 7 : i32
        %broadcast_in_dim3A_704 = vector.broadcast %broadcast_in_dim3A_703 : i32 to vector<16xi32>
        %gather3A_705 = tpu.vector_load_idx %arg21[%iota3A, %broadcast_in_dim3A_704] : memref<16x17xf32, #tpu.memory_space<vmem>>[vector<16xi32>, vector<16xi32>], vector<16xf32>,
        %add3A_706 = arith.addf %add3A_702, %gather3A_705 : vector<16xf32>
        %broadcast_in_dim3A_707 = arith.constant 8 : i32
        %broadcast_in_dim3A_708 = vector.broadcast %broadcast_in_dim3A_707 : i32 to vector<16xi32>
        %gather3A_709 = tpu.vector_load_idx %arg21[%iota3A, %broadcast_in_dim3A_708] : memref<16x17xf32, #tpu.memory_space<vmem>>[vector<16xi32>, vector<16xi32>], vector<16xf32>,
        %add3A_710 = arith.addf %add3A_706, %gather3A_709 : vector<16xf32>
        %broadcast_in_dim3A_711 = arith.constant 9 : i32
        %broadcast_in_dim3A_712 = vector.broadcast %broadcast_in_dim3A_711 : i32 to vector<16xi32>
        %gather3A_713 = tpu.vector_load_idx %arg21[%iota3A, %broadcast_in_dim3A_712] : memref<16x17xf32, #tpu.memory_space<vmem>>[vector<16xi32>, vector<16xi32>], vector<16xf32>,
        %add3A_714 = arith.addf %add3A_710, %gather3A_713 : vector<16xf32>
        %broadcast_in_dim3A_715 = arith.constant 10 : i32
        %broadcast_in_dim3A_716 = vector.broadcast %broadcast_in_dim3A_715 : i32 to vector<16xi32>
        %gather3A_717 = tpu.vector_load_idx %arg21[%iota3A, %broadcast_in_dim3A_716] : memref<16x17xf32, #tpu.memory_space<vmem>>[vector<16xi32>, vector<16xi32>], vector<16xf32>,
        %add3A_718 = arith.addf %add3A_714, %gather3A_717 : vector<16xf32>
        %broadcast_in_dim3A_719 = arith.constant 11 : i32
        %broadcast_in_dim3A_720 = vector.broadcast %broadcast_in_dim3A_719 : i32 to vector<16xi32>
        %gather3A_721 = tpu.vector_load_idx %arg21[%iota3A, %broadcast_in_dim3A_720] : memref<16x17xf32, #tpu.memory_space<vmem>>[vector<16xi32>, vector<16xi32>], vector<16xf32>,
        %add3A_722 = arith.addf %add3A_718, %gather3A_721 : vector<16xf32>
        %broadcast_in_dim3A_723 = arith.constant 12 : i32
        %broadcast_in_dim3A_724 = vector.broadcast %broadcast_in_dim3A_723 : i32 to vector<16xi32>
        %gather3A_725 = tpu.vector_load_idx %arg21[%iota3A, %broadcast_in_dim3A_724] : memref<16x17xf32, #tpu.memory_space<vmem>>[vector<16xi32>, vector<16xi32>], vector<16xf32>,
        %add3A_726 = arith.addf %add3A_722, %gather3A_725 : vector<16xf32>
        %broadcast_in_dim3A_727 = arith.constant 13 : i32
        %broadcast_in_dim3A_728 = vector.broadcast %broadcast_in_dim3A_727 : i32 to vector<16xi32>
        %gather3A_729 = tpu.vector_load_idx %arg21[%iota3A, %broadcast_in_dim3A_728] : memref<16x17xf32, #tpu.memory_space<vmem>>[vector<16xi32>, vector<16xi32>], vector<16xf32>,
        %add3A_730 = arith.addf %add3A_726, %gather3A_729 : vector<16xf32>
        %broadcast_in_dim3A_731 = arith.constant 14 : i32
        %broadcast_in_dim3A_732 = vector.broadcast %broadcast_in_dim3A_731 : i32 to vector<16xi32>
        %gather3A_733 = tpu.vector_load_idx %arg21[%iota3A, %broadcast_in_dim3A_732] : memref<16x17xf32, #tpu.memory_space<vmem>>[vector<16xi32>, vector<16xi32>], vector<16xf32>,
        %add3A_734 = arith.addf %add3A_730, %gather3A_733 : vector<16xf32>
        %broadcast_in_dim3A_735 = arith.constant 15 : i32
        %broadcast_in_dim3A_736 = vector.broadcast %broadcast_in_dim3A_735 : i32 to vector<16xi32>
        %gather3A_737 = tpu.vector_load_idx %arg21[%iota3A, %broadcast_in_dim3A_736] : memref<16x17xf32, #tpu.memory_space<vmem>>[vector<16xi32>, vector<16xi32>], vector<16xf32>,
        %add3A_738 = arith.addf %add3A_734, %gather3A_737 : vector<16xf32>
        %bitcast3A = vector.bitcast %add3A_738 : vector<16xf32> to vector<16xi32>
        %shift_right_logical3A = arith.constant 1 : i32
        %shift_right_logical3A_739 = vector.broadcast %shift_right_logical3A : i32 to vector<16xi32>
        %shift_right_logical3A_740 = arith.shrui %bitcast3A, %shift_right_logical3A_739 : vector<16xi32>
        %add3A_741 = arith.constant 532487669 : i32
        %add3A_742 = vector.broadcast %add3A_741 : i32 to vector<16xi32>
        %add3A_743 = arith.addi %add3A_742, %shift_right_logical3A_740 : vector<16xi32>
        %bitcast3A_744 = vector.bitcast %add3A_743 : vector<16xi32> to vector<16xf32>
        %div3A = arith.divf %add3A_738, %bitcast3A_744 : vector<16xf32>
        %add3A_745 = arith.addf %bitcast3A_744, %div3A : vector<16xf32>
        %mul3A_746 = arith.constant 5.000000e-01 : f32
        %mul3A_747 = vector.broadcast %mul3A_746 : f32 to vector<16xf32>
        %mul3A_748 = arith.mulf %mul3A_747, %add3A_745 : vector<16xf32>
        %div3A_749 = arith.divf %add3A_738, %mul3A_748 : vector<16xf32>
        %add3A_750 = arith.addf %mul3A_748, %div3A_749 : vector<16xf32>
        %mul3A_751 = arith.constant 5.000000e-01 : f32
        %mul3A_752 = vector.broadcast %mul3A_751 : f32 to vector<16xf32>
        %mul3A_753 = arith.mulf %mul3A_752, %add3A_750 : vector<16xf32>
        %div3A_754 = arith.divf %add3A_738, %mul3A_753 : vector<16xf32>
        %add3A_755 = arith.addf %mul3A_753, %div3A_754 : vector<16xf32>
        %mul3A_756 = arith.constant 5.000000e-01 : f32
        %mul3A_757 = vector.broadcast %mul3A_756 : f32 to vector<16xf32>
        %mul3A_758 = arith.mulf %mul3A_757, %add3A_755 : vector<16xf32>
        %neg3A = arith.constant 0.000000e+00 : f32
        %neg3A_759 = vector.broadcast %neg3A : f32 to vector<16xf32>
        %neg3A_760 = arith.subf %neg3A_759, %mul3A_758 : vector<16xf32>
        %exp3A = math.exp %neg3A_760 : vector<16xf32>
        %slice3A = vector.extract_strided_slice %exp3A {offsets = [0], sizes = [1], strides = [1]} : vector<16xf32> to vector<1xf32>
        %squeeze3A = vector.extract %slice3A[0] : f32 from vector<1xf32>
        %mul3A_761 = arith.constant 16 : i32
        %mul3A_762 = arith.muli %scan3A_667, %mul3A_761 : i32
        %add3A_763 = arith.constant 0 : i32
        %add3A_764 = arith.addi %mul3A_762, %add3A_763 : i32
        %get3A = arith.index_cast %add3A_764 : i32 to index
        %get3A_765 = arith.constant 0 : index
        %get3A_766 = tpu.vector_load %arg20[%get3A, %get3A_765] {strides = array<i32>} : memref<128x80xf32, #tpu.memory_space<vmem>>, vector<16xf32>,
        %mul3A_767 = vector.broadcast %squeeze3A : f32 to vector<16xf32>
        %mul3A_768 = arith.mulf %get3A_766, %mul3A_767 : vector<16xf32>
        %swap3A_769 = arith.index_cast %add3A_764 : i32 to index
        %swap3A_770 = arith.constant 0 : index
        %swap3A_771 = tpu.vector_load %arg20[%swap3A_769, %swap3A_770] {strides = array<i32>} : memref<128x80xf32, #tpu.memory_space<vmem>>, vector<16xf32>,
        tpu.vector_store %arg20[%swap3A_769, %swap3A_770], %mul3A_768 {strides = array<i32>} : memref<128x80xf32, #tpu.memory_space<vmem>>, vector<16xf32>,
        %get3A_772 = arith.index_cast %add3A_764 : i32 to index
        %get3A_773 = arith.constant 16 : index
        %get3A_774 = tpu.vector_load %arg20[%get3A_772, %get3A_773] {strides = array<i32>} : memref<128x80xf32, #tpu.memory_space<vmem>>, vector<16xf32>,
        %mul3A_775 = vector.broadcast %squeeze3A : f32 to vector<16xf32>
        %mul3A_776 = arith.mulf %get3A_774, %mul3A_775 : vector<16xf32>
        %swap3A_777 = arith.index_cast %add3A_764 : i32 to index
        %swap3A_778 = arith.constant 16 : index
        %swap3A_779 = tpu.vector_load %arg20[%swap3A_777, %swap3A_778] {strides = array<i32>} : memref<128x80xf32, #tpu.memory_space<vmem>>, vector<16xf32>,
        tpu.vector_store %arg20[%swap3A_777, %swap3A_778], %mul3A_776 {strides = array<i32>} : memref<128x80xf32, #tpu.memory_space<vmem>>, vector<16xf32>,
        %get3A_780 = arith.index_cast %add3A_764 : i32 to index
        %get3A_781 = arith.constant 32 : index
        %get3A_782 = tpu.vector_load %arg20[%get3A_780, %get3A_781] {strides = array<i32>} : memref<128x80xf32, #tpu.memory_space<vmem>>, vector<16xf32>,
        %mul3A_783 = vector.broadcast %squeeze3A : f32 to vector<16xf32>
        %mul3A_784 = arith.mulf %get3A_782, %mul3A_783 : vector<16xf32>
        %swap3A_785 = arith.index_cast %add3A_764 : i32 to index
        %swap3A_786 = arith.constant 32 : index
        %swap3A_787 = tpu.vector_load %arg20[%swap3A_785, %swap3A_786] {strides = array<i32>} : memref<128x80xf32, #tpu.memory_space<vmem>>, vector<16xf32>,
        tpu.vector_store %arg20[%swap3A_785, %swap3A_786], %mul3A_784 {strides = array<i32>} : memref<128x80xf32, #tpu.memory_space<vmem>>, vector<16xf32>,
        %get3A_788 = arith.index_cast %add3A_764 : i32 to index
        %get3A_789 = arith.constant 48 : index
        %get3A_790 = tpu.vector_load %arg20[%get3A_788, %get3A_789] {strides = array<i32>} : memref<128x80xf32, #tpu.memory_space<vmem>>, vector<16xf32>,
        %mul3A_791 = vector.broadcast %squeeze3A : f32 to vector<16xf32>
        %mul3A_792 = arith.mulf %get3A_790, %mul3A_791 : vector<16xf32>
        %swap3A_793 = arith.index_cast %add3A_764 : i32 to index
        %swap3A_794 = arith.constant 48 : index
        %swap3A_795 = tpu.vector_load %arg20[%swap3A_793, %swap3A_794] {strides = array<i32>} : memref<128x80xf32, #tpu.memory_space<vmem>>, vector<16xf32>,
        tpu.vector_store %arg20[%swap3A_793, %swap3A_794], %mul3A_792 {strides = array<i32>} : memref<128x80xf32, #tpu.memory_space<vmem>>, vector<16xf32>,
        %get3A_796 = arith.index_cast %add3A_764 : i32 to index
        %get3A_797 = arith.constant 64 : index
        %get3A_798 = tpu.vector_load %arg20[%get3A_796, %get3A_797] {strides = array<i32>} : memref<128x80xf32, #tpu.memory_space<vmem>>, vector<16xf32>,
        %mul3A_799 = vector.broadcast %squeeze3A : f32 to vector<16xf32>
        %mul3A_800 = arith.mulf %get3A_798, %mul3A_799 : vector<16xf32>
        %swap3A_801 = arith.index_cast %add3A_764 : i32 to index
        %swap3A_802 = arith.constant 64 : index
        %swap3A_803 = tpu.vector_load %arg20[%swap3A_801, %swap3A_802] {strides = array<i32>} : memref<128x80xf32, #tpu.memory_space<vmem>>, vector<16xf32>,
        tpu.vector_store %arg20[%swap3A_801, %swap3A_802], %mul3A_800 {strides = array<i32>} : memref<128x80xf32, #tpu.memory_space<vmem>>, vector<16xf32>,
        %slice3A_804 = vector.extract_strided_slice %exp3A {offsets = [1], sizes = [1], strides = [1]} : vector<16xf32> to vector<1xf32>
        %squeeze3A_805 = vector.extract %slice3A_804[0] : f32 from vector<1xf32>
        %mul3A_806 = arith.constant 16 : i32
        %mul3A_807 = arith.muli %scan3A_667, %mul3A_806 : i32
        %add3A_808 = arith.constant 1 : i32
        %add3A_809 = arith.addi %mul3A_807, %add3A_808 : i32
        %get3A_810 = arith.index_cast %add3A_809 : i32 to index
        %get3A_811 = arith.constant 0 : index
        %get3A_812 = tpu.vector_load %arg20[%get3A_810, %get3A_811] {strides = array<i32>} : memref<128x80xf32, #tpu.memory_space<vmem>>, vector<16xf32>,
        %mul3A_813 = vector.broadcast %squeeze3A_805 : f32 to vector<16xf32>
        %mul3A_814 = arith.mulf %get3A_812, %mul3A_813 : vector<16xf32>
        %swap3A_815 = arith.index_cast %add3A_809 : i32 to index
        %swap3A_816 = arith.constant 0 : index
        %swap3A_817 = tpu.vector_load %arg20[%swap3A_815, %swap3A_816] {strides = array<i32>} : memref<128x80xf32, #tpu.memory_space<vmem>>, vector<16xf32>,
        tpu.vector_store %arg20[%swap3A_815, %swap3A_816], %mul3A_814 {strides = array<i32>} : memref<128x80xf32, #tpu.memory_space<vmem>>, vector<16xf32>,
        %get3A_818 = arith.index_cast %add3A_809 : i32 to index
        %get3A_819 = arith.constant 16 : index
        %get3A_820 = tpu.vector_load %arg20[%get3A_818, %get3A_819] {strides = array<i32>} : memref<128x80xf32, #tpu.memory_space<vmem>>, vector<16xf32>,
        %mul3A_821 = vector.broadcast %squeeze3A_805 : f32 to vector<16xf32>
        %mul3A_822 = arith.mulf %get3A_820, %mul3A_821 : vector<16xf32>
        %swap3A_823 = arith.index_cast %add3A_809 : i32 to index
        %swap3A_824 = arith.constant 16 : index
        %swap3A_825 = tpu.vector_load %arg20[%swap3A_823, %swap3A_824] {strides = array<i32>} : memref<128x80xf32, #tpu.memory_space<vmem>>, vector<16xf32>,
        tpu.vector_store %arg20[%swap3A_823, %swap3A_824], %mul3A_822 {strides = array<i32>} : memref<128x80xf32, #tpu.memory_space<vmem>>, vector<16xf32>,
        %get3A_826 = arith.index_cast %add3A_809 : i32 to index
        %get3A_827 = arith.constant 32 : index
        %get3A_828 = tpu.vector_load %arg20[%get3A_826, %get3A_827] {strides = array<i32>} : memref<128x80xf32, #tpu.memory_space<vmem>>, vector<16xf32>,
        %mul3A_829 = vector.broadcast %squeeze3A_805 : f32 to vector<16xf32>
        %mul3A_830 = arith.mulf %get3A_828, %mul3A_829 : vector<16xf32>
        %swap3A_831 = arith.index_cast %add3A_809 : i32 to index
        %swap3A_832 = arith.constant 32 : index
        %swap3A_833 = tpu.vector_load %arg20[%swap3A_831, %swap3A_832] {strides = array<i32>} : memref<128x80xf32, #tpu.memory_space<vmem>>, vector<16xf32>,
        tpu.vector_store %arg20[%swap3A_831, %swap3A_832], %mul3A_830 {strides = array<i32>} : memref<128x80xf32, #tpu.memory_space<vmem>>, vector<16xf32>,
        %get3A_834 = arith.index_cast %add3A_809 : i32 to index
        %get3A_835 = arith.constant 48 : index
        %get3A_836 = tpu.vector_load %arg20[%get3A_834, %get3A_835] {strides = array<i32>} : memref<128x80xf32, #tpu.memory_space<vmem>>, vector<16xf32>,
        %mul3A_837 = vector.broadcast %squeeze3A_805 : f32 to vector<16xf32>
        %mul3A_838 = arith.mulf %get3A_836, %mul3A_837 : vector<16xf32>
        %swap3A_839 = arith.index_cast %add3A_809 : i32 to index
        %swap3A_840 = arith.constant 48 : index
        %swap3A_841 = tpu.vector_load %arg20[%swap3A_839, %swap3A_840] {strides = array<i32>} : memref<128x80xf32, #tpu.memory_space<vmem>>, vector<16xf32>,
        tpu.vector_store %arg20[%swap3A_839, %swap3A_840], %mul3A_838 {strides = array<i32>} : memref<128x80xf32, #tpu.memory_space<vmem>>, vector<16xf32>,
        %get3A_842 = arith.index_cast %add3A_809 : i32 to index
        %get3A_843 = arith.constant 64 : index
        %get3A_844 = tpu.vector_load %arg20[%get3A_842, %get3A_843] {strides = array<i32>} : memref<128x80xf32, #tpu.memory_space<vmem>>, vector<16xf32>,
        %mul3A_845 = vector.broadcast %squeeze3A_805 : f32 to vector<16xf32>
        %mul3A_846 = arith.mulf %get3A_844, %mul3A_845 : vector<16xf32>
        %swap3A_847 = arith.index_cast %add3A_809 : i32 to index
        %swap3A_848 = arith.constant 64 : index
        %swap3A_849 = tpu.vector_load %arg20[%swap3A_847, %swap3A_848] {strides = array<i32>} : memref<128x80xf32, #tpu.memory_space<vmem>>, vector<16xf32>,
        tpu.vector_store %arg20[%swap3A_847, %swap3A_848], %mul3A_846 {strides = array<i32>} : memref<128x80xf32, #tpu.memory_space<vmem>>, vector<16xf32>,
        %slice3A_850 = vector.extract_strided_slice %exp3A {offsets = [2], sizes = [1], strides = [1]} : vector<16xf32> to vector<1xf32>
        %squeeze3A_851 = vector.extract %slice3A_850[0] : f32 from vector<1xf32>
        %mul3A_852 = arith.constant 16 : i32
        %mul3A_853 = arith.muli %scan3A_667, %mul3A_852 : i32
        %add3A_854 = arith.constant 2 : i32
        %add3A_855 = arith.addi %mul3A_853, %add3A_854 : i32
        %get3A_856 = arith.index_cast %add3A_855 : i32 to index
        %get3A_857 = arith.constant 0 : index
        %get3A_858 = tpu.vector_load %arg20[%get3A_856, %get3A_857] {strides = array<i32>} : memref<128x80xf32, #tpu.memory_space<vmem>>, vector<16xf32>,
        %mul3A_859 = vector.broadcast %squeeze3A_851 : f32 to vector<16xf32>
        %mul3A_860 = arith.mulf %get3A_858, %mul3A_859 : vector<16xf32>
        %swap3A_861 = arith.index_cast %add3A_855 : i32 to index
        %swap3A_862 = arith.constant 0 : index
        %swap3A_863 = tpu.vector_load %arg20[%swap3A_861, %swap3A_862] {strides = array<i32>} : memref<128x80xf32, #tpu.memory_space<vmem>>, vector<16xf32>,
        tpu.vector_store %arg20[%swap3A_861, %swap3A_862], %mul3A_860 {strides = array<i32>} : memref<128x80xf32, #tpu.memory_space<vmem>>, vector<16xf32>,
        %get3A_864 = arith.index_cast %add3A_855 : i32 to index
        %get3A_865 = arith.constant 16 : index
        %get3A_866 = tpu.vector_load %arg20[%get3A_864, %get3A_865] {strides = array<i32>} : memref<128x80xf32, #tpu.memory_space<vmem>>, vector<16xf32>,
        %mul3A_867 = vector.broadcast %squeeze3A_851 : f32 to vector<16xf32>
        %mul3A_868 = arith.mulf %get3A_866, %mul3A_867 : vector<16xf32>
        %swap3A_869 = arith.index_cast %add3A_855 : i32 to index
        %swap3A_870 = arith.constant 16 : index
        %swap3A_871 = tpu.vector_load %arg20[%swap3A_869, %swap3A_870] {strides = array<i32>} : memref<128x80xf32, #tpu.memory_space<vmem>>, vector<16xf32>,
        tpu.vector_store %arg20[%swap3A_869, %swap3A_870], %mul3A_868 {strides = array<i32>} : memref<128x80xf32, #tpu.memory_space<vmem>>, vector<16xf32>,
        %get3A_872 = arith.index_cast %add3A_855 : i32 to index
        %get3A_873 = arith.constant 32 : index
        %get3A_874 = tpu.vector_load %arg20[%get3A_872, %get3A_873] {strides = array<i32>} : memref<128x80xf32, #tpu.memory_space<vmem>>, vector<16xf32>,
        %mul3A_875 = vector.broadcast %squeeze3A_851 : f32 to vector<16xf32>
        %mul3A_876 = arith.mulf %get3A_874, %mul3A_875 : vector<16xf32>
        %swap3A_877 = arith.index_cast %add3A_855 : i32 to index
        %swap3A_878 = arith.constant 32 : index
        %swap3A_879 = tpu.vector_load %arg20[%swap3A_877, %swap3A_878] {strides = array<i32>} : memref<128x80xf32, #tpu.memory_space<vmem>>, vector<16xf32>,
        tpu.vector_store %arg20[%swap3A_877, %swap3A_878], %mul3A_876 {strides = array<i32>} : memref<128x80xf32, #tpu.memory_space<vmem>>, vector<16xf32>,
        %get3A_880 = arith.index_cast %add3A_855 : i32 to index
        %get3A_881 = arith.constant 48 : index
        %get3A_882 = tpu.vector_load %arg20[%get3A_880, %get3A_881] {strides = array<i32>} : memref<128x80xf32, #tpu.memory_space<vmem>>, vector<16xf32>,
        %mul3A_883 = vector.broadcast %squeeze3A_851 : f32 to vector<16xf32>
        %mul3A_884 = arith.mulf %get3A_882, %mul3A_883 : vector<16xf32>
        %swap3A_885 = arith.index_cast %add3A_855 : i32 to index
        %swap3A_886 = arith.constant 48 : index
        %swap3A_887 = tpu.vector_load %arg20[%swap3A_885, %swap3A_886] {strides = array<i32>} : memref<128x80xf32, #tpu.memory_space<vmem>>, vector<16xf32>,
        tpu.vector_store %arg20[%swap3A_885, %swap3A_886], %mul3A_884 {strides = array<i32>} : memref<128x80xf32, #tpu.memory_space<vmem>>, vector<16xf32>,
        %get3A_888 = arith.index_cast %add3A_855 : i32 to index
        %get3A_889 = arith.constant 64 : index
        %get3A_890 = tpu.vector_load %arg20[%get3A_888, %get3A_889] {strides = array<i32>} : memref<128x80xf32, #tpu.memory_space<vmem>>, vector<16xf32>,
        %mul3A_891 = vector.broadcast %squeeze3A_851 : f32 to vector<16xf32>
        %mul3A_892 = arith.mulf %get3A_890, %mul3A_891 : vector<16xf32>
        %swap3A_893 = arith.index_cast %add3A_855 : i32 to index
        %swap3A_894 = arith.constant 64 : index
        %swap3A_895 = tpu.vector_load %arg20[%swap3A_893, %swap3A_894] {strides = array<i32>} : memref<128x80xf32, #tpu.memory_space<vmem>>, vector<16xf32>,
        tpu.vector_store %arg20[%swap3A_893, %swap3A_894], %mul3A_892 {strides = array<i32>} : memref<128x80xf32, #tpu.memory_space<vmem>>, vector<16xf32>,
        %slice3A_896 = vector.extract_strided_slice %exp3A {offsets = [3], sizes = [1], strides = [1]} : vector<16xf32> to vector<1xf32>
        %squeeze3A_897 = vector.extract %slice3A_896[0] : f32 from vector<1xf32>
        %mul3A_898 = arith.constant 16 : i32
        %mul3A_899 = arith.muli %scan3A_667, %mul3A_898 : i32
        %add3A_900 = arith.constant 3 : i32
        %add3A_901 = arith.addi %mul3A_899, %add3A_900 : i32
        %get3A_902 = arith.index_cast %add3A_901 : i32 to index
        %get3A_903 = arith.constant 0 : index
        %get3A_904 = tpu.vector_load %arg20[%get3A_902, %get3A_903] {strides = array<i32>} : memref<128x80xf32, #tpu.memory_space<vmem>>, vector<16xf32>,
        %mul3A_905 = vector.broadcast %squeeze3A_897 : f32 to vector<16xf32>
        %mul3A_906 = arith.mulf %get3A_904, %mul3A_905 : vector<16xf32>
        %swap3A_907 = arith.index_cast %add3A_901 : i32 to index
        %swap3A_908 = arith.constant 0 : index
        %swap3A_909 = tpu.vector_load %arg20[%swap3A_907, %swap3A_908] {strides = array<i32>} : memref<128x80xf32, #tpu.memory_space<vmem>>, vector<16xf32>,
        tpu.vector_store %arg20[%swap3A_907, %swap3A_908], %mul3A_906 {strides = array<i32>} : memref<128x80xf32, #tpu.memory_space<vmem>>, vector<16xf32>,
        %get3A_910 = arith.index_cast %add3A_901 : i32 to index
        %get3A_911 = arith.constant 16 : index
        %get3A_912 = tpu.vector_load %arg20[%get3A_910, %get3A_911] {strides = array<i32>} : memref<128x80xf32, #tpu.memory_space<vmem>>, vector<16xf32>,
        %mul3A_913 = vector.broadcast %squeeze3A_897 : f32 to vector<16xf32>
        %mul3A_914 = arith.mulf %get3A_912, %mul3A_913 : vector<16xf32>
        %swap3A_915 = arith.index_cast %add3A_901 : i32 to index
        %swap3A_916 = arith.constant 16 : index
        %swap3A_917 = tpu.vector_load %arg20[%swap3A_915, %swap3A_916] {strides = array<i32>} : memref<128x80xf32, #tpu.memory_space<vmem>>, vector<16xf32>,
        tpu.vector_store %arg20[%swap3A_915, %swap3A_916], %mul3A_914 {strides = array<i32>} : memref<128x80xf32, #tpu.memory_space<vmem>>, vector<16xf32>,
        %get3A_918 = arith.index_cast %add3A_901 : i32 to index
        %get3A_919 = arith.constant 32 : index
        %get3A_920 = tpu.vector_load %arg20[%get3A_918, %get3A_919] {strides = array<i32>} : memref<128x80xf32, #tpu.memory_space<vmem>>, vector<16xf32>,
        %mul3A_921 = vector.broadcast %squeeze3A_897 : f32 to vector<16xf32>
        %mul3A_922 = arith.mulf %get3A_920, %mul3A_921 : vector<16xf32>
        %swap3A_923 = arith.index_cast %add3A_901 : i32 to index
        %swap3A_924 = arith.constant 32 : index
        %swap3A_925 = tpu.vector_load %arg20[%swap3A_923, %swap3A_924] {strides = array<i32>} : memref<128x80xf32, #tpu.memory_space<vmem>>, vector<16xf32>,
        tpu.vector_store %arg20[%swap3A_923, %swap3A_924], %mul3A_922 {strides = array<i32>} : memref<128x80xf32, #tpu.memory_space<vmem>>, vector<16xf32>,
        %get3A_926 = arith.index_cast %add3A_901 : i32 to index
        %get3A_927 = arith.constant 48 : index
        %get3A_928 = tpu.vector_load %arg20[%get3A_926, %get3A_927] {strides = array<i32>} : memref<128x80xf32, #tpu.memory_space<vmem>>, vector<16xf32>,
        %mul3A_929 = vector.broadcast %squeeze3A_897 : f32 to vector<16xf32>
        %mul3A_930 = arith.mulf %get3A_928, %mul3A_929 : vector<16xf32>
        %swap3A_931 = arith.index_cast %add3A_901 : i32 to index
        %swap3A_932 = arith.constant 48 : index
        %swap3A_933 = tpu.vector_load %arg20[%swap3A_931, %swap3A_932] {strides = array<i32>} : memref<128x80xf32, #tpu.memory_space<vmem>>, vector<16xf32>,
        tpu.vector_store %arg20[%swap3A_931, %swap3A_932], %mul3A_930 {strides = array<i32>} : memref<128x80xf32, #tpu.memory_space<vmem>>, vector<16xf32>,
        %get3A_934 = arith.index_cast %add3A_901 : i32 to index
        %get3A_935 = arith.constant 64 : index
        %get3A_936 = tpu.vector_load %arg20[%get3A_934, %get3A_935] {strides = array<i32>} : memref<128x80xf32, #tpu.memory_space<vmem>>, vector<16xf32>,
        %mul3A_937 = vector.broadcast %squeeze3A_897 : f32 to vector<16xf32>
        %mul3A_938 = arith.mulf %get3A_936, %mul3A_937 : vector<16xf32>
        %swap3A_939 = arith.index_cast %add3A_901 : i32 to index
        %swap3A_940 = arith.constant 64 : index
        %swap3A_941 = tpu.vector_load %arg20[%swap3A_939, %swap3A_940] {strides = array<i32>} : memref<128x80xf32, #tpu.memory_space<vmem>>, vector<16xf32>,
        tpu.vector_store %arg20[%swap3A_939, %swap3A_940], %mul3A_938 {strides = array<i32>} : memref<128x80xf32, #tpu.memory_space<vmem>>, vector<16xf32>,
        %slice3A_942 = vector.extract_strided_slice %exp3A {offsets = [4], sizes = [1], strides = [1]} : vector<16xf32> to vector<1xf32>
        %squeeze3A_943 = vector.extract %slice3A_942[0] : f32 from vector<1xf32>
        %mul3A_944 = arith.constant 16 : i32
        %mul3A_945 = arith.muli %scan3A_667, %mul3A_944 : i32
        %add3A_946 = arith.constant 4 : i32
        %add3A_947 = arith.addi %mul3A_945, %add3A_946 : i32
        %get3A_948 = arith.index_cast %add3A_947 : i32 to index
        %get3A_949 = arith.constant 0 : index
        %get3A_950 = tpu.vector_load %arg20[%get3A_948, %get3A_949] {strides = array<i32>} : memref<128x80xf32, #tpu.memory_space<vmem>>, vector<16xf32>,
        %mul3A_951 = vector.broadcast %squeeze3A_943 : f32 to vector<16xf32>
        %mul3A_952 = arith.mulf %get3A_950, %mul3A_951 : vector<16xf32>
        %swap3A_953 = arith.index_cast %add3A_947 : i32 to index
        %swap3A_954 = arith.constant 0 : index
        %swap3A_955 = tpu.vector_load %arg20[%swap3A_953, %swap3A_954] {strides = array<i32>} : memref<128x80xf32, #tpu.memory_space<vmem>>, vector<16xf32>,
        tpu.vector_store %arg20[%swap3A_953, %swap3A_954], %mul3A_952 {strides = array<i32>} : memref<128x80xf32, #tpu.memory_space<vmem>>, vector<16xf32>,
        %get3A_956 = arith.index_cast %add3A_947 : i32 to index
        %get3A_957 = arith.constant 16 : index
        %get3A_958 = tpu.vector_load %arg20[%get3A_956, %get3A_957] {strides = array<i32>} : memref<128x80xf32, #tpu.memory_space<vmem>>, vector<16xf32>,
        %mul3A_959 = vector.broadcast %squeeze3A_943 : f32 to vector<16xf32>
        %mul3A_960 = arith.mulf %get3A_958, %mul3A_959 : vector<16xf32>
        %swap3A_961 = arith.index_cast %add3A_947 : i32 to index
        %swap3A_962 = arith.constant 16 : index
        %swap3A_963 = tpu.vector_load %arg20[%swap3A_961, %swap3A_962] {strides = array<i32>} : memref<128x80xf32, #tpu.memory_space<vmem>>, vector<16xf32>,
        tpu.vector_store %arg20[%swap3A_961, %swap3A_962], %mul3A_960 {strides = array<i32>} : memref<128x80xf32, #tpu.memory_space<vmem>>, vector<16xf32>,
        %get3A_964 = arith.index_cast %add3A_947 : i32 to index
        %get3A_965 = arith.constant 32 : index
        %get3A_966 = tpu.vector_load %arg20[%get3A_964, %get3A_965] {strides = array<i32>} : memref<128x80xf32, #tpu.memory_space<vmem>>, vector<16xf32>,
        %mul3A_967 = vector.broadcast %squeeze3A_943 : f32 to vector<16xf32>
        %mul3A_968 = arith.mulf %get3A_966, %mul3A_967 : vector<16xf32>
        %swap3A_969 = arith.index_cast %add3A_947 : i32 to index
        %swap3A_970 = arith.constant 32 : index
        %swap3A_971 = tpu.vector_load %arg20[%swap3A_969, %swap3A_970] {strides = array<i32>} : memref<128x80xf32, #tpu.memory_space<vmem>>, vector<16xf32>,
        tpu.vector_store %arg20[%swap3A_969, %swap3A_970], %mul3A_968 {strides = array<i32>} : memref<128x80xf32, #tpu.memory_space<vmem>>, vector<16xf32>,
        %get3A_972 = arith.index_cast %add3A_947 : i32 to index
        %get3A_973 = arith.constant 48 : index
        %get3A_974 = tpu.vector_load %arg20[%get3A_972, %get3A_973] {strides = array<i32>} : memref<128x80xf32, #tpu.memory_space<vmem>>, vector<16xf32>,
        %mul3A_975 = vector.broadcast %squeeze3A_943 : f32 to vector<16xf32>
        %mul3A_976 = arith.mulf %get3A_974, %mul3A_975 : vector<16xf32>
        %swap3A_977 = arith.index_cast %add3A_947 : i32 to index
        %swap3A_978 = arith.constant 48 : index
        %swap3A_979 = tpu.vector_load %arg20[%swap3A_977, %swap3A_978] {strides = array<i32>} : memref<128x80xf32, #tpu.memory_space<vmem>>, vector<16xf32>,
        tpu.vector_store %arg20[%swap3A_977, %swap3A_978], %mul3A_976 {strides = array<i32>} : memref<128x80xf32, #tpu.memory_space<vmem>>, vector<16xf32>,
        %get3A_980 = arith.index_cast %add3A_947 : i32 to index
        %get3A_981 = arith.constant 64 : index
        %get3A_982 = tpu.vector_load %arg20[%get3A_980, %get3A_981] {strides = array<i32>} : memref<128x80xf32, #tpu.memory_space<vmem>>, vector<16xf32>,
        %mul3A_983 = vector.broadcast %squeeze3A_943 : f32 to vector<16xf32>
        %mul3A_984 = arith.mulf %get3A_982, %mul3A_983 : vector<16xf32>
        %swap3A_985 = arith.index_cast %add3A_947 : i32 to index
        %swap3A_986 = arith.constant 64 : index
        %swap3A_987 = tpu.vector_load %arg20[%swap3A_985, %swap3A_986] {strides = array<i32>} : memref<128x80xf32, #tpu.memory_space<vmem>>, vector<16xf32>,
        tpu.vector_store %arg20[%swap3A_985, %swap3A_986], %mul3A_984 {strides = array<i32>} : memref<128x80xf32, #tpu.memory_space<vmem>>, vector<16xf32>,
        %slice3A_988 = vector.extract_strided_slice %exp3A {offsets = [5], sizes = [1], strides = [1]} : vector<16xf32> to vector<1xf32>
        %squeeze3A_989 = vector.extract %slice3A_988[0] : f32 from vector<1xf32>
        %mul3A_990 = arith.constant 16 : i32
        %mul3A_991 = arith.muli %scan3A_667, %mul3A_990 : i32
        %add3A_992 = arith.constant 5 : i32
        %add3A_993 = arith.addi %mul3A_991, %add3A_992 : i32
        %get3A_994 = arith.index_cast %add3A_993 : i32 to index
        %get3A_995 = arith.constant 0 : index
        %get3A_996 = tpu.vector_load %arg20[%get3A_994, %get3A_995] {strides = array<i32>} : memref<128x80xf32, #tpu.memory_space<vmem>>, vector<16xf32>,
        %mul3A_997 = vector.broadcast %squeeze3A_989 : f32 to vector<16xf32>
        %mul3A_998 = arith.mulf %get3A_996, %mul3A_997 : vector<16xf32>
        %swap3A_999 = arith.index_cast %add3A_993 : i32 to index
        %swap3A_1000 = arith.constant 0 : index
        %swap3A_1001 = tpu.vector_load %arg20[%swap3A_999, %swap3A_1000] {strides = array<i32>} : memref<128x80xf32, #tpu.memory_space<vmem>>, vector<16xf32>,
        tpu.vector_store %arg20[%swap3A_999, %swap3A_1000], %mul3A_998 {strides = array<i32>} : memref<128x80xf32, #tpu.memory_space<vmem>>, vector<16xf32>,
        %get3A_1002 = arith.index_cast %add3A_993 : i32 to index
        %get3A_1003 = arith.constant 16 : index
        %get3A_1004 = tpu.vector_load %arg20[%get3A_1002, %get3A_1003] {strides = array<i32>} : memref<128x80xf32, #tpu.memory_space<vmem>>, vector<16xf32>,
        %mul3A_1005 = vector.broadcast %squeeze3A_989 : f32 to vector<16xf32>
        %mul3A_1006 = arith.mulf %get3A_1004, %mul3A_1005 : vector<16xf32>
        %swap3A_1007 = arith.index_cast %add3A_993 : i32 to index
        %swap3A_1008 = arith.constant 16 : index
        %swap3A_1009 = tpu.vector_load %arg20[%swap3A_1007, %swap3A_1008] {strides = array<i32>} : memref<128x80xf32, #tpu.memory_space<vmem>>, vector<16xf32>,
        tpu.vector_store %arg20[%swap3A_1007, %swap3A_1008], %mul3A_1006 {strides = array<i32>} : memref<128x80xf32, #tpu.memory_space<vmem>>, vector<16xf32>,
        %get3A_1010 = arith.index_cast %add3A_993 : i32 to index
        %get3A_1011 = arith.constant 32 : index
        %get3A_1012 = tpu.vector_load %arg20[%get3A_1010, %get3A_1011] {strides = array<i32>} : memref<128x80xf32, #tpu.memory_space<vmem>>, vector<16xf32>,
        %mul3A_1013 = vector.broadcast %squeeze3A_989 : f32 to vector<16xf32>
        %mul3A_1014 = arith.mulf %get3A_1012, %mul3A_1013 : vector<16xf32>
        %swap3A_1015 = arith.index_cast %add3A_993 : i32 to index
        %swap3A_1016 = arith.constant 32 : index
        %swap3A_1017 = tpu.vector_load %arg20[%swap3A_1015, %swap3A_1016] {strides = array<i32>} : memref<128x80xf32, #tpu.memory_space<vmem>>, vector<16xf32>,
        tpu.vector_store %arg20[%swap3A_1015, %swap3A_1016], %mul3A_1014 {strides = array<i32>} : memref<128x80xf32, #tpu.memory_space<vmem>>, vector<16xf32>,
        %get3A_1018 = arith.index_cast %add3A_993 : i32 to index
        %get3A_1019 = arith.constant 48 : index
        %get3A_1020 = tpu.vector_load %arg20[%get3A_1018, %get3A_1019] {strides = array<i32>} : memref<128x80xf32, #tpu.memory_space<vmem>>, vector<16xf32>,
        %mul3A_1021 = vector.broadcast %squeeze3A_989 : f32 to vector<16xf32>
        %mul3A_1022 = arith.mulf %get3A_1020, %mul3A_1021 : vector<16xf32>
        %swap3A_1023 = arith.index_cast %add3A_993 : i32 to index
        %swap3A_1024 = arith.constant 48 : index
        %swap3A_1025 = tpu.vector_load %arg20[%swap3A_1023, %swap3A_1024] {strides = array<i32>} : memref<128x80xf32, #tpu.memory_space<vmem>>, vector<16xf32>,
        tpu.vector_store %arg20[%swap3A_1023, %swap3A_1024], %mul3A_1022 {strides = array<i32>} : memref<128x80xf32, #tpu.memory_space<vmem>>, vector<16xf32>,
        %get3A_1026 = arith.index_cast %add3A_993 : i32 to index
        %get3A_1027 = arith.constant 64 : index
        %get3A_1028 = tpu.vector_load %arg20[%get3A_1026, %get3A_1027] {strides = array<i32>} : memref<128x80xf32, #tpu.memory_space<vmem>>, vector<16xf32>,
        %mul3A_1029 = vector.broadcast %squeeze3A_989 : f32 to vector<16xf32>
        %mul3A_1030 = arith.mulf %get3A_1028, %mul3A_1029 : vector<16xf32>
        %swap3A_1031 = arith.index_cast %add3A_993 : i32 to index
        %swap3A_1032 = arith.constant 64 : index
        %swap3A_1033 = tpu.vector_load %arg20[%swap3A_1031, %swap3A_1032] {strides = array<i32>} : memref<128x80xf32, #tpu.memory_space<vmem>>, vector<16xf32>,
        tpu.vector_store %arg20[%swap3A_1031, %swap3A_1032], %mul3A_1030 {strides = array<i32>} : memref<128x80xf32, #tpu.memory_space<vmem>>, vector<16xf32>,
        %slice3A_1034 = vector.extract_strided_slice %exp3A {offsets = [6], sizes = [1], strides = [1]} : vector<16xf32> to vector<1xf32>
        %squeeze3A_1035 = vector.extract %slice3A_1034[0] : f32 from vector<1xf32>
        %mul3A_1036 = arith.constant 16 : i32
        %mul3A_1037 = arith.muli %scan3A_667, %mul3A_1036 : i32
        %add3A_1038 = arith.constant 6 : i32
        %add3A_1039 = arith.addi %mul3A_1037, %add3A_1038 : i32
        %get3A_1040 = arith.index_cast %add3A_1039 : i32 to index
        %get3A_1041 = arith.constant 0 : index
        %get3A_1042 = tpu.vector_load %arg20[%get3A_1040, %get3A_1041] {strides = array<i32>} : memref<128x80xf32, #tpu.memory_space<vmem>>, vector<16xf32>,
        %mul3A_1043 = vector.broadcast %squeeze3A_1035 : f32 to vector<16xf32>
        %mul3A_1044 = arith.mulf %get3A_1042, %mul3A_1043 : vector<16xf32>
        %swap3A_1045 = arith.index_cast %add3A_1039 : i32 to index
        %swap3A_1046 = arith.constant 0 : index
        %swap3A_1047 = tpu.vector_load %arg20[%swap3A_1045, %swap3A_1046] {strides = array<i32>} : memref<128x80xf32, #tpu.memory_space<vmem>>, vector<16xf32>,
        tpu.vector_store %arg20[%swap3A_1045, %swap3A_1046], %mul3A_1044 {strides = array<i32>} : memref<128x80xf32, #tpu.memory_space<vmem>>, vector<16xf32>,
        %get3A_1048 = arith.index_cast %add3A_1039 : i32 to index
        %get3A_1049 = arith.constant 16 : index
        %get3A_1050 = tpu.vector_load %arg20[%get3A_1048, %get3A_1049] {strides = array<i32>} : memref<128x80xf32, #tpu.memory_space<vmem>>, vector<16xf32>,
        %mul3A_1051 = vector.broadcast %squeeze3A_1035 : f32 to vector<16xf32>
        %mul3A_1052 = arith.mulf %get3A_1050, %mul3A_1051 : vector<16xf32>
        %swap3A_1053 = arith.index_cast %add3A_1039 : i32 to index
        %swap3A_1054 = arith.constant 16 : index
        %swap3A_1055 = tpu.vector_load %arg20[%swap3A_1053, %swap3A_1054] {strides = array<i32>} : memref<128x80xf32, #tpu.memory_space<vmem>>, vector<16xf32>,
        tpu.vector_store %arg20[%swap3A_1053, %swap3A_1054], %mul3A_1052 {strides = array<i32>} : memref<128x80xf32, #tpu.memory_space<vmem>>, vector<16xf32>,
        %get3A_1056 = arith.index_cast %add3A_1039 : i32 to index
        %get3A_1057 = arith.constant 32 : index
        %get3A_1058 = tpu.vector_load %arg20[%get3A_1056, %get3A_1057] {strides = array<i32>} : memref<128x80xf32, #tpu.memory_space<vmem>>, vector<16xf32>,
        %mul3A_1059 = vector.broadcast %squeeze3A_1035 : f32 to vector<16xf32>
        %mul3A_1060 = arith.mulf %get3A_1058, %mul3A_1059 : vector<16xf32>
        %swap3A_1061 = arith.index_cast %add3A_1039 : i32 to index
        %swap3A_1062 = arith.constant 32 : index
        %swap3A_1063 = tpu.vector_load %arg20[%swap3A_1061, %swap3A_1062] {strides = array<i32>} : memref<128x80xf32, #tpu.memory_space<vmem>>, vector<16xf32>,
        tpu.vector_store %arg20[%swap3A_1061, %swap3A_1062], %mul3A_1060 {strides = array<i32>} : memref<128x80xf32, #tpu.memory_space<vmem>>, vector<16xf32>,
        %get3A_1064 = arith.index_cast %add3A_1039 : i32 to index
        %get3A_1065 = arith.constant 48 : index
        %get3A_1066 = tpu.vector_load %arg20[%get3A_1064, %get3A_1065] {strides = array<i32>} : memref<128x80xf32, #tpu.memory_space<vmem>>, vector<16xf32>,
        %mul3A_1067 = vector.broadcast %squeeze3A_1035 : f32 to vector<16xf32>
        %mul3A_1068 = arith.mulf %get3A_1066, %mul3A_1067 : vector<16xf32>
        %swap3A_1069 = arith.index_cast %add3A_1039 : i32 to index
        %swap3A_1070 = arith.constant 48 : index
        %swap3A_1071 = tpu.vector_load %arg20[%swap3A_1069, %swap3A_1070] {strides = array<i32>} : memref<128x80xf32, #tpu.memory_space<vmem>>, vector<16xf32>,
        tpu.vector_store %arg20[%swap3A_1069, %swap3A_1070], %mul3A_1068 {strides = array<i32>} : memref<128x80xf32, #tpu.memory_space<vmem>>, vector<16xf32>,
        %get3A_1072 = arith.index_cast %add3A_1039 : i32 to index
        %get3A_1073 = arith.constant 64 : index
        %get3A_1074 = tpu.vector_load %arg20[%get3A_1072, %get3A_1073] {strides = array<i32>} : memref<128x80xf32, #tpu.memory_space<vmem>>, vector<16xf32>,
        %mul3A_1075 = vector.broadcast %squeeze3A_1035 : f32 to vector<16xf32>
        %mul3A_1076 = arith.mulf %get3A_1074, %mul3A_1075 : vector<16xf32>
        %swap3A_1077 = arith.index_cast %add3A_1039 : i32 to index
        %swap3A_1078 = arith.constant 64 : index
        %swap3A_1079 = tpu.vector_load %arg20[%swap3A_1077, %swap3A_1078] {strides = array<i32>} : memref<128x80xf32, #tpu.memory_space<vmem>>, vector<16xf32>,
        tpu.vector_store %arg20[%swap3A_1077, %swap3A_1078], %mul3A_1076 {strides = array<i32>} : memref<128x80xf32, #tpu.memory_space<vmem>>, vector<16xf32>,
        %slice3A_1080 = vector.extract_strided_slice %exp3A {offsets = [7], sizes = [1], strides = [1]} : vector<16xf32> to vector<1xf32>
        %squeeze3A_1081 = vector.extract %slice3A_1080[0] : f32 from vector<1xf32>
        %mul3A_1082 = arith.constant 16 : i32
        %mul3A_1083 = arith.muli %scan3A_667, %mul3A_1082 : i32
        %add3A_1084 = arith.constant 7 : i32
        %add3A_1085 = arith.addi %mul3A_1083, %add3A_1084 : i32
        %get3A_1086 = arith.index_cast %add3A_1085 : i32 to index
        %get3A_1087 = arith.constant 0 : index
        %get3A_1088 = tpu.vector_load %arg20[%get3A_1086, %get3A_1087] {strides = array<i32>} : memref<128x80xf32, #tpu.memory_space<vmem>>, vector<16xf32>,
        %mul3A_1089 = vector.broadcast %squeeze3A_1081 : f32 to vector<16xf32>
        %mul3A_1090 = arith.mulf %get3A_1088, %mul3A_1089 : vector<16xf32>
        %swap3A_1091 = arith.index_cast %add3A_1085 : i32 to index
        %swap3A_1092 = arith.constant 0 : index
        %swap3A_1093 = tpu.vector_load %arg20[%swap3A_1091, %swap3A_1092] {strides = array<i32>} : memref<128x80xf32, #tpu.memory_space<vmem>>, vector<16xf32>,
        tpu.vector_store %arg20[%swap3A_1091, %swap3A_1092], %mul3A_1090 {strides = array<i32>} : memref<128x80xf32, #tpu.memory_space<vmem>>, vector<16xf32>,
        %get3A_1094 = arith.index_cast %add3A_1085 : i32 to index
        %get3A_1095 = arith.constant 16 : index
        %get3A_1096 = tpu.vector_load %arg20[%get3A_1094, %get3A_1095] {strides = array<i32>} : memref<128x80xf32, #tpu.memory_space<vmem>>, vector<16xf32>,
        %mul3A_1097 = vector.broadcast %squeeze3A_1081 : f32 to vector<16xf32>
        %mul3A_1098 = arith.mulf %get3A_1096, %mul3A_1097 : vector<16xf32>
        %swap3A_1099 = arith.index_cast %add3A_1085 : i32 to index
        %swap3A_1100 = arith.constant 16 : index
        %swap3A_1101 = tpu.vector_load %arg20[%swap3A_1099, %swap3A_1100] {strides = array<i32>} : memref<128x80xf32, #tpu.memory_space<vmem>>, vector<16xf32>,
        tpu.vector_store %arg20[%swap3A_1099, %swap3A_1100], %mul3A_1098 {strides = array<i32>} : memref<128x80xf32, #tpu.memory_space<vmem>>, vector<16xf32>,
        %get3A_1102 = arith.index_cast %add3A_1085 : i32 to index
        %get3A_1103 = arith.constant 32 : index
        %get3A_1104 = tpu.vector_load %arg20[%get3A_1102, %get3A_1103] {strides = array<i32>} : memref<128x80xf32, #tpu.memory_space<vmem>>, vector<16xf32>,
        %mul3A_1105 = vector.broadcast %squeeze3A_1081 : f32 to vector<16xf32>
        %mul3A_1106 = arith.mulf %get3A_1104, %mul3A_1105 : vector<16xf32>
        %swap3A_1107 = arith.index_cast %add3A_1085 : i32 to index
        %swap3A_1108 = arith.constant 32 : index
        %swap3A_1109 = tpu.vector_load %arg20[%swap3A_1107, %swap3A_1108] {strides = array<i32>} : memref<128x80xf32, #tpu.memory_space<vmem>>, vector<16xf32>,
        tpu.vector_store %arg20[%swap3A_1107, %swap3A_1108], %mul3A_1106 {strides = array<i32>} : memref<128x80xf32, #tpu.memory_space<vmem>>, vector<16xf32>,
        %get3A_1110 = arith.index_cast %add3A_1085 : i32 to index
        %get3A_1111 = arith.constant 48 : index
        %get3A_1112 = tpu.vector_load %arg20[%get3A_1110, %get3A_1111] {strides = array<i32>} : memref<128x80xf32, #tpu.memory_space<vmem>>, vector<16xf32>,
        %mul3A_1113 = vector.broadcast %squeeze3A_1081 : f32 to vector<16xf32>
        %mul3A_1114 = arith.mulf %get3A_1112, %mul3A_1113 : vector<16xf32>
        %swap3A_1115 = arith.index_cast %add3A_1085 : i32 to index
        %swap3A_1116 = arith.constant 48 : index
        %swap3A_1117 = tpu.vector_load %arg20[%swap3A_1115, %swap3A_1116] {strides = array<i32>} : memref<128x80xf32, #tpu.memory_space<vmem>>, vector<16xf32>,
        tpu.vector_store %arg20[%swap3A_1115, %swap3A_1116], %mul3A_1114 {strides = array<i32>} : memref<128x80xf32, #tpu.memory_space<vmem>>, vector<16xf32>,
        %get3A_1118 = arith.index_cast %add3A_1085 : i32 to index
        %get3A_1119 = arith.constant 64 : index
        %get3A_1120 = tpu.vector_load %arg20[%get3A_1118, %get3A_1119] {strides = array<i32>} : memref<128x80xf32, #tpu.memory_space<vmem>>, vector<16xf32>,
        %mul3A_1121 = vector.broadcast %squeeze3A_1081 : f32 to vector<16xf32>
        %mul3A_1122 = arith.mulf %get3A_1120, %mul3A_1121 : vector<16xf32>
        %swap3A_1123 = arith.index_cast %add3A_1085 : i32 to index
        %swap3A_1124 = arith.constant 64 : index
        %swap3A_1125 = tpu.vector_load %arg20[%swap3A_1123, %swap3A_1124] {strides = array<i32>} : memref<128x80xf32, #tpu.memory_space<vmem>>, vector<16xf32>,
        tpu.vector_store %arg20[%swap3A_1123, %swap3A_1124], %mul3A_1122 {strides = array<i32>} : memref<128x80xf32, #tpu.memory_space<vmem>>, vector<16xf32>,
        %slice3A_1126 = vector.extract_strided_slice %exp3A {offsets = [8], sizes = [1], strides = [1]} : vector<16xf32> to vector<1xf32>
        %squeeze3A_1127 = vector.extract %slice3A_1126[0] : f32 from vector<1xf32>
        %mul3A_1128 = arith.constant 16 : i32
        %mul3A_1129 = arith.muli %scan3A_667, %mul3A_1128 : i32
        %add3A_1130 = arith.constant 8 : i32
        %add3A_1131 = arith.addi %mul3A_1129, %add3A_1130 : i32
        %get3A_1132 = arith.index_cast %add3A_1131 : i32 to index
        %get3A_1133 = arith.constant 0 : index
        %get3A_1134 = tpu.vector_load %arg20[%get3A_1132, %get3A_1133] {strides = array<i32>} : memref<128x80xf32, #tpu.memory_space<vmem>>, vector<16xf32>,
        %mul3A_1135 = vector.broadcast %squeeze3A_1127 : f32 to vector<16xf32>
        %mul3A_1136 = arith.mulf %get3A_1134, %mul3A_1135 : vector<16xf32>
        %swap3A_1137 = arith.index_cast %add3A_1131 : i32 to index
        %swap3A_1138 = arith.constant 0 : index
        %swap3A_1139 = tpu.vector_load %arg20[%swap3A_1137, %swap3A_1138] {strides = array<i32>} : memref<128x80xf32, #tpu.memory_space<vmem>>, vector<16xf32>,
        tpu.vector_store %arg20[%swap3A_1137, %swap3A_1138], %mul3A_1136 {strides = array<i32>} : memref<128x80xf32, #tpu.memory_space<vmem>>, vector<16xf32>,
        %get3A_1140 = arith.index_cast %add3A_1131 : i32 to index
        %get3A_1141 = arith.constant 16 : index
        %get3A_1142 = tpu.vector_load %arg20[%get3A_1140, %get3A_1141] {strides = array<i32>} : memref<128x80xf32, #tpu.memory_space<vmem>>, vector<16xf32>,
        %mul3A_1143 = vector.broadcast %squeeze3A_1127 : f32 to vector<16xf32>
        %mul3A_1144 = arith.mulf %get3A_1142, %mul3A_1143 : vector<16xf32>
        %swap3A_1145 = arith.index_cast %add3A_1131 : i32 to index
        %swap3A_1146 = arith.constant 16 : index
        %swap3A_1147 = tpu.vector_load %arg20[%swap3A_1145, %swap3A_1146] {strides = array<i32>} : memref<128x80xf32, #tpu.memory_space<vmem>>, vector<16xf32>,
        tpu.vector_store %arg20[%swap3A_1145, %swap3A_1146], %mul3A_1144 {strides = array<i32>} : memref<128x80xf32, #tpu.memory_space<vmem>>, vector<16xf32>,
        %get3A_1148 = arith.index_cast %add3A_1131 : i32 to index
        %get3A_1149 = arith.constant 32 : index
        %get3A_1150 = tpu.vector_load %arg20[%get3A_1148, %get3A_1149] {strides = array<i32>} : memref<128x80xf32, #tpu.memory_space<vmem>>, vector<16xf32>,
        %mul3A_1151 = vector.broadcast %squeeze3A_1127 : f32 to vector<16xf32>
        %mul3A_1152 = arith.mulf %get3A_1150, %mul3A_1151 : vector<16xf32>
        %swap3A_1153 = arith.index_cast %add3A_1131 : i32 to index
        %swap3A_1154 = arith.constant 32 : index
        %swap3A_1155 = tpu.vector_load %arg20[%swap3A_1153, %swap3A_1154] {strides = array<i32>} : memref<128x80xf32, #tpu.memory_space<vmem>>, vector<16xf32>,
        tpu.vector_store %arg20[%swap3A_1153, %swap3A_1154], %mul3A_1152 {strides = array<i32>} : memref<128x80xf32, #tpu.memory_space<vmem>>, vector<16xf32>,
        %get3A_1156 = arith.index_cast %add3A_1131 : i32 to index
        %get3A_1157 = arith.constant 48 : index
        %get3A_1158 = tpu.vector_load %arg20[%get3A_1156, %get3A_1157] {strides = array<i32>} : memref<128x80xf32, #tpu.memory_space<vmem>>, vector<16xf32>,
        %mul3A_1159 = vector.broadcast %squeeze3A_1127 : f32 to vector<16xf32>
        %mul3A_1160 = arith.mulf %get3A_1158, %mul3A_1159 : vector<16xf32>
        %swap3A_1161 = arith.index_cast %add3A_1131 : i32 to index
        %swap3A_1162 = arith.constant 48 : index
        %swap3A_1163 = tpu.vector_load %arg20[%swap3A_1161, %swap3A_1162] {strides = array<i32>} : memref<128x80xf32, #tpu.memory_space<vmem>>, vector<16xf32>,
        tpu.vector_store %arg20[%swap3A_1161, %swap3A_1162], %mul3A_1160 {strides = array<i32>} : memref<128x80xf32, #tpu.memory_space<vmem>>, vector<16xf32>,
        %get3A_1164 = arith.index_cast %add3A_1131 : i32 to index
        %get3A_1165 = arith.constant 64 : index
        %get3A_1166 = tpu.vector_load %arg20[%get3A_1164, %get3A_1165] {strides = array<i32>} : memref<128x80xf32, #tpu.memory_space<vmem>>, vector<16xf32>,
        %mul3A_1167 = vector.broadcast %squeeze3A_1127 : f32 to vector<16xf32>
        %mul3A_1168 = arith.mulf %get3A_1166, %mul3A_1167 : vector<16xf32>
        %swap3A_1169 = arith.index_cast %add3A_1131 : i32 to index
        %swap3A_1170 = arith.constant 64 : index
        %swap3A_1171 = tpu.vector_load %arg20[%swap3A_1169, %swap3A_1170] {strides = array<i32>} : memref<128x80xf32, #tpu.memory_space<vmem>>, vector<16xf32>,
        tpu.vector_store %arg20[%swap3A_1169, %swap3A_1170], %mul3A_1168 {strides = array<i32>} : memref<128x80xf32, #tpu.memory_space<vmem>>, vector<16xf32>,
        %slice3A_1172 = vector.extract_strided_slice %exp3A {offsets = [9], sizes = [1], strides = [1]} : vector<16xf32> to vector<1xf32>
        %squeeze3A_1173 = vector.extract %slice3A_1172[0] : f32 from vector<1xf32>
        %mul3A_1174 = arith.constant 16 : i32
        %mul3A_1175 = arith.muli %scan3A_667, %mul3A_1174 : i32
        %add3A_1176 = arith.constant 9 : i32
        %add3A_1177 = arith.addi %mul3A_1175, %add3A_1176 : i32
        %get3A_1178 = arith.index_cast %add3A_1177 : i32 to index
        %get3A_1179 = arith.constant 0 : index
        %get3A_1180 = tpu.vector_load %arg20[%get3A_1178, %get3A_1179] {strides = array<i32>} : memref<128x80xf32, #tpu.memory_space<vmem>>, vector<16xf32>,
        %mul3A_1181 = vector.broadcast %squeeze3A_1173 : f32 to vector<16xf32>
        %mul3A_1182 = arith.mulf %get3A_1180, %mul3A_1181 : vector<16xf32>
        %swap3A_1183 = arith.index_cast %add3A_1177 : i32 to index
        %swap3A_1184 = arith.constant 0 : index
        %swap3A_1185 = tpu.vector_load %arg20[%swap3A_1183, %swap3A_1184] {strides = array<i32>} : memref<128x80xf32, #tpu.memory_space<vmem>>, vector<16xf32>,
        tpu.vector_store %arg20[%swap3A_1183, %swap3A_1184], %mul3A_1182 {strides = array<i32>} : memref<128x80xf32, #tpu.memory_space<vmem>>, vector<16xf32>,
        %get3A_1186 = arith.index_cast %add3A_1177 : i32 to index
        %get3A_1187 = arith.constant 16 : index
        %get3A_1188 = tpu.vector_load %arg20[%get3A_1186, %get3A_1187] {strides = array<i32>} : memref<128x80xf32, #tpu.memory_space<vmem>>, vector<16xf32>,
        %mul3A_1189 = vector.broadcast %squeeze3A_1173 : f32 to vector<16xf32>
        %mul3A_1190 = arith.mulf %get3A_1188, %mul3A_1189 : vector<16xf32>
        %swap3A_1191 = arith.index_cast %add3A_1177 : i32 to index
        %swap3A_1192 = arith.constant 16 : index
        %swap3A_1193 = tpu.vector_load %arg20[%swap3A_1191, %swap3A_1192] {strides = array<i32>} : memref<128x80xf32, #tpu.memory_space<vmem>>, vector<16xf32>,
        tpu.vector_store %arg20[%swap3A_1191, %swap3A_1192], %mul3A_1190 {strides = array<i32>} : memref<128x80xf32, #tpu.memory_space<vmem>>, vector<16xf32>,
        %get3A_1194 = arith.index_cast %add3A_1177 : i32 to index
        %get3A_1195 = arith.constant 32 : index
        %get3A_1196 = tpu.vector_load %arg20[%get3A_1194, %get3A_1195] {strides = array<i32>} : memref<128x80xf32, #tpu.memory_space<vmem>>, vector<16xf32>,
        %mul3A_1197 = vector.broadcast %squeeze3A_1173 : f32 to vector<16xf32>
        %mul3A_1198 = arith.mulf %get3A_1196, %mul3A_1197 : vector<16xf32>
        %swap3A_1199 = arith.index_cast %add3A_1177 : i32 to index
        %swap3A_1200 = arith.constant 32 : index
        %swap3A_1201 = tpu.vector_load %arg20[%swap3A_1199, %swap3A_1200] {strides = array<i32>} : memref<128x80xf32, #tpu.memory_space<vmem>>, vector<16xf32>,
        tpu.vector_store %arg20[%swap3A_1199, %swap3A_1200], %mul3A_1198 {strides = array<i32>} : memref<128x80xf32, #tpu.memory_space<vmem>>, vector<16xf32>,
        %get3A_1202 = arith.index_cast %add3A_1177 : i32 to index
        %get3A_1203 = arith.constant 48 : index
        %get3A_1204 = tpu.vector_load %arg20[%get3A_1202, %get3A_1203] {strides = array<i32>} : memref<128x80xf32, #tpu.memory_space<vmem>>, vector<16xf32>,
        %mul3A_1205 = vector.broadcast %squeeze3A_1173 : f32 to vector<16xf32>
        %mul3A_1206 = arith.mulf %get3A_1204, %mul3A_1205 : vector<16xf32>
        %swap3A_1207 = arith.index_cast %add3A_1177 : i32 to index
        %swap3A_1208 = arith.constant 48 : index
        %swap3A_1209 = tpu.vector_load %arg20[%swap3A_1207, %swap3A_1208] {strides = array<i32>} : memref<128x80xf32, #tpu.memory_space<vmem>>, vector<16xf32>,
        tpu.vector_store %arg20[%swap3A_1207, %swap3A_1208], %mul3A_1206 {strides = array<i32>} : memref<128x80xf32, #tpu.memory_space<vmem>>, vector<16xf32>,
        %get3A_1210 = arith.index_cast %add3A_1177 : i32 to index
        %get3A_1211 = arith.constant 64 : index
        %get3A_1212 = tpu.vector_load %arg20[%get3A_1210, %get3A_1211] {strides = array<i32>} : memref<128x80xf32, #tpu.memory_space<vmem>>, vector<16xf32>,
        %mul3A_1213 = vector.broadcast %squeeze3A_1173 : f32 to vector<16xf32>
        %mul3A_1214 = arith.mulf %get3A_1212, %mul3A_1213 : vector<16xf32>
        %swap3A_1215 = arith.index_cast %add3A_1177 : i32 to index
        %swap3A_1216 = arith.constant 64 : index
        %swap3A_1217 = tpu.vector_load %arg20[%swap3A_1215, %swap3A_1216] {strides = array<i32>} : memref<128x80xf32, #tpu.memory_space<vmem>>, vector<16xf32>,
        tpu.vector_store %arg20[%swap3A_1215, %swap3A_1216], %mul3A_1214 {strides = array<i32>} : memref<128x80xf32, #tpu.memory_space<vmem>>, vector<16xf32>,
        %slice3A_1218 = vector.extract_strided_slice %exp3A {offsets = [10], sizes = [1], strides = [1]} : vector<16xf32> to vector<1xf32>
        %squeeze3A_1219 = vector.extract %slice3A_1218[0] : f32 from vector<1xf32>
        %mul3A_1220 = arith.constant 16 : i32
        %mul3A_1221 = arith.muli %scan3A_667, %mul3A_1220 : i32
        %add3A_1222 = arith.constant 10 : i32
        %add3A_1223 = arith.addi %mul3A_1221, %add3A_1222 : i32
        %get3A_1224 = arith.index_cast %add3A_1223 : i32 to index
        %get3A_1225 = arith.constant 0 : index
        %get3A_1226 = tpu.vector_load %arg20[%get3A_1224, %get3A_1225] {strides = array<i32>} : memref<128x80xf32, #tpu.memory_space<vmem>>, vector<16xf32>,
        %mul3A_1227 = vector.broadcast %squeeze3A_1219 : f32 to vector<16xf32>
        %mul3A_1228 = arith.mulf %get3A_1226, %mul3A_1227 : vector<16xf32>
        %swap3A_1229 = arith.index_cast %add3A_1223 : i32 to index
        %swap3A_1230 = arith.constant 0 : index
        %swap3A_1231 = tpu.vector_load %arg20[%swap3A_1229, %swap3A_1230] {strides = array<i32>} : memref<128x80xf32, #tpu.memory_space<vmem>>, vector<16xf32>,
        tpu.vector_store %arg20[%swap3A_1229, %swap3A_1230], %mul3A_1228 {strides = array<i32>} : memref<128x80xf32, #tpu.memory_space<vmem>>, vector<16xf32>,
        %get3A_1232 = arith.index_cast %add3A_1223 : i32 to index
        %get3A_1233 = arith.constant 16 : index
        %get3A_1234 = tpu.vector_load %arg20[%get3A_1232, %get3A_1233] {strides = array<i32>} : memref<128x80xf32, #tpu.memory_space<vmem>>, vector<16xf32>,
        %mul3A_1235 = vector.broadcast %squeeze3A_1219 : f32 to vector<16xf32>
        %mul3A_1236 = arith.mulf %get3A_1234, %mul3A_1235 : vector<16xf32>
        %swap3A_1237 = arith.index_cast %add3A_1223 : i32 to index
        %swap3A_1238 = arith.constant 16 : index
        %swap3A_1239 = tpu.vector_load %arg20[%swap3A_1237, %swap3A_1238] {strides = array<i32>} : memref<128x80xf32, #tpu.memory_space<vmem>>, vector<16xf32>,
        tpu.vector_store %arg20[%swap3A_1237, %swap3A_1238], %mul3A_1236 {strides = array<i32>} : memref<128x80xf32, #tpu.memory_space<vmem>>, vector<16xf32>,
        %get3A_1240 = arith.index_cast %add3A_1223 : i32 to index
        %get3A_1241 = arith.constant 32 : index
        %get3A_1242 = tpu.vector_load %arg20[%get3A_1240, %get3A_1241] {strides = array<i32>} : memref<128x80xf32, #tpu.memory_space<vmem>>, vector<16xf32>,
        %mul3A_1243 = vector.broadcast %squeeze3A_1219 : f32 to vector<16xf32>
        %mul3A_1244 = arith.mulf %get3A_1242, %mul3A_1243 : vector<16xf32>
        %swap3A_1245 = arith.index_cast %add3A_1223 : i32 to index
        %swap3A_1246 = arith.constant 32 : index
        %swap3A_1247 = tpu.vector_load %arg20[%swap3A_1245, %swap3A_1246] {strides = array<i32>} : memref<128x80xf32, #tpu.memory_space<vmem>>, vector<16xf32>,
        tpu.vector_store %arg20[%swap3A_1245, %swap3A_1246], %mul3A_1244 {strides = array<i32>} : memref<128x80xf32, #tpu.memory_space<vmem>>, vector<16xf32>,
        %get3A_1248 = arith.index_cast %add3A_1223 : i32 to index
        %get3A_1249 = arith.constant 48 : index
        %get3A_1250 = tpu.vector_load %arg20[%get3A_1248, %get3A_1249] {strides = array<i32>} : memref<128x80xf32, #tpu.memory_space<vmem>>, vector<16xf32>,
        %mul3A_1251 = vector.broadcast %squeeze3A_1219 : f32 to vector<16xf32>
        %mul3A_1252 = arith.mulf %get3A_1250, %mul3A_1251 : vector<16xf32>
        %swap3A_1253 = arith.index_cast %add3A_1223 : i32 to index
        %swap3A_1254 = arith.constant 48 : index
        %swap3A_1255 = tpu.vector_load %arg20[%swap3A_1253, %swap3A_1254] {strides = array<i32>} : memref<128x80xf32, #tpu.memory_space<vmem>>, vector<16xf32>,
        tpu.vector_store %arg20[%swap3A_1253, %swap3A_1254], %mul3A_1252 {strides = array<i32>} : memref<128x80xf32, #tpu.memory_space<vmem>>, vector<16xf32>,
        %get3A_1256 = arith.index_cast %add3A_1223 : i32 to index
        %get3A_1257 = arith.constant 64 : index
        %get3A_1258 = tpu.vector_load %arg20[%get3A_1256, %get3A_1257] {strides = array<i32>} : memref<128x80xf32, #tpu.memory_space<vmem>>, vector<16xf32>,
        %mul3A_1259 = vector.broadcast %squeeze3A_1219 : f32 to vector<16xf32>
        %mul3A_1260 = arith.mulf %get3A_1258, %mul3A_1259 : vector<16xf32>
        %swap3A_1261 = arith.index_cast %add3A_1223 : i32 to index
        %swap3A_1262 = arith.constant 64 : index
        %swap3A_1263 = tpu.vector_load %arg20[%swap3A_1261, %swap3A_1262] {strides = array<i32>} : memref<128x80xf32, #tpu.memory_space<vmem>>, vector<16xf32>,
        tpu.vector_store %arg20[%swap3A_1261, %swap3A_1262], %mul3A_1260 {strides = array<i32>} : memref<128x80xf32, #tpu.memory_space<vmem>>, vector<16xf32>,
        %slice3A_1264 = vector.extract_strided_slice %exp3A {offsets = [11], sizes = [1], strides = [1]} : vector<16xf32> to vector<1xf32>
        %squeeze3A_1265 = vector.extract %slice3A_1264[0] : f32 from vector<1xf32>
        %mul3A_1266 = arith.constant 16 : i32
        %mul3A_1267 = arith.muli %scan3A_667, %mul3A_1266 : i32
        %add3A_1268 = arith.constant 11 : i32
        %add3A_1269 = arith.addi %mul3A_1267, %add3A_1268 : i32
        %get3A_1270 = arith.index_cast %add3A_1269 : i32 to index
        %get3A_1271 = arith.constant 0 : index
        %get3A_1272 = tpu.vector_load %arg20[%get3A_1270, %get3A_1271] {strides = array<i32>} : memref<128x80xf32, #tpu.memory_space<vmem>>, vector<16xf32>,
        %mul3A_1273 = vector.broadcast %squeeze3A_1265 : f32 to vector<16xf32>
        %mul3A_1274 = arith.mulf %get3A_1272, %mul3A_1273 : vector<16xf32>
        %swap3A_1275 = arith.index_cast %add3A_1269 : i32 to index
        %swap3A_1276 = arith.constant 0 : index
        %swap3A_1277 = tpu.vector_load %arg20[%swap3A_1275, %swap3A_1276] {strides = array<i32>} : memref<128x80xf32, #tpu.memory_space<vmem>>, vector<16xf32>,
        tpu.vector_store %arg20[%swap3A_1275, %swap3A_1276], %mul3A_1274 {strides = array<i32>} : memref<128x80xf32, #tpu.memory_space<vmem>>, vector<16xf32>,
        %get3A_1278 = arith.index_cast %add3A_1269 : i32 to index
        %get3A_1279 = arith.constant 16 : index
        %get3A_1280 = tpu.vector_load %arg20[%get3A_1278, %get3A_1279] {strides = array<i32>} : memref<128x80xf32, #tpu.memory_space<vmem>>, vector<16xf32>,
        %mul3A_1281 = vector.broadcast %squeeze3A_1265 : f32 to vector<16xf32>
        %mul3A_1282 = arith.mulf %get3A_1280, %mul3A_1281 : vector<16xf32>
        %swap3A_1283 = arith.index_cast %add3A_1269 : i32 to index
        %swap3A_1284 = arith.constant 16 : index
        %swap3A_1285 = tpu.vector_load %arg20[%swap3A_1283, %swap3A_1284] {strides = array<i32>} : memref<128x80xf32, #tpu.memory_space<vmem>>, vector<16xf32>,
        tpu.vector_store %arg20[%swap3A_1283, %swap3A_1284], %mul3A_1282 {strides = array<i32>} : memref<128x80xf32, #tpu.memory_space<vmem>>, vector<16xf32>,
        %get3A_1286 = arith.index_cast %add3A_1269 : i32 to index
        %get3A_1287 = arith.constant 32 : index
        %get3A_1288 = tpu.vector_load %arg20[%get3A_1286, %get3A_1287] {strides = array<i32>} : memref<128x80xf32, #tpu.memory_space<vmem>>, vector<16xf32>,
        %mul3A_1289 = vector.broadcast %squeeze3A_1265 : f32 to vector<16xf32>
        %mul3A_1290 = arith.mulf %get3A_1288, %mul3A_1289 : vector<16xf32>
        %swap3A_1291 = arith.index_cast %add3A_1269 : i32 to index
        %swap3A_1292 = arith.constant 32 : index
        %swap3A_1293 = tpu.vector_load %arg20[%swap3A_1291, %swap3A_1292] {strides = array<i32>} : memref<128x80xf32, #tpu.memory_space<vmem>>, vector<16xf32>,
        tpu.vector_store %arg20[%swap3A_1291, %swap3A_1292], %mul3A_1290 {strides = array<i32>} : memref<128x80xf32, #tpu.memory_space<vmem>>, vector<16xf32>,
        %get3A_1294 = arith.index_cast %add3A_1269 : i32 to index
        %get3A_1295 = arith.constant 48 : index
        %get3A_1296 = tpu.vector_load %arg20[%get3A_1294, %get3A_1295] {strides = array<i32>} : memref<128x80xf32, #tpu.memory_space<vmem>>, vector<16xf32>,
        %mul3A_1297 = vector.broadcast %squeeze3A_1265 : f32 to vector<16xf32>
        %mul3A_1298 = arith.mulf %get3A_1296, %mul3A_1297 : vector<16xf32>
        %swap3A_1299 = arith.index_cast %add3A_1269 : i32 to index
        %swap3A_1300 = arith.constant 48 : index
        %swap3A_1301 = tpu.vector_load %arg20[%swap3A_1299, %swap3A_1300] {strides = array<i32>} : memref<128x80xf32, #tpu.memory_space<vmem>>, vector<16xf32>,
        tpu.vector_store %arg20[%swap3A_1299, %swap3A_1300], %mul3A_1298 {strides = array<i32>} : memref<128x80xf32, #tpu.memory_space<vmem>>, vector<16xf32>,
        %get3A_1302 = arith.index_cast %add3A_1269 : i32 to index
        %get3A_1303 = arith.constant 64 : index
        %get3A_1304 = tpu.vector_load %arg20[%get3A_1302, %get3A_1303] {strides = array<i32>} : memref<128x80xf32, #tpu.memory_space<vmem>>, vector<16xf32>,
        %mul3A_1305 = vector.broadcast %squeeze3A_1265 : f32 to vector<16xf32>
        %mul3A_1306 = arith.mulf %get3A_1304, %mul3A_1305 : vector<16xf32>
        %swap3A_1307 = arith.index_cast %add3A_1269 : i32 to index
        %swap3A_1308 = arith.constant 64 : index
        %swap3A_1309 = tpu.vector_load %arg20[%swap3A_1307, %swap3A_1308] {strides = array<i32>} : memref<128x80xf32, #tpu.memory_space<vmem>>, vector<16xf32>,
        tpu.vector_store %arg20[%swap3A_1307, %swap3A_1308], %mul3A_1306 {strides = array<i32>} : memref<128x80xf32, #tpu.memory_space<vmem>>, vector<16xf32>,
        %slice3A_1310 = vector.extract_strided_slice %exp3A {offsets = [12], sizes = [1], strides = [1]} : vector<16xf32> to vector<1xf32>
        %squeeze3A_1311 = vector.extract %slice3A_1310[0] : f32 from vector<1xf32>
        %mul3A_1312 = arith.constant 16 : i32
        %mul3A_1313 = arith.muli %scan3A_667, %mul3A_1312 : i32
        %add3A_1314 = arith.constant 12 : i32
        %add3A_1315 = arith.addi %mul3A_1313, %add3A_1314 : i32
        %get3A_1316 = arith.index_cast %add3A_1315 : i32 to index
        %get3A_1317 = arith.constant 0 : index
        %get3A_1318 = tpu.vector_load %arg20[%get3A_1316, %get3A_1317] {strides = array<i32>} : memref<128x80xf32, #tpu.memory_space<vmem>>, vector<16xf32>,
        %mul3A_1319 = vector.broadcast %squeeze3A_1311 : f32 to vector<16xf32>
        %mul3A_1320 = arith.mulf %get3A_1318, %mul3A_1319 : vector<16xf32>
        %swap3A_1321 = arith.index_cast %add3A_1315 : i32 to index
        %swap3A_1322 = arith.constant 0 : index
        %swap3A_1323 = tpu.vector_load %arg20[%swap3A_1321, %swap3A_1322] {strides = array<i32>} : memref<128x80xf32, #tpu.memory_space<vmem>>, vector<16xf32>,
        tpu.vector_store %arg20[%swap3A_1321, %swap3A_1322], %mul3A_1320 {strides = array<i32>} : memref<128x80xf32, #tpu.memory_space<vmem>>, vector<16xf32>,
        %get3A_1324 = arith.index_cast %add3A_1315 : i32 to index
        %get3A_1325 = arith.constant 16 : index
        %get3A_1326 = tpu.vector_load %arg20[%get3A_1324, %get3A_1325] {strides = array<i32>} : memref<128x80xf32, #tpu.memory_space<vmem>>, vector<16xf32>,
        %mul3A_1327 = vector.broadcast %squeeze3A_1311 : f32 to vector<16xf32>
        %mul3A_1328 = arith.mulf %get3A_1326, %mul3A_1327 : vector<16xf32>
        %swap3A_1329 = arith.index_cast %add3A_1315 : i32 to index
        %swap3A_1330 = arith.constant 16 : index
        %swap3A_1331 = tpu.vector_load %arg20[%swap3A_1329, %swap3A_1330] {strides = array<i32>} : memref<128x80xf32, #tpu.memory_space<vmem>>, vector<16xf32>,
        tpu.vector_store %arg20[%swap3A_1329, %swap3A_1330], %mul3A_1328 {strides = array<i32>} : memref<128x80xf32, #tpu.memory_space<vmem>>, vector<16xf32>,
        %get3A_1332 = arith.index_cast %add3A_1315 : i32 to index
        %get3A_1333 = arith.constant 32 : index
        %get3A_1334 = tpu.vector_load %arg20[%get3A_1332, %get3A_1333] {strides = array<i32>} : memref<128x80xf32, #tpu.memory_space<vmem>>, vector<16xf32>,
        %mul3A_1335 = vector.broadcast %squeeze3A_1311 : f32 to vector<16xf32>
        %mul3A_1336 = arith.mulf %get3A_1334, %mul3A_1335 : vector<16xf32>
        %swap3A_1337 = arith.index_cast %add3A_1315 : i32 to index
        %swap3A_1338 = arith.constant 32 : index
        %swap3A_1339 = tpu.vector_load %arg20[%swap3A_1337, %swap3A_1338] {strides = array<i32>} : memref<128x80xf32, #tpu.memory_space<vmem>>, vector<16xf32>,
        tpu.vector_store %arg20[%swap3A_1337, %swap3A_1338], %mul3A_1336 {strides = array<i32>} : memref<128x80xf32, #tpu.memory_space<vmem>>, vector<16xf32>,
        %get3A_1340 = arith.index_cast %add3A_1315 : i32 to index
        %get3A_1341 = arith.constant 48 : index
        %get3A_1342 = tpu.vector_load %arg20[%get3A_1340, %get3A_1341] {strides = array<i32>} : memref<128x80xf32, #tpu.memory_space<vmem>>, vector<16xf32>,
        %mul3A_1343 = vector.broadcast %squeeze3A_1311 : f32 to vector<16xf32>
        %mul3A_1344 = arith.mulf %get3A_1342, %mul3A_1343 : vector<16xf32>
        %swap3A_1345 = arith.index_cast %add3A_1315 : i32 to index
        %swap3A_1346 = arith.constant 48 : index
        %swap3A_1347 = tpu.vector_load %arg20[%swap3A_1345, %swap3A_1346] {strides = array<i32>} : memref<128x80xf32, #tpu.memory_space<vmem>>, vector<16xf32>,
        tpu.vector_store %arg20[%swap3A_1345, %swap3A_1346], %mul3A_1344 {strides = array<i32>} : memref<128x80xf32, #tpu.memory_space<vmem>>, vector<16xf32>,
        %get3A_1348 = arith.index_cast %add3A_1315 : i32 to index
        %get3A_1349 = arith.constant 64 : index
        %get3A_1350 = tpu.vector_load %arg20[%get3A_1348, %get3A_1349] {strides = array<i32>} : memref<128x80xf32, #tpu.memory_space<vmem>>, vector<16xf32>,
        %mul3A_1351 = vector.broadcast %squeeze3A_1311 : f32 to vector<16xf32>
        %mul3A_1352 = arith.mulf %get3A_1350, %mul3A_1351 : vector<16xf32>
        %swap3A_1353 = arith.index_cast %add3A_1315 : i32 to index
        %swap3A_1354 = arith.constant 64 : index
        %swap3A_1355 = tpu.vector_load %arg20[%swap3A_1353, %swap3A_1354] {strides = array<i32>} : memref<128x80xf32, #tpu.memory_space<vmem>>, vector<16xf32>,
        tpu.vector_store %arg20[%swap3A_1353, %swap3A_1354], %mul3A_1352 {strides = array<i32>} : memref<128x80xf32, #tpu.memory_space<vmem>>, vector<16xf32>,
        %slice3A_1356 = vector.extract_strided_slice %exp3A {offsets = [13], sizes = [1], strides = [1]} : vector<16xf32> to vector<1xf32>
        %squeeze3A_1357 = vector.extract %slice3A_1356[0] : f32 from vector<1xf32>
        %mul3A_1358 = arith.constant 16 : i32
        %mul3A_1359 = arith.muli %scan3A_667, %mul3A_1358 : i32
        %add3A_1360 = arith.constant 13 : i32
        %add3A_1361 = arith.addi %mul3A_1359, %add3A_1360 : i32
        %get3A_1362 = arith.index_cast %add3A_1361 : i32 to index
        %get3A_1363 = arith.constant 0 : index
        %get3A_1364 = tpu.vector_load %arg20[%get3A_1362, %get3A_1363] {strides = array<i32>} : memref<128x80xf32, #tpu.memory_space<vmem>>, vector<16xf32>,
        %mul3A_1365 = vector.broadcast %squeeze3A_1357 : f32 to vector<16xf32>
        %mul3A_1366 = arith.mulf %get3A_1364, %mul3A_1365 : vector<16xf32>
        %swap3A_1367 = arith.index_cast %add3A_1361 : i32 to index
        %swap3A_1368 = arith.constant 0 : index
        %swap3A_1369 = tpu.vector_load %arg20[%swap3A_1367, %swap3A_1368] {strides = array<i32>} : memref<128x80xf32, #tpu.memory_space<vmem>>, vector<16xf32>,
        tpu.vector_store %arg20[%swap3A_1367, %swap3A_1368], %mul3A_1366 {strides = array<i32>} : memref<128x80xf32, #tpu.memory_space<vmem>>, vector<16xf32>,
        %get3A_1370 = arith.index_cast %add3A_1361 : i32 to index
        %get3A_1371 = arith.constant 16 : index
        %get3A_1372 = tpu.vector_load %arg20[%get3A_1370, %get3A_1371] {strides = array<i32>} : memref<128x80xf32, #tpu.memory_space<vmem>>, vector<16xf32>,
        %mul3A_1373 = vector.broadcast %squeeze3A_1357 : f32 to vector<16xf32>
        %mul3A_1374 = arith.mulf %get3A_1372, %mul3A_1373 : vector<16xf32>
        %swap3A_1375 = arith.index_cast %add3A_1361 : i32 to index
        %swap3A_1376 = arith.constant 16 : index
        %swap3A_1377 = tpu.vector_load %arg20[%swap3A_1375, %swap3A_1376] {strides = array<i32>} : memref<128x80xf32, #tpu.memory_space<vmem>>, vector<16xf32>,
        tpu.vector_store %arg20[%swap3A_1375, %swap3A_1376], %mul3A_1374 {strides = array<i32>} : memref<128x80xf32, #tpu.memory_space<vmem>>, vector<16xf32>,
        %get3A_1378 = arith.index_cast %add3A_1361 : i32 to index
        %get3A_1379 = arith.constant 32 : index
        %get3A_1380 = tpu.vector_load %arg20[%get3A_1378, %get3A_1379] {strides = array<i32>} : memref<128x80xf32, #tpu.memory_space<vmem>>, vector<16xf32>,
        %mul3A_1381 = vector.broadcast %squeeze3A_1357 : f32 to vector<16xf32>
        %mul3A_1382 = arith.mulf %get3A_1380, %mul3A_1381 : vector<16xf32>
        %swap3A_1383 = arith.index_cast %add3A_1361 : i32 to index
        %swap3A_1384 = arith.constant 32 : index
        %swap3A_1385 = tpu.vector_load %arg20[%swap3A_1383, %swap3A_1384] {strides = array<i32>} : memref<128x80xf32, #tpu.memory_space<vmem>>, vector<16xf32>,
        tpu.vector_store %arg20[%swap3A_1383, %swap3A_1384], %mul3A_1382 {strides = array<i32>} : memref<128x80xf32, #tpu.memory_space<vmem>>, vector<16xf32>,
        %get3A_1386 = arith.index_cast %add3A_1361 : i32 to index
        %get3A_1387 = arith.constant 48 : index
        %get3A_1388 = tpu.vector_load %arg20[%get3A_1386, %get3A_1387] {strides = array<i32>} : memref<128x80xf32, #tpu.memory_space<vmem>>, vector<16xf32>,
        %mul3A_1389 = vector.broadcast %squeeze3A_1357 : f32 to vector<16xf32>
        %mul3A_1390 = arith.mulf %get3A_1388, %mul3A_1389 : vector<16xf32>
        %swap3A_1391 = arith.index_cast %add3A_1361 : i32 to index
        %swap3A_1392 = arith.constant 48 : index
        %swap3A_1393 = tpu.vector_load %arg20[%swap3A_1391, %swap3A_1392] {strides = array<i32>} : memref<128x80xf32, #tpu.memory_space<vmem>>, vector<16xf32>,
        tpu.vector_store %arg20[%swap3A_1391, %swap3A_1392], %mul3A_1390 {strides = array<i32>} : memref<128x80xf32, #tpu.memory_space<vmem>>, vector<16xf32>,
        %get3A_1394 = arith.index_cast %add3A_1361 : i32 to index
        %get3A_1395 = arith.constant 64 : index
        %get3A_1396 = tpu.vector_load %arg20[%get3A_1394, %get3A_1395] {strides = array<i32>} : memref<128x80xf32, #tpu.memory_space<vmem>>, vector<16xf32>,
        %mul3A_1397 = vector.broadcast %squeeze3A_1357 : f32 to vector<16xf32>
        %mul3A_1398 = arith.mulf %get3A_1396, %mul3A_1397 : vector<16xf32>
        %swap3A_1399 = arith.index_cast %add3A_1361 : i32 to index
        %swap3A_1400 = arith.constant 64 : index
        %swap3A_1401 = tpu.vector_load %arg20[%swap3A_1399, %swap3A_1400] {strides = array<i32>} : memref<128x80xf32, #tpu.memory_space<vmem>>, vector<16xf32>,
        tpu.vector_store %arg20[%swap3A_1399, %swap3A_1400], %mul3A_1398 {strides = array<i32>} : memref<128x80xf32, #tpu.memory_space<vmem>>, vector<16xf32>,
        %slice3A_1402 = vector.extract_strided_slice %exp3A {offsets = [14], sizes = [1], strides = [1]} : vector<16xf32> to vector<1xf32>
        %squeeze3A_1403 = vector.extract %slice3A_1402[0] : f32 from vector<1xf32>
        %mul3A_1404 = arith.constant 16 : i32
        %mul3A_1405 = arith.muli %scan3A_667, %mul3A_1404 : i32
        %add3A_1406 = arith.constant 14 : i32
        %add3A_1407 = arith.addi %mul3A_1405, %add3A_1406 : i32
        %get3A_1408 = arith.index_cast %add3A_1407 : i32 to index
        %get3A_1409 = arith.constant 0 : index
        %get3A_1410 = tpu.vector_load %arg20[%get3A_1408, %get3A_1409] {strides = array<i32>} : memref<128x80xf32, #tpu.memory_space<vmem>>, vector<16xf32>,
        %mul3A_1411 = vector.broadcast %squeeze3A_1403 : f32 to vector<16xf32>
        %mul3A_1412 = arith.mulf %get3A_1410, %mul3A_1411 : vector<16xf32>
        %swap3A_1413 = arith.index_cast %add3A_1407 : i32 to index
        %swap3A_1414 = arith.constant 0 : index
        %swap3A_1415 = tpu.vector_load %arg20[%swap3A_1413, %swap3A_1414] {strides = array<i32>} : memref<128x80xf32, #tpu.memory_space<vmem>>, vector<16xf32>,
        tpu.vector_store %arg20[%swap3A_1413, %swap3A_1414], %mul3A_1412 {strides = array<i32>} : memref<128x80xf32, #tpu.memory_space<vmem>>, vector<16xf32>,
        %get3A_1416 = arith.index_cast %add3A_1407 : i32 to index
        %get3A_1417 = arith.constant 16 : index
        %get3A_1418 = tpu.vector_load %arg20[%get3A_1416, %get3A_1417] {strides = array<i32>} : memref<128x80xf32, #tpu.memory_space<vmem>>, vector<16xf32>,
        %mul3A_1419 = vector.broadcast %squeeze3A_1403 : f32 to vector<16xf32>
        %mul3A_1420 = arith.mulf %get3A_1418, %mul3A_1419 : vector<16xf32>
        %swap3A_1421 = arith.index_cast %add3A_1407 : i32 to index
        %swap3A_1422 = arith.constant 16 : index
        %swap3A_1423 = tpu.vector_load %arg20[%swap3A_1421, %swap3A_1422] {strides = array<i32>} : memref<128x80xf32, #tpu.memory_space<vmem>>, vector<16xf32>,
        tpu.vector_store %arg20[%swap3A_1421, %swap3A_1422], %mul3A_1420 {strides = array<i32>} : memref<128x80xf32, #tpu.memory_space<vmem>>, vector<16xf32>,
        %get3A_1424 = arith.index_cast %add3A_1407 : i32 to index
        %get3A_1425 = arith.constant 32 : index
        %get3A_1426 = tpu.vector_load %arg20[%get3A_1424, %get3A_1425] {strides = array<i32>} : memref<128x80xf32, #tpu.memory_space<vmem>>, vector<16xf32>,
        %mul3A_1427 = vector.broadcast %squeeze3A_1403 : f32 to vector<16xf32>
        %mul3A_1428 = arith.mulf %get3A_1426, %mul3A_1427 : vector<16xf32>
        %swap3A_1429 = arith.index_cast %add3A_1407 : i32 to index
        %swap3A_1430 = arith.constant 32 : index
        %swap3A_1431 = tpu.vector_load %arg20[%swap3A_1429, %swap3A_1430] {strides = array<i32>} : memref<128x80xf32, #tpu.memory_space<vmem>>, vector<16xf32>,
        tpu.vector_store %arg20[%swap3A_1429, %swap3A_1430], %mul3A_1428 {strides = array<i32>} : memref<128x80xf32, #tpu.memory_space<vmem>>, vector<16xf32>,
        %get3A_1432 = arith.index_cast %add3A_1407 : i32 to index
        %get3A_1433 = arith.constant 48 : index
        %get3A_1434 = tpu.vector_load %arg20[%get3A_1432, %get3A_1433] {strides = array<i32>} : memref<128x80xf32, #tpu.memory_space<vmem>>, vector<16xf32>,
        %mul3A_1435 = vector.broadcast %squeeze3A_1403 : f32 to vector<16xf32>
        %mul3A_1436 = arith.mulf %get3A_1434, %mul3A_1435 : vector<16xf32>
        %swap3A_1437 = arith.index_cast %add3A_1407 : i32 to index
        %swap3A_1438 = arith.constant 48 : index
        %swap3A_1439 = tpu.vector_load %arg20[%swap3A_1437, %swap3A_1438] {strides = array<i32>} : memref<128x80xf32, #tpu.memory_space<vmem>>, vector<16xf32>,
        tpu.vector_store %arg20[%swap3A_1437, %swap3A_1438], %mul3A_1436 {strides = array<i32>} : memref<128x80xf32, #tpu.memory_space<vmem>>, vector<16xf32>,
        %get3A_1440 = arith.index_cast %add3A_1407 : i32 to index
        %get3A_1441 = arith.constant 64 : index
        %get3A_1442 = tpu.vector_load %arg20[%get3A_1440, %get3A_1441] {strides = array<i32>} : memref<128x80xf32, #tpu.memory_space<vmem>>, vector<16xf32>,
        %mul3A_1443 = vector.broadcast %squeeze3A_1403 : f32 to vector<16xf32>
        %mul3A_1444 = arith.mulf %get3A_1442, %mul3A_1443 : vector<16xf32>
        %swap3A_1445 = arith.index_cast %add3A_1407 : i32 to index
        %swap3A_1446 = arith.constant 64 : index
        %swap3A_1447 = tpu.vector_load %arg20[%swap3A_1445, %swap3A_1446] {strides = array<i32>} : memref<128x80xf32, #tpu.memory_space<vmem>>, vector<16xf32>,
        tpu.vector_store %arg20[%swap3A_1445, %swap3A_1446], %mul3A_1444 {strides = array<i32>} : memref<128x80xf32, #tpu.memory_space<vmem>>, vector<16xf32>,
        %slice3A_1448 = vector.extract_strided_slice %exp3A {offsets = [15], sizes = [1], strides = [1]} : vector<16xf32> to vector<1xf32>
        %squeeze3A_1449 = vector.extract %slice3A_1448[0] : f32 from vector<1xf32>
        %mul3A_1450 = arith.constant 16 : i32
        %mul3A_1451 = arith.muli %scan3A_667, %mul3A_1450 : i32
        %add3A_1452 = arith.constant 15 : i32
        %add3A_1453 = arith.addi %mul3A_1451, %add3A_1452 : i32
        %get3A_1454 = arith.index_cast %add3A_1453 : i32 to index
        %get3A_1455 = arith.constant 0 : index
        %get3A_1456 = tpu.vector_load %arg20[%get3A_1454, %get3A_1455] {strides = array<i32>} : memref<128x80xf32, #tpu.memory_space<vmem>>, vector<16xf32>,
        %mul3A_1457 = vector.broadcast %squeeze3A_1449 : f32 to vector<16xf32>
        %mul3A_1458 = arith.mulf %get3A_1456, %mul3A_1457 : vector<16xf32>
        %swap3A_1459 = arith.index_cast %add3A_1453 : i32 to index
        %swap3A_1460 = arith.constant 0 : index
        %swap3A_1461 = tpu.vector_load %arg20[%swap3A_1459, %swap3A_1460] {strides = array<i32>} : memref<128x80xf32, #tpu.memory_space<vmem>>, vector<16xf32>,
        tpu.vector_store %arg20[%swap3A_1459, %swap3A_1460], %mul3A_1458 {strides = array<i32>} : memref<128x80xf32, #tpu.memory_space<vmem>>, vector<16xf32>,
        %get3A_1462 = arith.index_cast %add3A_1453 : i32 to index
        %get3A_1463 = arith.constant 16 : index
        %get3A_1464 = tpu.vector_load %arg20[%get3A_1462, %get3A_1463] {strides = array<i32>} : memref<128x80xf32, #tpu.memory_space<vmem>>, vector<16xf32>,
        %mul3A_1465 = vector.broadcast %squeeze3A_1449 : f32 to vector<16xf32>
        %mul3A_1466 = arith.mulf %get3A_1464, %mul3A_1465 : vector<16xf32>
        %swap3A_1467 = arith.index_cast %add3A_1453 : i32 to index
        %swap3A_1468 = arith.constant 16 : index
        %swap3A_1469 = tpu.vector_load %arg20[%swap3A_1467, %swap3A_1468] {strides = array<i32>} : memref<128x80xf32, #tpu.memory_space<vmem>>, vector<16xf32>,
        tpu.vector_store %arg20[%swap3A_1467, %swap3A_1468], %mul3A_1466 {strides = array<i32>} : memref<128x80xf32, #tpu.memory_space<vmem>>, vector<16xf32>,
        %get3A_1470 = arith.index_cast %add3A_1453 : i32 to index
        %get3A_1471 = arith.constant 32 : index
        %get3A_1472 = tpu.vector_load %arg20[%get3A_1470, %get3A_1471] {strides = array<i32>} : memref<128x80xf32, #tpu.memory_space<vmem>>, vector<16xf32>,
        %mul3A_1473 = vector.broadcast %squeeze3A_1449 : f32 to vector<16xf32>
        %mul3A_1474 = arith.mulf %get3A_1472, %mul3A_1473 : vector<16xf32>
        %swap3A_1475 = arith.index_cast %add3A_1453 : i32 to index
        %swap3A_1476 = arith.constant 32 : index
        %swap3A_1477 = tpu.vector_load %arg20[%swap3A_1475, %swap3A_1476] {strides = array<i32>} : memref<128x80xf32, #tpu.memory_space<vmem>>, vector<16xf32>,
        tpu.vector_store %arg20[%swap3A_1475, %swap3A_1476], %mul3A_1474 {strides = array<i32>} : memref<128x80xf32, #tpu.memory_space<vmem>>, vector<16xf32>,
        %get3A_1478 = arith.index_cast %add3A_1453 : i32 to index
        %get3A_1479 = arith.constant 48 : index
        %get3A_1480 = tpu.vector_load %arg20[%get3A_1478, %get3A_1479] {strides = array<i32>} : memref<128x80xf32, #tpu.memory_space<vmem>>, vector<16xf32>,
        %mul3A_1481 = vector.broadcast %squeeze3A_1449 : f32 to vector<16xf32>
        %mul3A_1482 = arith.mulf %get3A_1480, %mul3A_1481 : vector<16xf32>
        %swap3A_1483 = arith.index_cast %add3A_1453 : i32 to index
        %swap3A_1484 = arith.constant 48 : index
        %swap3A_1485 = tpu.vector_load %arg20[%swap3A_1483, %swap3A_1484] {strides = array<i32>} : memref<128x80xf32, #tpu.memory_space<vmem>>, vector<16xf32>,
        tpu.vector_store %arg20[%swap3A_1483, %swap3A_1484], %mul3A_1482 {strides = array<i32>} : memref<128x80xf32, #tpu.memory_space<vmem>>, vector<16xf32>,
        %get3A_1486 = arith.index_cast %add3A_1453 : i32 to index
        %get3A_1487 = arith.constant 64 : index
        %get3A_1488 = tpu.vector_load %arg20[%get3A_1486, %get3A_1487] {strides = array<i32>} : memref<128x80xf32, #tpu.memory_space<vmem>>, vector<16xf32>,
        %mul3A_1489 = vector.broadcast %squeeze3A_1449 : f32 to vector<16xf32>
        %mul3A_1490 = arith.mulf %get3A_1488, %mul3A_1489 : vector<16xf32>
        %swap3A_1491 = arith.index_cast %add3A_1453 : i32 to index
        %swap3A_1492 = arith.constant 64 : index
        %swap3A_1493 = tpu.vector_load %arg20[%swap3A_1491, %swap3A_1492] {strides = array<i32>} : memref<128x80xf32, #tpu.memory_space<vmem>>, vector<16xf32>,
        tpu.vector_store %arg20[%swap3A_1491, %swap3A_1492], %mul3A_1490 {strides = array<i32>} : memref<128x80xf32, #tpu.memory_space<vmem>>, vector<16xf32>,
      }
      %scan3A_666 = arith.constant 8 : i32
      "tpu.region"() ({
        %run_scoped3A = tpu.sem_alloc : memref<!tpu.dma_semaphore, #tpu.memory_space<semaphore_mem>>
        %dma_start3A_667 = arith.constant 0 : i32
        %dma_start3A_668 = arith.constant 0 : i32
        %dma_start3A_669 = tpu.memref_slice %arg23[%dma_start3A_667, %dma_start3A_668] : memref<4096x80xf32, #tpu.memory_space<vmem_shared>> -> memref<4096x80xf32, #tpu.memory_space<vmem_shared>>
        tpu.enqueue_indirect_dma source(%arg20 : memref<128x80xf32, #tpu.memory_space<vmem>>) target(%dma_start3A_669 : memref<4096x80xf32, #tpu.memory_space<vmem_shared>>) offsets(%arg16 : memref<128xi32, #tpu.memory_space<vmem>>) semaphore(%run_scoped3A : memref<!tpu.dma_semaphore, #tpu.memory_space<semaphore_mem>>) {add = true}
        %dma_wait3A_670 = arith.constant 0 : i32
        %dma_wait3A_671 = arith.constant 0 : i32
        %dma_wait3A_672 = tpu.memref_slice %arg23[%dma_wait3A_670, %dma_wait3A_671] : memref<4096x80xf32, #tpu.memory_space<vmem_shared>> -> memref<4096x80xf32, #tpu.memory_space<vmem_shared>>
        tpu.wait_indirect_dma semaphore(%run_scoped3A : memref<!tpu.dma_semaphore, #tpu.memory_space<semaphore_mem>>) src(%arg20 : memref<128x80xf32, #tpu.memory_space<vmem>>) dst(%dma_wait3A_672 : memref<4096x80xf32, #tpu.memory_space<vmem_shared>>)
        tpu.yield
      }) : () -> ()
    }
    %scan3A_564 = arith.constant 32 : i32
    %dma_wait3A = arith.constant 0 : i32
    %dma_wait3A_565 = arith.constant 0 : i32
    %dma_wait3A_566 = tpu.memref_slice %arg4[%dma_wait3A, %dma_wait3A_565] : memref<4096x64xf32, #tpu.memory_space<hbm>> -> memref<4096x64xf32, #tpu.memory_space<hbm>>
    tpu.wait_indirect_dma semaphore(%arg24 : memref<!tpu.dma_semaphore, #tpu.memory_space<semaphore_mem>>) src(%dma_wait3A_566 : memref<4096x64xf32, #tpu.memory_space<hbm>>) dst(%arg10 : memref<128x64xf32, #tpu.memory_space<vmem>>)
    %dma_wait3A_567 = arith.constant 0 : i32
    %dma_wait3A_568 = arith.constant 0 : i32
    %dma_wait3A_569 = tpu.memref_slice %arg4[%dma_wait3A_567, %dma_wait3A_568] : memref<4096x64xf32, #tpu.memory_space<hbm>> -> memref<4096x64xf32, #tpu.memory_space<hbm>>
    tpu.wait_indirect_dma semaphore(%arg25 : memref<!tpu.dma_semaphore, #tpu.memory_space<semaphore_mem>>) src(%dma_wait3A_569 : memref<4096x64xf32, #tpu.memory_space<hbm>>) dst(%arg11 : memref<128x64xf32, #tpu.memory_space<vmem>>)
    %dma_wait3A_570 = arith.constant 0 : i32
    %dma_wait3A_571 = arith.constant 0 : i32
    %dma_wait3A_572 = tpu.memref_slice %arg5[%dma_wait3A_570, %dma_wait3A_571] : memref<262144x64xf32, #tpu.memory_space<hbm>> -> memref<128x64xf32, #tpu.memory_space<hbm>>
    %dma_wait3A_573 = arith.constant 0 : i32
    %dma_wait3A_574 = arith.constant 0 : i32
    %dma_wait3A_575 = tpu.memref_slice %arg5[%dma_wait3A_573, %dma_wait3A_574] : memref<262144x64xf32, #tpu.memory_space<hbm>> -> memref<128x64xf32, #tpu.memory_space<hbm>>
    tpu.wait_dma2 semaphore(%arg26 : memref<!tpu.dma_semaphore, #tpu.memory_space<semaphore_mem>>) src(%dma_wait3A_575 : memref<128x64xf32, #tpu.memory_space<hbm>>) dst(%arg12 : memref<128x64xf32, #tpu.memory_space<vmem>>)
    %dma_wait3A_576 = arith.constant 0 : i32
    %dma_wait3A_577 = arith.constant 0 : i32
    %dma_wait3A_578 = tpu.memref_slice %arg6[%dma_wait3A_576, %dma_wait3A_577] : memref<4096x80xf32, #tpu.memory_space<hbm>> -> memref<4096x80xf32, #tpu.memory_space<hbm>>
    tpu.wait_indirect_dma semaphore(%arg27 : memref<!tpu.dma_semaphore, #tpu.memory_space<semaphore_mem>>) src(%dma_wait3A_578 : memref<4096x80xf32, #tpu.memory_space<hbm>>) dst(%arg13 : memref<128x80xf32, #tpu.memory_space<vmem>>)
    %barrier3A_579 = arith.constant 0 : index
    tpu.barrier barrier_id(%barrier3A_579)
    %mul3A_580 = arith.constant 256 : i32
    %mul3A_581 = arith.muli %arg1, %mul3A_580 : i32
    "tpu.region"() ({
      %run_scoped3A = tpu.sem_alloc : memref<!tpu.dma_semaphore, #tpu.memory_space<semaphore_mem>>
      %dma_start3A_582 = arith.constant 0 : i32
      %dma_start3A_583 = tpu.memref_slice %arg7[%arg0, %mul3A_581, %dma_start3A_582] : memref<2x4096x80xf32, #tpu.memory_space<hbm>> -> memref<1x256x80xf32, #tpu.memory_space<hbm>>
      %dma_start3A_584 = tpu.memref_squeeze %dma_start3A_583 : memref<1x256x80xf32, #tpu.memory_space<hbm>> -> memref<256x80xf32, #tpu.memory_space<hbm>>
      %dma_start3A_585 = arith.constant 0 : i32
      %dma_start3A_586 = tpu.memref_slice %arg23[%mul3A_581, %dma_start3A_585] : memref<4096x80xf32, #tpu.memory_space<vmem_shared>> -> memref<256x80xf32, #tpu.memory_space<vmem_shared>>
      tpu.enqueue_dma source(%dma_start3A_586 : memref<256x80xf32, #tpu.memory_space<vmem_shared>>) target(%dma_start3A_584 : memref<256x80xf32, #tpu.memory_space<hbm>>) target_semaphore(%run_scoped3A : memref<!tpu.dma_semaphore, #tpu.memory_space<semaphore_mem>>)
      %dma_wait3A_587 = arith.constant 0 : i32
      %dma_wait3A_588 = tpu.memref_slice %arg7[%arg0, %mul3A_581, %dma_wait3A_587] : memref<2x4096x80xf32, #tpu.memory_space<hbm>> -> memref<1x256x80xf32, #tpu.memory_space<hbm>>
      %dma_wait3A_589 = tpu.memref_squeeze %dma_wait3A_588 : memref<1x256x80xf32, #tpu.memory_space<hbm>> -> memref<256x80xf32, #tpu.memory_space<hbm>>
      %dma_wait3A_590 = arith.constant 0 : i32
      %dma_wait3A_591 = tpu.memref_slice %arg23[%mul3A_581, %dma_wait3A_590] : memref<4096x80xf32, #tpu.memory_space<vmem_shared>> -> memref<256x80xf32, #tpu.memory_space<vmem_shared>>
      tpu.wait_dma2 semaphore(%run_scoped3A : memref<!tpu.dma_semaphore, #tpu.memory_space<semaphore_mem>>) src(%dma_wait3A_591 : memref<256x80xf32, #tpu.memory_space<vmem_shared>>) dst(%dma_wait3A_589 : memref<256x80xf32, #tpu.memory_space<hbm>>)
      tpu.yield
    }) : () -> ()
    return
  }
}

module attributes {stable_mosaic.version = 14 : i64} {
  func.func @_mm_body(%arg0: i32, %arg1: memref<512x4096xf32, #tpu.memory_space<vmem>>, %arg2: memref<4096x64xf32, #tpu.memory_space<vmem>>, %arg3: memref<512x64xf32, #tpu.memory_space<vmem>>, %arg4: memref<512x80xf32, #tpu.memory_space<vmem>>) attributes {dimension_semantics = [#tpu.dimension_semantics<arbitrary>], iteration_bounds = array<i64: 8>, scalar_prefetch = 0 : i64, scratch_operands = 0 : i64, tpu.core_type = #tpu.core_type<tc>, window_params = [{transform_indices = @transform_0, window_bounds = array<i64: 512, 4096>}, {pipeline_mode = #tpu.pipeline_mode<synchronous>, transform_indices = @transform_1, window_bounds = array<i64: 4096, 64>}, {transform_indices = @transform_2, window_bounds = array<i64: 512, 64>}, {transform_indices = @transform_3, window_bounds = array<i64: 512, 80>}]} {
    %get3A = arith.constant 0 : index
    %get3A_0 = arith.constant 0 : index
    %get3A_1 = vector.load %arg1[%get3A, %get3A_0] : memref<512x4096xf32, #tpu.memory_space<vmem>>, vector<512x4096xf32>
    %get3A_2 = arith.constant 0 : index
    %get3A_3 = arith.constant 0 : index
    %get3A_4 = vector.load %arg2[%get3A_2, %get3A_3] : memref<4096x64xf32, #tpu.memory_space<vmem>>, vector<4096x64xf32>
    %dot_general3A = arith.constant dense<0.000000e+00> : vector<512x64xf32>
    %dot_general3A_5 = tpu.matmul %get3A_1, %get3A_4, %dot_general3A {dimension_numbers = #tpu.dot_dimension_numbers<[1], [0], [0], [1], [0, 0, 1, 1], [], []>, transpose_lhs_hint = false} : vector<512x4096xf32>, vector<4096x64xf32>, vector<512x64xf32> -> vector<512x64xf32>
    %swap3A = arith.constant 0 : index
    %swap3A_6 = arith.constant 0 : index
    %swap3A_7 = vector.load %arg3[%swap3A, %swap3A_6] : memref<512x64xf32, #tpu.memory_space<vmem>>, vector<512x64xf32>
    tpu.vector_store %arg3[%swap3A, %swap3A_6], %dot_general3A_5 {strides = array<i32>} : memref<512x64xf32, #tpu.memory_space<vmem>>, vector<512x64xf32>,
    %broadcast_in_dim3A = arith.constant 1.000000e+00 : f32
    %broadcast_in_dim3A_8 = vector.broadcast %broadcast_in_dim3A : f32 to vector<512x1xf32>
    %broadcast_in_dim3A_9 = arith.constant 0.000000e+00 : f32
    %broadcast_in_dim3A_10 = vector.broadcast %broadcast_in_dim3A_9 : f32 to vector<512x15xf32>
    %concatenate3A = tpu.concatenate %dot_general3A_5, %broadcast_in_dim3A_8, %broadcast_in_dim3A_10 in 1 : vector<512x64xf32>, vector<512x1xf32>, vector<512x15xf32> -> vector<512x80xf32>
    %swap3A_11 = arith.constant 0 : index
    %swap3A_12 = arith.constant 0 : index
    %swap3A_13 = vector.load %arg4[%swap3A_11, %swap3A_12] : memref<512x80xf32, #tpu.memory_space<vmem>>, vector<512x80xf32>
    tpu.vector_store %arg4[%swap3A_11, %swap3A_12], %concatenate3A {strides = array<i32>} : memref<512x80xf32, #tpu.memory_space<vmem>>, vector<512x80xf32>,
    return
  }
  func.func @transform_0(%arg0: i32) -> (i32, i32) {
    %c0_i32 = arith.constant 0 : i32
    %c0_i32_0 = arith.constant 0 : i32
    return %arg0, %c0_i32 : i32, i32
  }
  func.func @transform_1(%arg0: i32) -> (i32, i32) {
    %c0_i32 = arith.constant 0 : i32
    %c0_i32_0 = arith.constant 0 : i32
    %c0_i32_1 = arith.constant 0 : i32
    return %c0_i32, %c0_i32_0 : i32, i32
  }
  func.func @transform_2(%arg0: i32) -> (i32, i32) {
    %c0_i32 = arith.constant 0 : i32
    %c0_i32_0 = arith.constant 0 : i32
    return %arg0, %c0_i32 : i32, i32
  }
  func.func @transform_3(%arg0: i32) -> (i32, i32) {
    %c0_i32 = arith.constant 0 : i32
    %c0_i32_0 = arith.constant 0 : i32
    return %arg0, %c0_i32 : i32, i32
  }
}

module attributes {stable_mosaic.version = 14 : i64} {
  func.func @_fin_body(%arg0: i32, %arg1: memref<2x512x80xf32, #tpu.memory_space<vmem>>, %arg2: memref<512x64xf32, #tpu.memory_space<vmem>>, %arg3: memref<512x64xf32, #tpu.memory_space<vmem>>) attributes {dimension_semantics = [#tpu.dimension_semantics<arbitrary>], iteration_bounds = array<i64: 8>, scalar_prefetch = 0 : i64, scratch_operands = 0 : i64, tpu.core_type = #tpu.core_type<tc>, window_params = [{transform_indices = @transform_0, window_bounds = array<i64: 2, 512, 80>}, {transform_indices = @transform_1, window_bounds = array<i64: 512, 64>}, {transform_indices = @transform_2, window_bounds = array<i64: 512, 64>}]} {
    %get3A = arith.constant 0 : index
    %get3A_0 = arith.constant 0 : index
    %get3A_1 = arith.constant 0 : index
    %get3A_2 = vector.load %arg1[%get3A, %get3A_0, %get3A_1] : memref<2x512x80xf32, #tpu.memory_space<vmem>>, vector<1x512x80xf32>
    %get3A_3 = vector.shape_cast %get3A_2 : vector<1x512x80xf32> to vector<512x80xf32>
    %get3A_4 = arith.constant 1 : index
    %get3A_5 = arith.constant 0 : index
    %get3A_6 = arith.constant 0 : index
    %get3A_7 = vector.load %arg1[%get3A_4, %get3A_5, %get3A_6] : memref<2x512x80xf32, #tpu.memory_space<vmem>>, vector<1x512x80xf32>
    %get3A_8 = vector.shape_cast %get3A_7 : vector<1x512x80xf32> to vector<512x80xf32>
    %add3A = arith.addf %get3A_3, %get3A_8 : vector<512x80xf32>
    %slice3A = vector.extract_strided_slice %add3A {offsets = [0, 0], sizes = [512, 64], strides = [1, 1]} : vector<512x80xf32> to vector<512x64xf32>
    %slice3A_9 = vector.extract_strided_slice %add3A {offsets = [0, 64], sizes = [512, 1], strides = [1, 1]} : vector<512x80xf32> to vector<512x1xf32>
    %add3A_10 = arith.constant 9.99999996E-13 : f32
    %add3A_11 = vector.broadcast %add3A_10 : f32 to vector<512x1xf32>
    %add3A_12 = arith.addf %slice3A_9, %add3A_11 : vector<512x1xf32>
    %div3A = vector.broadcast %add3A_12 : vector<512x1xf32> to vector<512x64xf32>
    %div3A_13 = arith.divf %slice3A, %div3A : vector<512x64xf32>
    %get3A_14 = arith.constant 0 : index
    %get3A_15 = arith.constant 0 : index
    %get3A_16 = vector.load %arg2[%get3A_14, %get3A_15] : memref<512x64xf32, #tpu.memory_space<vmem>>, vector<512x64xf32>
    %add3A_17 = arith.addf %div3A_13, %get3A_16 : vector<512x64xf32>
    %swap3A = arith.constant 0 : index
    %swap3A_18 = arith.constant 0 : index
    %swap3A_19 = vector.load %arg3[%swap3A, %swap3A_18] : memref<512x64xf32, #tpu.memory_space<vmem>>, vector<512x64xf32>
    tpu.vector_store %arg3[%swap3A, %swap3A_18], %add3A_17 {strides = array<i32>} : memref<512x64xf32, #tpu.memory_space<vmem>>, vector<512x64xf32>,
    return
  }
  func.func @transform_0(%arg0: i32) -> (i32, i32, i32) {
    %c0_i32 = arith.constant 0 : i32
    %c0_i32_0 = arith.constant 0 : i32
    %c0_i32_1 = arith.constant 0 : i32
    return %c0_i32, %arg0, %c0_i32_0 : i32, i32, i32
  }
  func.func @transform_1(%arg0: i32) -> (i32, i32) {
    %c0_i32 = arith.constant 0 : i32
    %c0_i32_0 = arith.constant 0 : i32
    return %arg0, %c0_i32 : i32, i32
  }
  func.func @transform_2(%arg0: i32) -> (i32, i32) {
    %c0_i32 = arith.constant 0 : i32
    %c0_i32_0 = arith.constant 0 : i32
    return %arg0, %c0_i32 : i32, i32
  }
}

</mosaic_0001>

<sc_bundles>
// kernel: kernel.5.cloned.1.call-start
scs
__scs_entry_jumppad:
0x0: {  	(pc) =	sbr.rel $0x88, $3  }
0x1: {  	(tag) =	ssettag $0x0;
	lr =	simm.s32 $0x1  }
0x2: {  	[smem:$0x3F9C] =	sst lr;
	_ =	strace $0xD0000000  }
0x3: {  	_ = 	snop  }
0x4: {  	_ = 	snop  }
0x5: {  	_ = 	snop  }
0x6: {  	_ = 	snop  }
0x7: {  	_ = 	snop  }
__scs_overlays_trampoline_lowered:
0x8: {  	[smem:$0x3FAB] =	sst s0  }
0x9: {  	[smem:$0x3FAC] =	sst s1  }
0xa: {  	[smem:$0x3FAD] =	sst s2  }
0xb: {  	[smem:$0x3FAE] =	sst s3  }
0xc: {  	[smem:$0x3FAF] =	sst s4  }
0xd: {  	[smem:$0x3FB0] =	sst s5  }
0xe: {  	[smem:$0x3FB1] =	sst s6  }
0xf: {  	[smem:$0x3FB2] =	sst s7  }
0x10: {  	[smem:$0x3FB3] =	sst s8  }
0x11: {  	[smem:$0x3FB4] =	sst s9;
	s0 =	simm.s32 @!p0 $0x0  }
0x12: {  	s1 =	sld [smem:$0x3F9A];
	s0 =	simm.s32 @p0 $0x1  }
0x13: {  	[smem:$0x3FB5] =	sst s0;
	s0 =	simm.s32 @!p1 $0x0  }
0x14: {  	s2 =	sld [smem:$0x3F99];
	s0 =	simm.s32 @p1 $0x1  }
0x15: {  	[smem:$0x3FB6] =	sst s0;
	s0 =	simm.s32 @!p2 $0x0  }
0x16: {  	s3 =	sld [smem:$0x3FDB];
	s0 =	simm.s32 @p2 $0x1  }
0x17: {  	s4 =	simm.s32 $0x1BF5;
	[smem:$0x3FB8] =	sst s0  }
0x18: {  	s0 =	sld [smem:$0x3F9B];
	_ =	swait.ge [sflag:s4], $0x0  }
0x19: {  	s7 =	sld [smem:$0x3F9C]  }
0x1a: {  	s8 =	sadd.s32 $0xFFFFE003, lr  }
0x1b: {  	s9 =	sadd.s32 $0xFFFFFEF7, lr;
	s5 =	simm.s32 $0xFFFFFFFF;
	p2 =	slt.u32 s8, $0xFFFFF086  }
0x1c: {  	p1 =	slt.u32 s9, $0xF7A;
	s5 =	simm.s32 @!p2 $0x0  }
0x1d: {  	s5 =	simm.s32 @p1 $0x1;
	p0 =	seq.s32 s7, s2  }
0x1e: {  	s7 =	smul.u32 @!p0 $0xF7A, s2;
	p2 =	seq.s32 @!p0 s5, $0x0  }
0x1f: {  	s9 =	smul.u32 $0xF7A, s1;
	s8 =	simm.s32 @!p0 $0x1BF5;
	p2 =	por !p2, p0  }
0x20: {  	[sflag:s8] =	ssyncset.s32 @!p0 $0xFFFFF086;
	s6 =	sadd.s32 @!p0 s3, s7;
	s7 =	simm.s32 @!p0 $0x108  }
0x21: {  	s3 =	sadd.s32 s3, s9;
	s6 =	sadd.s32 @!p0 $0x88, s6;
	s7 =	simm.s32 @p2 $0x1082  }
0x22: {  	[simem:s7], [sflag:s8] =	dma.local @!p0 [hbm:s6], $0xF7A  }
0x23: {  	s9 =	sor.u32 $0xD0000000, s2;
	s6 =	simm.s32 $0x108;
	_ =	swait.ge @!p0 [sflag:s8], $0x0  }
0x24: {  	s3 =	sadd.s32 $0x88, s3;
	s6 =	simm.s32 @!p1 $0x1082;
	[sflag:s4] =	ssyncset.s32 $0xFFFFF086  }
0x25: {  	[simem:s6], [sflag:s4] =	dma.local [hbm:s3], $0xF7A  }
0x26: {  	[smem:$0x3F9C] =	sst s1;
	(tag) =	ssettag s2;
	_ =	strace s9  }
0x27: {  	s1 =	sld [smem:$0x3FAC]  }
0x28: {  	s2 =	sld [smem:$0x3FAD]  }
0x29: {  	s4 =	sld [smem:$0x3FAF]  }
0x2a: {  	p0 =	seq.s32 s5, $0x0;
	s5 =	sld [smem:$0x3FB0]  }
0x2b: {  	s6 =	sld [smem:$0x3FB1]  }
0x2c: {  	s7 =	sld [smem:$0x3FB2]  }
0x2d: {  	s3 =	simm.s32 $0x108;
	s8 =	sld [smem:$0x3FB3]  }
0x2e: {  	s3 =	simm.s32 @!p0 $0x1082;
	s9 =	sld [smem:$0x3FB4]  }
0x2f: {  	lr =	sadd.s32 s0, s3;
	s0 =	sld [smem:$0x3FAB]  }
0x30: {  	s3 =	sld [smem:$0x3FAE]  }
0x31: {  	[smem:$0x3FB7] =	sst s10  }
0x32: {  	s10 =	sld [smem:$0x3FB5];
	_ =	sdelay $0x3  }
0x33: {  	p0 =	seq.s32 s10, $0x1;
	s10 =	sld [smem:$0x3FB7];
	_ =	sdelay $0x3  }
0x34: {  	[smem:$0x3FB7] =	sst s10  }
0x35: {  	s10 =	sld [smem:$0x3FB6];
	_ =	sdelay $0x3  }
0x36: {  	p1 =	seq.s32 s10, $0x1;
	s10 =	sld [smem:$0x3FB7];
	_ =	sdelay $0x3  }
0x37: {  	[smem:$0x3FB7] =	sst s10  }
0x38: {  	s10 =	sld [smem:$0x3FB8]  }
0x39: {  	_ = 	snop;
	(pc) =	sbr.ind lr, $3  }
0x3a: {  	_ = 	snop  }
0x3b: {  	_ = 	snop  }
0x3c: {  	p2 =	seq.s32 s10, $0x1;
	s10 =	sld [smem:$0x3FB7]  }
0x3d: {  	_ =	shalt  }
0x3e: {  	_ =	shalt  }
0x3f: {  	_ =	shalt  }
0x40: {  	_ =	shalt  }
0x41: {  	_ =	shalt  }
0x42: {  	_ =	shalt  }
0x43: {  	_ =	shalt  }
0x44: {  	_ =	shalt  }
0x45: {  	_ =	shalt  }
0x46: {  	_ =	shalt  }
0x47: {  	_ =	shalt  }
0x48: {  	_ =	shalt  }
0x49: {  	_ =	shalt  }
0x4a: {  	_ =	shalt  }
0x4b: {  	_ =	shalt  }
0x4c: {  	_ =	shalt  }
0x4d: {  	_ =	shalt  }
0x4e: {  	_ =	shalt  }
0x4f: {  	_ =	shalt  }
0x50: {  	_ =	shalt  }
0x51: {  	_ =	shalt  }
0x52: {  	_ =	shalt  }
0x53: {  	_ =	shalt  }
0x54: {  	_ =	shalt  }
0x55: {  	_ =	shalt  }
0x56: {  	_ =	shalt  }
0x57: {  	_ =	shalt  }
0x58: {  	_ =	shalt  }
0x59: {  	_ =	shalt  }
0x5a: {  	_ =	shalt  }
0x5b: {  	_ =	shalt  }
0x5c: {  	_ =	shalt  }
0x5d: {  	_ =	shalt  }
0x5e: {  	_ =	shalt  }
0x5f: {  	_ =	shalt  }
0x60: {  	_ =	shalt  }
0x61: {  	_ =	shalt  }
0x62: {  	_ =	shalt  }
0x63: {  	_ =	shalt  }
0x64: {  	_ =	shalt  }
0x65: {  	_ =	shalt  }
0x66: {  	_ =	shalt  }
0x67: {  	_ =	shalt  }
0x68: {  	_ =	shalt  }
0x69: {  	_ =	shalt  }
0x6a: {  	_ =	shalt  }
0x6b: {  	_ =	shalt  }
0x6c: {  	_ =	shalt  }
0x6d: {  	_ =	shalt  }
0x6e: {  	_ =	shalt  }
0x6f: {  	_ =	shalt  }
0x70: {  	_ =	shalt  }
0x71: {  	_ =	shalt  }
0x72: {  	_ =	shalt  }
0x73: {  	_ =	shalt  }
0x74: {  	_ =	shalt  }
0x75: {  	_ =	shalt  }
0x76: {  	_ =	shalt  }
0x77: {  	_ =	shalt  }
0x78: {  	_ =	shalt  }
0x79: {  	_ =	shalt  }
0x7a: {  	_ =	shalt  }
0x7b: {  	_ =	shalt  }
0x7c: {  	_ =	shalt  }
0x7d: {  	_ =	shalt  }
0x7e: {  	_ =	shalt  }
0x7f: {  	_ =	shalt  }
0x80: {  	_ =	shalt  }
0x81: {  	_ =	shalt  }
0x82: {  	_ =	shalt  }
0x83: {  	_ =	shalt  }
0x84: {  	_ =	shalt  }
0x85: {  	_ =	shalt  }
0x86: {  	_ =	shalt  }
0x87: {  	_ =	shalt  }
.Lfunc_end0:
.L_simem_size_0:
called_computation_lowered:
.L_overlay_start_0:
0x88: {  	s2 =	sld [smem:$0x3FD9]  }
0x89: {  	s3 =	sld [smem:$0x3FFE];
	_ =	sdelay $0x1  }
0x8a: {  	s1 =	srdreg.scid  }
0x8b: {  	s0 =	sand.u32 $0x1, s1  }
0x8c: {  	s17 =	sshll.u32 s0, $0xA;
	s2 =	sadd.s32 s3, s2  }
0x8d: {  	s2 =	sadd.s32 s2, s17  }
0x8e: {  	[smem:$0x3FC3] =	sst s2  }
0x8f: {  	_ = 	snop  }
0x90: {  	s2 =	sld [smem:$0x3FC9]  }
0x91: {  	s18 =	sld [smem:$0x3FC8]  }
0x92: {  	s4 =	sld [smem:$0x3FD0];
	(tm) =	ssettm $0x1  }
0x93: {  	s5 =	sld [smem:$0x3FFB];
	_ =	sdelay $0x3  }
0x94: {  	_ =	strace s5  }
0x95: {  	s5 =	sld [smem:$0x3FFC];
	_ =	sdelay $0x3  }
0x96: {  	_ =	strace s5  }
0x97: {  	s5 =	sld [smem:$0x3FFD];
	_ =	sdelay $0x3  }
0x98: {  	_ =	strace s5  }
0x99: {  	_ =	strace $0x8FFFFFFF  }
0x9a: {  	s19 =	sld [smem:$0x3FDB];
	_ =	sdelay $0x1  }
0x9b: {  	s6 =	simm.s32 $_scs_section_size  }
0x9c: {  	s7 =	simm.s32 $_size__tile_overlayer_lowered;
	s8 =	simm.s32 $_tile_overlayer_lowered  }
0x9d: {  	s22 =	simm.s32 $0x1BFF;
	s21 =	sshll.u32 s8, $0x1;
	s5 =	sadd.s32 s6, s19  }
0x9e: {  	s9 =	simm.s32 $0x0;
	s20 =	sshll.u32 s7, $0x1;
	s7 =	sadd.s32 s21, s5  }
0x9f: {  	[timem:s9], [sflag:s22] =	dma.local [hbm:s7], s20  }
0xa0: {  	_ =	swait.ge [sflag:s22], s20  }
0xa1: {  	s6 =	ssub.s32 $0x0, s20;
	[sflag:s22] =	ssyncset.done $0x0  }
0xa2: {  	[sflag:s22] =	ssyncadd.s32 s6;
	_ =	sdelay $0x1  }
0xa3: {  	s23 =	simm.s32 $0x1B8B  }
0xa4: {  	_ =	swait.ge [sflag:s23], $0x1  }
0xa5: {  	[sflag:s23] =	ssyncset.done $0x0  }
0xa6: {  	s25 =	simm.s32 $0x1B8E;
	s24 =	sld [smem:$0x3FFE];
	[sflag:s23] =	ssyncadd.s32 $0xFFFFFFFF  }
0xa7: {  	s26 =	simm.s32 $execute0_lowered;
	[smem:$0x3FD2] =	sst s25  }
0xa8: {  	s7 =	sshll.u32 s26, $0x1;
	_ =	strace $0x80000046;
	[dreg:$0x1] =	wrdreg $0xFFFFFFFF  }
0xa9: {  	s28 =	simm.s32 $_size_execute0_lowered;
	s5 =	sadd.s32 s5, s7;
	[dreg:$0x0] =	wrdreg $0x0  }
0xaa: {  	s7 =	sshll.u32 s28, $0x1;
	[dreg:$0x2] =	wrdreg s5  }
0xab: {  	[dreg:$0x3] =	wrdreg s7  }
0xac: {  	[dreg:$0x4] =	wrdreg $0xC0  }
0xad: {  	_ =	task [dreg:s9], $0x5FFFF  }
0xae: {  	[dreg:$0x1] =	wrdreg $0xFFFFFFFF  }
0xaf: {  	[dreg:$0x0] =	wrdreg $0x60  }
0xb0: {  	[dreg:$0x2] =	wrdreg s2  }
0xb1: {  	[dreg:$0x3] =	wrdreg s18  }
0xb2: {  	[dreg:$0x4] =	wrdreg s4  }
0xb3: {  	[dreg:$0x5] =	wrdreg s24  }
0xb4: {  	[dreg:$0x6] =	wrdreg $0x11A000  }
0xb5: {  	[dreg:$0x7] =	wrdreg $0x9  }
0xb6: {  	_ =	task.clear_ibuf [dreg:s9], $0x8FFFF;
	_ =	strace $0x90000046  }
0xb7: {  	s29 =	simm.s32 $0x9;
	_ =	strace $0x80000048  }
0xb8: {  	_ =	swait.ge [sflag:s29], $0x1  }
0xb9: {  	[sflag:s29] =	ssyncadd.s32 $0xFFFFFFFF  }
0xba: {  	_ =	strace $0x90000048  }
0xbb: {  	_ =	sfence  }
0xbc: {  	s30 =	sld [smem:$0x0];
	_ =	sdelay $0x2  }
0xbd: {  	s31 =	sshll.u32 s1, $0xD;
	s1 =	sshrl.u32 s1, $0x2  }
0xbe: {  	s3 =	sand.u32 $0x4000, s31;
	s1 =	sadd.s32 s1, s30  }
0xbf: {  	s0 =	sor.u32 s3, s0;
	s1 =	sshll.u32 s1, $0x11  }
0xc0: {  	s0 =	sor.u32 s1, s0  }
0xc1: {  	s0 =	sadd.s32 $0x8F2B, s0  }
0xc2: {  	[sflag:s0] =	ssyncadd.remote.s32 $0x1  }
0xc3: {  	_ =	sfence.sel $0xFFFF  }
0xc4: {  	[dreg:$0x0] =	wrdreg $0xFFFFFFFF;
	(pc) =	sbr.abs _section_cstart, $3  }
0xc5: {  	[dreg:$0x1] =	wrdreg $0xFFFFFFFF  }
0xc6: {  	_ =	task.clear_ibuf [dreg:s9], $0x2FFFF;
	_ =	strace $0x9FFFFFFF  }
0xc7: {  	(tm) =	ssettm $0x7FFFFFFF  }
tec
execute0_lowered:
.L_overlay_start_1:
0x0: {  	(tag) =	ssettag $0x1  }
0x1: {  	s20 =	rddreg [dreg:$0x0]  }
0x2: {  	s5 =	rddreg [dreg:$0x1]  }
0x3: {  	s3 =	rddreg [dreg:$0x2]  }
0x4: {  	s0 =	rddreg [dreg:$0x3]  }
0x5: {  	s11 =	rddreg [dreg:$0x4];
	s10 =	stileid.u32  }
0x6: {  	s1 =	srdreg.scid;
	s2 =	smul.u32 $0x5000, s10  }
0x7: {  	s4 =	simm.s32 $0x0;
	s1 =	sand.u32 $0x1, s1;
	s6 =	smul.u32 $0x14000, s10  }
0x8: {  	s28 =	simm.s32 $0x5;
	s29 =	simm.s32 $0x6;
	s21 =	smul.u32 $0x50000, s1  }
0x9: {  	s30 =	simm.s32 $0x7;
	[smem:$0x7FF] =	sst s4;
	s6 =	sshrl.u32 s6, $0x2  }
0xa: {  	s12 =	sadd.s32 s2, s11;
	s4 =	sadd.s32 s2, s21;
	s2 =	sadd.s32 s6, s11  }
0xb: {  	_ =	strace $0x80000047;
	[dreg:$0x6] =	wrdreg s12;
	s6 =	sadd.s32 $0x500, s2  }
0xc: {  	s7 =	sadd.s32 $0x400600, s0;
	s23 =	sadd.s32 $0xA00, s2;
	[dreg:$0x7] =	wrdreg s6  }
0xd: {  	s8 =	sadd.s32 $0x600, s0;
	s24 =	sadd.s32 $0xF00, s2;
	[dreg:$0x8] =	wrdreg s23  }
0xe: {  	s16 =	sshll.u32 s10, $0xD;
	s25 =	sadd.s32 $0x1400, s2;
	[dreg:$0x9] =	wrdreg s24  }
0xf: {  	s31 =	smov.u32 s5;
	s26 =	sadd.s32 $0x1900, s2;
	[dreg:$0xa] =	wrdreg s25  }
0x10: {  	s10 =	simm.s32 $0x9;
	s11 =	sadd.s32 $0x2300, s2;
	[dreg:$0xb] =	wrdreg s26  }
0x11: {  	s9 =	ssub.s32 $0x2, s1;
	s13 =	sadd.s32 $0x2800, s2;
	[dreg:$0xd] =	wrdreg s11  }
0x12: {  	s1 =	sshll.u32 s1, $0x11;
	s14 =	sadd.s32 $0x2D00, s2;
	[dreg:$0xe] =	wrdreg s13  }
0x13: {  	s22 =	sshrl.u32 s9, $0x1;
	s15 =	sadd.s32 $0x3200, s2;
	[dreg:$0xf] =	wrdreg s14  }
0x14: {  	s1 =	sor.u32 s16, s1;
	s17 =	sadd.s32 $0x3700, s2;
	[dreg:$0x10] =	wrdreg s15  }
0x15: {  	s16 =	simm.s32 $0x8A80;
	s18 =	sadd.s32 $0x3C00, s2;
	[dreg:$0x11] =	wrdreg s17  }
0x16: {  	s4 =	sshrl.u32 s4, $0x3;
	s19 =	sadd.s32 $0x4100, s2;
	[dreg:$0x12] =	wrdreg s18  }
0x17: {  	s21 =	sadd.s32 $0x4600, s2;
	s0 =	sadd.s32 s4, s0;
	[dreg:$0x13] =	wrdreg s19  }
0x18: {  	s4 =	ssub.s32 s9, s22;
	s9 =	sadd.s32 $0x1E00, s2;
	[dreg:$0x14] =	wrdreg s21  }
0x19: {  	s22 =	sshrl.u32 s1, $0x3;
	s2 =	sadd.s32 $0x4B00, s2;
	s24 =	sshll.u32 s1, $0x3  }
0x1a: {  	s26 =	sor.u32 $0x100, s1;
	s11 =	simm.s32 $0x80;
	[dreg:$0xc] =	wrdreg s9  }
0x1b: {  	v0 =	vlaneseq.u32;
	s15 =	simm.s32 $0x6100;
	s17 =	simm.s32 $0x8B00;
	[dreg:$0x15] =	wrdreg s2  }
0x1c: {  	v0 =	vmul.u32 $0x18, v0;
	s21 =	simm.s32 $0xEB80;
	s23 =	sadd.s32 s20, s22;
	[dreg:$0x1b] =	wrdreg s26  }
0x1d: {  	v1 =	vimm.f32 $0.0e+00;
	s6 =	simm.s32 $0x11380;
	s5 =	sadd.s32 s5, s22;
	[dreg:$0x16] =	wrdreg s23  }
0x1e: {  	v2 =	vor.u32 $0x1, v0;
	v3 =	vor.u32 $0x2, v0;
	v4 =	vor.u32 $0x3, v0;
	s2 =	sadd.s32 s7, s24;
	s0 =	sadd.s32 $0xA600, s0;
	[dreg:$0x17] =	wrdreg s5  }
0x1f: {  	v5 =	vor.u32 $0x4, v0;
	v6 =	vor.u32 $0x5, v0;
	v7 =	vor.u32 $0x6, v0;
	s25 =	smax.u32 s4, $0x1;
	s22 =	simm.s32 $0x1;
	[dreg:$0x18] =	wrdreg s2  }
0x20: {  	v8 =	vor.u32 $0x7, v0;
	v9 =	vadd.s32 $0x8, v0;
	v10 =	vadd.s32 $0x9, v0;
	s24 =	simm.s32 $0x3;
	s26 =	simm.s32 $0x8900;
	[dreg:$0x19] =	wrdreg s0  }
0x21: {  	v11 =	vadd.s32 $0xA, v0;
	v12 =	vadd.s32 $0xB, v0;
	v13 =	vadd.s32 $0xC, v0;
	s9 =	simm.s32 $0x8;
	[dreg:$0x1a] =	wrdreg s25;
	s0 =	sor.u32 $0x80, s1  }
0x22: {  	v14 =	vadd.s32 $0xD, v0;
	v15 =	vadd.s32 $0xE, v0;
	v16 =	vadd.s32 $0xF, v0;
	s23 =	simm.s32 $0x2;
	s25 =	simm.s32 $0x4;
	s2 =	simm.s32 $0x0  }
.LBB2_1:
0x23: {  	[tilespmem:$0x11500] =	vst v1  }
0x24: {  	[tilespmem:$0x11510] =	vst v1  }
0x25: {  	[tilespmem:$0x11520] =	vst v1  }
0x26: {  	[tilespmem:$0x11530] =	vst v1  }
0x27: {  	[tilespmem:$0x11540] =	vst v1  }
0x28: {  	[tilespmem:$0x11550] =	vst v1  }
0x29: {  	[tilespmem:$0x11560] =	vst v1  }
0x2a: {  	[tilespmem:$0x11570] =	vst v1  }
0x2b: {  	[tilespmem:$0x11580] =	vst v1  }
0x2c: {  	[tilespmem:$0x11590] =	vst v1  }
0x2d: {  	[tilespmem:$0x115A0] =	vst v1  }
0x2e: {  	[tilespmem:$0x115B0] =	vst v1  }
0x2f: {  	[tilespmem:$0x115C0] =	vst v1  }
0x30: {  	[tilespmem:$0x115D0] =	vst v1  }
0x31: {  	[tilespmem:$0x115E0] =	vst v1  }
0x32: {  	[tilespmem:$0x115F0] =	vst v1  }
0x33: {  	[tilespmem:$0x11600] =	vst v1  }
0x34: {  	[tilespmem:$0x11610] =	vst v1  }
0x35: {  	[tilespmem:$0x11620] =	vst v1  }
0x36: {  	[tilespmem:$0x11630] =	vst v1  }
0x37: {  	[tilespmem:$0x11640] =	vst v1  }
0x38: {  	[tilespmem:$0x11650] =	vst v1  }
0x39: {  	[tilespmem:$0x11660] =	vst v1  }
0x3a: {  	[tilespmem:$0x11670] =	vst v1  }
0x3b: {  	[tilespmem:$0x11680] =	vst v1  }
0x3c: {  	[tilespmem:$0x11690] =	vst v1  }
0x3d: {  	[tilespmem:$0x116A0] =	vst v1  }
0x3e: {  	[tilespmem:$0x116B0] =	vst v1  }
0x3f: {  	[tilespmem:$0x116C0] =	vst v1  }
0x40: {  	[tilespmem:$0x116D0] =	vst v1  }
0x41: {  	[tilespmem:$0x116E0] =	vst v1  }
0x42: {  	[tilespmem:$0x116F0] =	vst v1  }
0x43: {  	[tilespmem:$0x11700] =	vst v1  }
0x44: {  	[tilespmem:$0x11710] =	vst v1  }
0x45: {  	[tilespmem:$0x11720] =	vst v1  }
0x46: {  	[tilespmem:$0x11730] =	vst v1  }
0x47: {  	[tilespmem:$0x11740] =	vst v1  }
0x48: {  	[tilespmem:$0x11750] =	vst v1  }
0x49: {  	[tilespmem:$0x11760] =	vst v1  }
0x4a: {  	[tilespmem:$0x11770] =	vst v1  }
0x4b: {  	[tilespmem:$0x11780] =	vst v1  }
0x4c: {  	[tilespmem:$0x11790] =	vst v1  }
0x4d: {  	[tilespmem:$0x117A0] =	vst v1  }
0x4e: {  	[tilespmem:$0x117B0] =	vst v1  }
0x4f: {  	[tilespmem:$0x117C0] =	vst v1  }
0x50: {  	[tilespmem:$0x117D0] =	vst v1  }
0x51: {  	[tilespmem:$0x117E0] =	vst v1  }
0x52: {  	[tilespmem:$0x117F0] =	vst v1  }
0x53: {  	[tilespmem:$0x11800] =	vst v1  }
0x54: {  	[tilespmem:$0x11810] =	vst v1  }
0x55: {  	[tilespmem:$0x11820] =	vst v1  }
0x56: {  	[tilespmem:$0x11830] =	vst v1  }
0x57: {  	[tilespmem:$0x11840] =	vst v1  }
0x58: {  	[tilespmem:$0x11850] =	vst v1  }
0x59: {  	[tilespmem:$0x11860] =	vst v1  }
0x5a: {  	[tilespmem:$0x11870] =	vst v1  }
0x5b: {  	[tilespmem:$0x11880] =	vst v1  }
0x5c: {  	[tilespmem:$0x11890] =	vst v1  }
0x5d: {  	[tilespmem:$0x118A0] =	vst v1  }
0x5e: {  	[tilespmem:$0x118B0] =	vst v1  }
0x5f: {  	[tilespmem:$0x118C0] =	vst v1  }
0x60: {  	[tilespmem:$0x118D0] =	vst v1  }
0x61: {  	[tilespmem:$0x118E0] =	vst v1  }
0x62: {  	[tilespmem:$0x118F0] =	vst v1  }
0x63: {  	[tilespmem:$0x11900] =	vst v1  }
0x64: {  	[tilespmem:$0x11910] =	vst v1  }
0x65: {  	[tilespmem:$0x11920] =	vst v1  }
0x66: {  	[tilespmem:$0x11930] =	vst v1  }
0x67: {  	[tilespmem:$0x11940] =	vst v1  }
0x68: {  	[tilespmem:$0x11950] =	vst v1  }
0x69: {  	[tilespmem:$0x11960] =	vst v1  }
0x6a: {  	[tilespmem:$0x11970] =	vst v1  }
0x6b: {  	[tilespmem:$0x11980] =	vst v1  }
0x6c: {  	[tilespmem:$0x11990] =	vst v1  }
0x6d: {  	[tilespmem:$0x119A0] =	vst v1  }
0x6e: {  	[tilespmem:$0x119B0] =	vst v1  }
0x6f: {  	[tilespmem:$0x119C0] =	vst v1  }
0x70: {  	[tilespmem:$0x119D0] =	vst v1  }
0x71: {  	[tilespmem:$0x119E0] =	vst v1  }
0x72: {  	[dreg:$0x1c] =	wrdreg s2;
	[tilespmem:$0x119F0] =	vst v1;
	s2 =	simm.s32 $0x11500  }
0x73: {  	[spmem:s12] =	stream.linear.scatter [tilespmem:s2], [sflag:$0x9], $0x500, $0x38;
	[tilespmem:$0x16A00] =	vst v63  }
0x74: {  	_ =	swait.ge [sflag:s10], $0x500  }
0x75: {  	[sflag:s10] =	ssyncset.done $0x0  }
0x76: {  	s1 =	rddreg [dreg:$0x7];
	[sflag:s10] =	ssyncadd.s32 $0xFFFFFB00  }
0x77: {  	[spmem:s1] =	stream.linear.scatter [tilespmem:s2], [sflag:$0x9], $0x500, $0x38;
	[tilespmem:$0x16A00] =	vst v63  }
0x78: {  	_ =	swait.ge [sflag:s10], $0x500  }
0x79: {  	[sflag:s10] =	ssyncset.done $0x0  }
0x7a: {  	s5 =	rddreg [dreg:$0x8];
	[sflag:s10] =	ssyncadd.s32 $0xFFFFFB00  }
0x7b: {  	[spmem:s5] =	stream.linear.scatter [tilespmem:s2], [sflag:$0x9], $0x500, $0x38;
	[tilespmem:$0x16A00] =	vst v63  }
0x7c: {  	_ =	swait.ge [sflag:s10], $0x500  }
0x7d: {  	[sflag:s10] =	ssyncset.done $0x0  }
0x7e: {  	s12 =	rddreg [dreg:$0x9];
	[sflag:s10] =	ssyncadd.s32 $0xFFFFFB00  }
0x7f: {  	[spmem:s12] =	stream.linear.scatter [tilespmem:s2], [sflag:$0x9], $0x500, $0x38;
	[tilespmem:$0x16A00] =	vst v63  }
0x80: {  	_ =	swait.ge [sflag:s10], $0x500  }
0x81: {  	[sflag:s10] =	ssyncset.done $0x0  }
0x82: {  	s13 =	rddreg [dreg:$0xa];
	[sflag:s10] =	ssyncadd.s32 $0xFFFFFB00  }
0x83: {  	[spmem:s13] =	stream.linear.scatter [tilespmem:s2], [sflag:$0x9], $0x500, $0x38;
	[tilespmem:$0x16A00] =	vst v63  }
0x84: {  	_ =	swait.ge [sflag:s10], $0x500  }
0x85: {  	[sflag:s10] =	ssyncset.done $0x0  }
0x86: {  	s14 =	rddreg [dreg:$0xb];
	[sflag:s10] =	ssyncadd.s32 $0xFFFFFB00  }
0x87: {  	[spmem:s14] =	stream.linear.scatter [tilespmem:s2], [sflag:$0x9], $0x500, $0x38;
	[tilespmem:$0x16A00] =	vst v63  }
0x88: {  	_ =	swait.ge [sflag:s10], $0x500  }
0x89: {  	[sflag:s10] =	ssyncset.done $0x0  }
0x8a: {  	s18 =	rddreg [dreg:$0xc];
	[sflag:s10] =	ssyncadd.s32 $0xFFFFFB00  }
0x8b: {  	[spmem:s18] =	stream.linear.scatter [tilespmem:s2], [sflag:$0x9], $0x500, $0x38;
	[tilespmem:$0x16A00] =	vst v63  }
0x8c: {  	_ =	swait.ge [sflag:s10], $0x500  }
0x8d: {  	[sflag:s10] =	ssyncset.done $0x0  }
0x8e: {  	s19 =	rddreg [dreg:$0xd];
	[sflag:s10] =	ssyncadd.s32 $0xFFFFFB00  }
0x8f: {  	[spmem:s19] =	stream.linear.scatter [tilespmem:s2], [sflag:$0x9], $0x500, $0x38;
	[tilespmem:$0x16A00] =	vst v63  }
0x90: {  	_ =	swait.ge [sflag:s10], $0x500  }
0x91: {  	[sflag:s10] =	ssyncset.done $0x0  }
0x92: {  	s4 =	rddreg [dreg:$0xe];
	[sflag:s10] =	ssyncadd.s32 $0xFFFFFB00  }
0x93: {  	[spmem:s4] =	stream.linear.scatter [tilespmem:s2], [sflag:$0x9], $0x500, $0x38;
	[tilespmem:$0x16A00] =	vst v63  }
0x94: {  	_ =	swait.ge [sflag:s10], $0x500  }
0x95: {  	[sflag:s10] =	ssyncset.done $0x0  }
0x96: {  	s5 =	rddreg [dreg:$0xf];
	[sflag:s10] =	ssyncadd.s32 $0xFFFFFB00  }
0x97: {  	[spmem:s5] =	stream.linear.scatter [tilespmem:s2], [sflag:$0x9], $0x500, $0x38;
	[tilespmem:$0x16A00] =	vst v63  }
0x98: {  	_ =	swait.ge [sflag:s10], $0x500  }
0x99: {  	[sflag:s10] =	ssyncset.done $0x0  }
0x9a: {  	s12 =	rddreg [dreg:$0x10];
	[sflag:s10] =	ssyncadd.s32 $0xFFFFFB00  }
0x9b: {  	[spmem:s12] =	stream.linear.scatter [tilespmem:s2], [sflag:$0x9], $0x500, $0x38;
	[tilespmem:$0x16A00] =	vst v63  }
0x9c: {  	_ =	swait.ge [sflag:s10], $0x500  }
0x9d: {  	[sflag:s10] =	ssyncset.done $0x0  }
0x9e: {  	s13 =	rddreg [dreg:$0x11];
	[sflag:s10] =	ssyncadd.s32 $0xFFFFFB00  }
0x9f: {  	[spmem:s13] =	stream.linear.scatter [tilespmem:s2], [sflag:$0x9], $0x500, $0x38;
	[tilespmem:$0x16A00] =	vst v63  }
0xa0: {  	_ =	swait.ge [sflag:s10], $0x500  }
0xa1: {  	[sflag:s10] =	ssyncset.done $0x0  }
0xa2: {  	s14 =	rddreg [dreg:$0x12];
	[sflag:s10] =	ssyncadd.s32 $0xFFFFFB00  }
0xa3: {  	[spmem:s14] =	stream.linear.scatter [tilespmem:s2], [sflag:$0x9], $0x500, $0x38;
	[tilespmem:$0x16A00] =	vst v63  }
0xa4: {  	_ =	swait.ge [sflag:s10], $0x500  }
0xa5: {  	[sflag:s10] =	ssyncset.done $0x0  }
0xa6: {  	s18 =	rddreg [dreg:$0x13];
	[sflag:s10] =	ssyncadd.s32 $0xFFFFFB00  }
0xa7: {  	[spmem:s18] =	stream.linear.scatter [tilespmem:s2], [sflag:$0x9], $0x500, $0x38;
	[tilespmem:$0x16A00] =	vst v63  }
0xa8: {  	_ =	swait.ge [sflag:s10], $0x500  }
0xa9: {  	[sflag:s10] =	ssyncset.done $0x0  }
0xaa: {  	s19 =	rddreg [dreg:$0x14];
	[sflag:s10] =	ssyncadd.s32 $0xFFFFFB00  }
0xab: {  	[spmem:s19] =	stream.linear.scatter [tilespmem:s2], [sflag:$0x9], $0x500, $0x38;
	[tilespmem:$0x16A00] =	vst v63  }
0xac: {  	_ =	swait.ge [sflag:s10], $0x500  }
0xad: {  	[sflag:s10] =	ssyncset.done $0x0  }
0xae: {  	s4 =	rddreg [dreg:$0x15];
	[sflag:s10] =	ssyncadd.s32 $0xFFFFFB00  }
0xaf: {  	[spmem:s4] =	stream.linear.scatter [tilespmem:s2], [sflag:$0x9], $0x500, $0x38;
	[tilespmem:$0x16A00] =	vst v63  }
0xb0: {  	_ =	swait.ge [sflag:s10], $0x500  }
0xb1: {  	[sflag:s10] =	ssyncset.done $0x0  }
0xb2: {  	[sflag:s10] =	ssyncadd.s32 $0xFFFFFB00  }
0xb3: {  	[bflag:$0x0] =	sbarrier.arrive $0xFFFF  }
0xb4: {  	s5 =	simm.s32 $0x0;
	s12 =	rddreg [dreg:$0x16]  }
0xb5: {  	[tilespmem:s5], [sflag:$0x9] =	stream.linear.gather [hbm4b:s12+s5], $0x80, $0x38;
	[tilespmem:$0x16A00] =	vst v63  }
0xb6: {  	_ =	swait.ge [sflag:s10], $0x80  }
0xb7: {  	[sflag:s10] =	ssyncset.done $0x0  }
0xb8: {  	s13 =	rddreg [dreg:$0x17];
	[sflag:s10] =	ssyncadd.s32 $0xFFFFFF80  }
0xb9: {  	[tilespmem:s11], [sflag:$0x9] =	stream.linear.gather [hbm4b:s13+s5], $0x80, $0x38;
	[tilespmem:$0x16A00] =	vst v63  }
0xba: {  	_ =	swait.ge [sflag:s10], $0x80  }
0xbb: {  	[sflag:s10] =	ssyncset.done $0x0  }
0xbc: {  	s14 =	simm.s32 $0x100;
	[sflag:s10] =	ssyncadd.s32 $0xFFFFFF80  }
0xbd: {  	[tilespmem:s14], [sflag:$0x1] =	stream.indirect.gather [hbm4b:s3+s11], $0x40, s5, s11, $0xb8;
	[tilespmem:$0x16A00] =	vst v63  }
0xbe: {  	s18 =	simm.s32 $0x2100  }
0xbf: {  	[tilespmem:s18], [sflag:$0x2] =	stream.indirect.gather [hbm4b:s3+s11], $0x40, s11, s11, $0xb8;
	[tilespmem:$0x16A00] =	vst v63  }
0xc0: {  	s4 =	simm.s32 $0x4100;
	s19 =	rddreg [dreg:$0x18]  }
0xc1: {  	[tilespmem:s4], [sflag:$0x3] =	stream.linear.gather [hbm4b:s19+s5], $0x2000, $0x38;
	[tilespmem:$0x16A00] =	vst v63  }
0xc2: {  	s4 =	simm.s32 $0x0  }
0xc3: {  	[tilespmem:s15], [sflag:$0x4] =	stream.indirect.gather [hbm4b:s8+s11], $0x50, s5, s11, $0xb8;
	[tilespmem:$0x16A00] =	vst v63  }
.LBB2_2:
0xc4: {  	s18 =	sshll.u32 s4, $0x8  }
0xc5: {  	s1 =	sor.u32 s0, s18  }
0xc6: {  	s2 =	sshrl.u32 s1, $0x3  }
0xc7: {  	s19 =	simm.s32 $0x0;
	s12 =	sadd.s32 s20, s2  }
0xc8: {  	[tilespmem:s16], [sflag:$0x9] =	stream.linear.gather [hbm4b:s12+s19], $0x80, $0x38;
	[tilespmem:$0x16A00] =	vst v63  }
0xc9: {  	_ =	swait.ge [sflag:s10], $0x80  }
0xca: {  	[sflag:s10] =	ssyncset.done $0x0  }
0xcb: {  	s2 =	sadd.s32 s31, s2;
	[sflag:s10] =	ssyncadd.s32 $0xFFFFFF80  }
0xcc: {  	[tilespmem:s17], [sflag:$0x9] =	stream.linear.gather [hbm4b:s2+s19], $0x80, $0x38;
	[tilespmem:$0x16A00] =	vst v63  }
0xcd: {  	_ =	swait.ge [sflag:s10], $0x80  }
0xce: {  	[sflag:s10] =	ssyncset.done $0x0  }
0xcf: {  	s13 =	simm.s32 $0x8B80;
	[sflag:s10] =	ssyncadd.s32 $0xFFFFFF80  }
0xd0: {  	[tilespmem:s13], [sflag:$0x5] =	stream.indirect.gather [hbm4b:s3+s11], $0x40, s16, s11, $0xb8;
	[tilespmem:$0x16A00] =	vst v63  }
0xd1: {  	s14 =	simm.s32 $0xAB80;
	s1 =	sshll.u32 s1, $0x3  }
0xd2: {  	[tilespmem:s14], [sflag:$0x6] =	stream.indirect.gather [hbm4b:s3+s11], $0x40, s17, s11, $0xb8;
	[tilespmem:$0x16A00] =	vst v63  }
0xd3: {  	s5 =	smov.u32 s20;
	s1 =	sadd.s32 s7, s1;
	s20 =	simm.s32 $0xCB80  }
0xd4: {  	[tilespmem:s20], [sflag:$0x7] =	stream.linear.gather [hbm4b:s1+s19], $0x2000, $0x38;
	[tilespmem:$0x16A00] =	vst v63  }
0xd5: {  	_ = 	snop  }
0xd6: {  	[tilespmem:s21], [sflag:$0x8] =	stream.indirect.gather [hbm4b:s8+s11], $0x50, s16, s11, $0xb8;
	[tilespmem:$0x16A00] =	vst v63  }
0xd7: {  	_ =	swait.ge [sflag:s22], $0x2000  }
0xd8: {  	[sflag:s22] =	ssyncset.done $0x0  }
0xd9: {  	[sflag:s22] =	ssyncadd.s32 $0xFFFFE000  }
0xda: {  	_ =	swait.ge [sflag:s23], $0x2000  }
0xdb: {  	[sflag:s23] =	ssyncset.done $0x0  }
0xdc: {  	[sflag:s23] =	ssyncadd.s32 $0xFFFFE000  }
0xdd: {  	_ =	swait.ge [sflag:s24], $0x2000  }
0xde: {  	[sflag:s24] =	ssyncset.done $0x0  }
0xdf: {  	[sflag:s24] =	ssyncadd.s32 $0xFFFFE000  }
0xe0: {  	_ =	swait.ge [sflag:s25], $0x2800  }
0xe1: {  	s12 =	simm.s32 $0x4130;
	[sflag:s25] =	ssyncset.done $0x0  }
0xe2: {  	s13 =	simm.s32 $0x2130;
	s20 =	simm.s32 $0x120;
	[sflag:s25] =	ssyncadd.s32 $0xFFFFD800  }
.LBB2_3:
0xe3: {  	v19 =	vmov s20  }
0xe4: {  	v17 =	vmov s13;
	_ =	sdelay $0x1  }
0xe5: {  	v18 =	vmov s12  }
0xe6: {  	s1 =	simm.s32 $0x0  }
0xe7: {  	v20 =	vld.idx.msk [tilespmem:v19+s1+$0x10 ss:$0x1], $0xffff  }
0xe8: {  	v21 =	vld.idx.msk [tilespmem:v17+s1+$0xFFFFFFD0 ss:$0x1], $0xffff  }
0xe9: {  	v22 =	vld.idx.msk [tilespmem:v19+s1+$0x0 ss:$0x1], $0xffff  }
0xea: {  	v23 =	vld.idx.msk [tilespmem:v18+s1+$0xFFFFFFD0 ss:$0x1], $0xffff  }
0xeb: {  	v24 =	vld.idx.msk [tilespmem:v19+s1+$0xFFFFFFE0 ss:$0x1], $0xffff  }
0xec: {  	v25 =	vld.idx.msk [tilespmem:v19+s1+$0xFFFFFFF0 ss:$0x1], $0xffff  }
0xed: {  	v26 =	vld.idx.msk [tilespmem:v18+s1+$0xFFFFFFE0 ss:$0x1], $0xffff  }
0xee: {  	v27 =	vld.idx.msk [tilespmem:v18+s1+$0xFFFFFFF0 ss:$0x1], $0xffff  }
0xef: {  	v28 =	vld.idx.msk [tilespmem:v17+s1+$0xFFFFFFE0 ss:$0x1], $0xffff  }
0xf0: {  	v29 =	vld.idx.msk [tilespmem:v18+s1+$0x0 ss:$0x1], $0xffff  }
0xf1: {  	v30 =	vld.idx.msk [tilespmem:v17+s1+$0xFFFFFFF0 ss:$0x1], $0xffff  }
0xf2: {  	v23 =	vadd.f32 v23, v24;
	v24 =	vadd.f32 v26, v25  }
0xf3: {  	v25 =	vld.idx.msk [tilespmem:v17+s1+$0x0 ss:$0x1], $0xffff;
	v22 =	vadd.f32 v27, v22  }
0xf4: {  	v21 =	vsub.f32 v23, v21;
	v23 =	vsub.f32 v24, v28  }
0xf5: {  	v20 =	vadd.f32 v29, v20  }
0xf6: {  	v22 =	vsub.f32 v22, v30;
	v21 =	vmul.f32 v21, v21;
	v23 =	vmul.f32 v23, v23;
	_ =	sdelay $0x1  }
0xf7: {  	v22 =	vmul.f32 v22, v22;
	v20 =	vsub.f32 v20, v25;
	v21 =	vadd.f32 v23, v21;
	_ =	sdelay $0x1  }
0xf8: {  	v20 =	vmul.f32 v20, v20;
	v21 =	vadd.f32 v22, v21;
	_ =	sdelay $0x1  }
0xf9: {  	v20 =	vadd.f32 v20, v21  }
0xfa: {  	s14 =	simm.s32 $0x8900  }
0xfb: {  	s2 =	simm.s32 $0x40;
	[tilespmem:s14+$0x0] =	vst v20  }
0xfc: {  	v20 =	vld.idx.msk [tilespmem:v19+s2+$0x10 ss:$0x1], $0xffff  }
0xfd: {  	v21 =	vld.idx.msk [tilespmem:v17+s2+$0xFFFFFFD0 ss:$0x1], $0xffff  }
0xfe: {  	v22 =	vld.idx.msk [tilespmem:v19+s2+$0x0 ss:$0x1], $0xffff  }
0xff: {  	v23 =	vld.idx.msk [tilespmem:v18+s2+$0xFFFFFFD0 ss:$0x1], $0xffff  }
0x100: {  	v24 =	vld.idx.msk [tilespmem:v19+s2+$0xFFFFFFE0 ss:$0x1], $0xffff  }
0x101: {  	s1 =	simm.s32 $0x200;
	v25 =	vld.idx.msk [tilespmem:v19+s2+$0xFFFFFFF0 ss:$0x1], $0xffff  }
.LBB2_4:
0x102: {  	p0 =	sne.s32 s1, $0xF00;
	v26 =	vld.idx.msk [tilespmem:v18+s2+$0xFFFFFFE0 ss:$0x1], $0xffff  }
0x103: {  	v27 =	vld.idx.msk [tilespmem:v18+s2+$0xFFFFFFF0 ss:$0x1], $0xffff  }
0x104: {  	v28 =	vld.idx.msk [tilespmem:v17+s2+$0xFFFFFFE0 ss:$0x1], $0xffff  }
0x105: {  	v29 =	vld.idx.msk [tilespmem:v18+s2+$0x0 ss:$0x1], $0xffff  }
0x106: {  	v30 =	vld.idx.msk [tilespmem:v17+s2+$0xFFFFFFF0 ss:$0x1], $0xffff;
	_ =	sdelay $0x1  }
0x107: {  	v23 =	vadd.f32 v23, v24;
	v24 =	vadd.f32 v26, v25;
	v25 =	vld.idx.msk [tilespmem:v17+s2+$0x0 ss:$0x1], $0xffff  }
0x108: {  	v22 =	vadd.f32 v27, v22  }
0x109: {  	v21 =	vsub.f32 v23, v21;
	v23 =	vsub.f32 v24, v28  }
0x10a: {  	v20 =	vadd.f32 v29, v20  }
0x10b: {  	v21 =	vmul.f32 v21, v21;
	v23 =	vmul.f32 v23, v23;
	v22 =	vsub.f32 v22, v30;
	_ =	sdelay $0x1  }
0x10c: {  	v21 =	vadd.f32 v23, v21;
	v22 =	vmul.f32 v22, v22;
	v20 =	vsub.f32 v20, v25;
	_ =	sdelay $0x1  }
0x10d: {  	v21 =	vadd.f32 v22, v21;
	v20 =	vmul.f32 v20, v20;
	_ =	sdelay $0x1  }
0x10e: {  	v20 =	vadd.f32 v20, v21  }
0x10f: {  	s14 =	sadd.s32 $0x18, s14  }
0x110: {  	s2 =	sshra.s32 s1, $0x2;
	[tilespmem:s14+$0x0] =	vst v20  }
0x111: {  	v20 =	vld.idx.msk [tilespmem:v19+s2+$0x10 ss:$0x1], $0xffff  }
.Ltmp0:
0x112: {  	v21 =	vld.idx.msk [tilespmem:v17+s2+$0xFFFFFFD0 ss:$0x1], $0xffff;
	(pc) =	sbr.rel @p0 .LBB2_4-.Ltmp0, $4  }
0x113: {  	v22 =	vld.idx.msk [tilespmem:v19+s2+$0x0 ss:$0x1], $0xffff  }
0x114: {  	v23 =	vld.idx.msk [tilespmem:v18+s2+$0xFFFFFFD0 ss:$0x1], $0xffff  }
0x115: {  	v24 =	vld.idx.msk [tilespmem:v19+s2+$0xFFFFFFE0 ss:$0x1], $0xffff  }
0x116: {  	s1 =	sadd.s32 $0x100, s1;
	v25 =	vld.idx.msk [tilespmem:v19+s2+$0xFFFFFFF0 ss:$0x1], $0xffff  }
0x117: {  	_ =	sdelay $0x3  }
0x118: {  	v19 =	vld.idx.msk [tilespmem:v18+s2+$0xFFFFFFE0 ss:$0x1], $0xffff  }
0x119: {  	v26 =	vld.idx.msk [tilespmem:v18+s2+$0xFFFFFFF0 ss:$0x1], $0xffff  }
0x11a: {  	v27 =	vld.idx.msk [tilespmem:v17+s2+$0xFFFFFFE0 ss:$0x1], $0xffff  }
0x11b: {  	v18 =	vld.idx.msk [tilespmem:v18+s2+$0x0 ss:$0x1], $0xffff  }
0x11c: {  	v28 =	vld.idx.msk [tilespmem:v17+s2+$0xFFFFFFF0 ss:$0x1], $0xffff  }
0x11d: {  	v23 =	vadd.f32 v23, v24;
	v19 =	vadd.f32 v19, v25  }
0x11e: {  	v17 =	vld.idx.msk [tilespmem:v17+s2+$0x0 ss:$0x1], $0xffff;
	v22 =	vadd.f32 v26, v22  }
0x11f: {  	v21 =	vsub.f32 v23, v21;
	v19 =	vsub.f32 v19, v27  }
0x120: {  	v18 =	vadd.f32 v18, v20  }
0x121: {  	v35 =	vmul.f32 v21, v21;
	v36 =	vsub.f32 v22, v28;
	v19 =	vmul.f32 v19, v19;
	_ =	sdelay $0x1  }
0x122: {  	v17 =	vsub.f32 v18, v17;
	v37 =	vmul.f32 v36, v36;
	v19 =	vadd.f32 v19, v35;
	_ =	sdelay $0x1  }
0x123: {  	v17 =	vmul.f32 v17, v17;
	v18 =	vadd.f32 v37, v19;
	_ =	sdelay $0x1  }
0x124: {  	v17 =	vadd.f32 v17, v18  }
0x125: {  	s1 =	sadd.s32 $0x18, s14  }
0x126: {  	[tilespmem:s1+$0x0] =	vst v17  }
0x127: {  	v17 =	vld.idx.msk [tilespmem:v0+s26+$0x0], $0xffff;
	_ =	sdelay $0x1  }
0x128: {  	v18 =	vld.idx.msk [tilespmem:v2+s26+$0x0], $0xffff;
	_ =	sdelay $0x1  }
0x129: {  	v19 =	vld.idx.msk [tilespmem:v3+s26+$0x0], $0xffff  }
0x12a: {  	v17 =	vadd.f32 $0.0e+00, v17  }
0x12b: {  	v38 =	vld.idx.msk [tilespmem:v4+s26+$0x0], $0xffff  }
0x12c: {  	v17 =	vadd.f32 v18, v17  }
0x12d: {  	v18 =	vld.idx.msk [tilespmem:v5+s26+$0x0], $0xffff  }
0x12e: {  	v17 =	vadd.f32 v19, v17  }
0x12f: {  	v19 =	vld.idx.msk [tilespmem:v6+s26+$0x0], $0xffff  }
0x130: {  	v17 =	vadd.f32 v38, v17  }
0x131: {  	v39 =	vld.idx.msk [tilespmem:v7+s26+$0x0], $0xffff  }
0x132: {  	v17 =	vadd.f32 v18, v17  }
0x133: {  	v18 =	vld.idx.msk [tilespmem:v8+s26+$0x0], $0xffff  }
0x134: {  	v17 =	vadd.f32 v19, v17  }
0x135: {  	v19 =	vld.idx.msk [tilespmem:v9+s26+$0x0], $0xffff  }
0x136: {  	v17 =	vadd.f32 v39, v17  }
0x137: {  	v40 =	vld.idx.msk [tilespmem:v10+s26+$0x0], $0xffff  }
0x138: {  	v17 =	vadd.f32 v18, v17  }
0x139: {  	v18 =	vld.idx.msk [tilespmem:v11+s26+$0x0], $0xffff  }
0x13a: {  	v17 =	vadd.f32 v19, v17  }
0x13b: {  	v19 =	vld.idx.msk [tilespmem:v12+s26+$0x0], $0xffff  }
0x13c: {  	v17 =	vadd.f32 v40, v17  }
0x13d: {  	v41 =	vld.idx.msk [tilespmem:v13+s26+$0x0], $0xffff  }
0x13e: {  	v17 =	vadd.f32 v18, v17  }
0x13f: {  	v18 =	vld.idx.msk [tilespmem:v14+s26+$0x0], $0xffff  }
0x140: {  	v17 =	vadd.f32 v19, v17  }
0x141: {  	v19 =	vld.idx.msk [tilespmem:v15+s26+$0x0], $0xffff  }
0x142: {  	v17 =	vadd.f32 v41, v17  }
0x143: {  	v42 =	vld.idx.msk [tilespmem:v16+s26+$0x0], $0xffff  }
0x144: {  	v17 =	vadd.f32 v18, v17;
	_ =	sdelay $0x1  }
0x145: {  	v17 =	vadd.f32 v19, v17;
	_ =	sdelay $0x1  }
0x146: {  	v17 =	vadd.f32 v42, v17;
	_ =	sdelay $0x1  }
0x147: {  	v18 =	vshrl.u32 v17, $0x1  }
0x148: {  	v18 =	vadd.s32 $0x1FBD1DF5, v18  }
0x149: {  	(erf) = vrcp.f32 v18;
	_ =	sdelay $0x8  }
0x14a: {  	v19 =	vpop (erf)  }
0x14b: {  	v19 =	vmul.f32 v19, v17;
	_ =	sdelay $0x1  }
0x14c: {  	v18 =	vadd.f32 v18, v19;
	_ =	sdelay $0x1  }
0x14d: {  	v18 =	vmul.f32 $5.000000000e-01, v18;
	_ =	sdelay $0x1  }
0x14e: {  	(erf) = vrcp.f32 v18;
	_ =	sdelay $0x8  }
0x14f: {  	v19 =	vpop (erf)  }
0x150: {  	v19 =	vmul.f32 v19, v17;
	_ =	sdelay $0x1  }
0x151: {  	v18 =	vadd.f32 v19, v18;
	_ =	sdelay $0x1  }
0x152: {  	v18 =	vmul.f32 $5.000000000e-01, v18;
	_ =	sdelay $0x1  }
0x153: {  	(erf) = vrcp.f32 v18;
	_ =	sdelay $0x8  }
0x154: {  	v19 =	vpop (erf)  }
0x155: {  	v17 =	vmul.f32 v19, v17;
	_ =	sdelay $0x1  }
0x156: {  	v17 =	vadd.f32 v17, v18;
	_ =	sdelay $0x1  }
0x157: {  	v17 =	vmul.f32 $5.000000000e-01, v17;
	_ =	sdelay $0x1  }
0x158: {  	v17 =	vsub.f32 $0.0e+00, v17;
	_ =	sdelay $0x1  }
0x159: {  	v17 =	vmul.f32 $1.442695020e+00, v17;
	_ =	sdelay $0x1  }
0x15a: {  	(erf) = vpow2.f32 v17;
	_ =	sdelay $0x3  }
0x15b: {  	s14 =	smul.u32 $0x1400, s19;
	_ =	sdelay $0x1  }
0x15c: {  	s2 =	sshra.s32 s14, $0x2  }
0x15d: {  	v18 =	vld [tilespmem:s2+$0x6100]  }
0x15e: {  	v19 =	vld [tilespmem:s2+$0x6110]  }
0x15f: {  	v43 =	vld [tilespmem:s2+$0x6120];
	v17 =	vpop (erf)  }
0x160: {  	v45 =	vld [tilespmem:s2+$0x6130];
	v44 =	vbroadcast v17, $0x0  }
0x161: {  	v46 =	vld [tilespmem:s2+$0x6140]  }
0x162: {  	v47 =	vld [tilespmem:s2+$0x6150];
	v18 =	vmul.f32 v44, v18  }
0x163: {  	v48 =	vld [tilespmem:s2+$0x6160];
	v19 =	vmul.f32 v44, v19  }
0x164: {  	v49 =	vld [tilespmem:s2+$0x6170];
	[tilespmem:s2+$0x6100] =	vst v18;
	v18 =	vmul.f32 v44, v43  }
0x165: {  	v51 =	vld [tilespmem:s2+$0x6180];
	v50 =	vbroadcast v17, $0x1;
	[tilespmem:s2+$0x6110] =	vst v19;
	v19 =	vmul.f32 v44, v45  }
0x166: {  	v52 =	vld [tilespmem:s2+$0x6190];
	[tilespmem:s2+$0x6120] =	vst v18;
	v18 =	vmul.f32 v44, v46  }
0x167: {  	v53 =	vld [tilespmem:s2+$0x61A0];
	[tilespmem:s2+$0x6130] =	vst v19;
	v19 =	vmul.f32 v50, v47  }
0x168: {  	v54 =	vld [tilespmem:s2+$0x61B0];
	[tilespmem:s2+$0x6140] =	vst v18;
	v18 =	vmul.f32 v50, v48  }
0x169: {  	v55 =	vld [tilespmem:s2+$0x61C0];
	[tilespmem:s2+$0x6150] =	vst v19;
	v19 =	vmul.f32 v50, v49  }
0x16a: {  	v57 =	vld [tilespmem:s2+$0x61D0];
	v56 =	vbroadcast v17, $0x2;
	[tilespmem:s2+$0x6160] =	vst v18;
	v18 =	vmul.f32 v50, v51  }
0x16b: {  	v58 =	vld [tilespmem:s2+$0x61E0];
	[tilespmem:s2+$0x6170] =	vst v19;
	v19 =	vmul.f32 v50, v52  }
0x16c: {  	v59 =	vld [tilespmem:s2+$0x61F0];
	[tilespmem:s2+$0x6180] =	vst v18;
	v18 =	vmul.f32 v56, v53  }
0x16d: {  	v60 =	vld [tilespmem:s2+$0x6200];
	[tilespmem:s2+$0x6190] =	vst v19;
	v19 =	vmul.f32 v54, v56  }
0x16e: {  	v61 =	vld [tilespmem:s2+$0x6210];
	[tilespmem:s2+$0x61A0] =	vst v18;
	v18 =	vmul.f32 v55, v56  }
0x16f: {  	v63 =	vld [tilespmem:s2+$0x6220];
	v62 =	vbroadcast v17, $0x3;
	[tilespmem:s2+$0x61B0] =	vst v19;
	v19 =	vmul.f32 v57, v56  }
0x170: {  	v28 =	vld [tilespmem:s2+$0x6230];
	[tilespmem:s2+$0x61C0] =	vst v18;
	v18 =	vmul.f32 v58, v56  }
0x171: {  	v29 =	vld [tilespmem:s2+$0x6240];
	[tilespmem:s2+$0x61D0] =	vst v19;
	v19 =	vmul.f32 v59, v62  }
0x172: {  	v30 =	vld [tilespmem:s2+$0x6250];
	[tilespmem:s2+$0x61E0] =	vst v18;
	v18 =	vmul.f32 v60, v62  }
0x173: {  	v31 =	vld [tilespmem:s2+$0x6260];
	[tilespmem:s2+$0x61F0] =	vst v19;
	v19 =	vmul.f32 v61, v62  }
0x174: {  	v33 =	vld [tilespmem:s2+$0x6270];
	v32 =	vbroadcast v17, $0x4;
	[tilespmem:s2+$0x6200] =	vst v18;
	v18 =	vmul.f32 v63, v62  }
0x175: {  	v34 =	vld [tilespmem:s2+$0x6280];
	[tilespmem:s2+$0x6210] =	vst v19;
	v19 =	vmul.f32 v28, v62  }
0x176: {  	v35 =	vld [tilespmem:s2+$0x6290];
	[tilespmem:s2+$0x6220] =	vst v18;
	v18 =	vmul.f32 v29, v32  }
0x177: {  	v36 =	vld [tilespmem:s2+$0x62A0];
	[tilespmem:s2+$0x6230] =	vst v19;
	v19 =	vmul.f32 v30, v32  }
0x178: {  	v37 =	vld [tilespmem:s2+$0x62B0];
	[tilespmem:s2+$0x6240] =	vst v18;
	v18 =	vmul.f32 v31, v32  }
0x179: {  	v39 =	vld [tilespmem:s2+$0x62C0];
	v38 =	vbroadcast v17, $0x5;
	[tilespmem:s2+$0x6250] =	vst v19;
	v19 =	vmul.f32 v33, v32  }
0x17a: {  	v40 =	vld [tilespmem:s2+$0x62D0];
	[tilespmem:s2+$0x6260] =	vst v18;
	v18 =	vmul.f32 v34, v32  }
0x17b: {  	v41 =	vld [tilespmem:s2+$0x62E0];
	[tilespmem:s2+$0x6270] =	vst v19;
	v19 =	vmul.f32 v35, v38  }
0x17c: {  	v42 =	vld [tilespmem:s2+$0x62F0];
	[tilespmem:s2+$0x6280] =	vst v18;
	v18 =	vmul.f32 v36, v38  }
0x17d: {  	v43 =	vld [tilespmem:s2+$0x6300];
	[tilespmem:s2+$0x6290] =	vst v19;
	v19 =	vmul.f32 v37, v38  }
0x17e: {  	v45 =	vld [tilespmem:s2+$0x6310];
	v44 =	vbroadcast v17, $0x6;
	[tilespmem:s2+$0x62A0] =	vst v18;
	v18 =	vmul.f32 v39, v38  }
0x17f: {  	v46 =	vld [tilespmem:s2+$0x6320];
	[tilespmem:s2+$0x62B0] =	vst v19;
	v19 =	vmul.f32 v40, v38  }
0x180: {  	v47 =	vld [tilespmem:s2+$0x6330];
	[tilespmem:s2+$0x62C0] =	vst v18;
	v18 =	vmul.f32 v41, v44  }
0x181: {  	v48 =	vld [tilespmem:s2+$0x6340];
	[tilespmem:s2+$0x62D0] =	vst v19;
	v19 =	vmul.f32 v42, v44  }
0x182: {  	v49 =	vld [tilespmem:s2+$0x6350];
	[tilespmem:s2+$0x62E0] =	vst v18;
	v18 =	vmul.f32 v43, v44  }
0x183: {  	v50 =	vbroadcast v17, $0x7;
	v51 =	vld [tilespmem:s2+$0x6360];
	[tilespmem:s2+$0x62F0] =	vst v19;
	v19 =	vmul.f32 v45, v44  }
0x184: {  	v52 =	vld [tilespmem:s2+$0x6370];
	[tilespmem:s2+$0x6300] =	vst v18;
	v18 =	vmul.f32 v46, v44  }
0x185: {  	v53 =	vld [tilespmem:s2+$0x6380];
	[tilespmem:s2+$0x6310] =	vst v19;
	v19 =	vmul.f32 v47, v50  }
0x186: {  	v54 =	vld [tilespmem:s2+$0x6390];
	[tilespmem:s2+$0x6320] =	vst v18;
	v18 =	vmul.f32 v48, v50  }
0x187: {  	v55 =	vld [tilespmem:s2+$0x63A0];
	[tilespmem:s2+$0x6330] =	vst v19;
	v19 =	vmul.f32 v49, v50  }
0x188: {  	v57 =	vld [tilespmem:s2+$0x63B0];
	v56 =	vbroadcast v17, $0x8;
	[tilespmem:s2+$0x6340] =	vst v18;
	v18 =	vmul.f32 v51, v50  }
0x189: {  	v58 =	vld [tilespmem:s2+$0x63C0];
	[tilespmem:s2+$0x6350] =	vst v19;
	v19 =	vmul.f32 v52, v50  }
0x18a: {  	v59 =	vld [tilespmem:s2+$0x63D0];
	[tilespmem:s2+$0x6360] =	vst v18;
	v18 =	vmul.f32 v53, v56  }
0x18b: {  	v60 =	vld [tilespmem:s2+$0x63E0];
	[tilespmem:s2+$0x6370] =	vst v19;
	v19 =	vmul.f32 v54, v56  }
0x18c: {  	v61 =	vld [tilespmem:s2+$0x63F0];
	[tilespmem:s2+$0x6380] =	vst v18;
	v18 =	vmul.f32 v55, v56  }
0x18d: {  	v62 =	vbroadcast v17, $0x9;
	v63 =	vld [tilespmem:s2+$0x6400];
	[tilespmem:s2+$0x6390] =	vst v19;
	v19 =	vmul.f32 v57, v56  }
0x18e: {  	v28 =	vld [tilespmem:s2+$0x6410];
	[tilespmem:s2+$0x63A0] =	vst v18;
	v18 =	vmul.f32 v58, v56  }
0x18f: {  	v29 =	vld [tilespmem:s2+$0x6420];
	[tilespmem:s2+$0x63B0] =	vst v19;
	v19 =	vmul.f32 v59, v62  }
0x190: {  	v30 =	vld [tilespmem:s2+$0x6430];
	[tilespmem:s2+$0x63C0] =	vst v18;
	v18 =	vmul.f32 v60, v62  }
0x191: {  	v31 =	vld [tilespmem:s2+$0x6440];
	[tilespmem:s2+$0x63D0] =	vst v19;
	v19 =	vmul.f32 v61, v62  }
0x192: {  	v33 =	vld [tilespmem:s2+$0x6450];
	v32 =	vbroadcast v17, $0xA;
	[tilespmem:s2+$0x63E0] =	vst v18;
	v18 =	vmul.f32 v63, v62  }
0x193: {  	v34 =	vld [tilespmem:s2+$0x6460];
	[tilespmem:s2+$0x63F0] =	vst v19;
	v19 =	vmul.f32 v28, v62  }
0x194: {  	v35 =	vld [tilespmem:s2+$0x6470];
	[tilespmem:s2+$0x6400] =	vst v18;
	v18 =	vmul.f32 v29, v32  }
0x195: {  	v36 =	vld [tilespmem:s2+$0x6480];
	[tilespmem:s2+$0x6410] =	vst v19;
	v19 =	vmul.f32 v30, v32  }
0x196: {  	v37 =	vld [tilespmem:s2+$0x6490];
	[tilespmem:s2+$0x6420] =	vst v18;
	v18 =	vmul.f32 v31, v32  }
0x197: {  	v38 =	vbroadcast v17, $0xB;
	v39 =	vld [tilespmem:s2+$0x64A0];
	[tilespmem:s2+$0x6430] =	vst v19;
	v19 =	vmul.f32 v33, v32  }
0x198: {  	v40 =	vld [tilespmem:s2+$0x64B0];
	[tilespmem:s2+$0x6440] =	vst v18;
	v18 =	vmul.f32 v34, v32  }
0x199: {  	v41 =	vld [tilespmem:s2+$0x64C0];
	[tilespmem:s2+$0x6450] =	vst v19;
	v19 =	vmul.f32 v35, v38  }
0x19a: {  	v42 =	vld [tilespmem:s2+$0x64D0];
	[tilespmem:s2+$0x6460] =	vst v18;
	v18 =	vmul.f32 v36, v38  }
0x19b: {  	v43 =	vld [tilespmem:s2+$0x64E0];
	[tilespmem:s2+$0x6470] =	vst v19;
	v19 =	vmul.f32 v37, v38  }
0x19c: {  	v45 =	vld [tilespmem:s2+$0x64F0];
	v44 =	vbroadcast v17, $0xC;
	[tilespmem:s2+$0x6480] =	vst v18;
	v18 =	vmul.f32 v39, v38  }
0x19d: {  	v46 =	vld [tilespmem:s2+$0x6500];
	[tilespmem:s2+$0x6490] =	vst v19;
	v19 =	vmul.f32 v40, v38  }
0x19e: {  	v47 =	vld [tilespmem:s2+$0x6510];
	[tilespmem:s2+$0x64A0] =	vst v18;
	v18 =	vmul.f32 v41, v44  }
0x19f: {  	v48 =	vld [tilespmem:s2+$0x6520];
	[tilespmem:s2+$0x64B0] =	vst v19;
	v19 =	vmul.f32 v42, v44  }
0x1a0: {  	v49 =	vld [tilespmem:s2+$0x6530];
	[tilespmem:s2+$0x64C0] =	vst v18;
	v18 =	vmul.f32 v43, v44  }
0x1a1: {  	v50 =	vbroadcast v17, $0xD;
	v51 =	vld [tilespmem:s2+$0x6540];
	[tilespmem:s2+$0x64D0] =	vst v19;
	v19 =	vmul.f32 v45, v44  }
0x1a2: {  	v52 =	vld [tilespmem:s2+$0x6550];
	[tilespmem:s2+$0x64E0] =	vst v18;
	v18 =	vmul.f32 v46, v44  }
0x1a3: {  	v53 =	vld [tilespmem:s2+$0x6560];
	[tilespmem:s2+$0x64F0] =	vst v19;
	v19 =	vmul.f32 v47, v50  }
0x1a4: {  	v54 =	vld [tilespmem:s2+$0x6570];
	[tilespmem:s2+$0x6500] =	vst v18;
	v18 =	vmul.f32 v48, v50  }
0x1a5: {  	v55 =	vld [tilespmem:s2+$0x6580];
	[tilespmem:s2+$0x6510] =	vst v19;
	v19 =	vmul.f32 v49, v50  }
0x1a6: {  	v57 =	vld [tilespmem:s2+$0x6590];
	v56 =	vbroadcast v17, $0xE;
	[tilespmem:s2+$0x6520] =	vst v18;
	v18 =	vmul.f32 v51, v50  }
0x1a7: {  	v58 =	vld [tilespmem:s2+$0x65A0];
	[tilespmem:s2+$0x6530] =	vst v19;
	v19 =	vmul.f32 v52, v50  }
0x1a8: {  	v59 =	vld [tilespmem:s2+$0x65B0];
	[tilespmem:s2+$0x6540] =	vst v18;
	v18 =	vmul.f32 v53, v56  }
0x1a9: {  	v60 =	vld [tilespmem:s2+$0x65C0];
	[tilespmem:s2+$0x6550] =	vst v19;
	v19 =	vmul.f32 v54, v56  }
0x1aa: {  	v61 =	vld [tilespmem:s2+$0x65D0];
	[tilespmem:s2+$0x6560] =	vst v18;
	v18 =	vmul.f32 v55, v56  }
0x1ab: {  	v17 =	vbroadcast v17, $0xF;
	v62 =	vld [tilespmem:s2+$0x65E0];
	[tilespmem:s2+$0x6570] =	vst v19;
	v19 =	vmul.f32 v57, v56  }
0x1ac: {  	v63 =	vld [tilespmem:s2+$0x65F0];
	[tilespmem:s2+$0x6580] =	vst v18;
	v18 =	vmul.f32 v58, v56  }
0x1ad: {  	s19 =	sadd.s32 $0x1, s19;
	[tilespmem:s2+$0x6590] =	vst v19;
	v19 =	vmul.f32 v59, v17  }
0x1ae: {  	p0 =	sne.s32 s19, $0x8;
	[tilespmem:s2+$0x65A0] =	vst v18;
	v18 =	vmul.f32 v60, v17  }
.Ltmp1:
0x1af: {  	[tilespmem:s2+$0x65B0] =	vst v19;
	v19 =	vmul.f32 v61, v17;
	(pc) =	sbr.rel @p0 .LBB2_3-.Ltmp1, $4  }
0x1b0: {  	[tilespmem:s2+$0x65C0] =	vst v18;
	v18 =	vmul.f32 v62, v17  }
0x1b1: {  	[tilespmem:s2+$0x65D0] =	vst v19;
	v17 =	vmul.f32 v63, v17  }
0x1b2: {  	[tilespmem:s2+$0x65E0] =	vst v18  }
0x1b3: {  	s20 =	sadd.s32 $0x400, s20;
	s12 =	sadd.s32 $0x400, s12;
	s13 =	sadd.s32 $0x400, s13;
	[tilespmem:s2+$0x65F0] =	vst v17  }
0x1b4: {  	s1 =	rddreg [dreg:$0x4]  }
0x1b5: {  	s12 =	rddreg [dreg:$0x1b]  }
0x1b6: {  	[spmem:s1] =	stream.indirect.scatter.add.f32 [tilespmem:s15], [sflag:$0x9], $0x50, s11, s11, $0xb8;
	[tilespmem:$0x16A00] =	vst v63  }
0x1b7: {  	s1 =	sadd.s32 s18, s12  }
0x1b8: {  	_ =	swait.ge [sflag:s10], $0x2800;
	s1 =	smin.u32 s1, $0x3FF80  }
0x1b9: {  	[sflag:s10] =	ssyncset.done $0x0;
	s2 =	sshrl.u32 s1, $0x3  }
0x1ba: {  	s18 =	simm.s32 $0x0;
	[sflag:s10] =	ssyncadd.s32 $0xFFFFD800;
	s12 =	sadd.s32 s5, s2  }
0x1bb: {  	[tilespmem:s18], [sflag:$0x9] =	stream.linear.gather [hbm4b:s12+s18], $0x80, $0x38;
	[tilespmem:$0x16A00] =	vst v63  }
0x1bc: {  	_ =	swait.ge [sflag:s10], $0x80  }
0x1bd: {  	[sflag:s10] =	ssyncset.done $0x0  }
0x1be: {  	s2 =	sadd.s32 s31, s2;
	[sflag:s10] =	ssyncadd.s32 $0xFFFFFF80  }
0x1bf: {  	[tilespmem:s11], [sflag:$0x9] =	stream.linear.gather [hbm4b:s2+s18], $0x80, $0x38;
	[tilespmem:$0x16A00] =	vst v63  }
0x1c0: {  	_ =	swait.ge [sflag:s10], $0x80  }
0x1c1: {  	[sflag:s10] =	ssyncset.done $0x0  }
0x1c2: {  	s13 =	simm.s32 $0x100;
	[sflag:s10] =	ssyncadd.s32 $0xFFFFFF80  }
0x1c3: {  	[tilespmem:s13], [sflag:$0x1] =	stream.indirect.gather [hbm4b:s3+s11], $0x40, s18, s11, $0xb8;
	[tilespmem:$0x16A00] =	vst v63  }
0x1c4: {  	s14 =	simm.s32 $0x2100;
	s1 =	sshll.u32 s1, $0x3  }
0x1c5: {  	[tilespmem:s14], [sflag:$0x2] =	stream.indirect.gather [hbm4b:s3+s11], $0x40, s11, s11, $0xb8;
	[tilespmem:$0x16A00] =	vst v63  }
0x1c6: {  	s19 =	simm.s32 $0x4100;
	s1 =	sadd.s32 s7, s1  }
0x1c7: {  	[tilespmem:s19], [sflag:$0x3] =	stream.linear.gather [hbm4b:s1+s18], $0x2000, $0x38;
	[tilespmem:$0x16A00] =	vst v63  }
0x1c8: {  	_ = 	snop  }
0x1c9: {  	[tilespmem:s15], [sflag:$0x4] =	stream.indirect.gather [hbm4b:s8+s11], $0x50, s18, s11, $0xb8;
	[tilespmem:$0x16A00] =	vst v63  }
0x1ca: {  	_ =	swait.ge [sflag:s28], $0x2000  }
0x1cb: {  	[sflag:s28] =	ssyncset.done $0x0  }
0x1cc: {  	[sflag:s28] =	ssyncadd.s32 $0xFFFFE000  }
0x1cd: {  	_ =	swait.ge [sflag:s29], $0x2000  }
0x1ce: {  	[sflag:s29] =	ssyncset.done $0x0  }
0x1cf: {  	[sflag:s29] =	ssyncadd.s32 $0xFFFFE000  }
0x1d0: {  	_ =	swait.ge [sflag:s30], $0x2000  }
0x1d1: {  	[sflag:s30] =	ssyncset.done $0x0  }
0x1d2: {  	[sflag:s30] =	ssyncadd.s32 $0xFFFFE000  }
0x1d3: {  	_ =	swait.ge [sflag:s9], $0x2800  }
0x1d4: {  	s20 =	smov.u32 s5;
	s12 =	simm.s32 $0xCBB0;
	[sflag:s9] =	ssyncset.done $0x0  }
0x1d5: {  	s13 =	simm.s32 $0xABB0;
	s19 =	simm.s32 $0x8BA0;
	[sflag:s9] =	ssyncadd.s32 $0xFFFFD800  }
.LBB2_7:
0x1d6: {  	v19 =	vmov s19  }
0x1d7: {  	v17 =	vmov s13;
	_ =	sdelay $0x1  }
0x1d8: {  	v18 =	vmov s12  }
0x1d9: {  	s1 =	simm.s32 $0x0  }
0x1da: {  	v20 =	vld.idx.msk [tilespmem:v19+s1+$0x10 ss:$0x1], $0xffff  }
0x1db: {  	v21 =	vld.idx.msk [tilespmem:v17+s1+$0xFFFFFFD0 ss:$0x1], $0xffff  }
0x1dc: {  	v22 =	vld.idx.msk [tilespmem:v19+s1+$0x0 ss:$0x1], $0xffff  }
0x1dd: {  	v23 =	vld.idx.msk [tilespmem:v18+s1+$0xFFFFFFD0 ss:$0x1], $0xffff  }
0x1de: {  	v24 =	vld.idx.msk [tilespmem:v19+s1+$0xFFFFFFE0 ss:$0x1], $0xffff  }
0x1df: {  	v25 =	vld.idx.msk [tilespmem:v19+s1+$0xFFFFFFF0 ss:$0x1], $0xffff  }
0x1e0: {  	v26 =	vld.idx.msk [tilespmem:v18+s1+$0xFFFFFFE0 ss:$0x1], $0xffff  }
0x1e1: {  	v27 =	vld.idx.msk [tilespmem:v18+s1+$0xFFFFFFF0 ss:$0x1], $0xffff  }
0x1e2: {  	v28 =	vld.idx.msk [tilespmem:v17+s1+$0xFFFFFFE0 ss:$0x1], $0xffff  }
0x1e3: {  	v29 =	vld.idx.msk [tilespmem:v18+s1+$0x0 ss:$0x1], $0xffff  }
0x1e4: {  	v30 =	vld.idx.msk [tilespmem:v17+s1+$0xFFFFFFF0 ss:$0x1], $0xffff  }
0x1e5: {  	v23 =	vadd.f32 v23, v24;
	v24 =	vadd.f32 v26, v25  }
0x1e6: {  	v25 =	vld.idx.msk [tilespmem:v17+s1+$0x0 ss:$0x1], $0xffff;
	v22 =	vadd.f32 v27, v22  }
0x1e7: {  	v21 =	vsub.f32 v23, v21;
	v23 =	vsub.f32 v24, v28  }
0x1e8: {  	v20 =	vadd.f32 v29, v20  }
0x1e9: {  	v22 =	vsub.f32 v22, v30;
	v21 =	vmul.f32 v21, v21;
	v23 =	vmul.f32 v23, v23;
	_ =	sdelay $0x1  }
0x1ea: {  	v22 =	vmul.f32 v22, v22;
	v20 =	vsub.f32 v20, v25;
	v21 =	vadd.f32 v23, v21;
	_ =	sdelay $0x1  }
0x1eb: {  	v20 =	vmul.f32 v20, v20;
	v21 =	vadd.f32 v22, v21;
	_ =	sdelay $0x1  }
0x1ec: {  	v20 =	vadd.f32 v20, v21  }
0x1ed: {  	s14 =	simm.s32 $0x11380  }
0x1ee: {  	s2 =	simm.s32 $0x40;
	[tilespmem:s14+$0x0] =	vst v20  }
0x1ef: {  	v20 =	vld.idx.msk [tilespmem:v19+s2+$0x10 ss:$0x1], $0xffff  }
0x1f0: {  	v21 =	vld.idx.msk [tilespmem:v17+s2+$0xFFFFFFD0 ss:$0x1], $0xffff  }
0x1f1: {  	v22 =	vld.idx.msk [tilespmem:v19+s2+$0x0 ss:$0x1], $0xffff  }
0x1f2: {  	v23 =	vld.idx.msk [tilespmem:v18+s2+$0xFFFFFFD0 ss:$0x1], $0xffff  }
0x1f3: {  	v24 =	vld.idx.msk [tilespmem:v19+s2+$0xFFFFFFE0 ss:$0x1], $0xffff  }
0x1f4: {  	s1 =	simm.s32 $0x200;
	v25 =	vld.idx.msk [tilespmem:v19+s2+$0xFFFFFFF0 ss:$0x1], $0xffff  }
.LBB2_8:
0x1f5: {  	p0 =	sne.s32 s1, $0xF00;
	v26 =	vld.idx.msk [tilespmem:v18+s2+$0xFFFFFFE0 ss:$0x1], $0xffff  }
0x1f6: {  	v27 =	vld.idx.msk [tilespmem:v18+s2+$0xFFFFFFF0 ss:$0x1], $0xffff  }
0x1f7: {  	v28 =	vld.idx.msk [tilespmem:v17+s2+$0xFFFFFFE0 ss:$0x1], $0xffff  }
0x1f8: {  	v29 =	vld.idx.msk [tilespmem:v18+s2+$0x0 ss:$0x1], $0xffff  }
0x1f9: {  	v30 =	vld.idx.msk [tilespmem:v17+s2+$0xFFFFFFF0 ss:$0x1], $0xffff;
	_ =	sdelay $0x1  }
0x1fa: {  	v23 =	vadd.f32 v23, v24;
	v24 =	vadd.f32 v26, v25;
	v25 =	vld.idx.msk [tilespmem:v17+s2+$0x0 ss:$0x1], $0xffff  }
0x1fb: {  	v22 =	vadd.f32 v27, v22  }
0x1fc: {  	v21 =	vsub.f32 v23, v21;
	v23 =	vsub.f32 v24, v28  }
0x1fd: {  	v20 =	vadd.f32 v29, v20  }
0x1fe: {  	v21 =	vmul.f32 v21, v21;
	v23 =	vmul.f32 v23, v23;
	v22 =	vsub.f32 v22, v30;
	_ =	sdelay $0x1  }
0x1ff: {  	v21 =	vadd.f32 v23, v21;
	v22 =	vmul.f32 v22, v22;
	v20 =	vsub.f32 v20, v25;
	_ =	sdelay $0x1  }
0x200: {  	v21 =	vadd.f32 v22, v21;
	v20 =	vmul.f32 v20, v20;
	_ =	sdelay $0x1  }
0x201: {  	v20 =	vadd.f32 v20, v21  }
0x202: {  	s14 =	sadd.s32 $0x18, s14  }
0x203: {  	s2 =	sshra.s32 s1, $0x2;
	[tilespmem:s14+$0x0] =	vst v20  }
0x204: {  	v20 =	vld.idx.msk [tilespmem:v19+s2+$0x10 ss:$0x1], $0xffff  }
.Ltmp2:
0x205: {  	v21 =	vld.idx.msk [tilespmem:v17+s2+$0xFFFFFFD0 ss:$0x1], $0xffff;
	(pc) =	sbr.rel @p0 .LBB2_8-.Ltmp2, $4  }
0x206: {  	v22 =	vld.idx.msk [tilespmem:v19+s2+$0x0 ss:$0x1], $0xffff  }
0x207: {  	v23 =	vld.idx.msk [tilespmem:v18+s2+$0xFFFFFFD0 ss:$0x1], $0xffff  }
0x208: {  	v24 =	vld.idx.msk [tilespmem:v19+s2+$0xFFFFFFE0 ss:$0x1], $0xffff  }
0x209: {  	s1 =	sadd.s32 $0x100, s1;
	v25 =	vld.idx.msk [tilespmem:v19+s2+$0xFFFFFFF0 ss:$0x1], $0xffff  }
0x20a: {  	_ =	sdelay $0x3  }
0x20b: {  	v19 =	vld.idx.msk [tilespmem:v18+s2+$0xFFFFFFE0 ss:$0x1], $0xffff  }
0x20c: {  	v26 =	vld.idx.msk [tilespmem:v18+s2+$0xFFFFFFF0 ss:$0x1], $0xffff  }
0x20d: {  	v27 =	vld.idx.msk [tilespmem:v17+s2+$0xFFFFFFE0 ss:$0x1], $0xffff  }
0x20e: {  	v18 =	vld.idx.msk [tilespmem:v18+s2+$0x0 ss:$0x1], $0xffff  }
0x20f: {  	v28 =	vld.idx.msk [tilespmem:v17+s2+$0xFFFFFFF0 ss:$0x1], $0xffff  }
0x210: {  	v23 =	vadd.f32 v23, v24;
	v19 =	vadd.f32 v19, v25  }
0x211: {  	v17 =	vld.idx.msk [tilespmem:v17+s2+$0x0 ss:$0x1], $0xffff;
	v22 =	vadd.f32 v26, v22  }
0x212: {  	v21 =	vsub.f32 v23, v21;
	v19 =	vsub.f32 v19, v27  }
0x213: {  	v18 =	vadd.f32 v18, v20  }
0x214: {  	v35 =	vmul.f32 v21, v21;
	v36 =	vsub.f32 v22, v28;
	v19 =	vmul.f32 v19, v19;
	_ =	sdelay $0x1  }
0x215: {  	v17 =	vsub.f32 v18, v17;
	v37 =	vmul.f32 v36, v36;
	v19 =	vadd.f32 v19, v35;
	_ =	sdelay $0x1  }
0x216: {  	v17 =	vmul.f32 v17, v17;
	v18 =	vadd.f32 v37, v19;
	_ =	sdelay $0x1  }
0x217: {  	v17 =	vadd.f32 v17, v18  }
0x218: {  	s1 =	sadd.s32 $0x18, s14  }
0x219: {  	[tilespmem:s1+$0x0] =	vst v17  }
0x21a: {  	v17 =	vld.idx.msk [tilespmem:v0+s6+$0x0], $0xffff;
	_ =	sdelay $0x1  }
0x21b: {  	v18 =	vld.idx.msk [tilespmem:v2+s6+$0x0], $0xffff;
	_ =	sdelay $0x1  }
0x21c: {  	v19 =	vld.idx.msk [tilespmem:v3+s6+$0x0], $0xffff  }
0x21d: {  	v17 =	vadd.f32 $0.0e+00, v17  }
0x21e: {  	v38 =	vld.idx.msk [tilespmem:v4+s6+$0x0], $0xffff  }
0x21f: {  	v17 =	vadd.f32 v18, v17  }
0x220: {  	v18 =	vld.idx.msk [tilespmem:v5+s6+$0x0], $0xffff  }
0x221: {  	v17 =	vadd.f32 v19, v17  }
0x222: {  	v19 =	vld.idx.msk [tilespmem:v6+s6+$0x0], $0xffff  }
0x223: {  	v17 =	vadd.f32 v38, v17  }
0x224: {  	v39 =	vld.idx.msk [tilespmem:v7+s6+$0x0], $0xffff  }
0x225: {  	v17 =	vadd.f32 v18, v17  }
0x226: {  	v18 =	vld.idx.msk [tilespmem:v8+s6+$0x0], $0xffff  }
0x227: {  	v17 =	vadd.f32 v19, v17  }
0x228: {  	v19 =	vld.idx.msk [tilespmem:v9+s6+$0x0], $0xffff  }
0x229: {  	v17 =	vadd.f32 v39, v17  }
0x22a: {  	v40 =	vld.idx.msk [tilespmem:v10+s6+$0x0], $0xffff  }
0x22b: {  	v17 =	vadd.f32 v18, v17  }
0x22c: {  	v18 =	vld.idx.msk [tilespmem:v11+s6+$0x0], $0xffff  }
0x22d: {  	v17 =	vadd.f32 v19, v17  }
0x22e: {  	v19 =	vld.idx.msk [tilespmem:v12+s6+$0x0], $0xffff  }
0x22f: {  	v17 =	vadd.f32 v40, v17  }
0x230: {  	v41 =	vld.idx.msk [tilespmem:v13+s6+$0x0], $0xffff  }
0x231: {  	v17 =	vadd.f32 v18, v17  }
0x232: {  	v18 =	vld.idx.msk [tilespmem:v14+s6+$0x0], $0xffff  }
0x233: {  	v17 =	vadd.f32 v19, v17  }
0x234: {  	v19 =	vld.idx.msk [tilespmem:v15+s6+$0x0], $0xffff  }
0x235: {  	v17 =	vadd.f32 v41, v17  }
0x236: {  	v42 =	vld.idx.msk [tilespmem:v16+s6+$0x0], $0xffff  }
0x237: {  	v17 =	vadd.f32 v18, v17;
	_ =	sdelay $0x1  }
0x238: {  	v17 =	vadd.f32 v19, v17;
	_ =	sdelay $0x1  }
0x239: {  	v17 =	vadd.f32 v42, v17;
	_ =	sdelay $0x1  }
0x23a: {  	v18 =	vshrl.u32 v17, $0x1  }
0x23b: {  	v18 =	vadd.s32 $0x1FBD1DF5, v18  }
0x23c: {  	(erf) = vrcp.f32 v18;
	_ =	sdelay $0x8  }
0x23d: {  	v19 =	vpop (erf)  }
0x23e: {  	v19 =	vmul.f32 v19, v17;
	_ =	sdelay $0x1  }
0x23f: {  	v18 =	vadd.f32 v18, v19;
	_ =	sdelay $0x1  }
0x240: {  	v18 =	vmul.f32 $5.000000000e-01, v18;
	_ =	sdelay $0x1  }
0x241: {  	(erf) = vrcp.f32 v18;
	_ =	sdelay $0x8  }
0x242: {  	v19 =	vpop (erf)  }
0x243: {  	v19 =	vmul.f32 v19, v17;
	_ =	sdelay $0x1  }
0x244: {  	v18 =	vadd.f32 v19, v18;
	_ =	sdelay $0x1  }
0x245: {  	v18 =	vmul.f32 $5.000000000e-01, v18;
	_ =	sdelay $0x1  }
0x246: {  	(erf) = vrcp.f32 v18;
	_ =	sdelay $0x8  }
0x247: {  	v19 =	vpop (erf)  }
0x248: {  	v17 =	vmul.f32 v19, v17;
	_ =	sdelay $0x1  }
0x249: {  	v17 =	vadd.f32 v17, v18;
	_ =	sdelay $0x1  }
0x24a: {  	v17 =	vmul.f32 $5.000000000e-01, v17;
	_ =	sdelay $0x1  }
0x24b: {  	v17 =	vsub.f32 $0.0e+00, v17;
	_ =	sdelay $0x1  }
0x24c: {  	v17 =	vmul.f32 $1.442695020e+00, v17;
	_ =	sdelay $0x1  }
0x24d: {  	(erf) = vpow2.f32 v17;
	_ =	sdelay $0x3  }
0x24e: {  	s2 =	smul.u32 $0x1400, s18;
	_ =	sdelay $0x1  }
0x24f: {  	s5 =	sshra.s32 s2, $0x2  }
0x250: {  	v18 =	vld [tilespmem:s5+$0xEB80]  }
0x251: {  	v19 =	vld [tilespmem:s5+$0xEB90]  }
0x252: {  	v43 =	vld [tilespmem:s5+$0xEBA0];
	v17 =	vpop (erf)  }
0x253: {  	v45 =	vld [tilespmem:s5+$0xEBB0];
	v44 =	vbroadcast v17, $0x0  }
0x254: {  	v46 =	vld [tilespmem:s5+$0xEBC0]  }
0x255: {  	v47 =	vld [tilespmem:s5+$0xEBD0];
	v18 =	vmul.f32 v44, v18  }
0x256: {  	v48 =	vld [tilespmem:s5+$0xEBE0];
	v19 =	vmul.f32 v44, v19  }
0x257: {  	v49 =	vld [tilespmem:s5+$0xEBF0];
	[tilespmem:s5+$0xEB80] =	vst v18;
	v18 =	vmul.f32 v44, v43  }
0x258: {  	v51 =	vld [tilespmem:s5+$0xEC00];
	v50 =	vbroadcast v17, $0x1;
	[tilespmem:s5+$0xEB90] =	vst v19;
	v19 =	vmul.f32 v44, v45  }
0x259: {  	v52 =	vld [tilespmem:s5+$0xEC10];
	[tilespmem:s5+$0xEBA0] =	vst v18;
	v18 =	vmul.f32 v44, v46  }
0x25a: {  	v53 =	vld [tilespmem:s5+$0xEC20];
	[tilespmem:s5+$0xEBB0] =	vst v19;
	v19 =	vmul.f32 v50, v47  }
0x25b: {  	v54 =	vld [tilespmem:s5+$0xEC30];
	[tilespmem:s5+$0xEBC0] =	vst v18;
	v18 =	vmul.f32 v50, v48  }
0x25c: {  	v55 =	vld [tilespmem:s5+$0xEC40];
	[tilespmem:s5+$0xEBD0] =	vst v19;
	v19 =	vmul.f32 v50, v49  }
0x25d: {  	v57 =	vld [tilespmem:s5+$0xEC50];
	v56 =	vbroadcast v17, $0x2;
	[tilespmem:s5+$0xEBE0] =	vst v18;
	v18 =	vmul.f32 v50, v51  }
0x25e: {  	v58 =	vld [tilespmem:s5+$0xEC60];
	[tilespmem:s5+$0xEBF0] =	vst v19;
	v19 =	vmul.f32 v50, v52  }
0x25f: {  	v59 =	vld [tilespmem:s5+$0xEC70];
	[tilespmem:s5+$0xEC00] =	vst v18;
	v18 =	vmul.f32 v56, v53  }
0x260: {  	v60 =	vld [tilespmem:s5+$0xEC80];
	[tilespmem:s5+$0xEC10] =	vst v19;
	v19 =	vmul.f32 v54, v56  }
0x261: {  	v61 =	vld [tilespmem:s5+$0xEC90];
	[tilespmem:s5+$0xEC20] =	vst v18;
	v18 =	vmul.f32 v55, v56  }
0x262: {  	v63 =	vld [tilespmem:s5+$0xECA0];
	v62 =	vbroadcast v17, $0x3;
	[tilespmem:s5+$0xEC30] =	vst v19;
	v19 =	vmul.f32 v57, v56  }
0x263: {  	v28 =	vld [tilespmem:s5+$0xECB0];
	[tilespmem:s5+$0xEC40] =	vst v18;
	v18 =	vmul.f32 v58, v56  }
0x264: {  	v29 =	vld [tilespmem:s5+$0xECC0];
	[tilespmem:s5+$0xEC50] =	vst v19;
	v19 =	vmul.f32 v59, v62  }
0x265: {  	v30 =	vld [tilespmem:s5+$0xECD0];
	[tilespmem:s5+$0xEC60] =	vst v18;
	v18 =	vmul.f32 v60, v62  }
0x266: {  	v31 =	vld [tilespmem:s5+$0xECE0];
	[tilespmem:s5+$0xEC70] =	vst v19;
	v19 =	vmul.f32 v61, v62  }
0x267: {  	v33 =	vld [tilespmem:s5+$0xECF0];
	v32 =	vbroadcast v17, $0x4;
	[tilespmem:s5+$0xEC80] =	vst v18;
	v18 =	vmul.f32 v63, v62  }
0x268: {  	v34 =	vld [tilespmem:s5+$0xED00];
	[tilespmem:s5+$0xEC90] =	vst v19;
	v19 =	vmul.f32 v28, v62  }
0x269: {  	v35 =	vld [tilespmem:s5+$0xED10];
	[tilespmem:s5+$0xECA0] =	vst v18;
	v18 =	vmul.f32 v29, v32  }
0x26a: {  	v36 =	vld [tilespmem:s5+$0xED20];
	[tilespmem:s5+$0xECB0] =	vst v19;
	v19 =	vmul.f32 v30, v32  }
0x26b: {  	v37 =	vld [tilespmem:s5+$0xED30];
	[tilespmem:s5+$0xECC0] =	vst v18;
	v18 =	vmul.f32 v31, v32  }
0x26c: {  	v39 =	vld [tilespmem:s5+$0xED40];
	v38 =	vbroadcast v17, $0x5;
	[tilespmem:s5+$0xECD0] =	vst v19;
	v19 =	vmul.f32 v33, v32  }
0x26d: {  	v40 =	vld [tilespmem:s5+$0xED50];
	[tilespmem:s5+$0xECE0] =	vst v18;
	v18 =	vmul.f32 v34, v32  }
0x26e: {  	v41 =	vld [tilespmem:s5+$0xED60];
	[tilespmem:s5+$0xECF0] =	vst v19;
	v19 =	vmul.f32 v35, v38  }
0x26f: {  	v42 =	vld [tilespmem:s5+$0xED70];
	[tilespmem:s5+$0xED00] =	vst v18;
	v18 =	vmul.f32 v36, v38  }
0x270: {  	v43 =	vld [tilespmem:s5+$0xED80];
	[tilespmem:s5+$0xED10] =	vst v19;
	v19 =	vmul.f32 v37, v38  }
0x271: {  	v45 =	vld [tilespmem:s5+$0xED90];
	v44 =	vbroadcast v17, $0x6;
	[tilespmem:s5+$0xED20] =	vst v18;
	v18 =	vmul.f32 v39, v38  }
0x272: {  	v46 =	vld [tilespmem:s5+$0xEDA0];
	[tilespmem:s5+$0xED30] =	vst v19;
	v19 =	vmul.f32 v40, v38  }
0x273: {  	v47 =	vld [tilespmem:s5+$0xEDB0];
	[tilespmem:s5+$0xED40] =	vst v18;
	v18 =	vmul.f32 v41, v44  }
0x274: {  	v48 =	vld [tilespmem:s5+$0xEDC0];
	[tilespmem:s5+$0xED50] =	vst v19;
	v19 =	vmul.f32 v42, v44  }
0x275: {  	v49 =	vld [tilespmem:s5+$0xEDD0];
	[tilespmem:s5+$0xED60] =	vst v18;
	v18 =	vmul.f32 v43, v44  }
0x276: {  	v50 =	vbroadcast v17, $0x7;
	v51 =	vld [tilespmem:s5+$0xEDE0];
	[tilespmem:s5+$0xED70] =	vst v19;
	v19 =	vmul.f32 v45, v44  }
0x277: {  	v52 =	vld [tilespmem:s5+$0xEDF0];
	[tilespmem:s5+$0xED80] =	vst v18;
	v18 =	vmul.f32 v46, v44  }
0x278: {  	v53 =	vld [tilespmem:s5+$0xEE00];
	[tilespmem:s5+$0xED90] =	vst v19;
	v19 =	vmul.f32 v47, v50  }
0x279: {  	v54 =	vld [tilespmem:s5+$0xEE10];
	[tilespmem:s5+$0xEDA0] =	vst v18;
	v18 =	vmul.f32 v48, v50  }
0x27a: {  	v55 =	vld [tilespmem:s5+$0xEE20];
	[tilespmem:s5+$0xEDB0] =	vst v19;
	v19 =	vmul.f32 v49, v50  }
0x27b: {  	v57 =	vld [tilespmem:s5+$0xEE30];
	v56 =	vbroadcast v17, $0x8;
	[tilespmem:s5+$0xEDC0] =	vst v18;
	v18 =	vmul.f32 v51, v50  }
0x27c: {  	v58 =	vld [tilespmem:s5+$0xEE40];
	[tilespmem:s5+$0xEDD0] =	vst v19;
	v19 =	vmul.f32 v52, v50  }
0x27d: {  	v59 =	vld [tilespmem:s5+$0xEE50];
	[tilespmem:s5+$0xEDE0] =	vst v18;
	v18 =	vmul.f32 v53, v56  }
0x27e: {  	v60 =	vld [tilespmem:s5+$0xEE60];
	[tilespmem:s5+$0xEDF0] =	vst v19;
	v19 =	vmul.f32 v54, v56  }
0x27f: {  	v61 =	vld [tilespmem:s5+$0xEE70];
	[tilespmem:s5+$0xEE00] =	vst v18;
	v18 =	vmul.f32 v55, v56  }
0x280: {  	v62 =	vbroadcast v17, $0x9;
	v63 =	vld [tilespmem:s5+$0xEE80];
	[tilespmem:s5+$0xEE10] =	vst v19;
	v19 =	vmul.f32 v57, v56  }
0x281: {  	v28 =	vld [tilespmem:s5+$0xEE90];
	[tilespmem:s5+$0xEE20] =	vst v18;
	v18 =	vmul.f32 v58, v56  }
0x282: {  	v29 =	vld [tilespmem:s5+$0xEEA0];
	[tilespmem:s5+$0xEE30] =	vst v19;
	v19 =	vmul.f32 v59, v62  }
0x283: {  	v30 =	vld [tilespmem:s5+$0xEEB0];
	[tilespmem:s5+$0xEE40] =	vst v18;
	v18 =	vmul.f32 v60, v62  }
0x284: {  	v31 =	vld [tilespmem:s5+$0xEEC0];
	[tilespmem:s5+$0xEE50] =	vst v19;
	v19 =	vmul.f32 v61, v62  }
0x285: {  	v33 =	vld [tilespmem:s5+$0xEED0];
	v32 =	vbroadcast v17, $0xA;
	[tilespmem:s5+$0xEE60] =	vst v18;
	v18 =	vmul.f32 v63, v62  }
0x286: {  	v34 =	vld [tilespmem:s5+$0xEEE0];
	[tilespmem:s5+$0xEE70] =	vst v19;
	v19 =	vmul.f32 v28, v62  }
0x287: {  	v35 =	vld [tilespmem:s5+$0xEEF0];
	[tilespmem:s5+$0xEE80] =	vst v18;
	v18 =	vmul.f32 v29, v32  }
0x288: {  	v36 =	vld [tilespmem:s5+$0xEF00];
	[tilespmem:s5+$0xEE90] =	vst v19;
	v19 =	vmul.f32 v30, v32  }
0x289: {  	v37 =	vld [tilespmem:s5+$0xEF10];
	[tilespmem:s5+$0xEEA0] =	vst v18;
	v18 =	vmul.f32 v31, v32  }
0x28a: {  	v38 =	vbroadcast v17, $0xB;
	v39 =	vld [tilespmem:s5+$0xEF20];
	[tilespmem:s5+$0xEEB0] =	vst v19;
	v19 =	vmul.f32 v33, v32  }
0x28b: {  	v40 =	vld [tilespmem:s5+$0xEF30];
	[tilespmem:s5+$0xEEC0] =	vst v18;
	v18 =	vmul.f32 v34, v32  }
0x28c: {  	v41 =	vld [tilespmem:s5+$0xEF40];
	[tilespmem:s5+$0xEED0] =	vst v19;
	v19 =	vmul.f32 v35, v38  }
0x28d: {  	v42 =	vld [tilespmem:s5+$0xEF50];
	[tilespmem:s5+$0xEEE0] =	vst v18;
	v18 =	vmul.f32 v36, v38  }
0x28e: {  	v43 =	vld [tilespmem:s5+$0xEF60];
	[tilespmem:s5+$0xEEF0] =	vst v19;
	v19 =	vmul.f32 v37, v38  }
0x28f: {  	v45 =	vld [tilespmem:s5+$0xEF70];
	v44 =	vbroadcast v17, $0xC;
	[tilespmem:s5+$0xEF00] =	vst v18;
	v18 =	vmul.f32 v39, v38  }
0x290: {  	v46 =	vld [tilespmem:s5+$0xEF80];
	[tilespmem:s5+$0xEF10] =	vst v19;
	v19 =	vmul.f32 v40, v38  }
0x291: {  	v47 =	vld [tilespmem:s5+$0xEF90];
	[tilespmem:s5+$0xEF20] =	vst v18;
	v18 =	vmul.f32 v41, v44  }
0x292: {  	v48 =	vld [tilespmem:s5+$0xEFA0];
	[tilespmem:s5+$0xEF30] =	vst v19;
	v19 =	vmul.f32 v42, v44  }
0x293: {  	v49 =	vld [tilespmem:s5+$0xEFB0];
	[tilespmem:s5+$0xEF40] =	vst v18;
	v18 =	vmul.f32 v43, v44  }
0x294: {  	v50 =	vbroadcast v17, $0xD;
	v51 =	vld [tilespmem:s5+$0xEFC0];
	[tilespmem:s5+$0xEF50] =	vst v19;
	v19 =	vmul.f32 v45, v44  }
0x295: {  	v52 =	vld [tilespmem:s5+$0xEFD0];
	[tilespmem:s5+$0xEF60] =	vst v18;
	v18 =	vmul.f32 v46, v44  }
0x296: {  	v53 =	vld [tilespmem:s5+$0xEFE0];
	[tilespmem:s5+$0xEF70] =	vst v19;
	v19 =	vmul.f32 v47, v50  }
0x297: {  	v54 =	vld [tilespmem:s5+$0xEFF0];
	[tilespmem:s5+$0xEF80] =	vst v18;
	v18 =	vmul.f32 v48, v50  }
0x298: {  	v55 =	vld [tilespmem:s5+$0xF000];
	[tilespmem:s5+$0xEF90] =	vst v19;
	v19 =	vmul.f32 v49, v50  }
0x299: {  	v57 =	vld [tilespmem:s5+$0xF010];
	v56 =	vbroadcast v17, $0xE;
	[tilespmem:s5+$0xEFA0] =	vst v18;
	v18 =	vmul.f32 v51, v50  }
0x29a: {  	v58 =	vld [tilespmem:s5+$0xF020];
	[tilespmem:s5+$0xEFB0] =	vst v19;
	v19 =	vmul.f32 v52, v50  }
0x29b: {  	v59 =	vld [tilespmem:s5+$0xF030];
	[tilespmem:s5+$0xEFC0] =	vst v18;
	v18 =	vmul.f32 v53, v56  }
0x29c: {  	v60 =	vld [tilespmem:s5+$0xF040];
	[tilespmem:s5+$0xEFD0] =	vst v19;
	v19 =	vmul.f32 v54, v56  }
0x29d: {  	v61 =	vld [tilespmem:s5+$0xF050];
	[tilespmem:s5+$0xEFE0] =	vst v18;
	v18 =	vmul.f32 v55, v56  }
0x29e: {  	v17 =	vbroadcast v17, $0xF;
	v62 =	vld [tilespmem:s5+$0xF060];
	[tilespmem:s5+$0xEFF0] =	vst v19;
	v19 =	vmul.f32 v57, v56  }
0x29f: {  	v63 =	vld [tilespmem:s5+$0xF070];
	[tilespmem:s5+$0xF000] =	vst v18;
	v18 =	vmul.f32 v58, v56  }
0x2a0: {  	s18 =	sadd.s32 $0x1, s18;
	[tilespmem:s5+$0xF010] =	vst v19;
	v19 =	vmul.f32 v59, v17  }
0x2a1: {  	p0 =	sne.s32 s18, $0x8;
	[tilespmem:s5+$0xF020] =	vst v18;
	v18 =	vmul.f32 v60, v17  }
.Ltmp3:
0x2a2: {  	[tilespmem:s5+$0xF030] =	vst v19;
	v19 =	vmul.f32 v61, v17;
	(pc) =	sbr.rel @p0 .LBB2_7-.Ltmp3, $4  }
0x2a3: {  	[tilespmem:s5+$0xF040] =	vst v18;
	v18 =	vmul.f32 v62, v17  }
0x2a4: {  	[tilespmem:s5+$0xF050] =	vst v19;
	v17 =	vmul.f32 v63, v17  }
0x2a5: {  	[tilespmem:s5+$0xF060] =	vst v18  }
0x2a6: {  	s19 =	sadd.s32 $0x400, s19;
	s12 =	sadd.s32 $0x400, s12;
	s13 =	sadd.s32 $0x400, s13;
	[tilespmem:s5+$0xF070] =	vst v17  }
0x2a7: {  	s4 =	sadd.s32 $0x1, s4  }
0x2a8: {  	p0 =	sne.s32 s4, $0x20  }
.Ltmp4:
0x2a9: {  	s1 =	rddreg [dreg:$0x4];
	(pc) =	sbr.rel @p0 .LBB2_2-.Ltmp4, $4  }
0x2aa: {  	[spmem:s1] =	stream.indirect.scatter.add.f32 [tilespmem:s21], [sflag:$0x9], $0x50, s17, s11, $0xb8;
	[tilespmem:$0x16A00] =	vst v63  }
0x2ab: {  	_ =	swait.ge [sflag:s10], $0x2800  }
0x2ac: {  	[sflag:s10] =	ssyncset.done $0x0  }
0x2ad: {  	[sflag:s10] =	ssyncadd.s32 $0xFFFFD800  }
0x2ae: {  	_ =	swait.ge [sflag:s22], $0x2000  }
0x2af: {  	[sflag:s22] =	ssyncset.done $0x0  }
0x2b0: {  	[sflag:s22] =	ssyncadd.s32 $0xFFFFE000  }
0x2b1: {  	_ =	swait.ge [sflag:s23], $0x2000  }
0x2b2: {  	[sflag:s23] =	ssyncset.done $0x0  }
0x2b3: {  	[sflag:s23] =	ssyncadd.s32 $0xFFFFE000  }
0x2b4: {  	_ =	swait.ge [sflag:s24], $0x2000  }
0x2b5: {  	[sflag:s24] =	ssyncset.done $0x0  }
0x2b6: {  	[sflag:s24] =	ssyncadd.s32 $0xFFFFE000  }
0x2b7: {  	_ =	swait.ge [sflag:s25], $0x2800  }
0x2b8: {  	[sflag:s25] =	ssyncset.done $0x0  }
0x2b9: {  	[sflag:s25] =	ssyncadd.s32 $0xFFFFD800  }
0x2ba: {  	s1 =	stileid.u32;
	[bflag:$0x0] =	sbarrier.arrive $0xFFFF  }
0x2bb: {  	s1 =	sshll.u32 s1, $0x6;
	s12 =	rddreg [dreg:$0x6]  }
0x2bc: {  	s1 =	sor.u32 $0x1C09, s1;
	s4 =	rddreg [dreg:$0x19];
	s2 =	sshrl.u32 s12, $0x3  }
0x2bd: {  	[hbm:s4], [sflag:s1] =	dma.local [spmem:s2], $0xA00  }
0x2be: {  	_ =	swait.ge [sflag:s10], $0xA00  }
0x2bf: {  	s18 =	rddreg [dreg:$0x1c]  }
0x2c0: {  	s19 =	rddreg [dreg:$0x1a];
	s2 =	sadd.s32 $0x1, s18  }
0x2c1: {  	p0 =	sne.s32 s2, s19  }
.Ltmp5:
0x2c2: {  	_ = 	snop;
	(pc) =	sbr.rel @p0 .LBB2_1-.Ltmp5, $3  }
0x2c3: {  	_ =	sdelay $0x1  }
0x2c4: {  	[sflag:s10] =	ssyncset.done $0x0  }
0x2c5: {  	[sflag:s10] =	ssyncadd.s32 $0xFFFFF600  }
0x2c6: {  	_ =	sfence.sel $0x180000  }
0x2c7: {  	[bflag:$0x0] =	sbarrier.arrive $0xFFFF  }
0x2c8: {  	_ =	strace $0x90000047  }
0x2c9: {  	s0 =	stileid.u32;
	[bflag:$0x2] =	sbarrier.arrive $0xFFFF  }
0x2ca: {  	p0 =	sne.s32 s0, $0x0;
	s0 =	rddreg [dreg:$0x5]  }
0x2cb: {  	s0 =	sadd.s32 @!p0 $0x100000, s0  }
0x2cc: {  	[sflag:s0] =	ssyncadd.tile.s32 @!p0 $0x1;
	_ =	shalt  }
.Lfunc_end2:
_tile_overlayer_lowered:
.L_overlay_start_2:
0x2cd: {  	(tag) =	ssettag $0x2  }
0x2ce: {  	s0 =	rddreg [dreg:$0x0];
	s2 =	stileid.u32  }
0x2cf: {  	s1 =	rddreg [dreg:$0x1];
	p0 =	sne.s32 s2, $0x0  }
0x2d0: {  	s3 =	rddreg [dreg:$0x2];
	[bflag:$0x3] =	sbarrier.arrive $0xFFFF;
	s2 =	simm.s32 @!p0 $0x1C09  }
0x2d1: {  	[timem:s3], [sflag:s2] =	dma.local @!p0 [hbm:s0], s1  }
0x2d2: {  	s0 =	simm.s32 @!p0 $0x9  }
0x2d3: {  	_ =	swait.ge @!p0 [sflag:s0], s1  }
0x2d4: {  	s1 =	ssub.s32 @!p0 $0x0, s1;
	[sflag:s0] =	ssyncset.done @!p0 $0x0  }
0x2d5: {  	[sflag:s0] =	ssyncadd.s32 @!p0 s1  }
0x2d6: {  	[bflag:$0x3] =	sbarrier.arrive $0xFFFF  }
0x2d7: {  	_ =	shalt  }

</sc_bundles>
